<compile_context>
chip_gen: v7x
topology: tpu7x:2x2x1
jax: 0.10.2.dev20260603
libtpu: 0.0.44.dev20260713+nightly
codegen_flags: <defaults>
</compile_context>

<pallas_src>
import jax
import jax.numpy as jnp
from jax import lax
from jax.experimental import pallas as pl
from jax.experimental.pallas import tpu as pltpu
from jax.experimental.pallas import tpu_sc as plsc

EMBED = 32
NC = 2
NS = 16
NW = NC * NS
BT = 128
HIST = 50


def _build(B, V):
    n_bt = B // HIST // BT
    bt_per_w = n_bt // NW
    bw = bt_per_w * BT

    def body(table_hbm, idxT_hbm, x_hbm, idx_v, rows_v, tb_v,
             sg0, sg1, ss0, ss1):
        wid = lax.axis_index("s") * NC + lax.axis_index("c")
        bt0 = wid * bt_per_w

        pltpu.sync_copy(idxT_hbm.at[:, pl.ds(bt0 * BT, bw)], idx_v)

        def gather_start(h, buf, sem):
            pltpu.async_copy(table_hbm.at[idx_v.at[h]], rows_v.at[buf],
                             sem)

        def gather_wait(h, buf, sem):
            pltpu.make_async_copy(table_hbm.at[idx_v.at[h]],
                                  rows_v.at[buf], sem).wait()

        e0 = lax.iota(jnp.int32, 16)

        def transpose(buf, tbuf):
            def l_body(l0, carry):
                for j in range(16):
                    l = l0 * 16 + j
                    btl = l // BT
                    bl = lax.rem(l, BT)
                    bv = jnp.zeros((16,), jnp.int32) + btl
                    lv = jnp.zeros((16,), jnp.int32) + bl
                    for g2 in range(2):
                        ev = e0 + 16 * g2
                        v = rows_v[buf, l, pl.ds(g2 * 16, 16)]
                        plsc.store_scatter(
                            tb_v.at[tbuf],
                            [ev // 8, bv, lax.rem(ev, 8), lv], v)
                return carry
            lax.fori_loop(0, bw // 16, l_body, 0)

        def out_start(h, tbuf, sem):
            pltpu.async_copy(tb_v.at[tbuf, :, :, :, pl.ds(0, BT)],
                             x_hbm.at[h, :, pl.ds(bt0, bt_per_w)], sem)

        def out_wait(h, tbuf, sem):
            pltpu.make_async_copy(tb_v.at[tbuf, :, :, :, pl.ds(0, BT)],
                                  x_hbm.at[h, :, pl.ds(bt0, bt_per_w)],
                                  sem).wait()

        sgs = (sg0, sg1)
        sss = (ss0, ss1)
        gather_start(0, 0, sg0)
        gather_start(1, 1, sg1)

        def step(h, buf, kk):
            gather_wait(h, buf, sgs[buf])

            @pl.when(kk > 0)
            def _():
                out_wait(h - 2, buf, sss[buf])
            transpose(buf, buf)
            out_start(h, buf, sss[buf])

            @pl.when(h + 2 < HIST)
            def _():
                gather_start(h + 2, buf, sgs[buf])

        def outer(kk, carry):
            step(2 * kk, 0, kk)
            step(2 * kk + 1, 1, kk)
            return carry

        lax.fori_loop(0, HIST // 2, outer, 0)
        out_wait(HIST - 2, 0, ss0)
        out_wait(HIST - 1, 1, ss1)

    mesh = plsc.VectorSubcoreMesh(
        core_axis_name="c", subcore_axis_name="s", num_cores=NC,
        num_subcores=NS,
    )
    return pl.kernel(
        body,
        out_type=jax.ShapeDtypeStruct(
            (HIST, EMBED // 8, n_bt, 8, BT), jnp.float32),
        mesh=mesh,
        compiler_params=pltpu.CompilerParams(
            use_tc_tiling_on_sc=False, needs_layout_passes=False
        ),
        scratch_types=[
            pltpu.VMEM((HIST, bw), jnp.int32),
            pltpu.VMEM((2, bw, EMBED), jnp.float32),
            pltpu.VMEM((2, EMBED // 8, bt_per_w, 8, BT + 1), jnp.float32),
            pltpu.SemaphoreType.DMA,
            pltpu.SemaphoreType.DMA,
            pltpu.SemaphoreType.DMA,
            pltpu.SemaphoreType.DMA,
        ],
    )


def kernel(inputs, table):
    B = inputs.size
    idxT = inputs.T.astype(jnp.int32)
    x = _build(B, table.shape[0])(table, idxT)
    out = x.transpose(2, 4, 0, 1, 3).reshape(B // HIST, HIST, EMBED)
    return out

# --- scband reference (transcript-rebuilt; emitter-appended) ---
"""Pipeline reference for scband-embedding-56495999812265 (READ-ONLY COPY).

The authoritative reference and input builder live on the scoring server;
editing this copy changes nothing except your own understanding.
"""

import jax, jax.numpy as jnp
import numpy as np

VOCAB = 1000000
EMBED_DIM = 32
BATCH = 16384
HIST = 50


def setup_inputs(seed: int = 0) -> dict:
    key = jax.random.key(seed)
    k_table, k_idx = jax.random.split(key)
    # embedding_matrix / learned table, sized per init_kwargs
    table = jax.random.normal(k_table, (VOCAB, EMBED_DIM), dtype=jnp.float32)
    inputs = jax.random.randint(k_idx, (BATCH, HIST), 0, VOCAB, dtype=jnp.int64)
    return {"inputs": inputs, "table": table}


def reference(inputs, table):
    # embeddings = self.embedding(inputs)
    embeddings = jnp.take(table, inputs, axis=0)
    # self.EDropout(embeddings): dropout is identity in eval/reference mode
    return embeddings

if __name__ == "__main__":
    import jax
    _d = setup_inputs()
    print(jax.jit(kernel)(*tuple(_d.values())))

</pallas_src>

<mosaic_0001>
#map = affine_map<(d0, d1) -> (0, 0)>
#map1 = affine_map<(d0, d1) -> (0, 0, 0, 0, 0)>
module attributes {stable_mosaic.version = 14 : i64} {
  func.func @body(%arg0: i32, %arg1: i32, %arg2: memref<1000000x32xf32, #tpu.memory_space<hbm>>, %arg3: memref<50x16384xi32, #tpu.memory_space<hbm>>, %arg4: memref<50x4x128x8x128xf32, #tpu.memory_space<hbm>>, %arg5: memref<50x512xi32, #tpu.memory_space<vmem>>, %arg6: memref<2x512x32xf32, #tpu.memory_space<vmem>>, %arg7: memref<2x4x4x8x129xf32, #tpu.memory_space<vmem>>, %arg8: memref<!tpu.dma_semaphore, #tpu.memory_space<semaphore_mem>>, %arg9: memref<!tpu.dma_semaphore, #tpu.memory_space<semaphore_mem>>, %arg10: memref<!tpu.dma_semaphore, #tpu.memory_space<semaphore_mem>>, %arg11: memref<!tpu.dma_semaphore, #tpu.memory_space<semaphore_mem>>) attributes {dimension_semantics = [#tpu.dimension_semantics<core_parallel>, #tpu.dimension_semantics<subcore_parallel>], iteration_bounds = array<i64: 2, 16>, scalar_prefetch = 0 : i64, scratch_operands = 7 : i64, tpu.core_type = #tpu.core_type<sc_vector_subcore>, window_params = [{transform_indices = #map}, {transform_indices = #map}, {transform_indices = #map1}]} {
    %mul3A = arith.constant 2 : i32
    %mul3A_0 = arith.muli %arg1, %mul3A : i32
    %add3A = arith.addi %mul3A_0, %arg0 : i32
    %mul3A_1 = arith.constant 4 : i32
    %mul3A_2 = arith.muli %add3A, %mul3A_1 : i32
    %mul3A_3 = arith.constant 128 : i32
    %mul3A_4 = arith.muli %mul3A_2, %mul3A_3 : i32
    "tpu.region"() ({
      %run_scoped3A = tpu.sem_alloc : memref<!tpu.dma_semaphore, #tpu.memory_space<semaphore_mem>>
      %dma_start3A_80 = arith.constant 0 : i32
      %dma_start3A_81 = tpu.memref_slice %arg3[%dma_start3A_80, %mul3A_4] : memref<50x16384xi32, #tpu.memory_space<hbm>> -> memref<50x512xi32, #tpu.memory_space<hbm>>
      %dma_start3A_82 = arith.constant 0 : i32
      %dma_start3A_83 = tpu.memref_slice %arg3[%dma_start3A_82, %mul3A_4] : memref<50x16384xi32, #tpu.memory_space<hbm>> -> memref<50x512xi32, #tpu.memory_space<hbm>>
      tpu.enqueue_dma source(%dma_start3A_83 : memref<50x512xi32, #tpu.memory_space<hbm>>) target(%arg5 : memref<50x512xi32, #tpu.memory_space<vmem>>) target_semaphore(%run_scoped3A : memref<!tpu.dma_semaphore, #tpu.memory_space<semaphore_mem>>)
      %dma_wait3A_84 = arith.constant 0 : i32
      %dma_wait3A_85 = tpu.memref_slice %arg3[%dma_wait3A_84, %mul3A_4] : memref<50x16384xi32, #tpu.memory_space<hbm>> -> memref<50x512xi32, #tpu.memory_space<hbm>>
      %dma_wait3A_86 = arith.constant 0 : i32
      %dma_wait3A_87 = tpu.memref_slice %arg3[%dma_wait3A_86, %mul3A_4] : memref<50x16384xi32, #tpu.memory_space<hbm>> -> memref<50x512xi32, #tpu.memory_space<hbm>>
      tpu.wait_dma2 semaphore(%run_scoped3A : memref<!tpu.dma_semaphore, #tpu.memory_space<semaphore_mem>>) src(%dma_wait3A_87 : memref<50x512xi32, #tpu.memory_space<hbm>>) dst(%arg5 : memref<50x512xi32, #tpu.memory_space<vmem>>)
      tpu.yield
    }) : () -> ()
    %iota3A = tpu.iota {dimensions = array<i32: 0>} : vector<16xi32>
    %dma_start3A = arith.constant 0 : i32
    %dma_start3A_5 = arith.constant 0 : i32
    %dma_start3A_6 = arith.constant 0 : i32
    %dma_start3A_7 = arith.constant 0 : i32
    %dma_start3A_8 = tpu.memref_slice %arg6[%dma_start3A_5, %dma_start3A_6, %dma_start3A_7] : memref<2x512x32xf32, #tpu.memory_space<vmem>> -> memref<1x512x32xf32, #tpu.memory_space<vmem>>
    %dma_start3A_9 = tpu.memref_squeeze %dma_start3A_8 : memref<1x512x32xf32, #tpu.memory_space<vmem>> -> memref<512x32xf32, #tpu.memory_space<vmem>>
    %dma_start3A_10 = arith.constant 0 : i32
    %dma_start3A_11 = tpu.memref_slice %arg5[%dma_start3A, %dma_start3A_10] : memref<50x512xi32, #tpu.memory_space<vmem>> -> memref<1x512xi32, #tpu.memory_space<vmem>>
    %dma_start3A_12 = tpu.memref_squeeze %dma_start3A_11 : memref<1x512xi32, #tpu.memory_space<vmem>> -> memref<512xi32, #tpu.memory_space<vmem>>
    %dma_start3A_13 = arith.constant 0 : i32
    %dma_start3A_14 = arith.constant 0 : i32
    %dma_start3A_15 = tpu.memref_slice %arg2[%dma_start3A_13, %dma_start3A_14] : memref<1000000x32xf32, #tpu.memory_space<hbm>> -> memref<1000000x32xf32, #tpu.memory_space<hbm>>
    tpu.enqueue_indirect_dma source(%dma_start3A_15 : memref<1000000x32xf32, #tpu.memory_space<hbm>>) target(%dma_start3A_9 : memref<512x32xf32, #tpu.memory_space<vmem>>) offsets(%dma_start3A_12 : memref<512xi32, #tpu.memory_space<vmem>>) semaphore(%arg8 : memref<!tpu.dma_semaphore, #tpu.memory_space<semaphore_mem>>)
    %dma_start3A_16 = arith.constant 1 : i32
    %dma_start3A_17 = arith.constant 1 : i32
    %dma_start3A_18 = arith.constant 0 : i32
    %dma_start3A_19 = arith.constant 0 : i32
    %dma_start3A_20 = tpu.memref_slice %arg6[%dma_start3A_17, %dma_start3A_18, %dma_start3A_19] : memref<2x512x32xf32, #tpu.memory_space<vmem>> -> memref<1x512x32xf32, #tpu.memory_space<vmem>>
    %dma_start3A_21 = tpu.memref_squeeze %dma_start3A_20 : memref<1x512x32xf32, #tpu.memory_space<vmem>> -> memref<512x32xf32, #tpu.memory_space<vmem>>
    %dma_start3A_22 = arith.constant 0 : i32
    %dma_start3A_23 = tpu.memref_slice %arg5[%dma_start3A_16, %dma_start3A_22] : memref<50x512xi32, #tpu.memory_space<vmem>> -> memref<1x512xi32, #tpu.memory_space<vmem>>
    %dma_start3A_24 = tpu.memref_squeeze %dma_start3A_23 : memref<1x512xi32, #tpu.memory_space<vmem>> -> memref<512xi32, #tpu.memory_space<vmem>>
    %dma_start3A_25 = arith.constant 0 : i32
    %dma_start3A_26 = arith.constant 0 : i32
    %dma_start3A_27 = tpu.memref_slice %arg2[%dma_start3A_25, %dma_start3A_26] : memref<1000000x32xf32, #tpu.memory_space<hbm>> -> memref<1000000x32xf32, #tpu.memory_space<hbm>>
    tpu.enqueue_indirect_dma source(%dma_start3A_27 : memref<1000000x32xf32, #tpu.memory_space<hbm>>) target(%dma_start3A_21 : memref<512x32xf32, #tpu.memory_space<vmem>>) offsets(%dma_start3A_24 : memref<512xi32, #tpu.memory_space<vmem>>) semaphore(%arg9 : memref<!tpu.dma_semaphore, #tpu.memory_space<semaphore_mem>>)
    %scan3A = arith.constant 0 : i32
    %scan3A_28 = arith.constant 0 : i32
    %scan3A_29 = arith.constant 25 : i32
    %scan3A_30 = arith.addi %scan3A_28, %scan3A_29 : i32
    %scan3A_31 = arith.constant 1 : i32
    scf.for %scan3A_80 = %scan3A_28 to %scan3A_30 step %scan3A_31  : i32 {
      %mul3A_81 = arith.constant 2 : i32
      %mul3A_82 = arith.muli %mul3A_81, %scan3A_80 : i32
      %dma_wait3A_83 = arith.constant 0 : i32
      %dma_wait3A_84 = arith.constant 0 : i32
      %dma_wait3A_85 = arith.constant 0 : i32
      %dma_wait3A_86 = tpu.memref_slice %arg6[%dma_wait3A_83, %dma_wait3A_84, %dma_wait3A_85] : memref<2x512x32xf32, #tpu.memory_space<vmem>> -> memref<1x512x32xf32, #tpu.memory_space<vmem>>
      %dma_wait3A_87 = tpu.memref_squeeze %dma_wait3A_86 : memref<1x512x32xf32, #tpu.memory_space<vmem>> -> memref<512x32xf32, #tpu.memory_space<vmem>>
      %dma_wait3A_88 = arith.constant 0 : i32
      %dma_wait3A_89 = tpu.memref_slice %arg5[%mul3A_82, %dma_wait3A_88] : memref<50x512xi32, #tpu.memory_space<vmem>> -> memref<1x512xi32, #tpu.memory_space<vmem>>
      %dma_wait3A_90 = tpu.memref_squeeze %dma_wait3A_89 : memref<1x512xi32, #tpu.memory_space<vmem>> -> memref<512xi32, #tpu.memory_space<vmem>>
      %dma_wait3A_91 = arith.constant 0 : i32
      %dma_wait3A_92 = arith.constant 0 : i32
      %dma_wait3A_93 = tpu.memref_slice %arg2[%dma_wait3A_91, %dma_wait3A_92] : memref<1000000x32xf32, #tpu.memory_space<hbm>> -> memref<1000000x32xf32, #tpu.memory_space<hbm>>
      tpu.wait_indirect_dma semaphore(%arg8 : memref<!tpu.dma_semaphore, #tpu.memory_space<semaphore_mem>>) src(%dma_wait3A_93 : memref<1000000x32xf32, #tpu.memory_space<hbm>>) dst(%dma_wait3A_87 : memref<512x32xf32, #tpu.memory_space<vmem>>)
      %gt3A = arith.constant 0 : i32
      %gt3A_94 = arith.cmpi sgt, %scan3A_80, %gt3A : i32
      %convert_element_type3A = arith.extui %gt3A_94 : i1 to i32
      %cond3A = arith.constant 0 : i32
      %cond3A_95 = arith.cmpi ne, %convert_element_type3A, %cond3A : i32
      scf.if %cond3A_95 {
        %sub3A = arith.constant 2 : i32
        %sub3A_187 = arith.subi %mul3A_82, %sub3A : i32
        %dma_wait3A_188 = arith.constant 0 : i32
        %dma_wait3A_189 = arith.constant 0 : i32
        %dma_wait3A_190 = arith.constant 0 : i32
        %dma_wait3A_191 = arith.constant 0 : i32
        %dma_wait3A_192 = arith.constant 0 : i32
        %dma_wait3A_193 = tpu.memref_slice %arg7[%dma_wait3A_188, %dma_wait3A_189, %dma_wait3A_190, %dma_wait3A_191, %dma_wait3A_192] : memref<2x4x4x8x129xf32, #tpu.memory_space<vmem>> -> memref<1x4x4x8x128xf32, #tpu.memory_space<vmem>>
        %dma_wait3A_194 = tpu.memref_squeeze %dma_wait3A_193 : memref<1x4x4x8x128xf32, #tpu.memory_space<vmem>> -> memref<4x4x8x128xf32, #tpu.memory_space<vmem>>
        %dma_wait3A_195 = arith.constant 0 : i32
        %dma_wait3A_196 = arith.constant 0 : i32
        %dma_wait3A_197 = arith.constant 0 : i32
        %dma_wait3A_198 = tpu.memref_slice %arg4[%sub3A_187, %dma_wait3A_195, %mul3A_2, %dma_wait3A_196, %dma_wait3A_197] : memref<50x4x128x8x128xf32, #tpu.memory_space<hbm>> -> memref<1x4x4x8x128xf32, #tpu.memory_space<hbm>>
        %dma_wait3A_199 = tpu.memref_squeeze %dma_wait3A_198 : memref<1x4x4x8x128xf32, #tpu.memory_space<hbm>> -> memref<4x4x8x128xf32, #tpu.memory_space<hbm>>
        %dma_wait3A_200 = arith.constant 0 : i32
        %dma_wait3A_201 = arith.constant 0 : i32
        %dma_wait3A_202 = arith.constant 0 : i32
        %dma_wait3A_203 = tpu.memref_slice %arg4[%sub3A_187, %dma_wait3A_200, %mul3A_2, %dma_wait3A_201, %dma_wait3A_202] : memref<50x4x128x8x128xf32, #tpu.memory_space<hbm>> -> memref<1x4x4x8x128xf32, #tpu.memory_space<hbm>>
        %dma_wait3A_204 = tpu.memref_squeeze %dma_wait3A_203 : memref<1x4x4x8x128xf32, #tpu.memory_space<hbm>> -> memref<4x4x8x128xf32, #tpu.memory_space<hbm>>
        %dma_wait3A_205 = arith.constant 0 : i32
        %dma_wait3A_206 = arith.constant 0 : i32
        %dma_wait3A_207 = arith.constant 0 : i32
        %dma_wait3A_208 = arith.constant 0 : i32
        %dma_wait3A_209 = tpu.memref_slice %arg7[%dma_wait3A_188, %dma_wait3A_205, %dma_wait3A_206, %dma_wait3A_207, %dma_wait3A_208] : memref<2x4x4x8x129xf32, #tpu.memory_space<vmem>> -> memref<1x4x4x8x128xf32, #tpu.memory_space<vmem>>
        %dma_wait3A_210 = tpu.memref_squeeze %dma_wait3A_209 : memref<1x4x4x8x128xf32, #tpu.memory_space<vmem>> -> memref<4x4x8x128xf32, #tpu.memory_space<vmem>>
        tpu.wait_dma2 semaphore(%arg10 : memref<!tpu.dma_semaphore, #tpu.memory_space<semaphore_mem>>) src(%dma_wait3A_210 : memref<4x4x8x128xf32, #tpu.memory_space<vmem>>) dst(%dma_wait3A_204 : memref<4x4x8x128xf32, #tpu.memory_space<hbm>>)
      } else {
      }
      %scan3A_96 = arith.constant 0 : i32
      %scan3A_97 = arith.constant 0 : i32
      %scan3A_98 = arith.constant 32 : i32
      %scan3A_99 = arith.addi %scan3A_97, %scan3A_98 : i32
      %scan3A_100 = arith.constant 1 : i32
      scf.for %scan3A_187 = %scan3A_97 to %scan3A_99 step %scan3A_100  : i32 {
        %mul3A_188 = arith.constant 16 : i32
        %mul3A_189 = arith.muli %scan3A_187, %mul3A_188 : i32
        %add3A_190 = arith.constant 0 : i32
        %add3A_191 = arith.addi %mul3A_189, %add3A_190 : i32
        %jit3A = arith.constant 128 : i32
        %div3A = arith.divsi %add3A_191, %jit3A : i32
        %sign3A = arith.constant 0 : i32
        %sign3A_192 = arith.cmpi sgt, %add3A_191, %sign3A : i32
        %sign3A_193 = arith.extui %sign3A_192 : i1 to i32
        %sign3A_194 = arith.constant 0 : i32
        %sign3A_195 = arith.cmpi slt, %add3A_191, %sign3A_194 : i32
        %sign3A_196 = arith.extui %sign3A_195 : i1 to i32
        %sign3A_197 = arith.subi %sign3A_193, %sign3A_196 : i32
        %sign3A_198 = arith.constant 0 : i32
        %sign3A_199 = arith.cmpi sgt, %jit3A, %sign3A_198 : i32
        %sign3A_200 = arith.extui %sign3A_199 : i1 to i32
        %sign3A_201 = arith.constant 0 : i32
        %sign3A_202 = arith.cmpi slt, %jit3A, %sign3A_201 : i32
        %sign3A_203 = arith.extui %sign3A_202 : i1 to i32
        %sign3A_204 = arith.subi %sign3A_200, %sign3A_203 : i32
        %ne3A = arith.cmpi ne, %sign3A_197, %sign3A_204 : i32
        %rem3A = arith.remsi %add3A_191, %jit3A : i32
        %ne3A_205 = arith.constant 0 : i32
        %ne3A_206 = arith.cmpi ne, %rem3A, %ne3A_205 : i32
        %and3A = arith.andi %ne3A, %ne3A_206 : i1
        %sub3A = arith.constant 1 : i32
        %sub3A_207 = arith.subi %div3A, %sub3A : i32
        %select_n3A = arith.select %and3A, %sub3A_207, %div3A : i32
        %rem3A_208 = arith.constant 128 : i32
        %rem3A_209 = arith.remsi %add3A_191, %rem3A_208 : i32
        %broadcast_in_dim3A = arith.constant 0 : i32
        %broadcast_in_dim3A_210 = vector.broadcast %broadcast_in_dim3A : i32 to vector<16xi32>
        %add3A_211 = vector.broadcast %select_n3A : i32 to vector<16xi32>
        %add3A_212 = arith.addi %broadcast_in_dim3A_210, %add3A_211 : vector<16xi32>
        %broadcast_in_dim3A_213 = arith.constant 0 : i32
        %broadcast_in_dim3A_214 = vector.broadcast %broadcast_in_dim3A_213 : i32 to vector<16xi32>
        %add3A_215 = vector.broadcast %rem3A_209 : i32 to vector<16xi32>
        %add3A_216 = arith.addi %broadcast_in_dim3A_214, %add3A_215 : vector<16xi32>
        %add3A_217 = arith.constant 0 : i32
        %add3A_218 = vector.broadcast %add3A_217 : i32 to vector<16xi32>
        %add3A_219 = arith.addi %iota3A, %add3A_218 : vector<16xi32>
        %get3A = arith.constant 0 : i32
        %get3A_220 = arith.index_cast %get3A : i32 to index
        %get3A_221 = arith.index_cast %add3A_191 : i32 to index
        %get3A_222 = arith.constant 0 : index
        %get3A_223 = tpu.vector_load %arg6[%get3A_220, %get3A_221, %get3A_222] {strides = array<i32>} : memref<2x512x32xf32, #tpu.memory_space<vmem>>, vector<16xf32>,
        %jit3A_224 = arith.constant 8 : i32
        %div3A_225 = vector.broadcast %jit3A_224 : i32 to vector<16xi32>
        %div3A_226 = arith.divsi %add3A_219, %div3A_225 : vector<16xi32>
        %sign3A_227 = arith.constant 0 : i32
        %sign3A_228 = vector.broadcast %sign3A_227 : i32 to vector<16xi32>
        %sign3A_229 = arith.cmpi sgt, %add3A_219, %sign3A_228 : vector<16xi32>
        %sign3A_230 = arith.extui %sign3A_229 : vector<16xi1> to vector<16xi32>
        %sign3A_231 = arith.constant 0 : i32
        %sign3A_232 = vector.broadcast %sign3A_231 : i32 to vector<16xi32>
        %sign3A_233 = arith.cmpi slt, %add3A_219, %sign3A_232 : vector<16xi32>
        %sign3A_234 = arith.extui %sign3A_233 : vector<16xi1> to vector<16xi32>
        %sign3A_235 = arith.subi %sign3A_230, %sign3A_234 : vector<16xi32>
        %sign3A_236 = arith.constant 0 : i32
        %sign3A_237 = arith.cmpi sgt, %jit3A_224, %sign3A_236 : i32
        %sign3A_238 = arith.extui %sign3A_237 : i1 to i32
        %sign3A_239 = arith.constant 0 : i32
        %sign3A_240 = arith.cmpi slt, %jit3A_224, %sign3A_239 : i32
        %sign3A_241 = arith.extui %sign3A_240 : i1 to i32
        %sign3A_242 = arith.subi %sign3A_238, %sign3A_241 : i32
        %ne3A_243 = vector.broadcast %sign3A_242 : i32 to vector<16xi32>
        %ne3A_244 = arith.cmpi ne, %sign3A_235, %ne3A_243 : vector<16xi32>
        %rem3A_245 = vector.broadcast %jit3A_224 : i32 to vector<16xi32>
        %rem3A_246 = arith.remsi %add3A_219, %rem3A_245 : vector<16xi32>
        %ne3A_247 = arith.constant 0 : i32
        %ne3A_248 = vector.broadcast %ne3A_247 : i32 to vector<16xi32>
        %ne3A_249 = arith.cmpi ne, %rem3A_246, %ne3A_248 : vector<16xi32>
        %and3A_250 = arith.andi %ne3A_244, %ne3A_249 : vector<16xi1>
        %sub3A_251 = arith.constant 1 : i32
        %sub3A_252 = vector.broadcast %sub3A_251 : i32 to vector<16xi32>
        %sub3A_253 = arith.subi %div3A_226, %sub3A_252 : vector<16xi32>
        %select_n3A_254 = arith.select %and3A_250, %sub3A_253, %div3A_226 : vector<16xi1>, vector<16xi32>
        %rem3A_255 = arith.constant 8 : i32
        %rem3A_256 = vector.broadcast %rem3A_255 : i32 to vector<16xi32>
        %rem3A_257 = arith.remsi %add3A_219, %rem3A_256 : vector<16xi32>
        %scatter3A = arith.constant 0 : i32
        %scatter3A_258 = arith.constant 0 : i32
        %scatter3A_259 = arith.constant 0 : i32
        %scatter3A_260 = arith.constant 0 : i32
        %scatter3A_261 = arith.constant 0 : i32
        %scatter3A_262 = tpu.memref_slice %arg7[%scatter3A, %scatter3A_258, %scatter3A_259, %scatter3A_260, %scatter3A_261] : memref<2x4x4x8x129xf32, #tpu.memory_space<vmem>> -> memref<1x4x4x8x129xf32, #tpu.memory_space<vmem>>
        %scatter3A_263 = tpu.memref_squeeze %scatter3A_262 : memref<1x4x4x8x129xf32, #tpu.memory_space<vmem>> -> memref<4x4x8x129xf32, #tpu.memory_space<vmem>>
        tpu.vector_store_idx %scatter3A_263[%select_n3A_254, %add3A_212, %rem3A_257, %add3A_216], %get3A_223 : memref<4x4x8x129xf32, #tpu.memory_space<vmem>>[vector<16xi32>, vector<16xi32>, vector<16xi32>, vector<16xi32>], vector<16xf32>,
        %add3A_264 = arith.constant 16 : i32
        %add3A_265 = vector.broadcast %add3A_264 : i32 to vector<16xi32>
        %add3A_266 = arith.addi %iota3A, %add3A_265 : vector<16xi32>
        %get3A_267 = arith.constant 0 : i32
        %get3A_268 = arith.index_cast %get3A_267 : i32 to index
        %get3A_269 = arith.index_cast %add3A_191 : i32 to index
        %get3A_270 = arith.constant 16 : index
        %get3A_271 = tpu.vector_load %arg6[%get3A_268, %get3A_269, %get3A_270] {strides = array<i32>} : memref<2x512x32xf32, #tpu.memory_space<vmem>>, vector<16xf32>,
        %jit3A_272 = arith.constant 8 : i32
        %div3A_273 = vector.broadcast %jit3A_272 : i32 to vector<16xi32>
        %div3A_274 = arith.divsi %add3A_266, %div3A_273 : vector<16xi32>
        %sign3A_275 = arith.constant 0 : i32
        %sign3A_276 = vector.broadcast %sign3A_275 : i32 to vector<16xi32>
        %sign3A_277 = arith.cmpi sgt, %add3A_266, %sign3A_276 : vector<16xi32>
        %sign3A_278 = arith.extui %sign3A_277 : vector<16xi1> to vector<16xi32>
        %sign3A_279 = arith.constant 0 : i32
        %sign3A_280 = vector.broadcast %sign3A_279 : i32 to vector<16xi32>
        %sign3A_281 = arith.cmpi slt, %add3A_266, %sign3A_280 : vector<16xi32>
        %sign3A_282 = arith.extui %sign3A_281 : vector<16xi1> to vector<16xi32>
        %sign3A_283 = arith.subi %sign3A_278, %sign3A_282 : vector<16xi32>
        %sign3A_284 = arith.constant 0 : i32
        %sign3A_285 = arith.cmpi sgt, %jit3A_272, %sign3A_284 : i32
        %sign3A_286 = arith.extui %sign3A_285 : i1 to i32
        %sign3A_287 = arith.constant 0 : i32
        %sign3A_288 = arith.cmpi slt, %jit3A_272, %sign3A_287 : i32
        %sign3A_289 = arith.extui %sign3A_288 : i1 to i32
        %sign3A_290 = arith.subi %sign3A_286, %sign3A_289 : i32
        %ne3A_291 = vector.broadcast %sign3A_290 : i32 to vector<16xi32>
        %ne3A_292 = arith.cmpi ne, %sign3A_283, %ne3A_291 : vector<16xi32>
        %rem3A_293 = vector.broadcast %jit3A_272 : i32 to vector<16xi32>
        %rem3A_294 = arith.remsi %add3A_266, %rem3A_293 : vector<16xi32>
        %ne3A_295 = arith.constant 0 : i32
        %ne3A_296 = vector.broadcast %ne3A_295 : i32 to vector<16xi32>
        %ne3A_297 = arith.cmpi ne, %rem3A_294, %ne3A_296 : vector<16xi32>
        %and3A_298 = arith.andi %ne3A_292, %ne3A_297 : vector<16xi1>
        %sub3A_299 = arith.constant 1 : i32
        %sub3A_300 = vector.broadcast %sub3A_299 : i32 to vector<16xi32>
        %sub3A_301 = arith.subi %div3A_274, %sub3A_300 : vector<16xi32>
        %select_n3A_302 = arith.select %and3A_298, %sub3A_301, %div3A_274 : vector<16xi1>, vector<16xi32>
        %rem3A_303 = arith.constant 8 : i32
        %rem3A_304 = vector.broadcast %rem3A_303 : i32 to vector<16xi32>
        %rem3A_305 = arith.remsi %add3A_266, %rem3A_304 : vector<16xi32>
        %scatter3A_306 = arith.constant 0 : i32
        %scatter3A_307 = arith.constant 0 : i32
        %scatter3A_308 = arith.constant 0 : i32
        %scatter3A_309 = arith.constant 0 : i32
        %scatter3A_310 = arith.constant 0 : i32
        %scatter3A_311 = tpu.memref_slice %arg7[%scatter3A_306, %scatter3A_307, %scatter3A_308, %scatter3A_309, %scatter3A_310] : memref<2x4x4x8x129xf32, #tpu.memory_space<vmem>> -> memref<1x4x4x8x129xf32, #tpu.memory_space<vmem>>
        %scatter3A_312 = tpu.memref_squeeze %scatter3A_311 : memref<1x4x4x8x129xf32, #tpu.memory_space<vmem>> -> memref<4x4x8x129xf32, #tpu.memory_space<vmem>>
        tpu.vector_store_idx %scatter3A_312[%select_n3A_302, %add3A_212, %rem3A_305, %add3A_216], %get3A_271 : memref<4x4x8x129xf32, #tpu.memory_space<vmem>>[vector<16xi32>, vector<16xi32>, vector<16xi32>, vector<16xi32>], vector<16xf32>,
        %mul3A_313 = arith.constant 16 : i32
        %mul3A_314 = arith.muli %scan3A_187, %mul3A_313 : i32
        %add3A_315 = arith.constant 1 : i32
        %add3A_316 = arith.addi %mul3A_314, %add3A_315 : i32
        %jit3A_317 = arith.constant 128 : i32
        %div3A_318 = arith.divsi %add3A_316, %jit3A_317 : i32
        %sign3A_319 = arith.constant 0 : i32
        %sign3A_320 = arith.cmpi sgt, %add3A_316, %sign3A_319 : i32
        %sign3A_321 = arith.extui %sign3A_320 : i1 to i32
        %sign3A_322 = arith.constant 0 : i32
        %sign3A_323 = arith.cmpi slt, %add3A_316, %sign3A_322 : i32
        %sign3A_324 = arith.extui %sign3A_323 : i1 to i32
        %sign3A_325 = arith.subi %sign3A_321, %sign3A_324 : i32
        %sign3A_326 = arith.constant 0 : i32
        %sign3A_327 = arith.cmpi sgt, %jit3A_317, %sign3A_326 : i32
        %sign3A_328 = arith.extui %sign3A_327 : i1 to i32
        %sign3A_329 = arith.constant 0 : i32
        %sign3A_330 = arith.cmpi slt, %jit3A_317, %sign3A_329 : i32
        %sign3A_331 = arith.extui %sign3A_330 : i1 to i32
        %sign3A_332 = arith.subi %sign3A_328, %sign3A_331 : i32
        %ne3A_333 = arith.cmpi ne, %sign3A_325, %sign3A_332 : i32
        %rem3A_334 = arith.remsi %add3A_316, %jit3A_317 : i32
        %ne3A_335 = arith.constant 0 : i32
        %ne3A_336 = arith.cmpi ne, %rem3A_334, %ne3A_335 : i32
        %and3A_337 = arith.andi %ne3A_333, %ne3A_336 : i1
        %sub3A_338 = arith.constant 1 : i32
        %sub3A_339 = arith.subi %div3A_318, %sub3A_338 : i32
        %select_n3A_340 = arith.select %and3A_337, %sub3A_339, %div3A_318 : i32
        %rem3A_341 = arith.constant 128 : i32
        %rem3A_342 = arith.remsi %add3A_316, %rem3A_341 : i32
        %broadcast_in_dim3A_343 = arith.constant 0 : i32
        %broadcast_in_dim3A_344 = vector.broadcast %broadcast_in_dim3A_343 : i32 to vector<16xi32>
        %add3A_345 = vector.broadcast %select_n3A_340 : i32 to vector<16xi32>
        %add3A_346 = arith.addi %broadcast_in_dim3A_344, %add3A_345 : vector<16xi32>
        %broadcast_in_dim3A_347 = arith.constant 0 : i32
        %broadcast_in_dim3A_348 = vector.broadcast %broadcast_in_dim3A_347 : i32 to vector<16xi32>
        %add3A_349 = vector.broadcast %rem3A_342 : i32 to vector<16xi32>
        %add3A_350 = arith.addi %broadcast_in_dim3A_348, %add3A_349 : vector<16xi32>
        %add3A_351 = arith.constant 0 : i32
        %add3A_352 = vector.broadcast %add3A_351 : i32 to vector<16xi32>
        %add3A_353 = arith.addi %iota3A, %add3A_352 : vector<16xi32>
        %get3A_354 = arith.constant 0 : i32
        %get3A_355 = arith.index_cast %get3A_354 : i32 to index
        %get3A_356 = arith.index_cast %add3A_316 : i32 to index
        %get3A_357 = arith.constant 0 : index
        %get3A_358 = tpu.vector_load %arg6[%get3A_355, %get3A_356, %get3A_357] {strides = array<i32>} : memref<2x512x32xf32, #tpu.memory_space<vmem>>, vector<16xf32>,
        %jit3A_359 = arith.constant 8 : i32
        %div3A_360 = vector.broadcast %jit3A_359 : i32 to vector<16xi32>
        %div3A_361 = arith.divsi %add3A_353, %div3A_360 : vector<16xi32>
        %sign3A_362 = arith.constant 0 : i32
        %sign3A_363 = vector.broadcast %sign3A_362 : i32 to vector<16xi32>
        %sign3A_364 = arith.cmpi sgt, %add3A_353, %sign3A_363 : vector<16xi32>
        %sign3A_365 = arith.extui %sign3A_364 : vector<16xi1> to vector<16xi32>
        %sign3A_366 = arith.constant 0 : i32
        %sign3A_367 = vector.broadcast %sign3A_366 : i32 to vector<16xi32>
        %sign3A_368 = arith.cmpi slt, %add3A_353, %sign3A_367 : vector<16xi32>
        %sign3A_369 = arith.extui %sign3A_368 : vector<16xi1> to vector<16xi32>
        %sign3A_370 = arith.subi %sign3A_365, %sign3A_369 : vector<16xi32>
        %sign3A_371 = arith.constant 0 : i32
        %sign3A_372 = arith.cmpi sgt, %jit3A_359, %sign3A_371 : i32
        %sign3A_373 = arith.extui %sign3A_372 : i1 to i32
        %sign3A_374 = arith.constant 0 : i32
        %sign3A_375 = arith.cmpi slt, %jit3A_359, %sign3A_374 : i32
        %sign3A_376 = arith.extui %sign3A_375 : i1 to i32
        %sign3A_377 = arith.subi %sign3A_373, %sign3A_376 : i32
        %ne3A_378 = vector.broadcast %sign3A_377 : i32 to vector<16xi32>
        %ne3A_379 = arith.cmpi ne, %sign3A_370, %ne3A_378 : vector<16xi32>
        %rem3A_380 = vector.broadcast %jit3A_359 : i32 to vector<16xi32>
        %rem3A_381 = arith.remsi %add3A_353, %rem3A_380 : vector<16xi32>
        %ne3A_382 = arith.constant 0 : i32
        %ne3A_383 = vector.broadcast %ne3A_382 : i32 to vector<16xi32>
        %ne3A_384 = arith.cmpi ne, %rem3A_381, %ne3A_383 : vector<16xi32>
        %and3A_385 = arith.andi %ne3A_379, %ne3A_384 : vector<16xi1>
        %sub3A_386 = arith.constant 1 : i32
        %sub3A_387 = vector.broadcast %sub3A_386 : i32 to vector<16xi32>
        %sub3A_388 = arith.subi %div3A_361, %sub3A_387 : vector<16xi32>
        %select_n3A_389 = arith.select %and3A_385, %sub3A_388, %div3A_361 : vector<16xi1>, vector<16xi32>
        %rem3A_390 = arith.constant 8 : i32
        %rem3A_391 = vector.broadcast %rem3A_390 : i32 to vector<16xi32>
        %rem3A_392 = arith.remsi %add3A_353, %rem3A_391 : vector<16xi32>
        %scatter3A_393 = arith.constant 0 : i32
        %scatter3A_394 = arith.constant 0 : i32
        %scatter3A_395 = arith.constant 0 : i32
        %scatter3A_396 = arith.constant 0 : i32
        %scatter3A_397 = arith.constant 0 : i32
        %scatter3A_398 = tpu.memref_slice %arg7[%scatter3A_393, %scatter3A_394, %scatter3A_395, %scatter3A_396, %scatter3A_397] : memref<2x4x4x8x129xf32, #tpu.memory_space<vmem>> -> memref<1x4x4x8x129xf32, #tpu.memory_space<vmem>>
        %scatter3A_399 = tpu.memref_squeeze %scatter3A_398 : memref<1x4x4x8x129xf32, #tpu.memory_space<vmem>> -> memref<4x4x8x129xf32, #tpu.memory_space<vmem>>
        tpu.vector_store_idx %scatter3A_399[%select_n3A_389, %add3A_346, %rem3A_392, %add3A_350], %get3A_358 : memref<4x4x8x129xf32, #tpu.memory_space<vmem>>[vector<16xi32>, vector<16xi32>, vector<16xi32>, vector<16xi32>], vector<16xf32>,
        %add3A_400 = arith.constant 16 : i32
        %add3A_401 = vector.broadcast %add3A_400 : i32 to vector<16xi32>
        %add3A_402 = arith.addi %iota3A, %add3A_401 : vector<16xi32>
        %get3A_403 = arith.constant 0 : i32
        %get3A_404 = arith.index_cast %get3A_403 : i32 to index
        %get3A_405 = arith.index_cast %add3A_316 : i32 to index
        %get3A_406 = arith.constant 16 : index
        %get3A_407 = tpu.vector_load %arg6[%get3A_404, %get3A_405, %get3A_406] {strides = array<i32>} : memref<2x512x32xf32, #tpu.memory_space<vmem>>, vector<16xf32>,
        %jit3A_408 = arith.constant 8 : i32
        %div3A_409 = vector.broadcast %jit3A_408 : i32 to vector<16xi32>
        %div3A_410 = arith.divsi %add3A_402, %div3A_409 : vector<16xi32>
        %sign3A_411 = arith.constant 0 : i32
        %sign3A_412 = vector.broadcast %sign3A_411 : i32 to vector<16xi32>
        %sign3A_413 = arith.cmpi sgt, %add3A_402, %sign3A_412 : vector<16xi32>
        %sign3A_414 = arith.extui %sign3A_413 : vector<16xi1> to vector<16xi32>
        %sign3A_415 = arith.constant 0 : i32
        %sign3A_416 = vector.broadcast %sign3A_415 : i32 to vector<16xi32>
        %sign3A_417 = arith.cmpi slt, %add3A_402, %sign3A_416 : vector<16xi32>
        %sign3A_418 = arith.extui %sign3A_417 : vector<16xi1> to vector<16xi32>
        %sign3A_419 = arith.subi %sign3A_414, %sign3A_418 : vector<16xi32>
        %sign3A_420 = arith.constant 0 : i32
        %sign3A_421 = arith.cmpi sgt, %jit3A_408, %sign3A_420 : i32
        %sign3A_422 = arith.extui %sign3A_421 : i1 to i32
        %sign3A_423 = arith.constant 0 : i32
        %sign3A_424 = arith.cmpi slt, %jit3A_408, %sign3A_423 : i32
        %sign3A_425 = arith.extui %sign3A_424 : i1 to i32
        %sign3A_426 = arith.subi %sign3A_422, %sign3A_425 : i32
        %ne3A_427 = vector.broadcast %sign3A_426 : i32 to vector<16xi32>
        %ne3A_428 = arith.cmpi ne, %sign3A_419, %ne3A_427 : vector<16xi32>
        %rem3A_429 = vector.broadcast %jit3A_408 : i32 to vector<16xi32>
        %rem3A_430 = arith.remsi %add3A_402, %rem3A_429 : vector<16xi32>
        %ne3A_431 = arith.constant 0 : i32
        %ne3A_432 = vector.broadcast %ne3A_431 : i32 to vector<16xi32>
        %ne3A_433 = arith.cmpi ne, %rem3A_430, %ne3A_432 : vector<16xi32>
        %and3A_434 = arith.andi %ne3A_428, %ne3A_433 : vector<16xi1>
        %sub3A_435 = arith.constant 1 : i32
        %sub3A_436 = vector.broadcast %sub3A_435 : i32 to vector<16xi32>
        %sub3A_437 = arith.subi %div3A_410, %sub3A_436 : vector<16xi32>
        %select_n3A_438 = arith.select %and3A_434, %sub3A_437, %div3A_410 : vector<16xi1>, vector<16xi32>
        %rem3A_439 = arith.constant 8 : i32
        %rem3A_440 = vector.broadcast %rem3A_439 : i32 to vector<16xi32>
        %rem3A_441 = arith.remsi %add3A_402, %rem3A_440 : vector<16xi32>
        %scatter3A_442 = arith.constant 0 : i32
        %scatter3A_443 = arith.constant 0 : i32
        %scatter3A_444 = arith.constant 0 : i32
        %scatter3A_445 = arith.constant 0 : i32
        %scatter3A_446 = arith.constant 0 : i32
        %scatter3A_447 = tpu.memref_slice %arg7[%scatter3A_442, %scatter3A_443, %scatter3A_444, %scatter3A_445, %scatter3A_446] : memref<2x4x4x8x129xf32, #tpu.memory_space<vmem>> -> memref<1x4x4x8x129xf32, #tpu.memory_space<vmem>>
        %scatter3A_448 = tpu.memref_squeeze %scatter3A_447 : memref<1x4x4x8x129xf32, #tpu.memory_space<vmem>> -> memref<4x4x8x129xf32, #tpu.memory_space<vmem>>
        tpu.vector_store_idx %scatter3A_448[%select_n3A_438, %add3A_346, %rem3A_441, %add3A_350], %get3A_407 : memref<4x4x8x129xf32, #tpu.memory_space<vmem>>[vector<16xi32>, vector<16xi32>, vector<16xi32>, vector<16xi32>], vector<16xf32>,
        %mul3A_449 = arith.constant 16 : i32
        %mul3A_450 = arith.muli %scan3A_187, %mul3A_449 : i32
        %add3A_451 = arith.constant 2 : i32
        %add3A_452 = arith.addi %mul3A_450, %add3A_451 : i32
        %jit3A_453 = arith.constant 128 : i32
        %div3A_454 = arith.divsi %add3A_452, %jit3A_453 : i32
        %sign3A_455 = arith.constant 0 : i32
        %sign3A_456 = arith.cmpi sgt, %add3A_452, %sign3A_455 : i32
        %sign3A_457 = arith.extui %sign3A_456 : i1 to i32
        %sign3A_458 = arith.constant 0 : i32
        %sign3A_459 = arith.cmpi slt, %add3A_452, %sign3A_458 : i32
        %sign3A_460 = arith.extui %sign3A_459 : i1 to i32
        %sign3A_461 = arith.subi %sign3A_457, %sign3A_460 : i32
        %sign3A_462 = arith.constant 0 : i32
        %sign3A_463 = arith.cmpi sgt, %jit3A_453, %sign3A_462 : i32
        %sign3A_464 = arith.extui %sign3A_463 : i1 to i32
        %sign3A_465 = arith.constant 0 : i32
        %sign3A_466 = arith.cmpi slt, %jit3A_453, %sign3A_465 : i32
        %sign3A_467 = arith.extui %sign3A_466 : i1 to i32
        %sign3A_468 = arith.subi %sign3A_464, %sign3A_467 : i32
        %ne3A_469 = arith.cmpi ne, %sign3A_461, %sign3A_468 : i32
        %rem3A_470 = arith.remsi %add3A_452, %jit3A_453 : i32
        %ne3A_471 = arith.constant 0 : i32
        %ne3A_472 = arith.cmpi ne, %rem3A_470, %ne3A_471 : i32
        %and3A_473 = arith.andi %ne3A_469, %ne3A_472 : i1
        %sub3A_474 = arith.constant 1 : i32
        %sub3A_475 = arith.subi %div3A_454, %sub3A_474 : i32
        %select_n3A_476 = arith.select %and3A_473, %sub3A_475, %div3A_454 : i32
        %rem3A_477 = arith.constant 128 : i32
        %rem3A_478 = arith.remsi %add3A_452, %rem3A_477 : i32
        %broadcast_in_dim3A_479 = arith.constant 0 : i32
        %broadcast_in_dim3A_480 = vector.broadcast %broadcast_in_dim3A_479 : i32 to vector<16xi32>
        %add3A_481 = vector.broadcast %select_n3A_476 : i32 to vector<16xi32>
        %add3A_482 = arith.addi %broadcast_in_dim3A_480, %add3A_481 : vector<16xi32>
        %broadcast_in_dim3A_483 = arith.constant 0 : i32
        %broadcast_in_dim3A_484 = vector.broadcast %broadcast_in_dim3A_483 : i32 to vector<16xi32>
        %add3A_485 = vector.broadcast %rem3A_478 : i32 to vector<16xi32>
        %add3A_486 = arith.addi %broadcast_in_dim3A_484, %add3A_485 : vector<16xi32>
        %add3A_487 = arith.constant 0 : i32
        %add3A_488 = vector.broadcast %add3A_487 : i32 to vector<16xi32>
        %add3A_489 = arith.addi %iota3A, %add3A_488 : vector<16xi32>
        %get3A_490 = arith.constant 0 : i32
        %get3A_491 = arith.index_cast %get3A_490 : i32 to index
        %get3A_492 = arith.index_cast %add3A_452 : i32 to index
        %get3A_493 = arith.constant 0 : index
        %get3A_494 = tpu.vector_load %arg6[%get3A_491, %get3A_492, %get3A_493] {strides = array<i32>} : memref<2x512x32xf32, #tpu.memory_space<vmem>>, vector<16xf32>,
        %jit3A_495 = arith.constant 8 : i32
        %div3A_496 = vector.broadcast %jit3A_495 : i32 to vector<16xi32>
        %div3A_497 = arith.divsi %add3A_489, %div3A_496 : vector<16xi32>
        %sign3A_498 = arith.constant 0 : i32
        %sign3A_499 = vector.broadcast %sign3A_498 : i32 to vector<16xi32>
        %sign3A_500 = arith.cmpi sgt, %add3A_489, %sign3A_499 : vector<16xi32>
        %sign3A_501 = arith.extui %sign3A_500 : vector<16xi1> to vector<16xi32>
        %sign3A_502 = arith.constant 0 : i32
        %sign3A_503 = vector.broadcast %sign3A_502 : i32 to vector<16xi32>
        %sign3A_504 = arith.cmpi slt, %add3A_489, %sign3A_503 : vector<16xi32>
        %sign3A_505 = arith.extui %sign3A_504 : vector<16xi1> to vector<16xi32>
        %sign3A_506 = arith.subi %sign3A_501, %sign3A_505 : vector<16xi32>
        %sign3A_507 = arith.constant 0 : i32
        %sign3A_508 = arith.cmpi sgt, %jit3A_495, %sign3A_507 : i32
        %sign3A_509 = arith.extui %sign3A_508 : i1 to i32
        %sign3A_510 = arith.constant 0 : i32
        %sign3A_511 = arith.cmpi slt, %jit3A_495, %sign3A_510 : i32
        %sign3A_512 = arith.extui %sign3A_511 : i1 to i32
        %sign3A_513 = arith.subi %sign3A_509, %sign3A_512 : i32
        %ne3A_514 = vector.broadcast %sign3A_513 : i32 to vector<16xi32>
        %ne3A_515 = arith.cmpi ne, %sign3A_506, %ne3A_514 : vector<16xi32>
        %rem3A_516 = vector.broadcast %jit3A_495 : i32 to vector<16xi32>
        %rem3A_517 = arith.remsi %add3A_489, %rem3A_516 : vector<16xi32>
        %ne3A_518 = arith.constant 0 : i32
        %ne3A_519 = vector.broadcast %ne3A_518 : i32 to vector<16xi32>
        %ne3A_520 = arith.cmpi ne, %rem3A_517, %ne3A_519 : vector<16xi32>
        %and3A_521 = arith.andi %ne3A_515, %ne3A_520 : vector<16xi1>
        %sub3A_522 = arith.constant 1 : i32
        %sub3A_523 = vector.broadcast %sub3A_522 : i32 to vector<16xi32>
        %sub3A_524 = arith.subi %div3A_497, %sub3A_523 : vector<16xi32>
        %select_n3A_525 = arith.select %and3A_521, %sub3A_524, %div3A_497 : vector<16xi1>, vector<16xi32>
        %rem3A_526 = arith.constant 8 : i32
        %rem3A_527 = vector.broadcast %rem3A_526 : i32 to vector<16xi32>
        %rem3A_528 = arith.remsi %add3A_489, %rem3A_527 : vector<16xi32>
        %scatter3A_529 = arith.constant 0 : i32
        %scatter3A_530 = arith.constant 0 : i32
        %scatter3A_531 = arith.constant 0 : i32
        %scatter3A_532 = arith.constant 0 : i32
        %scatter3A_533 = arith.constant 0 : i32
        %scatter3A_534 = tpu.memref_slice %arg7[%scatter3A_529, %scatter3A_530, %scatter3A_531, %scatter3A_532, %scatter3A_533] : memref<2x4x4x8x129xf32, #tpu.memory_space<vmem>> -> memref<1x4x4x8x129xf32, #tpu.memory_space<vmem>>
        %scatter3A_535 = tpu.memref_squeeze %scatter3A_534 : memref<1x4x4x8x129xf32, #tpu.memory_space<vmem>> -> memref<4x4x8x129xf32, #tpu.memory_space<vmem>>
        tpu.vector_store_idx %scatter3A_535[%select_n3A_525, %add3A_482, %rem3A_528, %add3A_486], %get3A_494 : memref<4x4x8x129xf32, #tpu.memory_space<vmem>>[vector<16xi32>, vector<16xi32>, vector<16xi32>, vector<16xi32>], vector<16xf32>,
        %add3A_536 = arith.constant 16 : i32
        %add3A_537 = vector.broadcast %add3A_536 : i32 to vector<16xi32>
        %add3A_538 = arith.addi %iota3A, %add3A_537 : vector<16xi32>
        %get3A_539 = arith.constant 0 : i32
        %get3A_540 = arith.index_cast %get3A_539 : i32 to index
        %get3A_541 = arith.index_cast %add3A_452 : i32 to index
        %get3A_542 = arith.constant 16 : index
        %get3A_543 = tpu.vector_load %arg6[%get3A_540, %get3A_541, %get3A_542] {strides = array<i32>} : memref<2x512x32xf32, #tpu.memory_space<vmem>>, vector<16xf32>,
        %jit3A_544 = arith.constant 8 : i32
        %div3A_545 = vector.broadcast %jit3A_544 : i32 to vector<16xi32>
        %div3A_546 = arith.divsi %add3A_538, %div3A_545 : vector<16xi32>
        %sign3A_547 = arith.constant 0 : i32
        %sign3A_548 = vector.broadcast %sign3A_547 : i32 to vector<16xi32>
        %sign3A_549 = arith.cmpi sgt, %add3A_538, %sign3A_548 : vector<16xi32>
        %sign3A_550 = arith.extui %sign3A_549 : vector<16xi1> to vector<16xi32>
        %sign3A_551 = arith.constant 0 : i32
        %sign3A_552 = vector.broadcast %sign3A_551 : i32 to vector<16xi32>
        %sign3A_553 = arith.cmpi slt, %add3A_538, %sign3A_552 : vector<16xi32>
        %sign3A_554 = arith.extui %sign3A_553 : vector<16xi1> to vector<16xi32>
        %sign3A_555 = arith.subi %sign3A_550, %sign3A_554 : vector<16xi32>
        %sign3A_556 = arith.constant 0 : i32
        %sign3A_557 = arith.cmpi sgt, %jit3A_544, %sign3A_556 : i32
        %sign3A_558 = arith.extui %sign3A_557 : i1 to i32
        %sign3A_559 = arith.constant 0 : i32
        %sign3A_560 = arith.cmpi slt, %jit3A_544, %sign3A_559 : i32
        %sign3A_561 = arith.extui %sign3A_560 : i1 to i32
        %sign3A_562 = arith.subi %sign3A_558, %sign3A_561 : i32
        %ne3A_563 = vector.broadcast %sign3A_562 : i32 to vector<16xi32>
        %ne3A_564 = arith.cmpi ne, %sign3A_555, %ne3A_563 : vector<16xi32>
        %rem3A_565 = vector.broadcast %jit3A_544 : i32 to vector<16xi32>
        %rem3A_566 = arith.remsi %add3A_538, %rem3A_565 : vector<16xi32>
        %ne3A_567 = arith.constant 0 : i32
        %ne3A_568 = vector.broadcast %ne3A_567 : i32 to vector<16xi32>
        %ne3A_569 = arith.cmpi ne, %rem3A_566, %ne3A_568 : vector<16xi32>
        %and3A_570 = arith.andi %ne3A_564, %ne3A_569 : vector<16xi1>
        %sub3A_571 = arith.constant 1 : i32
        %sub3A_572 = vector.broadcast %sub3A_571 : i32 to vector<16xi32>
        %sub3A_573 = arith.subi %div3A_546, %sub3A_572 : vector<16xi32>
        %select_n3A_574 = arith.select %and3A_570, %sub3A_573, %div3A_546 : vector<16xi1>, vector<16xi32>
        %rem3A_575 = arith.constant 8 : i32
        %rem3A_576 = vector.broadcast %rem3A_575 : i32 to vector<16xi32>
        %rem3A_577 = arith.remsi %add3A_538, %rem3A_576 : vector<16xi32>
        %scatter3A_578 = arith.constant 0 : i32
        %scatter3A_579 = arith.constant 0 : i32
        %scatter3A_580 = arith.constant 0 : i32
        %scatter3A_581 = arith.constant 0 : i32
        %scatter3A_582 = arith.constant 0 : i32
        %scatter3A_583 = tpu.memref_slice %arg7[%scatter3A_578, %scatter3A_579, %scatter3A_580, %scatter3A_581, %scatter3A_582] : memref<2x4x4x8x129xf32, #tpu.memory_space<vmem>> -> memref<1x4x4x8x129xf32, #tpu.memory_space<vmem>>
        %scatter3A_584 = tpu.memref_squeeze %scatter3A_583 : memref<1x4x4x8x129xf32, #tpu.memory_space<vmem>> -> memref<4x4x8x129xf32, #tpu.memory_space<vmem>>
        tpu.vector_store_idx %scatter3A_584[%select_n3A_574, %add3A_482, %rem3A_577, %add3A_486], %get3A_543 : memref<4x4x8x129xf32, #tpu.memory_space<vmem>>[vector<16xi32>, vector<16xi32>, vector<16xi32>, vector<16xi32>], vector<16xf32>,
        %mul3A_585 = arith.constant 16 : i32
        %mul3A_586 = arith.muli %scan3A_187, %mul3A_585 : i32
        %add3A_587 = arith.constant 3 : i32
        %add3A_588 = arith.addi %mul3A_586, %add3A_587 : i32
        %jit3A_589 = arith.constant 128 : i32
        %div3A_590 = arith.divsi %add3A_588, %jit3A_589 : i32
        %sign3A_591 = arith.constant 0 : i32
        %sign3A_592 = arith.cmpi sgt, %add3A_588, %sign3A_591 : i32
        %sign3A_593 = arith.extui %sign3A_592 : i1 to i32
        %sign3A_594 = arith.constant 0 : i32
        %sign3A_595 = arith.cmpi slt, %add3A_588, %sign3A_594 : i32
        %sign3A_596 = arith.extui %sign3A_595 : i1 to i32
        %sign3A_597 = arith.subi %sign3A_593, %sign3A_596 : i32
        %sign3A_598 = arith.constant 0 : i32
        %sign3A_599 = arith.cmpi sgt, %jit3A_589, %sign3A_598 : i32
        %sign3A_600 = arith.extui %sign3A_599 : i1 to i32
        %sign3A_601 = arith.constant 0 : i32
        %sign3A_602 = arith.cmpi slt, %jit3A_589, %sign3A_601 : i32
        %sign3A_603 = arith.extui %sign3A_602 : i1 to i32
        %sign3A_604 = arith.subi %sign3A_600, %sign3A_603 : i32
        %ne3A_605 = arith.cmpi ne, %sign3A_597, %sign3A_604 : i32
        %rem3A_606 = arith.remsi %add3A_588, %jit3A_589 : i32
        %ne3A_607 = arith.constant 0 : i32
        %ne3A_608 = arith.cmpi ne, %rem3A_606, %ne3A_607 : i32
        %and3A_609 = arith.andi %ne3A_605, %ne3A_608 : i1
        %sub3A_610 = arith.constant 1 : i32
        %sub3A_611 = arith.subi %div3A_590, %sub3A_610 : i32
        %select_n3A_612 = arith.select %and3A_609, %sub3A_611, %div3A_590 : i32
        %rem3A_613 = arith.constant 128 : i32
        %rem3A_614 = arith.remsi %add3A_588, %rem3A_613 : i32
        %broadcast_in_dim3A_615 = arith.constant 0 : i32
        %broadcast_in_dim3A_616 = vector.broadcast %broadcast_in_dim3A_615 : i32 to vector<16xi32>
        %add3A_617 = vector.broadcast %select_n3A_612 : i32 to vector<16xi32>
        %add3A_618 = arith.addi %broadcast_in_dim3A_616, %add3A_617 : vector<16xi32>
        %broadcast_in_dim3A_619 = arith.constant 0 : i32
        %broadcast_in_dim3A_620 = vector.broadcast %broadcast_in_dim3A_619 : i32 to vector<16xi32>
        %add3A_621 = vector.broadcast %rem3A_614 : i32 to vector<16xi32>
        %add3A_622 = arith.addi %broadcast_in_dim3A_620, %add3A_621 : vector<16xi32>
        %add3A_623 = arith.constant 0 : i32
        %add3A_624 = vector.broadcast %add3A_623 : i32 to vector<16xi32>
        %add3A_625 = arith.addi %iota3A, %add3A_624 : vector<16xi32>
        %get3A_626 = arith.constant 0 : i32
        %get3A_627 = arith.index_cast %get3A_626 : i32 to index
        %get3A_628 = arith.index_cast %add3A_588 : i32 to index
        %get3A_629 = arith.constant 0 : index
        %get3A_630 = tpu.vector_load %arg6[%get3A_627, %get3A_628, %get3A_629] {strides = array<i32>} : memref<2x512x32xf32, #tpu.memory_space<vmem>>, vector<16xf32>,
        %jit3A_631 = arith.constant 8 : i32
        %div3A_632 = vector.broadcast %jit3A_631 : i32 to vector<16xi32>
        %div3A_633 = arith.divsi %add3A_625, %div3A_632 : vector<16xi32>
        %sign3A_634 = arith.constant 0 : i32
        %sign3A_635 = vector.broadcast %sign3A_634 : i32 to vector<16xi32>
        %sign3A_636 = arith.cmpi sgt, %add3A_625, %sign3A_635 : vector<16xi32>
        %sign3A_637 = arith.extui %sign3A_636 : vector<16xi1> to vector<16xi32>
        %sign3A_638 = arith.constant 0 : i32
        %sign3A_639 = vector.broadcast %sign3A_638 : i32 to vector<16xi32>
        %sign3A_640 = arith.cmpi slt, %add3A_625, %sign3A_639 : vector<16xi32>
        %sign3A_641 = arith.extui %sign3A_640 : vector<16xi1> to vector<16xi32>
        %sign3A_642 = arith.subi %sign3A_637, %sign3A_641 : vector<16xi32>
        %sign3A_643 = arith.constant 0 : i32
        %sign3A_644 = arith.cmpi sgt, %jit3A_631, %sign3A_643 : i32
        %sign3A_645 = arith.extui %sign3A_644 : i1 to i32
        %sign3A_646 = arith.constant 0 : i32
        %sign3A_647 = arith.cmpi slt, %jit3A_631, %sign3A_646 : i32
        %sign3A_648 = arith.extui %sign3A_647 : i1 to i32
        %sign3A_649 = arith.subi %sign3A_645, %sign3A_648 : i32
        %ne3A_650 = vector.broadcast %sign3A_649 : i32 to vector<16xi32>
        %ne3A_651 = arith.cmpi ne, %sign3A_642, %ne3A_650 : vector<16xi32>
        %rem3A_652 = vector.broadcast %jit3A_631 : i32 to vector<16xi32>
        %rem3A_653 = arith.remsi %add3A_625, %rem3A_652 : vector<16xi32>
        %ne3A_654 = arith.constant 0 : i32
        %ne3A_655 = vector.broadcast %ne3A_654 : i32 to vector<16xi32>
        %ne3A_656 = arith.cmpi ne, %rem3A_653, %ne3A_655 : vector<16xi32>
        %and3A_657 = arith.andi %ne3A_651, %ne3A_656 : vector<16xi1>
        %sub3A_658 = arith.constant 1 : i32
        %sub3A_659 = vector.broadcast %sub3A_658 : i32 to vector<16xi32>
        %sub3A_660 = arith.subi %div3A_633, %sub3A_659 : vector<16xi32>
        %select_n3A_661 = arith.select %and3A_657, %sub3A_660, %div3A_633 : vector<16xi1>, vector<16xi32>
        %rem3A_662 = arith.constant 8 : i32
        %rem3A_663 = vector.broadcast %rem3A_662 : i32 to vector<16xi32>
        %rem3A_664 = arith.remsi %add3A_625, %rem3A_663 : vector<16xi32>
        %scatter3A_665 = arith.constant 0 : i32
        %scatter3A_666 = arith.constant 0 : i32
        %scatter3A_667 = arith.constant 0 : i32
        %scatter3A_668 = arith.constant 0 : i32
        %scatter3A_669 = arith.constant 0 : i32
        %scatter3A_670 = tpu.memref_slice %arg7[%scatter3A_665, %scatter3A_666, %scatter3A_667, %scatter3A_668, %scatter3A_669] : memref<2x4x4x8x129xf32, #tpu.memory_space<vmem>> -> memref<1x4x4x8x129xf32, #tpu.memory_space<vmem>>
        %scatter3A_671 = tpu.memref_squeeze %scatter3A_670 : memref<1x4x4x8x129xf32, #tpu.memory_space<vmem>> -> memref<4x4x8x129xf32, #tpu.memory_space<vmem>>
        tpu.vector_store_idx %scatter3A_671[%select_n3A_661, %add3A_618, %rem3A_664, %add3A_622], %get3A_630 : memref<4x4x8x129xf32, #tpu.memory_space<vmem>>[vector<16xi32>, vector<16xi32>, vector<16xi32>, vector<16xi32>], vector<16xf32>,
        %add3A_672 = arith.constant 16 : i32
        %add3A_673 = vector.broadcast %add3A_672 : i32 to vector<16xi32>
        %add3A_674 = arith.addi %iota3A, %add3A_673 : vector<16xi32>
        %get3A_675 = arith.constant 0 : i32
        %get3A_676 = arith.index_cast %get3A_675 : i32 to index
        %get3A_677 = arith.index_cast %add3A_588 : i32 to index
        %get3A_678 = arith.constant 16 : index
        %get3A_679 = tpu.vector_load %arg6[%get3A_676, %get3A_677, %get3A_678] {strides = array<i32>} : memref<2x512x32xf32, #tpu.memory_space<vmem>>, vector<16xf32>,
        %jit3A_680 = arith.constant 8 : i32
        %div3A_681 = vector.broadcast %jit3A_680 : i32 to vector<16xi32>
        %div3A_682 = arith.divsi %add3A_674, %div3A_681 : vector<16xi32>
        %sign3A_683 = arith.constant 0 : i32
        %sign3A_684 = vector.broadcast %sign3A_683 : i32 to vector<16xi32>
        %sign3A_685 = arith.cmpi sgt, %add3A_674, %sign3A_684 : vector<16xi32>
        %sign3A_686 = arith.extui %sign3A_685 : vector<16xi1> to vector<16xi32>
        %sign3A_687 = arith.constant 0 : i32
        %sign3A_688 = vector.broadcast %sign3A_687 : i32 to vector<16xi32>
        %sign3A_689 = arith.cmpi slt, %add3A_674, %sign3A_688 : vector<16xi32>
        %sign3A_690 = arith.extui %sign3A_689 : vector<16xi1> to vector<16xi32>
        %sign3A_691 = arith.subi %sign3A_686, %sign3A_690 : vector<16xi32>
        %sign3A_692 = arith.constant 0 : i32
        %sign3A_693 = arith.cmpi sgt, %jit3A_680, %sign3A_692 : i32
        %sign3A_694 = arith.extui %sign3A_693 : i1 to i32
        %sign3A_695 = arith.constant 0 : i32
        %sign3A_696 = arith.cmpi slt, %jit3A_680, %sign3A_695 : i32
        %sign3A_697 = arith.extui %sign3A_696 : i1 to i32
        %sign3A_698 = arith.subi %sign3A_694, %sign3A_697 : i32
        %ne3A_699 = vector.broadcast %sign3A_698 : i32 to vector<16xi32>
        %ne3A_700 = arith.cmpi ne, %sign3A_691, %ne3A_699 : vector<16xi32>
        %rem3A_701 = vector.broadcast %jit3A_680 : i32 to vector<16xi32>
        %rem3A_702 = arith.remsi %add3A_674, %rem3A_701 : vector<16xi32>
        %ne3A_703 = arith.constant 0 : i32
        %ne3A_704 = vector.broadcast %ne3A_703 : i32 to vector<16xi32>
        %ne3A_705 = arith.cmpi ne, %rem3A_702, %ne3A_704 : vector<16xi32>
        %and3A_706 = arith.andi %ne3A_700, %ne3A_705 : vector<16xi1>
        %sub3A_707 = arith.constant 1 : i32
        %sub3A_708 = vector.broadcast %sub3A_707 : i32 to vector<16xi32>
        %sub3A_709 = arith.subi %div3A_682, %sub3A_708 : vector<16xi32>
        %select_n3A_710 = arith.select %and3A_706, %sub3A_709, %div3A_682 : vector<16xi1>, vector<16xi32>
        %rem3A_711 = arith.constant 8 : i32
        %rem3A_712 = vector.broadcast %rem3A_711 : i32 to vector<16xi32>
        %rem3A_713 = arith.remsi %add3A_674, %rem3A_712 : vector<16xi32>
        %scatter3A_714 = arith.constant 0 : i32
        %scatter3A_715 = arith.constant 0 : i32
        %scatter3A_716 = arith.constant 0 : i32
        %scatter3A_717 = arith.constant 0 : i32
        %scatter3A_718 = arith.constant 0 : i32
        %scatter3A_719 = tpu.memref_slice %arg7[%scatter3A_714, %scatter3A_715, %scatter3A_716, %scatter3A_717, %scatter3A_718] : memref<2x4x4x8x129xf32, #tpu.memory_space<vmem>> -> memref<1x4x4x8x129xf32, #tpu.memory_space<vmem>>
        %scatter3A_720 = tpu.memref_squeeze %scatter3A_719 : memref<1x4x4x8x129xf32, #tpu.memory_space<vmem>> -> memref<4x4x8x129xf32, #tpu.memory_space<vmem>>
        tpu.vector_store_idx %scatter3A_720[%select_n3A_710, %add3A_618, %rem3A_713, %add3A_622], %get3A_679 : memref<4x4x8x129xf32, #tpu.memory_space<vmem>>[vector<16xi32>, vector<16xi32>, vector<16xi32>, vector<16xi32>], vector<16xf32>,
        %mul3A_721 = arith.constant 16 : i32
        %mul3A_722 = arith.muli %scan3A_187, %mul3A_721 : i32
        %add3A_723 = arith.constant 4 : i32
        %add3A_724 = arith.addi %mul3A_722, %add3A_723 : i32
        %jit3A_725 = arith.constant 128 : i32
        %div3A_726 = arith.divsi %add3A_724, %jit3A_725 : i32
        %sign3A_727 = arith.constant 0 : i32
        %sign3A_728 = arith.cmpi sgt, %add3A_724, %sign3A_727 : i32
        %sign3A_729 = arith.extui %sign3A_728 : i1 to i32
        %sign3A_730 = arith.constant 0 : i32
        %sign3A_731 = arith.cmpi slt, %add3A_724, %sign3A_730 : i32
        %sign3A_732 = arith.extui %sign3A_731 : i1 to i32
        %sign3A_733 = arith.subi %sign3A_729, %sign3A_732 : i32
        %sign3A_734 = arith.constant 0 : i32
        %sign3A_735 = arith.cmpi sgt, %jit3A_725, %sign3A_734 : i32
        %sign3A_736 = arith.extui %sign3A_735 : i1 to i32
        %sign3A_737 = arith.constant 0 : i32
        %sign3A_738 = arith.cmpi slt, %jit3A_725, %sign3A_737 : i32
        %sign3A_739 = arith.extui %sign3A_738 : i1 to i32
        %sign3A_740 = arith.subi %sign3A_736, %sign3A_739 : i32
        %ne3A_741 = arith.cmpi ne, %sign3A_733, %sign3A_740 : i32
        %rem3A_742 = arith.remsi %add3A_724, %jit3A_725 : i32
        %ne3A_743 = arith.constant 0 : i32
        %ne3A_744 = arith.cmpi ne, %rem3A_742, %ne3A_743 : i32
        %and3A_745 = arith.andi %ne3A_741, %ne3A_744 : i1
        %sub3A_746 = arith.constant 1 : i32
        %sub3A_747 = arith.subi %div3A_726, %sub3A_746 : i32
        %select_n3A_748 = arith.select %and3A_745, %sub3A_747, %div3A_726 : i32
        %rem3A_749 = arith.constant 128 : i32
        %rem3A_750 = arith.remsi %add3A_724, %rem3A_749 : i32
        %broadcast_in_dim3A_751 = arith.constant 0 : i32
        %broadcast_in_dim3A_752 = vector.broadcast %broadcast_in_dim3A_751 : i32 to vector<16xi32>
        %add3A_753 = vector.broadcast %select_n3A_748 : i32 to vector<16xi32>
        %add3A_754 = arith.addi %broadcast_in_dim3A_752, %add3A_753 : vector<16xi32>
        %broadcast_in_dim3A_755 = arith.constant 0 : i32
        %broadcast_in_dim3A_756 = vector.broadcast %broadcast_in_dim3A_755 : i32 to vector<16xi32>
        %add3A_757 = vector.broadcast %rem3A_750 : i32 to vector<16xi32>
        %add3A_758 = arith.addi %broadcast_in_dim3A_756, %add3A_757 : vector<16xi32>
        %add3A_759 = arith.constant 0 : i32
        %add3A_760 = vector.broadcast %add3A_759 : i32 to vector<16xi32>
        %add3A_761 = arith.addi %iota3A, %add3A_760 : vector<16xi32>
        %get3A_762 = arith.constant 0 : i32
        %get3A_763 = arith.index_cast %get3A_762 : i32 to index
        %get3A_764 = arith.index_cast %add3A_724 : i32 to index
        %get3A_765 = arith.constant 0 : index
        %get3A_766 = tpu.vector_load %arg6[%get3A_763, %get3A_764, %get3A_765] {strides = array<i32>} : memref<2x512x32xf32, #tpu.memory_space<vmem>>, vector<16xf32>,
        %jit3A_767 = arith.constant 8 : i32
        %div3A_768 = vector.broadcast %jit3A_767 : i32 to vector<16xi32>
        %div3A_769 = arith.divsi %add3A_761, %div3A_768 : vector<16xi32>
        %sign3A_770 = arith.constant 0 : i32
        %sign3A_771 = vector.broadcast %sign3A_770 : i32 to vector<16xi32>
        %sign3A_772 = arith.cmpi sgt, %add3A_761, %sign3A_771 : vector<16xi32>
        %sign3A_773 = arith.extui %sign3A_772 : vector<16xi1> to vector<16xi32>
        %sign3A_774 = arith.constant 0 : i32
        %sign3A_775 = vector.broadcast %sign3A_774 : i32 to vector<16xi32>
        %sign3A_776 = arith.cmpi slt, %add3A_761, %sign3A_775 : vector<16xi32>
        %sign3A_777 = arith.extui %sign3A_776 : vector<16xi1> to vector<16xi32>
        %sign3A_778 = arith.subi %sign3A_773, %sign3A_777 : vector<16xi32>
        %sign3A_779 = arith.constant 0 : i32
        %sign3A_780 = arith.cmpi sgt, %jit3A_767, %sign3A_779 : i32
        %sign3A_781 = arith.extui %sign3A_780 : i1 to i32
        %sign3A_782 = arith.constant 0 : i32
        %sign3A_783 = arith.cmpi slt, %jit3A_767, %sign3A_782 : i32
        %sign3A_784 = arith.extui %sign3A_783 : i1 to i32
        %sign3A_785 = arith.subi %sign3A_781, %sign3A_784 : i32
        %ne3A_786 = vector.broadcast %sign3A_785 : i32 to vector<16xi32>
        %ne3A_787 = arith.cmpi ne, %sign3A_778, %ne3A_786 : vector<16xi32>
        %rem3A_788 = vector.broadcast %jit3A_767 : i32 to vector<16xi32>
        %rem3A_789 = arith.remsi %add3A_761, %rem3A_788 : vector<16xi32>
        %ne3A_790 = arith.constant 0 : i32
        %ne3A_791 = vector.broadcast %ne3A_790 : i32 to vector<16xi32>
        %ne3A_792 = arith.cmpi ne, %rem3A_789, %ne3A_791 : vector<16xi32>
        %and3A_793 = arith.andi %ne3A_787, %ne3A_792 : vector<16xi1>
        %sub3A_794 = arith.constant 1 : i32
        %sub3A_795 = vector.broadcast %sub3A_794 : i32 to vector<16xi32>
        %sub3A_796 = arith.subi %div3A_769, %sub3A_795 : vector<16xi32>
        %select_n3A_797 = arith.select %and3A_793, %sub3A_796, %div3A_769 : vector<16xi1>, vector<16xi32>
        %rem3A_798 = arith.constant 8 : i32
        %rem3A_799 = vector.broadcast %rem3A_798 : i32 to vector<16xi32>
        %rem3A_800 = arith.remsi %add3A_761, %rem3A_799 : vector<16xi32>
        %scatter3A_801 = arith.constant 0 : i32
        %scatter3A_802 = arith.constant 0 : i32
        %scatter3A_803 = arith.constant 0 : i32
        %scatter3A_804 = arith.constant 0 : i32
        %scatter3A_805 = arith.constant 0 : i32
        %scatter3A_806 = tpu.memref_slice %arg7[%scatter3A_801, %scatter3A_802, %scatter3A_803, %scatter3A_804, %scatter3A_805] : memref<2x4x4x8x129xf32, #tpu.memory_space<vmem>> -> memref<1x4x4x8x129xf32, #tpu.memory_space<vmem>>
        %scatter3A_807 = tpu.memref_squeeze %scatter3A_806 : memref<1x4x4x8x129xf32, #tpu.memory_space<vmem>> -> memref<4x4x8x129xf32, #tpu.memory_space<vmem>>
        tpu.vector_store_idx %scatter3A_807[%select_n3A_797, %add3A_754, %rem3A_800, %add3A_758], %get3A_766 : memref<4x4x8x129xf32, #tpu.memory_space<vmem>>[vector<16xi32>, vector<16xi32>, vector<16xi32>, vector<16xi32>], vector<16xf32>,
        %add3A_808 = arith.constant 16 : i32
        %add3A_809 = vector.broadcast %add3A_808 : i32 to vector<16xi32>
        %add3A_810 = arith.addi %iota3A, %add3A_809 : vector<16xi32>
        %get3A_811 = arith.constant 0 : i32
        %get3A_812 = arith.index_cast %get3A_811 : i32 to index
        %get3A_813 = arith.index_cast %add3A_724 : i32 to index
        %get3A_814 = arith.constant 16 : index
        %get3A_815 = tpu.vector_load %arg6[%get3A_812, %get3A_813, %get3A_814] {strides = array<i32>} : memref<2x512x32xf32, #tpu.memory_space<vmem>>, vector<16xf32>,
        %jit3A_816 = arith.constant 8 : i32
        %div3A_817 = vector.broadcast %jit3A_816 : i32 to vector<16xi32>
        %div3A_818 = arith.divsi %add3A_810, %div3A_817 : vector<16xi32>
        %sign3A_819 = arith.constant 0 : i32
        %sign3A_820 = vector.broadcast %sign3A_819 : i32 to vector<16xi32>
        %sign3A_821 = arith.cmpi sgt, %add3A_810, %sign3A_820 : vector<16xi32>
        %sign3A_822 = arith.extui %sign3A_821 : vector<16xi1> to vector<16xi32>
        %sign3A_823 = arith.constant 0 : i32
        %sign3A_824 = vector.broadcast %sign3A_823 : i32 to vector<16xi32>
        %sign3A_825 = arith.cmpi slt, %add3A_810, %sign3A_824 : vector<16xi32>
        %sign3A_826 = arith.extui %sign3A_825 : vector<16xi1> to vector<16xi32>
        %sign3A_827 = arith.subi %sign3A_822, %sign3A_826 : vector<16xi32>
        %sign3A_828 = arith.constant 0 : i32
        %sign3A_829 = arith.cmpi sgt, %jit3A_816, %sign3A_828 : i32
        %sign3A_830 = arith.extui %sign3A_829 : i1 to i32
        %sign3A_831 = arith.constant 0 : i32
        %sign3A_832 = arith.cmpi slt, %jit3A_816, %sign3A_831 : i32
        %sign3A_833 = arith.extui %sign3A_832 : i1 to i32
        %sign3A_834 = arith.subi %sign3A_830, %sign3A_833 : i32
        %ne3A_835 = vector.broadcast %sign3A_834 : i32 to vector<16xi32>
        %ne3A_836 = arith.cmpi ne, %sign3A_827, %ne3A_835 : vector<16xi32>
        %rem3A_837 = vector.broadcast %jit3A_816 : i32 to vector<16xi32>
        %rem3A_838 = arith.remsi %add3A_810, %rem3A_837 : vector<16xi32>
        %ne3A_839 = arith.constant 0 : i32
        %ne3A_840 = vector.broadcast %ne3A_839 : i32 to vector<16xi32>
        %ne3A_841 = arith.cmpi ne, %rem3A_838, %ne3A_840 : vector<16xi32>
        %and3A_842 = arith.andi %ne3A_836, %ne3A_841 : vector<16xi1>
        %sub3A_843 = arith.constant 1 : i32
        %sub3A_844 = vector.broadcast %sub3A_843 : i32 to vector<16xi32>
        %sub3A_845 = arith.subi %div3A_818, %sub3A_844 : vector<16xi32>
        %select_n3A_846 = arith.select %and3A_842, %sub3A_845, %div3A_818 : vector<16xi1>, vector<16xi32>
        %rem3A_847 = arith.constant 8 : i32
        %rem3A_848 = vector.broadcast %rem3A_847 : i32 to vector<16xi32>
        %rem3A_849 = arith.remsi %add3A_810, %rem3A_848 : vector<16xi32>
        %scatter3A_850 = arith.constant 0 : i32
        %scatter3A_851 = arith.constant 0 : i32
        %scatter3A_852 = arith.constant 0 : i32
        %scatter3A_853 = arith.constant 0 : i32
        %scatter3A_854 = arith.constant 0 : i32
        %scatter3A_855 = tpu.memref_slice %arg7[%scatter3A_850, %scatter3A_851, %scatter3A_852, %scatter3A_853, %scatter3A_854] : memref<2x4x4x8x129xf32, #tpu.memory_space<vmem>> -> memref<1x4x4x8x129xf32, #tpu.memory_space<vmem>>
        %scatter3A_856 = tpu.memref_squeeze %scatter3A_855 : memref<1x4x4x8x129xf32, #tpu.memory_space<vmem>> -> memref<4x4x8x129xf32, #tpu.memory_space<vmem>>
        tpu.vector_store_idx %scatter3A_856[%select_n3A_846, %add3A_754, %rem3A_849, %add3A_758], %get3A_815 : memref<4x4x8x129xf32, #tpu.memory_space<vmem>>[vector<16xi32>, vector<16xi32>, vector<16xi32>, vector<16xi32>], vector<16xf32>,
        %mul3A_857 = arith.constant 16 : i32
        %mul3A_858 = arith.muli %scan3A_187, %mul3A_857 : i32
        %add3A_859 = arith.constant 5 : i32
        %add3A_860 = arith.addi %mul3A_858, %add3A_859 : i32
        %jit3A_861 = arith.constant 128 : i32
        %div3A_862 = arith.divsi %add3A_860, %jit3A_861 : i32
        %sign3A_863 = arith.constant 0 : i32
        %sign3A_864 = arith.cmpi sgt, %add3A_860, %sign3A_863 : i32
        %sign3A_865 = arith.extui %sign3A_864 : i1 to i32
        %sign3A_866 = arith.constant 0 : i32
        %sign3A_867 = arith.cmpi slt, %add3A_860, %sign3A_866 : i32
        %sign3A_868 = arith.extui %sign3A_867 : i1 to i32
        %sign3A_869 = arith.subi %sign3A_865, %sign3A_868 : i32
        %sign3A_870 = arith.constant 0 : i32
        %sign3A_871 = arith.cmpi sgt, %jit3A_861, %sign3A_870 : i32
        %sign3A_872 = arith.extui %sign3A_871 : i1 to i32
        %sign3A_873 = arith.constant 0 : i32
        %sign3A_874 = arith.cmpi slt, %jit3A_861, %sign3A_873 : i32
        %sign3A_875 = arith.extui %sign3A_874 : i1 to i32
        %sign3A_876 = arith.subi %sign3A_872, %sign3A_875 : i32
        %ne3A_877 = arith.cmpi ne, %sign3A_869, %sign3A_876 : i32
        %rem3A_878 = arith.remsi %add3A_860, %jit3A_861 : i32
        %ne3A_879 = arith.constant 0 : i32
        %ne3A_880 = arith.cmpi ne, %rem3A_878, %ne3A_879 : i32
        %and3A_881 = arith.andi %ne3A_877, %ne3A_880 : i1
        %sub3A_882 = arith.constant 1 : i32
        %sub3A_883 = arith.subi %div3A_862, %sub3A_882 : i32
        %select_n3A_884 = arith.select %and3A_881, %sub3A_883, %div3A_862 : i32
        %rem3A_885 = arith.constant 128 : i32
        %rem3A_886 = arith.remsi %add3A_860, %rem3A_885 : i32
        %broadcast_in_dim3A_887 = arith.constant 0 : i32
        %broadcast_in_dim3A_888 = vector.broadcast %broadcast_in_dim3A_887 : i32 to vector<16xi32>
        %add3A_889 = vector.broadcast %select_n3A_884 : i32 to vector<16xi32>
        %add3A_890 = arith.addi %broadcast_in_dim3A_888, %add3A_889 : vector<16xi32>
        %broadcast_in_dim3A_891 = arith.constant 0 : i32
        %broadcast_in_dim3A_892 = vector.broadcast %broadcast_in_dim3A_891 : i32 to vector<16xi32>
        %add3A_893 = vector.broadcast %rem3A_886 : i32 to vector<16xi32>
        %add3A_894 = arith.addi %broadcast_in_dim3A_892, %add3A_893 : vector<16xi32>
        %add3A_895 = arith.constant 0 : i32
        %add3A_896 = vector.broadcast %add3A_895 : i32 to vector<16xi32>
        %add3A_897 = arith.addi %iota3A, %add3A_896 : vector<16xi32>
        %get3A_898 = arith.constant 0 : i32
        %get3A_899 = arith.index_cast %get3A_898 : i32 to index
        %get3A_900 = arith.index_cast %add3A_860 : i32 to index
        %get3A_901 = arith.constant 0 : index
        %get3A_902 = tpu.vector_load %arg6[%get3A_899, %get3A_900, %get3A_901] {strides = array<i32>} : memref<2x512x32xf32, #tpu.memory_space<vmem>>, vector<16xf32>,
        %jit3A_903 = arith.constant 8 : i32
        %div3A_904 = vector.broadcast %jit3A_903 : i32 to vector<16xi32>
        %div3A_905 = arith.divsi %add3A_897, %div3A_904 : vector<16xi32>
        %sign3A_906 = arith.constant 0 : i32
        %sign3A_907 = vector.broadcast %sign3A_906 : i32 to vector<16xi32>
        %sign3A_908 = arith.cmpi sgt, %add3A_897, %sign3A_907 : vector<16xi32>
        %sign3A_909 = arith.extui %sign3A_908 : vector<16xi1> to vector<16xi32>
        %sign3A_910 = arith.constant 0 : i32
        %sign3A_911 = vector.broadcast %sign3A_910 : i32 to vector<16xi32>
        %sign3A_912 = arith.cmpi slt, %add3A_897, %sign3A_911 : vector<16xi32>
        %sign3A_913 = arith.extui %sign3A_912 : vector<16xi1> to vector<16xi32>
        %sign3A_914 = arith.subi %sign3A_909, %sign3A_913 : vector<16xi32>
        %sign3A_915 = arith.constant 0 : i32
        %sign3A_916 = arith.cmpi sgt, %jit3A_903, %sign3A_915 : i32
        %sign3A_917 = arith.extui %sign3A_916 : i1 to i32
        %sign3A_918 = arith.constant 0 : i32
        %sign3A_919 = arith.cmpi slt, %jit3A_903, %sign3A_918 : i32
        %sign3A_920 = arith.extui %sign3A_919 : i1 to i32
        %sign3A_921 = arith.subi %sign3A_917, %sign3A_920 : i32
        %ne3A_922 = vector.broadcast %sign3A_921 : i32 to vector<16xi32>
        %ne3A_923 = arith.cmpi ne, %sign3A_914, %ne3A_922 : vector<16xi32>
        %rem3A_924 = vector.broadcast %jit3A_903 : i32 to vector<16xi32>
        %rem3A_925 = arith.remsi %add3A_897, %rem3A_924 : vector<16xi32>
        %ne3A_926 = arith.constant 0 : i32
        %ne3A_927 = vector.broadcast %ne3A_926 : i32 to vector<16xi32>
        %ne3A_928 = arith.cmpi ne, %rem3A_925, %ne3A_927 : vector<16xi32>
        %and3A_929 = arith.andi %ne3A_923, %ne3A_928 : vector<16xi1>
        %sub3A_930 = arith.constant 1 : i32
        %sub3A_931 = vector.broadcast %sub3A_930 : i32 to vector<16xi32>
        %sub3A_932 = arith.subi %div3A_905, %sub3A_931 : vector<16xi32>
        %select_n3A_933 = arith.select %and3A_929, %sub3A_932, %div3A_905 : vector<16xi1>, vector<16xi32>
        %rem3A_934 = arith.constant 8 : i32
        %rem3A_935 = vector.broadcast %rem3A_934 : i32 to vector<16xi32>
        %rem3A_936 = arith.remsi %add3A_897, %rem3A_935 : vector<16xi32>
        %scatter3A_937 = arith.constant 0 : i32
        %scatter3A_938 = arith.constant 0 : i32
        %scatter3A_939 = arith.constant 0 : i32
        %scatter3A_940 = arith.constant 0 : i32
        %scatter3A_941 = arith.constant 0 : i32
        %scatter3A_942 = tpu.memref_slice %arg7[%scatter3A_937, %scatter3A_938, %scatter3A_939, %scatter3A_940, %scatter3A_941] : memref<2x4x4x8x129xf32, #tpu.memory_space<vmem>> -> memref<1x4x4x8x129xf32, #tpu.memory_space<vmem>>
        %scatter3A_943 = tpu.memref_squeeze %scatter3A_942 : memref<1x4x4x8x129xf32, #tpu.memory_space<vmem>> -> memref<4x4x8x129xf32, #tpu.memory_space<vmem>>
        tpu.vector_store_idx %scatter3A_943[%select_n3A_933, %add3A_890, %rem3A_936, %add3A_894], %get3A_902 : memref<4x4x8x129xf32, #tpu.memory_space<vmem>>[vector<16xi32>, vector<16xi32>, vector<16xi32>, vector<16xi32>], vector<16xf32>,
        %add3A_944 = arith.constant 16 : i32
        %add3A_945 = vector.broadcast %add3A_944 : i32 to vector<16xi32>
        %add3A_946 = arith.addi %iota3A, %add3A_945 : vector<16xi32>
        %get3A_947 = arith.constant 0 : i32
        %get3A_948 = arith.index_cast %get3A_947 : i32 to index
        %get3A_949 = arith.index_cast %add3A_860 : i32 to index
        %get3A_950 = arith.constant 16 : index
        %get3A_951 = tpu.vector_load %arg6[%get3A_948, %get3A_949, %get3A_950] {strides = array<i32>} : memref<2x512x32xf32, #tpu.memory_space<vmem>>, vector<16xf32>,
        %jit3A_952 = arith.constant 8 : i32
        %div3A_953 = vector.broadcast %jit3A_952 : i32 to vector<16xi32>
        %div3A_954 = arith.divsi %add3A_946, %div3A_953 : vector<16xi32>
        %sign3A_955 = arith.constant 0 : i32
        %sign3A_956 = vector.broadcast %sign3A_955 : i32 to vector<16xi32>
        %sign3A_957 = arith.cmpi sgt, %add3A_946, %sign3A_956 : vector<16xi32>
        %sign3A_958 = arith.extui %sign3A_957 : vector<16xi1> to vector<16xi32>
        %sign3A_959 = arith.constant 0 : i32
        %sign3A_960 = vector.broadcast %sign3A_959 : i32 to vector<16xi32>
        %sign3A_961 = arith.cmpi slt, %add3A_946, %sign3A_960 : vector<16xi32>
        %sign3A_962 = arith.extui %sign3A_961 : vector<16xi1> to vector<16xi32>
        %sign3A_963 = arith.subi %sign3A_958, %sign3A_962 : vector<16xi32>
        %sign3A_964 = arith.constant 0 : i32
        %sign3A_965 = arith.cmpi sgt, %jit3A_952, %sign3A_964 : i32
        %sign3A_966 = arith.extui %sign3A_965 : i1 to i32
        %sign3A_967 = arith.constant 0 : i32
        %sign3A_968 = arith.cmpi slt, %jit3A_952, %sign3A_967 : i32
        %sign3A_969 = arith.extui %sign3A_968 : i1 to i32
        %sign3A_970 = arith.subi %sign3A_966, %sign3A_969 : i32
        %ne3A_971 = vector.broadcast %sign3A_970 : i32 to vector<16xi32>
        %ne3A_972 = arith.cmpi ne, %sign3A_963, %ne3A_971 : vector<16xi32>
        %rem3A_973 = vector.broadcast %jit3A_952 : i32 to vector<16xi32>
        %rem3A_974 = arith.remsi %add3A_946, %rem3A_973 : vector<16xi32>
        %ne3A_975 = arith.constant 0 : i32
        %ne3A_976 = vector.broadcast %ne3A_975 : i32 to vector<16xi32>
        %ne3A_977 = arith.cmpi ne, %rem3A_974, %ne3A_976 : vector<16xi32>
        %and3A_978 = arith.andi %ne3A_972, %ne3A_977 : vector<16xi1>
        %sub3A_979 = arith.constant 1 : i32
        %sub3A_980 = vector.broadcast %sub3A_979 : i32 to vector<16xi32>
        %sub3A_981 = arith.subi %div3A_954, %sub3A_980 : vector<16xi32>
        %select_n3A_982 = arith.select %and3A_978, %sub3A_981, %div3A_954 : vector<16xi1>, vector<16xi32>
        %rem3A_983 = arith.constant 8 : i32
        %rem3A_984 = vector.broadcast %rem3A_983 : i32 to vector<16xi32>
        %rem3A_985 = arith.remsi %add3A_946, %rem3A_984 : vector<16xi32>
        %scatter3A_986 = arith.constant 0 : i32
        %scatter3A_987 = arith.constant 0 : i32
        %scatter3A_988 = arith.constant 0 : i32
        %scatter3A_989 = arith.constant 0 : i32
        %scatter3A_990 = arith.constant 0 : i32
        %scatter3A_991 = tpu.memref_slice %arg7[%scatter3A_986, %scatter3A_987, %scatter3A_988, %scatter3A_989, %scatter3A_990] : memref<2x4x4x8x129xf32, #tpu.memory_space<vmem>> -> memref<1x4x4x8x129xf32, #tpu.memory_space<vmem>>
        %scatter3A_992 = tpu.memref_squeeze %scatter3A_991 : memref<1x4x4x8x129xf32, #tpu.memory_space<vmem>> -> memref<4x4x8x129xf32, #tpu.memory_space<vmem>>
        tpu.vector_store_idx %scatter3A_992[%select_n3A_982, %add3A_890, %rem3A_985, %add3A_894], %get3A_951 : memref<4x4x8x129xf32, #tpu.memory_space<vmem>>[vector<16xi32>, vector<16xi32>, vector<16xi32>, vector<16xi32>], vector<16xf32>,
        %mul3A_993 = arith.constant 16 : i32
        %mul3A_994 = arith.muli %scan3A_187, %mul3A_993 : i32
        %add3A_995 = arith.constant 6 : i32
        %add3A_996 = arith.addi %mul3A_994, %add3A_995 : i32
        %jit3A_997 = arith.constant 128 : i32
        %div3A_998 = arith.divsi %add3A_996, %jit3A_997 : i32
        %sign3A_999 = arith.constant 0 : i32
        %sign3A_1000 = arith.cmpi sgt, %add3A_996, %sign3A_999 : i32
        %sign3A_1001 = arith.extui %sign3A_1000 : i1 to i32
        %sign3A_1002 = arith.constant 0 : i32
        %sign3A_1003 = arith.cmpi slt, %add3A_996, %sign3A_1002 : i32
        %sign3A_1004 = arith.extui %sign3A_1003 : i1 to i32
        %sign3A_1005 = arith.subi %sign3A_1001, %sign3A_1004 : i32
        %sign3A_1006 = arith.constant 0 : i32
        %sign3A_1007 = arith.cmpi sgt, %jit3A_997, %sign3A_1006 : i32
        %sign3A_1008 = arith.extui %sign3A_1007 : i1 to i32
        %sign3A_1009 = arith.constant 0 : i32
        %sign3A_1010 = arith.cmpi slt, %jit3A_997, %sign3A_1009 : i32
        %sign3A_1011 = arith.extui %sign3A_1010 : i1 to i32
        %sign3A_1012 = arith.subi %sign3A_1008, %sign3A_1011 : i32
        %ne3A_1013 = arith.cmpi ne, %sign3A_1005, %sign3A_1012 : i32
        %rem3A_1014 = arith.remsi %add3A_996, %jit3A_997 : i32
        %ne3A_1015 = arith.constant 0 : i32
        %ne3A_1016 = arith.cmpi ne, %rem3A_1014, %ne3A_1015 : i32
        %and3A_1017 = arith.andi %ne3A_1013, %ne3A_1016 : i1
        %sub3A_1018 = arith.constant 1 : i32
        %sub3A_1019 = arith.subi %div3A_998, %sub3A_1018 : i32
        %select_n3A_1020 = arith.select %and3A_1017, %sub3A_1019, %div3A_998 : i32
        %rem3A_1021 = arith.constant 128 : i32
        %rem3A_1022 = arith.remsi %add3A_996, %rem3A_1021 : i32
        %broadcast_in_dim3A_1023 = arith.constant 0 : i32
        %broadcast_in_dim3A_1024 = vector.broadcast %broadcast_in_dim3A_1023 : i32 to vector<16xi32>
        %add3A_1025 = vector.broadcast %select_n3A_1020 : i32 to vector<16xi32>
        %add3A_1026 = arith.addi %broadcast_in_dim3A_1024, %add3A_1025 : vector<16xi32>
        %broadcast_in_dim3A_1027 = arith.constant 0 : i32
        %broadcast_in_dim3A_1028 = vector.broadcast %broadcast_in_dim3A_1027 : i32 to vector<16xi32>
        %add3A_1029 = vector.broadcast %rem3A_1022 : i32 to vector<16xi32>
        %add3A_1030 = arith.addi %broadcast_in_dim3A_1028, %add3A_1029 : vector<16xi32>
        %add3A_1031 = arith.constant 0 : i32
        %add3A_1032 = vector.broadcast %add3A_1031 : i32 to vector<16xi32>
        %add3A_1033 = arith.addi %iota3A, %add3A_1032 : vector<16xi32>
        %get3A_1034 = arith.constant 0 : i32
        %get3A_1035 = arith.index_cast %get3A_1034 : i32 to index
        %get3A_1036 = arith.index_cast %add3A_996 : i32 to index
        %get3A_1037 = arith.constant 0 : index
        %get3A_1038 = tpu.vector_load %arg6[%get3A_1035, %get3A_1036, %get3A_1037] {strides = array<i32>} : memref<2x512x32xf32, #tpu.memory_space<vmem>>, vector<16xf32>,
        %jit3A_1039 = arith.constant 8 : i32
        %div3A_1040 = vector.broadcast %jit3A_1039 : i32 to vector<16xi32>
        %div3A_1041 = arith.divsi %add3A_1033, %div3A_1040 : vector<16xi32>
        %sign3A_1042 = arith.constant 0 : i32
        %sign3A_1043 = vector.broadcast %sign3A_1042 : i32 to vector<16xi32>
        %sign3A_1044 = arith.cmpi sgt, %add3A_1033, %sign3A_1043 : vector<16xi32>
        %sign3A_1045 = arith.extui %sign3A_1044 : vector<16xi1> to vector<16xi32>
        %sign3A_1046 = arith.constant 0 : i32
        %sign3A_1047 = vector.broadcast %sign3A_1046 : i32 to vector<16xi32>
        %sign3A_1048 = arith.cmpi slt, %add3A_1033, %sign3A_1047 : vector<16xi32>
        %sign3A_1049 = arith.extui %sign3A_1048 : vector<16xi1> to vector<16xi32>
        %sign3A_1050 = arith.subi %sign3A_1045, %sign3A_1049 : vector<16xi32>
        %sign3A_1051 = arith.constant 0 : i32
        %sign3A_1052 = arith.cmpi sgt, %jit3A_1039, %sign3A_1051 : i32
        %sign3A_1053 = arith.extui %sign3A_1052 : i1 to i32
        %sign3A_1054 = arith.constant 0 : i32
        %sign3A_1055 = arith.cmpi slt, %jit3A_1039, %sign3A_1054 : i32
        %sign3A_1056 = arith.extui %sign3A_1055 : i1 to i32
        %sign3A_1057 = arith.subi %sign3A_1053, %sign3A_1056 : i32
        %ne3A_1058 = vector.broadcast %sign3A_1057 : i32 to vector<16xi32>
        %ne3A_1059 = arith.cmpi ne, %sign3A_1050, %ne3A_1058 : vector<16xi32>
        %rem3A_1060 = vector.broadcast %jit3A_1039 : i32 to vector<16xi32>
        %rem3A_1061 = arith.remsi %add3A_1033, %rem3A_1060 : vector<16xi32>
        %ne3A_1062 = arith.constant 0 : i32
        %ne3A_1063 = vector.broadcast %ne3A_1062 : i32 to vector<16xi32>
        %ne3A_1064 = arith.cmpi ne, %rem3A_1061, %ne3A_1063 : vector<16xi32>
        %and3A_1065 = arith.andi %ne3A_1059, %ne3A_1064 : vector<16xi1>
        %sub3A_1066 = arith.constant 1 : i32
        %sub3A_1067 = vector.broadcast %sub3A_1066 : i32 to vector<16xi32>
        %sub3A_1068 = arith.subi %div3A_1041, %sub3A_1067 : vector<16xi32>
        %select_n3A_1069 = arith.select %and3A_1065, %sub3A_1068, %div3A_1041 : vector<16xi1>, vector<16xi32>
        %rem3A_1070 = arith.constant 8 : i32
        %rem3A_1071 = vector.broadcast %rem3A_1070 : i32 to vector<16xi32>
        %rem3A_1072 = arith.remsi %add3A_1033, %rem3A_1071 : vector<16xi32>
        %scatter3A_1073 = arith.constant 0 : i32
        %scatter3A_1074 = arith.constant 0 : i32
        %scatter3A_1075 = arith.constant 0 : i32
        %scatter3A_1076 = arith.constant 0 : i32
        %scatter3A_1077 = arith.constant 0 : i32
        %scatter3A_1078 = tpu.memref_slice %arg7[%scatter3A_1073, %scatter3A_1074, %scatter3A_1075, %scatter3A_1076, %scatter3A_1077] : memref<2x4x4x8x129xf32, #tpu.memory_space<vmem>> -> memref<1x4x4x8x129xf32, #tpu.memory_space<vmem>>
        %scatter3A_1079 = tpu.memref_squeeze %scatter3A_1078 : memref<1x4x4x8x129xf32, #tpu.memory_space<vmem>> -> memref<4x4x8x129xf32, #tpu.memory_space<vmem>>
        tpu.vector_store_idx %scatter3A_1079[%select_n3A_1069, %add3A_1026, %rem3A_1072, %add3A_1030], %get3A_1038 : memref<4x4x8x129xf32, #tpu.memory_space<vmem>>[vector<16xi32>, vector<16xi32>, vector<16xi32>, vector<16xi32>], vector<16xf32>,
        %add3A_1080 = arith.constant 16 : i32
        %add3A_1081 = vector.broadcast %add3A_1080 : i32 to vector<16xi32>
        %add3A_1082 = arith.addi %iota3A, %add3A_1081 : vector<16xi32>
        %get3A_1083 = arith.constant 0 : i32
        %get3A_1084 = arith.index_cast %get3A_1083 : i32 to index
        %get3A_1085 = arith.index_cast %add3A_996 : i32 to index
        %get3A_1086 = arith.constant 16 : index
        %get3A_1087 = tpu.vector_load %arg6[%get3A_1084, %get3A_1085, %get3A_1086] {strides = array<i32>} : memref<2x512x32xf32, #tpu.memory_space<vmem>>, vector<16xf32>,
        %jit3A_1088 = arith.constant 8 : i32
        %div3A_1089 = vector.broadcast %jit3A_1088 : i32 to vector<16xi32>
        %div3A_1090 = arith.divsi %add3A_1082, %div3A_1089 : vector<16xi32>
        %sign3A_1091 = arith.constant 0 : i32
        %sign3A_1092 = vector.broadcast %sign3A_1091 : i32 to vector<16xi32>
        %sign3A_1093 = arith.cmpi sgt, %add3A_1082, %sign3A_1092 : vector<16xi32>
        %sign3A_1094 = arith.extui %sign3A_1093 : vector<16xi1> to vector<16xi32>
        %sign3A_1095 = arith.constant 0 : i32
        %sign3A_1096 = vector.broadcast %sign3A_1095 : i32 to vector<16xi32>
        %sign3A_1097 = arith.cmpi slt, %add3A_1082, %sign3A_1096 : vector<16xi32>
        %sign3A_1098 = arith.extui %sign3A_1097 : vector<16xi1> to vector<16xi32>
        %sign3A_1099 = arith.subi %sign3A_1094, %sign3A_1098 : vector<16xi32>
        %sign3A_1100 = arith.constant 0 : i32
        %sign3A_1101 = arith.cmpi sgt, %jit3A_1088, %sign3A_1100 : i32
        %sign3A_1102 = arith.extui %sign3A_1101 : i1 to i32
        %sign3A_1103 = arith.constant 0 : i32
        %sign3A_1104 = arith.cmpi slt, %jit3A_1088, %sign3A_1103 : i32
        %sign3A_1105 = arith.extui %sign3A_1104 : i1 to i32
        %sign3A_1106 = arith.subi %sign3A_1102, %sign3A_1105 : i32
        %ne3A_1107 = vector.broadcast %sign3A_1106 : i32 to vector<16xi32>
        %ne3A_1108 = arith.cmpi ne, %sign3A_1099, %ne3A_1107 : vector<16xi32>
        %rem3A_1109 = vector.broadcast %jit3A_1088 : i32 to vector<16xi32>
        %rem3A_1110 = arith.remsi %add3A_1082, %rem3A_1109 : vector<16xi32>
        %ne3A_1111 = arith.constant 0 : i32
        %ne3A_1112 = vector.broadcast %ne3A_1111 : i32 to vector<16xi32>
        %ne3A_1113 = arith.cmpi ne, %rem3A_1110, %ne3A_1112 : vector<16xi32>
        %and3A_1114 = arith.andi %ne3A_1108, %ne3A_1113 : vector<16xi1>
        %sub3A_1115 = arith.constant 1 : i32
        %sub3A_1116 = vector.broadcast %sub3A_1115 : i32 to vector<16xi32>
        %sub3A_1117 = arith.subi %div3A_1090, %sub3A_1116 : vector<16xi32>
        %select_n3A_1118 = arith.select %and3A_1114, %sub3A_1117, %div3A_1090 : vector<16xi1>, vector<16xi32>
        %rem3A_1119 = arith.constant 8 : i32
        %rem3A_1120 = vector.broadcast %rem3A_1119 : i32 to vector<16xi32>
        %rem3A_1121 = arith.remsi %add3A_1082, %rem3A_1120 : vector<16xi32>
        %scatter3A_1122 = arith.constant 0 : i32
        %scatter3A_1123 = arith.constant 0 : i32
        %scatter3A_1124 = arith.constant 0 : i32
        %scatter3A_1125 = arith.constant 0 : i32
        %scatter3A_1126 = arith.constant 0 : i32
        %scatter3A_1127 = tpu.memref_slice %arg7[%scatter3A_1122, %scatter3A_1123, %scatter3A_1124, %scatter3A_1125, %scatter3A_1126] : memref<2x4x4x8x129xf32, #tpu.memory_space<vmem>> -> memref<1x4x4x8x129xf32, #tpu.memory_space<vmem>>
        %scatter3A_1128 = tpu.memref_squeeze %scatter3A_1127 : memref<1x4x4x8x129xf32, #tpu.memory_space<vmem>> -> memref<4x4x8x129xf32, #tpu.memory_space<vmem>>
        tpu.vector_store_idx %scatter3A_1128[%select_n3A_1118, %add3A_1026, %rem3A_1121, %add3A_1030], %get3A_1087 : memref<4x4x8x129xf32, #tpu.memory_space<vmem>>[vector<16xi32>, vector<16xi32>, vector<16xi32>, vector<16xi32>], vector<16xf32>,
        %mul3A_1129 = arith.constant 16 : i32
        %mul3A_1130 = arith.muli %scan3A_187, %mul3A_1129 : i32
        %add3A_1131 = arith.constant 7 : i32
        %add3A_1132 = arith.addi %mul3A_1130, %add3A_1131 : i32
        %jit3A_1133 = arith.constant 128 : i32
        %div3A_1134 = arith.divsi %add3A_1132, %jit3A_1133 : i32
        %sign3A_1135 = arith.constant 0 : i32
        %sign3A_1136 = arith.cmpi sgt, %add3A_1132, %sign3A_1135 : i32
        %sign3A_1137 = arith.extui %sign3A_1136 : i1 to i32
        %sign3A_1138 = arith.constant 0 : i32
        %sign3A_1139 = arith.cmpi slt, %add3A_1132, %sign3A_1138 : i32
        %sign3A_1140 = arith.extui %sign3A_1139 : i1 to i32
        %sign3A_1141 = arith.subi %sign3A_1137, %sign3A_1140 : i32
        %sign3A_1142 = arith.constant 0 : i32
        %sign3A_1143 = arith.cmpi sgt, %jit3A_1133, %sign3A_1142 : i32
        %sign3A_1144 = arith.extui %sign3A_1143 : i1 to i32
        %sign3A_1145 = arith.constant 0 : i32
        %sign3A_1146 = arith.cmpi slt, %jit3A_1133, %sign3A_1145 : i32
        %sign3A_1147 = arith.extui %sign3A_1146 : i1 to i32
        %sign3A_1148 = arith.subi %sign3A_1144, %sign3A_1147 : i32
        %ne3A_1149 = arith.cmpi ne, %sign3A_1141, %sign3A_1148 : i32
        %rem3A_1150 = arith.remsi %add3A_1132, %jit3A_1133 : i32
        %ne3A_1151 = arith.constant 0 : i32
        %ne3A_1152 = arith.cmpi ne, %rem3A_1150, %ne3A_1151 : i32
        %and3A_1153 = arith.andi %ne3A_1149, %ne3A_1152 : i1
        %sub3A_1154 = arith.constant 1 : i32
        %sub3A_1155 = arith.subi %div3A_1134, %sub3A_1154 : i32
        %select_n3A_1156 = arith.select %and3A_1153, %sub3A_1155, %div3A_1134 : i32
        %rem3A_1157 = arith.constant 128 : i32
        %rem3A_1158 = arith.remsi %add3A_1132, %rem3A_1157 : i32
        %broadcast_in_dim3A_1159 = arith.constant 0 : i32
        %broadcast_in_dim3A_1160 = vector.broadcast %broadcast_in_dim3A_1159 : i32 to vector<16xi32>
        %add3A_1161 = vector.broadcast %select_n3A_1156 : i32 to vector<16xi32>
        %add3A_1162 = arith.addi %broadcast_in_dim3A_1160, %add3A_1161 : vector<16xi32>
        %broadcast_in_dim3A_1163 = arith.constant 0 : i32
        %broadcast_in_dim3A_1164 = vector.broadcast %broadcast_in_dim3A_1163 : i32 to vector<16xi32>
        %add3A_1165 = vector.broadcast %rem3A_1158 : i32 to vector<16xi32>
        %add3A_1166 = arith.addi %broadcast_in_dim3A_1164, %add3A_1165 : vector<16xi32>
        %add3A_1167 = arith.constant 0 : i32
        %add3A_1168 = vector.broadcast %add3A_1167 : i32 to vector<16xi32>
        %add3A_1169 = arith.addi %iota3A, %add3A_1168 : vector<16xi32>
        %get3A_1170 = arith.constant 0 : i32
        %get3A_1171 = arith.index_cast %get3A_1170 : i32 to index
        %get3A_1172 = arith.index_cast %add3A_1132 : i32 to index
        %get3A_1173 = arith.constant 0 : index
        %get3A_1174 = tpu.vector_load %arg6[%get3A_1171, %get3A_1172, %get3A_1173] {strides = array<i32>} : memref<2x512x32xf32, #tpu.memory_space<vmem>>, vector<16xf32>,
        %jit3A_1175 = arith.constant 8 : i32
        %div3A_1176 = vector.broadcast %jit3A_1175 : i32 to vector<16xi32>
        %div3A_1177 = arith.divsi %add3A_1169, %div3A_1176 : vector<16xi32>
        %sign3A_1178 = arith.constant 0 : i32
        %sign3A_1179 = vector.broadcast %sign3A_1178 : i32 to vector<16xi32>
        %sign3A_1180 = arith.cmpi sgt, %add3A_1169, %sign3A_1179 : vector<16xi32>
        %sign3A_1181 = arith.extui %sign3A_1180 : vector<16xi1> to vector<16xi32>
        %sign3A_1182 = arith.constant 0 : i32
        %sign3A_1183 = vector.broadcast %sign3A_1182 : i32 to vector<16xi32>
        %sign3A_1184 = arith.cmpi slt, %add3A_1169, %sign3A_1183 : vector<16xi32>
        %sign3A_1185 = arith.extui %sign3A_1184 : vector<16xi1> to vector<16xi32>
        %sign3A_1186 = arith.subi %sign3A_1181, %sign3A_1185 : vector<16xi32>
        %sign3A_1187 = arith.constant 0 : i32
        %sign3A_1188 = arith.cmpi sgt, %jit3A_1175, %sign3A_1187 : i32
        %sign3A_1189 = arith.extui %sign3A_1188 : i1 to i32
        %sign3A_1190 = arith.constant 0 : i32
        %sign3A_1191 = arith.cmpi slt, %jit3A_1175, %sign3A_1190 : i32
        %sign3A_1192 = arith.extui %sign3A_1191 : i1 to i32
        %sign3A_1193 = arith.subi %sign3A_1189, %sign3A_1192 : i32
        %ne3A_1194 = vector.broadcast %sign3A_1193 : i32 to vector<16xi32>
        %ne3A_1195 = arith.cmpi ne, %sign3A_1186, %ne3A_1194 : vector<16xi32>
        %rem3A_1196 = vector.broadcast %jit3A_1175 : i32 to vector<16xi32>
        %rem3A_1197 = arith.remsi %add3A_1169, %rem3A_1196 : vector<16xi32>
        %ne3A_1198 = arith.constant 0 : i32
        %ne3A_1199 = vector.broadcast %ne3A_1198 : i32 to vector<16xi32>
        %ne3A_1200 = arith.cmpi ne, %rem3A_1197, %ne3A_1199 : vector<16xi32>
        %and3A_1201 = arith.andi %ne3A_1195, %ne3A_1200 : vector<16xi1>
        %sub3A_1202 = arith.constant 1 : i32
        %sub3A_1203 = vector.broadcast %sub3A_1202 : i32 to vector<16xi32>
        %sub3A_1204 = arith.subi %div3A_1177, %sub3A_1203 : vector<16xi32>
        %select_n3A_1205 = arith.select %and3A_1201, %sub3A_1204, %div3A_1177 : vector<16xi1>, vector<16xi32>
        %rem3A_1206 = arith.constant 8 : i32
        %rem3A_1207 = vector.broadcast %rem3A_1206 : i32 to vector<16xi32>
        %rem3A_1208 = arith.remsi %add3A_1169, %rem3A_1207 : vector<16xi32>
        %scatter3A_1209 = arith.constant 0 : i32
        %scatter3A_1210 = arith.constant 0 : i32
        %scatter3A_1211 = arith.constant 0 : i32
        %scatter3A_1212 = arith.constant 0 : i32
        %scatter3A_1213 = arith.constant 0 : i32
        %scatter3A_1214 = tpu.memref_slice %arg7[%scatter3A_1209, %scatter3A_1210, %scatter3A_1211, %scatter3A_1212, %scatter3A_1213] : memref<2x4x4x8x129xf32, #tpu.memory_space<vmem>> -> memref<1x4x4x8x129xf32, #tpu.memory_space<vmem>>
        %scatter3A_1215 = tpu.memref_squeeze %scatter3A_1214 : memref<1x4x4x8x129xf32, #tpu.memory_space<vmem>> -> memref<4x4x8x129xf32, #tpu.memory_space<vmem>>
        tpu.vector_store_idx %scatter3A_1215[%select_n3A_1205, %add3A_1162, %rem3A_1208, %add3A_1166], %get3A_1174 : memref<4x4x8x129xf32, #tpu.memory_space<vmem>>[vector<16xi32>, vector<16xi32>, vector<16xi32>, vector<16xi32>], vector<16xf32>,
        %add3A_1216 = arith.constant 16 : i32
        %add3A_1217 = vector.broadcast %add3A_1216 : i32 to vector<16xi32>
        %add3A_1218 = arith.addi %iota3A, %add3A_1217 : vector<16xi32>
        %get3A_1219 = arith.constant 0 : i32
        %get3A_1220 = arith.index_cast %get3A_1219 : i32 to index
        %get3A_1221 = arith.index_cast %add3A_1132 : i32 to index
        %get3A_1222 = arith.constant 16 : index
        %get3A_1223 = tpu.vector_load %arg6[%get3A_1220, %get3A_1221, %get3A_1222] {strides = array<i32>} : memref<2x512x32xf32, #tpu.memory_space<vmem>>, vector<16xf32>,
        %jit3A_1224 = arith.constant 8 : i32
        %div3A_1225 = vector.broadcast %jit3A_1224 : i32 to vector<16xi32>
        %div3A_1226 = arith.divsi %add3A_1218, %div3A_1225 : vector<16xi32>
        %sign3A_1227 = arith.constant 0 : i32
        %sign3A_1228 = vector.broadcast %sign3A_1227 : i32 to vector<16xi32>
        %sign3A_1229 = arith.cmpi sgt, %add3A_1218, %sign3A_1228 : vector<16xi32>
        %sign3A_1230 = arith.extui %sign3A_1229 : vector<16xi1> to vector<16xi32>
        %sign3A_1231 = arith.constant 0 : i32
        %sign3A_1232 = vector.broadcast %sign3A_1231 : i32 to vector<16xi32>
        %sign3A_1233 = arith.cmpi slt, %add3A_1218, %sign3A_1232 : vector<16xi32>
        %sign3A_1234 = arith.extui %sign3A_1233 : vector<16xi1> to vector<16xi32>
        %sign3A_1235 = arith.subi %sign3A_1230, %sign3A_1234 : vector<16xi32>
        %sign3A_1236 = arith.constant 0 : i32
        %sign3A_1237 = arith.cmpi sgt, %jit3A_1224, %sign3A_1236 : i32
        %sign3A_1238 = arith.extui %sign3A_1237 : i1 to i32
        %sign3A_1239 = arith.constant 0 : i32
        %sign3A_1240 = arith.cmpi slt, %jit3A_1224, %sign3A_1239 : i32
        %sign3A_1241 = arith.extui %sign3A_1240 : i1 to i32
        %sign3A_1242 = arith.subi %sign3A_1238, %sign3A_1241 : i32
        %ne3A_1243 = vector.broadcast %sign3A_1242 : i32 to vector<16xi32>
        %ne3A_1244 = arith.cmpi ne, %sign3A_1235, %ne3A_1243 : vector<16xi32>
        %rem3A_1245 = vector.broadcast %jit3A_1224 : i32 to vector<16xi32>
        %rem3A_1246 = arith.remsi %add3A_1218, %rem3A_1245 : vector<16xi32>
        %ne3A_1247 = arith.constant 0 : i32
        %ne3A_1248 = vector.broadcast %ne3A_1247 : i32 to vector<16xi32>
        %ne3A_1249 = arith.cmpi ne, %rem3A_1246, %ne3A_1248 : vector<16xi32>
        %and3A_1250 = arith.andi %ne3A_1244, %ne3A_1249 : vector<16xi1>
        %sub3A_1251 = arith.constant 1 : i32
        %sub3A_1252 = vector.broadcast %sub3A_1251 : i32 to vector<16xi32>
        %sub3A_1253 = arith.subi %div3A_1226, %sub3A_1252 : vector<16xi32>
        %select_n3A_1254 = arith.select %and3A_1250, %sub3A_1253, %div3A_1226 : vector<16xi1>, vector<16xi32>
        %rem3A_1255 = arith.constant 8 : i32
        %rem3A_1256 = vector.broadcast %rem3A_1255 : i32 to vector<16xi32>
        %rem3A_1257 = arith.remsi %add3A_1218, %rem3A_1256 : vector<16xi32>
        %scatter3A_1258 = arith.constant 0 : i32
        %scatter3A_1259 = arith.constant 0 : i32
        %scatter3A_1260 = arith.constant 0 : i32
        %scatter3A_1261 = arith.constant 0 : i32
        %scatter3A_1262 = arith.constant 0 : i32
        %scatter3A_1263 = tpu.memref_slice %arg7[%scatter3A_1258, %scatter3A_1259, %scatter3A_1260, %scatter3A_1261, %scatter3A_1262] : memref<2x4x4x8x129xf32, #tpu.memory_space<vmem>> -> memref<1x4x4x8x129xf32, #tpu.memory_space<vmem>>
        %scatter3A_1264 = tpu.memref_squeeze %scatter3A_1263 : memref<1x4x4x8x129xf32, #tpu.memory_space<vmem>> -> memref<4x4x8x129xf32, #tpu.memory_space<vmem>>
        tpu.vector_store_idx %scatter3A_1264[%select_n3A_1254, %add3A_1162, %rem3A_1257, %add3A_1166], %get3A_1223 : memref<4x4x8x129xf32, #tpu.memory_space<vmem>>[vector<16xi32>, vector<16xi32>, vector<16xi32>, vector<16xi32>], vector<16xf32>,
        %mul3A_1265 = arith.constant 16 : i32
        %mul3A_1266 = arith.muli %scan3A_187, %mul3A_1265 : i32
        %add3A_1267 = arith.constant 8 : i32
        %add3A_1268 = arith.addi %mul3A_1266, %add3A_1267 : i32
        %jit3A_1269 = arith.constant 128 : i32
        %div3A_1270 = arith.divsi %add3A_1268, %jit3A_1269 : i32
        %sign3A_1271 = arith.constant 0 : i32
        %sign3A_1272 = arith.cmpi sgt, %add3A_1268, %sign3A_1271 : i32
        %sign3A_1273 = arith.extui %sign3A_1272 : i1 to i32
        %sign3A_1274 = arith.constant 0 : i32
        %sign3A_1275 = arith.cmpi slt, %add3A_1268, %sign3A_1274 : i32
        %sign3A_1276 = arith.extui %sign3A_1275 : i1 to i32
        %sign3A_1277 = arith.subi %sign3A_1273, %sign3A_1276 : i32
        %sign3A_1278 = arith.constant 0 : i32
        %sign3A_1279 = arith.cmpi sgt, %jit3A_1269, %sign3A_1278 : i32
        %sign3A_1280 = arith.extui %sign3A_1279 : i1 to i32
        %sign3A_1281 = arith.constant 0 : i32
        %sign3A_1282 = arith.cmpi slt, %jit3A_1269, %sign3A_1281 : i32
        %sign3A_1283 = arith.extui %sign3A_1282 : i1 to i32
        %sign3A_1284 = arith.subi %sign3A_1280, %sign3A_1283 : i32
        %ne3A_1285 = arith.cmpi ne, %sign3A_1277, %sign3A_1284 : i32
        %rem3A_1286 = arith.remsi %add3A_1268, %jit3A_1269 : i32
        %ne3A_1287 = arith.constant 0 : i32
        %ne3A_1288 = arith.cmpi ne, %rem3A_1286, %ne3A_1287 : i32
        %and3A_1289 = arith.andi %ne3A_1285, %ne3A_1288 : i1
        %sub3A_1290 = arith.constant 1 : i32
        %sub3A_1291 = arith.subi %div3A_1270, %sub3A_1290 : i32
        %select_n3A_1292 = arith.select %and3A_1289, %sub3A_1291, %div3A_1270 : i32
        %rem3A_1293 = arith.constant 128 : i32
        %rem3A_1294 = arith.remsi %add3A_1268, %rem3A_1293 : i32
        %broadcast_in_dim3A_1295 = arith.constant 0 : i32
        %broadcast_in_dim3A_1296 = vector.broadcast %broadcast_in_dim3A_1295 : i32 to vector<16xi32>
        %add3A_1297 = vector.broadcast %select_n3A_1292 : i32 to vector<16xi32>
        %add3A_1298 = arith.addi %broadcast_in_dim3A_1296, %add3A_1297 : vector<16xi32>
        %broadcast_in_dim3A_1299 = arith.constant 0 : i32
        %broadcast_in_dim3A_1300 = vector.broadcast %broadcast_in_dim3A_1299 : i32 to vector<16xi32>
        %add3A_1301 = vector.broadcast %rem3A_1294 : i32 to vector<16xi32>
        %add3A_1302 = arith.addi %broadcast_in_dim3A_1300, %add3A_1301 : vector<16xi32>
        %add3A_1303 = arith.constant 0 : i32
        %add3A_1304 = vector.broadcast %add3A_1303 : i32 to vector<16xi32>
        %add3A_1305 = arith.addi %iota3A, %add3A_1304 : vector<16xi32>
        %get3A_1306 = arith.constant 0 : i32
        %get3A_1307 = arith.index_cast %get3A_1306 : i32 to index
        %get3A_1308 = arith.index_cast %add3A_1268 : i32 to index
        %get3A_1309 = arith.constant 0 : index
        %get3A_1310 = tpu.vector_load %arg6[%get3A_1307, %get3A_1308, %get3A_1309] {strides = array<i32>} : memref<2x512x32xf32, #tpu.memory_space<vmem>>, vector<16xf32>,
        %jit3A_1311 = arith.constant 8 : i32
        %div3A_1312 = vector.broadcast %jit3A_1311 : i32 to vector<16xi32>
        %div3A_1313 = arith.divsi %add3A_1305, %div3A_1312 : vector<16xi32>
        %sign3A_1314 = arith.constant 0 : i32
        %sign3A_1315 = vector.broadcast %sign3A_1314 : i32 to vector<16xi32>
        %sign3A_1316 = arith.cmpi sgt, %add3A_1305, %sign3A_1315 : vector<16xi32>
        %sign3A_1317 = arith.extui %sign3A_1316 : vector<16xi1> to vector<16xi32>
        %sign3A_1318 = arith.constant 0 : i32
        %sign3A_1319 = vector.broadcast %sign3A_1318 : i32 to vector<16xi32>
        %sign3A_1320 = arith.cmpi slt, %add3A_1305, %sign3A_1319 : vector<16xi32>
        %sign3A_1321 = arith.extui %sign3A_1320 : vector<16xi1> to vector<16xi32>
        %sign3A_1322 = arith.subi %sign3A_1317, %sign3A_1321 : vector<16xi32>
        %sign3A_1323 = arith.constant 0 : i32
        %sign3A_1324 = arith.cmpi sgt, %jit3A_1311, %sign3A_1323 : i32
        %sign3A_1325 = arith.extui %sign3A_1324 : i1 to i32
        %sign3A_1326 = arith.constant 0 : i32
        %sign3A_1327 = arith.cmpi slt, %jit3A_1311, %sign3A_1326 : i32
        %sign3A_1328 = arith.extui %sign3A_1327 : i1 to i32
        %sign3A_1329 = arith.subi %sign3A_1325, %sign3A_1328 : i32
        %ne3A_1330 = vector.broadcast %sign3A_1329 : i32 to vector<16xi32>
        %ne3A_1331 = arith.cmpi ne, %sign3A_1322, %ne3A_1330 : vector<16xi32>
        %rem3A_1332 = vector.broadcast %jit3A_1311 : i32 to vector<16xi32>
        %rem3A_1333 = arith.remsi %add3A_1305, %rem3A_1332 : vector<16xi32>
        %ne3A_1334 = arith.constant 0 : i32
        %ne3A_1335 = vector.broadcast %ne3A_1334 : i32 to vector<16xi32>
        %ne3A_1336 = arith.cmpi ne, %rem3A_1333, %ne3A_1335 : vector<16xi32>
        %and3A_1337 = arith.andi %ne3A_1331, %ne3A_1336 : vector<16xi1>
        %sub3A_1338 = arith.constant 1 : i32
        %sub3A_1339 = vector.broadcast %sub3A_1338 : i32 to vector<16xi32>
        %sub3A_1340 = arith.subi %div3A_1313, %sub3A_1339 : vector<16xi32>
        %select_n3A_1341 = arith.select %and3A_1337, %sub3A_1340, %div3A_1313 : vector<16xi1>, vector<16xi32>
        %rem3A_1342 = arith.constant 8 : i32
        %rem3A_1343 = vector.broadcast %rem3A_1342 : i32 to vector<16xi32>
        %rem3A_1344 = arith.remsi %add3A_1305, %rem3A_1343 : vector<16xi32>
        %scatter3A_1345 = arith.constant 0 : i32
        %scatter3A_1346 = arith.constant 0 : i32
        %scatter3A_1347 = arith.constant 0 : i32
        %scatter3A_1348 = arith.constant 0 : i32
        %scatter3A_1349 = arith.constant 0 : i32
        %scatter3A_1350 = tpu.memref_slice %arg7[%scatter3A_1345, %scatter3A_1346, %scatter3A_1347, %scatter3A_1348, %scatter3A_1349] : memref<2x4x4x8x129xf32, #tpu.memory_space<vmem>> -> memref<1x4x4x8x129xf32, #tpu.memory_space<vmem>>
        %scatter3A_1351 = tpu.memref_squeeze %scatter3A_1350 : memref<1x4x4x8x129xf32, #tpu.memory_space<vmem>> -> memref<4x4x8x129xf32, #tpu.memory_space<vmem>>
        tpu.vector_store_idx %scatter3A_1351[%select_n3A_1341, %add3A_1298, %rem3A_1344, %add3A_1302], %get3A_1310 : memref<4x4x8x129xf32, #tpu.memory_space<vmem>>[vector<16xi32>, vector<16xi32>, vector<16xi32>, vector<16xi32>], vector<16xf32>,
        %add3A_1352 = arith.constant 16 : i32
        %add3A_1353 = vector.broadcast %add3A_1352 : i32 to vector<16xi32>
        %add3A_1354 = arith.addi %iota3A, %add3A_1353 : vector<16xi32>
        %get3A_1355 = arith.constant 0 : i32
        %get3A_1356 = arith.index_cast %get3A_1355 : i32 to index
        %get3A_1357 = arith.index_cast %add3A_1268 : i32 to index
        %get3A_1358 = arith.constant 16 : index
        %get3A_1359 = tpu.vector_load %arg6[%get3A_1356, %get3A_1357, %get3A_1358] {strides = array<i32>} : memref<2x512x32xf32, #tpu.memory_space<vmem>>, vector<16xf32>,
        %jit3A_1360 = arith.constant 8 : i32
        %div3A_1361 = vector.broadcast %jit3A_1360 : i32 to vector<16xi32>
        %div3A_1362 = arith.divsi %add3A_1354, %div3A_1361 : vector<16xi32>
        %sign3A_1363 = arith.constant 0 : i32
        %sign3A_1364 = vector.broadcast %sign3A_1363 : i32 to vector<16xi32>
        %sign3A_1365 = arith.cmpi sgt, %add3A_1354, %sign3A_1364 : vector<16xi32>
        %sign3A_1366 = arith.extui %sign3A_1365 : vector<16xi1> to vector<16xi32>
        %sign3A_1367 = arith.constant 0 : i32
        %sign3A_1368 = vector.broadcast %sign3A_1367 : i32 to vector<16xi32>
        %sign3A_1369 = arith.cmpi slt, %add3A_1354, %sign3A_1368 : vector<16xi32>
        %sign3A_1370 = arith.extui %sign3A_1369 : vector<16xi1> to vector<16xi32>
        %sign3A_1371 = arith.subi %sign3A_1366, %sign3A_1370 : vector<16xi32>
        %sign3A_1372 = arith.constant 0 : i32
        %sign3A_1373 = arith.cmpi sgt, %jit3A_1360, %sign3A_1372 : i32
        %sign3A_1374 = arith.extui %sign3A_1373 : i1 to i32
        %sign3A_1375 = arith.constant 0 : i32
        %sign3A_1376 = arith.cmpi slt, %jit3A_1360, %sign3A_1375 : i32
        %sign3A_1377 = arith.extui %sign3A_1376 : i1 to i32
        %sign3A_1378 = arith.subi %sign3A_1374, %sign3A_1377 : i32
        %ne3A_1379 = vector.broadcast %sign3A_1378 : i32 to vector<16xi32>
        %ne3A_1380 = arith.cmpi ne, %sign3A_1371, %ne3A_1379 : vector<16xi32>
        %rem3A_1381 = vector.broadcast %jit3A_1360 : i32 to vector<16xi32>
        %rem3A_1382 = arith.remsi %add3A_1354, %rem3A_1381 : vector<16xi32>
        %ne3A_1383 = arith.constant 0 : i32
        %ne3A_1384 = vector.broadcast %ne3A_1383 : i32 to vector<16xi32>
        %ne3A_1385 = arith.cmpi ne, %rem3A_1382, %ne3A_1384 : vector<16xi32>
        %and3A_1386 = arith.andi %ne3A_1380, %ne3A_1385 : vector<16xi1>
        %sub3A_1387 = arith.constant 1 : i32
        %sub3A_1388 = vector.broadcast %sub3A_1387 : i32 to vector<16xi32>
        %sub3A_1389 = arith.subi %div3A_1362, %sub3A_1388 : vector<16xi32>
        %select_n3A_1390 = arith.select %and3A_1386, %sub3A_1389, %div3A_1362 : vector<16xi1>, vector<16xi32>
        %rem3A_1391 = arith.constant 8 : i32
        %rem3A_1392 = vector.broadcast %rem3A_1391 : i32 to vector<16xi32>
        %rem3A_1393 = arith.remsi %add3A_1354, %rem3A_1392 : vector<16xi32>
        %scatter3A_1394 = arith.constant 0 : i32
        %scatter3A_1395 = arith.constant 0 : i32
        %scatter3A_1396 = arith.constant 0 : i32
        %scatter3A_1397 = arith.constant 0 : i32
        %scatter3A_1398 = arith.constant 0 : i32
        %scatter3A_1399 = tpu.memref_slice %arg7[%scatter3A_1394, %scatter3A_1395, %scatter3A_1396, %scatter3A_1397, %scatter3A_1398] : memref<2x4x4x8x129xf32, #tpu.memory_space<vmem>> -> memref<1x4x4x8x129xf32, #tpu.memory_space<vmem>>
        %scatter3A_1400 = tpu.memref_squeeze %scatter3A_1399 : memref<1x4x4x8x129xf32, #tpu.memory_space<vmem>> -> memref<4x4x8x129xf32, #tpu.memory_space<vmem>>
        tpu.vector_store_idx %scatter3A_1400[%select_n3A_1390, %add3A_1298, %rem3A_1393, %add3A_1302], %get3A_1359 : memref<4x4x8x129xf32, #tpu.memory_space<vmem>>[vector<16xi32>, vector<16xi32>, vector<16xi32>, vector<16xi32>], vector<16xf32>,
        %mul3A_1401 = arith.constant 16 : i32
        %mul3A_1402 = arith.muli %scan3A_187, %mul3A_1401 : i32
        %add3A_1403 = arith.constant 9 : i32
        %add3A_1404 = arith.addi %mul3A_1402, %add3A_1403 : i32
        %jit3A_1405 = arith.constant 128 : i32
        %div3A_1406 = arith.divsi %add3A_1404, %jit3A_1405 : i32
        %sign3A_1407 = arith.constant 0 : i32
        %sign3A_1408 = arith.cmpi sgt, %add3A_1404, %sign3A_1407 : i32
        %sign3A_1409 = arith.extui %sign3A_1408 : i1 to i32
        %sign3A_1410 = arith.constant 0 : i32
        %sign3A_1411 = arith.cmpi slt, %add3A_1404, %sign3A_1410 : i32
        %sign3A_1412 = arith.extui %sign3A_1411 : i1 to i32
        %sign3A_1413 = arith.subi %sign3A_1409, %sign3A_1412 : i32
        %sign3A_1414 = arith.constant 0 : i32
        %sign3A_1415 = arith.cmpi sgt, %jit3A_1405, %sign3A_1414 : i32
        %sign3A_1416 = arith.extui %sign3A_1415 : i1 to i32
        %sign3A_1417 = arith.constant 0 : i32
        %sign3A_1418 = arith.cmpi slt, %jit3A_1405, %sign3A_1417 : i32
        %sign3A_1419 = arith.extui %sign3A_1418 : i1 to i32
        %sign3A_1420 = arith.subi %sign3A_1416, %sign3A_1419 : i32
        %ne3A_1421 = arith.cmpi ne, %sign3A_1413, %sign3A_1420 : i32
        %rem3A_1422 = arith.remsi %add3A_1404, %jit3A_1405 : i32
        %ne3A_1423 = arith.constant 0 : i32
        %ne3A_1424 = arith.cmpi ne, %rem3A_1422, %ne3A_1423 : i32
        %and3A_1425 = arith.andi %ne3A_1421, %ne3A_1424 : i1
        %sub3A_1426 = arith.constant 1 : i32
        %sub3A_1427 = arith.subi %div3A_1406, %sub3A_1426 : i32
        %select_n3A_1428 = arith.select %and3A_1425, %sub3A_1427, %div3A_1406 : i32
        %rem3A_1429 = arith.constant 128 : i32
        %rem3A_1430 = arith.remsi %add3A_1404, %rem3A_1429 : i32
        %broadcast_in_dim3A_1431 = arith.constant 0 : i32
        %broadcast_in_dim3A_1432 = vector.broadcast %broadcast_in_dim3A_1431 : i32 to vector<16xi32>
        %add3A_1433 = vector.broadcast %select_n3A_1428 : i32 to vector<16xi32>
        %add3A_1434 = arith.addi %broadcast_in_dim3A_1432, %add3A_1433 : vector<16xi32>
        %broadcast_in_dim3A_1435 = arith.constant 0 : i32
        %broadcast_in_dim3A_1436 = vector.broadcast %broadcast_in_dim3A_1435 : i32 to vector<16xi32>
        %add3A_1437 = vector.broadcast %rem3A_1430 : i32 to vector<16xi32>
        %add3A_1438 = arith.addi %broadcast_in_dim3A_1436, %add3A_1437 : vector<16xi32>
        %add3A_1439 = arith.constant 0 : i32
        %add3A_1440 = vector.broadcast %add3A_1439 : i32 to vector<16xi32>
        %add3A_1441 = arith.addi %iota3A, %add3A_1440 : vector<16xi32>
        %get3A_1442 = arith.constant 0 : i32
        %get3A_1443 = arith.index_cast %get3A_1442 : i32 to index
        %get3A_1444 = arith.index_cast %add3A_1404 : i32 to index
        %get3A_1445 = arith.constant 0 : index
        %get3A_1446 = tpu.vector_load %arg6[%get3A_1443, %get3A_1444, %get3A_1445] {strides = array<i32>} : memref<2x512x32xf32, #tpu.memory_space<vmem>>, vector<16xf32>,
        %jit3A_1447 = arith.constant 8 : i32
        %div3A_1448 = vector.broadcast %jit3A_1447 : i32 to vector<16xi32>
        %div3A_1449 = arith.divsi %add3A_1441, %div3A_1448 : vector<16xi32>
        %sign3A_1450 = arith.constant 0 : i32
        %sign3A_1451 = vector.broadcast %sign3A_1450 : i32 to vector<16xi32>
        %sign3A_1452 = arith.cmpi sgt, %add3A_1441, %sign3A_1451 : vector<16xi32>
        %sign3A_1453 = arith.extui %sign3A_1452 : vector<16xi1> to vector<16xi32>
        %sign3A_1454 = arith.constant 0 : i32
        %sign3A_1455 = vector.broadcast %sign3A_1454 : i32 to vector<16xi32>
        %sign3A_1456 = arith.cmpi slt, %add3A_1441, %sign3A_1455 : vector<16xi32>
        %sign3A_1457 = arith.extui %sign3A_1456 : vector<16xi1> to vector<16xi32>
        %sign3A_1458 = arith.subi %sign3A_1453, %sign3A_1457 : vector<16xi32>
        %sign3A_1459 = arith.constant 0 : i32
        %sign3A_1460 = arith.cmpi sgt, %jit3A_1447, %sign3A_1459 : i32
        %sign3A_1461 = arith.extui %sign3A_1460 : i1 to i32
        %sign3A_1462 = arith.constant 0 : i32
        %sign3A_1463 = arith.cmpi slt, %jit3A_1447, %sign3A_1462 : i32
        %sign3A_1464 = arith.extui %sign3A_1463 : i1 to i32
        %sign3A_1465 = arith.subi %sign3A_1461, %sign3A_1464 : i32
        %ne3A_1466 = vector.broadcast %sign3A_1465 : i32 to vector<16xi32>
        %ne3A_1467 = arith.cmpi ne, %sign3A_1458, %ne3A_1466 : vector<16xi32>
        %rem3A_1468 = vector.broadcast %jit3A_1447 : i32 to vector<16xi32>
        %rem3A_1469 = arith.remsi %add3A_1441, %rem3A_1468 : vector<16xi32>
        %ne3A_1470 = arith.constant 0 : i32
        %ne3A_1471 = vector.broadcast %ne3A_1470 : i32 to vector<16xi32>
        %ne3A_1472 = arith.cmpi ne, %rem3A_1469, %ne3A_1471 : vector<16xi32>
        %and3A_1473 = arith.andi %ne3A_1467, %ne3A_1472 : vector<16xi1>
        %sub3A_1474 = arith.constant 1 : i32
        %sub3A_1475 = vector.broadcast %sub3A_1474 : i32 to vector<16xi32>
        %sub3A_1476 = arith.subi %div3A_1449, %sub3A_1475 : vector<16xi32>
        %select_n3A_1477 = arith.select %and3A_1473, %sub3A_1476, %div3A_1449 : vector<16xi1>, vector<16xi32>
        %rem3A_1478 = arith.constant 8 : i32
        %rem3A_1479 = vector.broadcast %rem3A_1478 : i32 to vector<16xi32>
        %rem3A_1480 = arith.remsi %add3A_1441, %rem3A_1479 : vector<16xi32>
        %scatter3A_1481 = arith.constant 0 : i32
        %scatter3A_1482 = arith.constant 0 : i32
        %scatter3A_1483 = arith.constant 0 : i32
        %scatter3A_1484 = arith.constant 0 : i32
        %scatter3A_1485 = arith.constant 0 : i32
        %scatter3A_1486 = tpu.memref_slice %arg7[%scatter3A_1481, %scatter3A_1482, %scatter3A_1483, %scatter3A_1484, %scatter3A_1485] : memref<2x4x4x8x129xf32, #tpu.memory_space<vmem>> -> memref<1x4x4x8x129xf32, #tpu.memory_space<vmem>>
        %scatter3A_1487 = tpu.memref_squeeze %scatter3A_1486 : memref<1x4x4x8x129xf32, #tpu.memory_space<vmem>> -> memref<4x4x8x129xf32, #tpu.memory_space<vmem>>
        tpu.vector_store_idx %scatter3A_1487[%select_n3A_1477, %add3A_1434, %rem3A_1480, %add3A_1438], %get3A_1446 : memref<4x4x8x129xf32, #tpu.memory_space<vmem>>[vector<16xi32>, vector<16xi32>, vector<16xi32>, vector<16xi32>], vector<16xf32>,
        %add3A_1488 = arith.constant 16 : i32
        %add3A_1489 = vector.broadcast %add3A_1488 : i32 to vector<16xi32>
        %add3A_1490 = arith.addi %iota3A, %add3A_1489 : vector<16xi32>
        %get3A_1491 = arith.constant 0 : i32
        %get3A_1492 = arith.index_cast %get3A_1491 : i32 to index
        %get3A_1493 = arith.index_cast %add3A_1404 : i32 to index
        %get3A_1494 = arith.constant 16 : index
        %get3A_1495 = tpu.vector_load %arg6[%get3A_1492, %get3A_1493, %get3A_1494] {strides = array<i32>} : memref<2x512x32xf32, #tpu.memory_space<vmem>>, vector<16xf32>,
        %jit3A_1496 = arith.constant 8 : i32
        %div3A_1497 = vector.broadcast %jit3A_1496 : i32 to vector<16xi32>
        %div3A_1498 = arith.divsi %add3A_1490, %div3A_1497 : vector<16xi32>
        %sign3A_1499 = arith.constant 0 : i32
        %sign3A_1500 = vector.broadcast %sign3A_1499 : i32 to vector<16xi32>
        %sign3A_1501 = arith.cmpi sgt, %add3A_1490, %sign3A_1500 : vector<16xi32>
        %sign3A_1502 = arith.extui %sign3A_1501 : vector<16xi1> to vector<16xi32>
        %sign3A_1503 = arith.constant 0 : i32
        %sign3A_1504 = vector.broadcast %sign3A_1503 : i32 to vector<16xi32>
        %sign3A_1505 = arith.cmpi slt, %add3A_1490, %sign3A_1504 : vector<16xi32>
        %sign3A_1506 = arith.extui %sign3A_1505 : vector<16xi1> to vector<16xi32>
        %sign3A_1507 = arith.subi %sign3A_1502, %sign3A_1506 : vector<16xi32>
        %sign3A_1508 = arith.constant 0 : i32
        %sign3A_1509 = arith.cmpi sgt, %jit3A_1496, %sign3A_1508 : i32
        %sign3A_1510 = arith.extui %sign3A_1509 : i1 to i32
        %sign3A_1511 = arith.constant 0 : i32
        %sign3A_1512 = arith.cmpi slt, %jit3A_1496, %sign3A_1511 : i32
        %sign3A_1513 = arith.extui %sign3A_1512 : i1 to i32
        %sign3A_1514 = arith.subi %sign3A_1510, %sign3A_1513 : i32
        %ne3A_1515 = vector.broadcast %sign3A_1514 : i32 to vector<16xi32>
        %ne3A_1516 = arith.cmpi ne, %sign3A_1507, %ne3A_1515 : vector<16xi32>
        %rem3A_1517 = vector.broadcast %jit3A_1496 : i32 to vector<16xi32>
        %rem3A_1518 = arith.remsi %add3A_1490, %rem3A_1517 : vector<16xi32>
        %ne3A_1519 = arith.constant 0 : i32
        %ne3A_1520 = vector.broadcast %ne3A_1519 : i32 to vector<16xi32>
        %ne3A_1521 = arith.cmpi ne, %rem3A_1518, %ne3A_1520 : vector<16xi32>
        %and3A_1522 = arith.andi %ne3A_1516, %ne3A_1521 : vector<16xi1>
        %sub3A_1523 = arith.constant 1 : i32
        %sub3A_1524 = vector.broadcast %sub3A_1523 : i32 to vector<16xi32>
        %sub3A_1525 = arith.subi %div3A_1498, %sub3A_1524 : vector<16xi32>
        %select_n3A_1526 = arith.select %and3A_1522, %sub3A_1525, %div3A_1498 : vector<16xi1>, vector<16xi32>
        %rem3A_1527 = arith.constant 8 : i32
        %rem3A_1528 = vector.broadcast %rem3A_1527 : i32 to vector<16xi32>
        %rem3A_1529 = arith.remsi %add3A_1490, %rem3A_1528 : vector<16xi32>
        %scatter3A_1530 = arith.constant 0 : i32
        %scatter3A_1531 = arith.constant 0 : i32
        %scatter3A_1532 = arith.constant 0 : i32
        %scatter3A_1533 = arith.constant 0 : i32
        %scatter3A_1534 = arith.constant 0 : i32
        %scatter3A_1535 = tpu.memref_slice %arg7[%scatter3A_1530, %scatter3A_1531, %scatter3A_1532, %scatter3A_1533, %scatter3A_1534] : memref<2x4x4x8x129xf32, #tpu.memory_space<vmem>> -> memref<1x4x4x8x129xf32, #tpu.memory_space<vmem>>
        %scatter3A_1536 = tpu.memref_squeeze %scatter3A_1535 : memref<1x4x4x8x129xf32, #tpu.memory_space<vmem>> -> memref<4x4x8x129xf32, #tpu.memory_space<vmem>>
        tpu.vector_store_idx %scatter3A_1536[%select_n3A_1526, %add3A_1434, %rem3A_1529, %add3A_1438], %get3A_1495 : memref<4x4x8x129xf32, #tpu.memory_space<vmem>>[vector<16xi32>, vector<16xi32>, vector<16xi32>, vector<16xi32>], vector<16xf32>,
        %mul3A_1537 = arith.constant 16 : i32
        %mul3A_1538 = arith.muli %scan3A_187, %mul3A_1537 : i32
        %add3A_1539 = arith.constant 10 : i32
        %add3A_1540 = arith.addi %mul3A_1538, %add3A_1539 : i32
        %jit3A_1541 = arith.constant 128 : i32
        %div3A_1542 = arith.divsi %add3A_1540, %jit3A_1541 : i32
        %sign3A_1543 = arith.constant 0 : i32
        %sign3A_1544 = arith.cmpi sgt, %add3A_1540, %sign3A_1543 : i32
        %sign3A_1545 = arith.extui %sign3A_1544 : i1 to i32
        %sign3A_1546 = arith.constant 0 : i32
        %sign3A_1547 = arith.cmpi slt, %add3A_1540, %sign3A_1546 : i32
        %sign3A_1548 = arith.extui %sign3A_1547 : i1 to i32
        %sign3A_1549 = arith.subi %sign3A_1545, %sign3A_1548 : i32
        %sign3A_1550 = arith.constant 0 : i32
        %sign3A_1551 = arith.cmpi sgt, %jit3A_1541, %sign3A_1550 : i32
        %sign3A_1552 = arith.extui %sign3A_1551 : i1 to i32
        %sign3A_1553 = arith.constant 0 : i32
        %sign3A_1554 = arith.cmpi slt, %jit3A_1541, %sign3A_1553 : i32
        %sign3A_1555 = arith.extui %sign3A_1554 : i1 to i32
        %sign3A_1556 = arith.subi %sign3A_1552, %sign3A_1555 : i32
        %ne3A_1557 = arith.cmpi ne, %sign3A_1549, %sign3A_1556 : i32
        %rem3A_1558 = arith.remsi %add3A_1540, %jit3A_1541 : i32
        %ne3A_1559 = arith.constant 0 : i32
        %ne3A_1560 = arith.cmpi ne, %rem3A_1558, %ne3A_1559 : i32
        %and3A_1561 = arith.andi %ne3A_1557, %ne3A_1560 : i1
        %sub3A_1562 = arith.constant 1 : i32
        %sub3A_1563 = arith.subi %div3A_1542, %sub3A_1562 : i32
        %select_n3A_1564 = arith.select %and3A_1561, %sub3A_1563, %div3A_1542 : i32
        %rem3A_1565 = arith.constant 128 : i32
        %rem3A_1566 = arith.remsi %add3A_1540, %rem3A_1565 : i32
        %broadcast_in_dim3A_1567 = arith.constant 0 : i32
        %broadcast_in_dim3A_1568 = vector.broadcast %broadcast_in_dim3A_1567 : i32 to vector<16xi32>
        %add3A_1569 = vector.broadcast %select_n3A_1564 : i32 to vector<16xi32>
        %add3A_1570 = arith.addi %broadcast_in_dim3A_1568, %add3A_1569 : vector<16xi32>
        %broadcast_in_dim3A_1571 = arith.constant 0 : i32
        %broadcast_in_dim3A_1572 = vector.broadcast %broadcast_in_dim3A_1571 : i32 to vector<16xi32>
        %add3A_1573 = vector.broadcast %rem3A_1566 : i32 to vector<16xi32>
        %add3A_1574 = arith.addi %broadcast_in_dim3A_1572, %add3A_1573 : vector<16xi32>
        %add3A_1575 = arith.constant 0 : i32
        %add3A_1576 = vector.broadcast %add3A_1575 : i32 to vector<16xi32>
        %add3A_1577 = arith.addi %iota3A, %add3A_1576 : vector<16xi32>
        %get3A_1578 = arith.constant 0 : i32
        %get3A_1579 = arith.index_cast %get3A_1578 : i32 to index
        %get3A_1580 = arith.index_cast %add3A_1540 : i32 to index
        %get3A_1581 = arith.constant 0 : index
        %get3A_1582 = tpu.vector_load %arg6[%get3A_1579, %get3A_1580, %get3A_1581] {strides = array<i32>} : memref<2x512x32xf32, #tpu.memory_space<vmem>>, vector<16xf32>,
        %jit3A_1583 = arith.constant 8 : i32
        %div3A_1584 = vector.broadcast %jit3A_1583 : i32 to vector<16xi32>
        %div3A_1585 = arith.divsi %add3A_1577, %div3A_1584 : vector<16xi32>
        %sign3A_1586 = arith.constant 0 : i32
        %sign3A_1587 = vector.broadcast %sign3A_1586 : i32 to vector<16xi32>
        %sign3A_1588 = arith.cmpi sgt, %add3A_1577, %sign3A_1587 : vector<16xi32>
        %sign3A_1589 = arith.extui %sign3A_1588 : vector<16xi1> to vector<16xi32>
        %sign3A_1590 = arith.constant 0 : i32
        %sign3A_1591 = vector.broadcast %sign3A_1590 : i32 to vector<16xi32>
        %sign3A_1592 = arith.cmpi slt, %add3A_1577, %sign3A_1591 : vector<16xi32>
        %sign3A_1593 = arith.extui %sign3A_1592 : vector<16xi1> to vector<16xi32>
        %sign3A_1594 = arith.subi %sign3A_1589, %sign3A_1593 : vector<16xi32>
        %sign3A_1595 = arith.constant 0 : i32
        %sign3A_1596 = arith.cmpi sgt, %jit3A_1583, %sign3A_1595 : i32
        %sign3A_1597 = arith.extui %sign3A_1596 : i1 to i32
        %sign3A_1598 = arith.constant 0 : i32
        %sign3A_1599 = arith.cmpi slt, %jit3A_1583, %sign3A_1598 : i32
        %sign3A_1600 = arith.extui %sign3A_1599 : i1 to i32
        %sign3A_1601 = arith.subi %sign3A_1597, %sign3A_1600 : i32
        %ne3A_1602 = vector.broadcast %sign3A_1601 : i32 to vector<16xi32>
        %ne3A_1603 = arith.cmpi ne, %sign3A_1594, %ne3A_1602 : vector<16xi32>
        %rem3A_1604 = vector.broadcast %jit3A_1583 : i32 to vector<16xi32>
        %rem3A_1605 = arith.remsi %add3A_1577, %rem3A_1604 : vector<16xi32>
        %ne3A_1606 = arith.constant 0 : i32
        %ne3A_1607 = vector.broadcast %ne3A_1606 : i32 to vector<16xi32>
        %ne3A_1608 = arith.cmpi ne, %rem3A_1605, %ne3A_1607 : vector<16xi32>
        %and3A_1609 = arith.andi %ne3A_1603, %ne3A_1608 : vector<16xi1>
        %sub3A_1610 = arith.constant 1 : i32
        %sub3A_1611 = vector.broadcast %sub3A_1610 : i32 to vector<16xi32>
        %sub3A_1612 = arith.subi %div3A_1585, %sub3A_1611 : vector<16xi32>
        %select_n3A_1613 = arith.select %and3A_1609, %sub3A_1612, %div3A_1585 : vector<16xi1>, vector<16xi32>
        %rem3A_1614 = arith.constant 8 : i32
        %rem3A_1615 = vector.broadcast %rem3A_1614 : i32 to vector<16xi32>
        %rem3A_1616 = arith.remsi %add3A_1577, %rem3A_1615 : vector<16xi32>
        %scatter3A_1617 = arith.constant 0 : i32
        %scatter3A_1618 = arith.constant 0 : i32
        %scatter3A_1619 = arith.constant 0 : i32
        %scatter3A_1620 = arith.constant 0 : i32
        %scatter3A_1621 = arith.constant 0 : i32
        %scatter3A_1622 = tpu.memref_slice %arg7[%scatter3A_1617, %scatter3A_1618, %scatter3A_1619, %scatter3A_1620, %scatter3A_1621] : memref<2x4x4x8x129xf32, #tpu.memory_space<vmem>> -> memref<1x4x4x8x129xf32, #tpu.memory_space<vmem>>
        %scatter3A_1623 = tpu.memref_squeeze %scatter3A_1622 : memref<1x4x4x8x129xf32, #tpu.memory_space<vmem>> -> memref<4x4x8x129xf32, #tpu.memory_space<vmem>>
        tpu.vector_store_idx %scatter3A_1623[%select_n3A_1613, %add3A_1570, %rem3A_1616, %add3A_1574], %get3A_1582 : memref<4x4x8x129xf32, #tpu.memory_space<vmem>>[vector<16xi32>, vector<16xi32>, vector<16xi32>, vector<16xi32>], vector<16xf32>,
        %add3A_1624 = arith.constant 16 : i32
        %add3A_1625 = vector.broadcast %add3A_1624 : i32 to vector<16xi32>
        %add3A_1626 = arith.addi %iota3A, %add3A_1625 : vector<16xi32>
        %get3A_1627 = arith.constant 0 : i32
        %get3A_1628 = arith.index_cast %get3A_1627 : i32 to index
        %get3A_1629 = arith.index_cast %add3A_1540 : i32 to index
        %get3A_1630 = arith.constant 16 : index
        %get3A_1631 = tpu.vector_load %arg6[%get3A_1628, %get3A_1629, %get3A_1630] {strides = array<i32>} : memref<2x512x32xf32, #tpu.memory_space<vmem>>, vector<16xf32>,
        %jit3A_1632 = arith.constant 8 : i32
        %div3A_1633 = vector.broadcast %jit3A_1632 : i32 to vector<16xi32>
        %div3A_1634 = arith.divsi %add3A_1626, %div3A_1633 : vector<16xi32>
        %sign3A_1635 = arith.constant 0 : i32
        %sign3A_1636 = vector.broadcast %sign3A_1635 : i32 to vector<16xi32>
        %sign3A_1637 = arith.cmpi sgt, %add3A_1626, %sign3A_1636 : vector<16xi32>
        %sign3A_1638 = arith.extui %sign3A_1637 : vector<16xi1> to vector<16xi32>
        %sign3A_1639 = arith.constant 0 : i32
        %sign3A_1640 = vector.broadcast %sign3A_1639 : i32 to vector<16xi32>
        %sign3A_1641 = arith.cmpi slt, %add3A_1626, %sign3A_1640 : vector<16xi32>
        %sign3A_1642 = arith.extui %sign3A_1641 : vector<16xi1> to vector<16xi32>
        %sign3A_1643 = arith.subi %sign3A_1638, %sign3A_1642 : vector<16xi32>
        %sign3A_1644 = arith.constant 0 : i32
        %sign3A_1645 = arith.cmpi sgt, %jit3A_1632, %sign3A_1644 : i32
        %sign3A_1646 = arith.extui %sign3A_1645 : i1 to i32
        %sign3A_1647 = arith.constant 0 : i32
        %sign3A_1648 = arith.cmpi slt, %jit3A_1632, %sign3A_1647 : i32
        %sign3A_1649 = arith.extui %sign3A_1648 : i1 to i32
        %sign3A_1650 = arith.subi %sign3A_1646, %sign3A_1649 : i32
        %ne3A_1651 = vector.broadcast %sign3A_1650 : i32 to vector<16xi32>
        %ne3A_1652 = arith.cmpi ne, %sign3A_1643, %ne3A_1651 : vector<16xi32>
        %rem3A_1653 = vector.broadcast %jit3A_1632 : i32 to vector<16xi32>
        %rem3A_1654 = arith.remsi %add3A_1626, %rem3A_1653 : vector<16xi32>
        %ne3A_1655 = arith.constant 0 : i32
        %ne3A_1656 = vector.broadcast %ne3A_1655 : i32 to vector<16xi32>
        %ne3A_1657 = arith.cmpi ne, %rem3A_1654, %ne3A_1656 : vector<16xi32>
        %and3A_1658 = arith.andi %ne3A_1652, %ne3A_1657 : vector<16xi1>
        %sub3A_1659 = arith.constant 1 : i32
        %sub3A_1660 = vector.broadcast %sub3A_1659 : i32 to vector<16xi32>
        %sub3A_1661 = arith.subi %div3A_1634, %sub3A_1660 : vector<16xi32>
        %select_n3A_1662 = arith.select %and3A_1658, %sub3A_1661, %div3A_1634 : vector<16xi1>, vector<16xi32>
        %rem3A_1663 = arith.constant 8 : i32
        %rem3A_1664 = vector.broadcast %rem3A_1663 : i32 to vector<16xi32>
        %rem3A_1665 = arith.remsi %add3A_1626, %rem3A_1664 : vector<16xi32>
        %scatter3A_1666 = arith.constant 0 : i32
        %scatter3A_1667 = arith.constant 0 : i32
        %scatter3A_1668 = arith.constant 0 : i32
        %scatter3A_1669 = arith.constant 0 : i32
        %scatter3A_1670 = arith.constant 0 : i32
        %scatter3A_1671 = tpu.memref_slice %arg7[%scatter3A_1666, %scatter3A_1667, %scatter3A_1668, %scatter3A_1669, %scatter3A_1670] : memref<2x4x4x8x129xf32, #tpu.memory_space<vmem>> -> memref<1x4x4x8x129xf32, #tpu.memory_space<vmem>>
        %scatter3A_1672 = tpu.memref_squeeze %scatter3A_1671 : memref<1x4x4x8x129xf32, #tpu.memory_space<vmem>> -> memref<4x4x8x129xf32, #tpu.memory_space<vmem>>
        tpu.vector_store_idx %scatter3A_1672[%select_n3A_1662, %add3A_1570, %rem3A_1665, %add3A_1574], %get3A_1631 : memref<4x4x8x129xf32, #tpu.memory_space<vmem>>[vector<16xi32>, vector<16xi32>, vector<16xi32>, vector<16xi32>], vector<16xf32>,
        %mul3A_1673 = arith.constant 16 : i32
        %mul3A_1674 = arith.muli %scan3A_187, %mul3A_1673 : i32
        %add3A_1675 = arith.constant 11 : i32
        %add3A_1676 = arith.addi %mul3A_1674, %add3A_1675 : i32
        %jit3A_1677 = arith.constant 128 : i32
        %div3A_1678 = arith.divsi %add3A_1676, %jit3A_1677 : i32
        %sign3A_1679 = arith.constant 0 : i32
        %sign3A_1680 = arith.cmpi sgt, %add3A_1676, %sign3A_1679 : i32
        %sign3A_1681 = arith.extui %sign3A_1680 : i1 to i32
        %sign3A_1682 = arith.constant 0 : i32
        %sign3A_1683 = arith.cmpi slt, %add3A_1676, %sign3A_1682 : i32
        %sign3A_1684 = arith.extui %sign3A_1683 : i1 to i32
        %sign3A_1685 = arith.subi %sign3A_1681, %sign3A_1684 : i32
        %sign3A_1686 = arith.constant 0 : i32
        %sign3A_1687 = arith.cmpi sgt, %jit3A_1677, %sign3A_1686 : i32
        %sign3A_1688 = arith.extui %sign3A_1687 : i1 to i32
        %sign3A_1689 = arith.constant 0 : i32
        %sign3A_1690 = arith.cmpi slt, %jit3A_1677, %sign3A_1689 : i32
        %sign3A_1691 = arith.extui %sign3A_1690 : i1 to i32
        %sign3A_1692 = arith.subi %sign3A_1688, %sign3A_1691 : i32
        %ne3A_1693 = arith.cmpi ne, %sign3A_1685, %sign3A_1692 : i32
        %rem3A_1694 = arith.remsi %add3A_1676, %jit3A_1677 : i32
        %ne3A_1695 = arith.constant 0 : i32
        %ne3A_1696 = arith.cmpi ne, %rem3A_1694, %ne3A_1695 : i32
        %and3A_1697 = arith.andi %ne3A_1693, %ne3A_1696 : i1
        %sub3A_1698 = arith.constant 1 : i32
        %sub3A_1699 = arith.subi %div3A_1678, %sub3A_1698 : i32
        %select_n3A_1700 = arith.select %and3A_1697, %sub3A_1699, %div3A_1678 : i32
        %rem3A_1701 = arith.constant 128 : i32
        %rem3A_1702 = arith.remsi %add3A_1676, %rem3A_1701 : i32
        %broadcast_in_dim3A_1703 = arith.constant 0 : i32
        %broadcast_in_dim3A_1704 = vector.broadcast %broadcast_in_dim3A_1703 : i32 to vector<16xi32>
        %add3A_1705 = vector.broadcast %select_n3A_1700 : i32 to vector<16xi32>
        %add3A_1706 = arith.addi %broadcast_in_dim3A_1704, %add3A_1705 : vector<16xi32>
        %broadcast_in_dim3A_1707 = arith.constant 0 : i32
        %broadcast_in_dim3A_1708 = vector.broadcast %broadcast_in_dim3A_1707 : i32 to vector<16xi32>
        %add3A_1709 = vector.broadcast %rem3A_1702 : i32 to vector<16xi32>
        %add3A_1710 = arith.addi %broadcast_in_dim3A_1708, %add3A_1709 : vector<16xi32>
        %add3A_1711 = arith.constant 0 : i32
        %add3A_1712 = vector.broadcast %add3A_1711 : i32 to vector<16xi32>
        %add3A_1713 = arith.addi %iota3A, %add3A_1712 : vector<16xi32>
        %get3A_1714 = arith.constant 0 : i32
        %get3A_1715 = arith.index_cast %get3A_1714 : i32 to index
        %get3A_1716 = arith.index_cast %add3A_1676 : i32 to index
        %get3A_1717 = arith.constant 0 : index
        %get3A_1718 = tpu.vector_load %arg6[%get3A_1715, %get3A_1716, %get3A_1717] {strides = array<i32>} : memref<2x512x32xf32, #tpu.memory_space<vmem>>, vector<16xf32>,
        %jit3A_1719 = arith.constant 8 : i32
        %div3A_1720 = vector.broadcast %jit3A_1719 : i32 to vector<16xi32>
        %div3A_1721 = arith.divsi %add3A_1713, %div3A_1720 : vector<16xi32>
        %sign3A_1722 = arith.constant 0 : i32
        %sign3A_1723 = vector.broadcast %sign3A_1722 : i32 to vector<16xi32>
        %sign3A_1724 = arith.cmpi sgt, %add3A_1713, %sign3A_1723 : vector<16xi32>
        %sign3A_1725 = arith.extui %sign3A_1724 : vector<16xi1> to vector<16xi32>
        %sign3A_1726 = arith.constant 0 : i32
        %sign3A_1727 = vector.broadcast %sign3A_1726 : i32 to vector<16xi32>
        %sign3A_1728 = arith.cmpi slt, %add3A_1713, %sign3A_1727 : vector<16xi32>
        %sign3A_1729 = arith.extui %sign3A_1728 : vector<16xi1> to vector<16xi32>
        %sign3A_1730 = arith.subi %sign3A_1725, %sign3A_1729 : vector<16xi32>
        %sign3A_1731 = arith.constant 0 : i32
        %sign3A_1732 = arith.cmpi sgt, %jit3A_1719, %sign3A_1731 : i32
        %sign3A_1733 = arith.extui %sign3A_1732 : i1 to i32
        %sign3A_1734 = arith.constant 0 : i32
        %sign3A_1735 = arith.cmpi slt, %jit3A_1719, %sign3A_1734 : i32
        %sign3A_1736 = arith.extui %sign3A_1735 : i1 to i32
        %sign3A_1737 = arith.subi %sign3A_1733, %sign3A_1736 : i32
        %ne3A_1738 = vector.broadcast %sign3A_1737 : i32 to vector<16xi32>
        %ne3A_1739 = arith.cmpi ne, %sign3A_1730, %ne3A_1738 : vector<16xi32>
        %rem3A_1740 = vector.broadcast %jit3A_1719 : i32 to vector<16xi32>
        %rem3A_1741 = arith.remsi %add3A_1713, %rem3A_1740 : vector<16xi32>
        %ne3A_1742 = arith.constant 0 : i32
        %ne3A_1743 = vector.broadcast %ne3A_1742 : i32 to vector<16xi32>
        %ne3A_1744 = arith.cmpi ne, %rem3A_1741, %ne3A_1743 : vector<16xi32>
        %and3A_1745 = arith.andi %ne3A_1739, %ne3A_1744 : vector<16xi1>
        %sub3A_1746 = arith.constant 1 : i32
        %sub3A_1747 = vector.broadcast %sub3A_1746 : i32 to vector<16xi32>
        %sub3A_1748 = arith.subi %div3A_1721, %sub3A_1747 : vector<16xi32>
        %select_n3A_1749 = arith.select %and3A_1745, %sub3A_1748, %div3A_1721 : vector<16xi1>, vector<16xi32>
        %rem3A_1750 = arith.constant 8 : i32
        %rem3A_1751 = vector.broadcast %rem3A_1750 : i32 to vector<16xi32>
        %rem3A_1752 = arith.remsi %add3A_1713, %rem3A_1751 : vector<16xi32>
        %scatter3A_1753 = arith.constant 0 : i32
        %scatter3A_1754 = arith.constant 0 : i32
        %scatter3A_1755 = arith.constant 0 : i32
        %scatter3A_1756 = arith.constant 0 : i32
        %scatter3A_1757 = arith.constant 0 : i32
        %scatter3A_1758 = tpu.memref_slice %arg7[%scatter3A_1753, %scatter3A_1754, %scatter3A_1755, %scatter3A_1756, %scatter3A_1757] : memref<2x4x4x8x129xf32, #tpu.memory_space<vmem>> -> memref<1x4x4x8x129xf32, #tpu.memory_space<vmem>>
        %scatter3A_1759 = tpu.memref_squeeze %scatter3A_1758 : memref<1x4x4x8x129xf32, #tpu.memory_space<vmem>> -> memref<4x4x8x129xf32, #tpu.memory_space<vmem>>
        tpu.vector_store_idx %scatter3A_1759[%select_n3A_1749, %add3A_1706, %rem3A_1752, %add3A_1710], %get3A_1718 : memref<4x4x8x129xf32, #tpu.memory_space<vmem>>[vector<16xi32>, vector<16xi32>, vector<16xi32>, vector<16xi32>], vector<16xf32>,
        %add3A_1760 = arith.constant 16 : i32
        %add3A_1761 = vector.broadcast %add3A_1760 : i32 to vector<16xi32>
        %add3A_1762 = arith.addi %iota3A, %add3A_1761 : vector<16xi32>
        %get3A_1763 = arith.constant 0 : i32
        %get3A_1764 = arith.index_cast %get3A_1763 : i32 to index
        %get3A_1765 = arith.index_cast %add3A_1676 : i32 to index
        %get3A_1766 = arith.constant 16 : index
        %get3A_1767 = tpu.vector_load %arg6[%get3A_1764, %get3A_1765, %get3A_1766] {strides = array<i32>} : memref<2x512x32xf32, #tpu.memory_space<vmem>>, vector<16xf32>,
        %jit3A_1768 = arith.constant 8 : i32
        %div3A_1769 = vector.broadcast %jit3A_1768 : i32 to vector<16xi32>
        %div3A_1770 = arith.divsi %add3A_1762, %div3A_1769 : vector<16xi32>
        %sign3A_1771 = arith.constant 0 : i32
        %sign3A_1772 = vector.broadcast %sign3A_1771 : i32 to vector<16xi32>
        %sign3A_1773 = arith.cmpi sgt, %add3A_1762, %sign3A_1772 : vector<16xi32>
        %sign3A_1774 = arith.extui %sign3A_1773 : vector<16xi1> to vector<16xi32>
        %sign3A_1775 = arith.constant 0 : i32
        %sign3A_1776 = vector.broadcast %sign3A_1775 : i32 to vector<16xi32>
        %sign3A_1777 = arith.cmpi slt, %add3A_1762, %sign3A_1776 : vector<16xi32>
        %sign3A_1778 = arith.extui %sign3A_1777 : vector<16xi1> to vector<16xi32>
        %sign3A_1779 = arith.subi %sign3A_1774, %sign3A_1778 : vector<16xi32>
        %sign3A_1780 = arith.constant 0 : i32
        %sign3A_1781 = arith.cmpi sgt, %jit3A_1768, %sign3A_1780 : i32
        %sign3A_1782 = arith.extui %sign3A_1781 : i1 to i32
        %sign3A_1783 = arith.constant 0 : i32
        %sign3A_1784 = arith.cmpi slt, %jit3A_1768, %sign3A_1783 : i32
        %sign3A_1785 = arith.extui %sign3A_1784 : i1 to i32
        %sign3A_1786 = arith.subi %sign3A_1782, %sign3A_1785 : i32
        %ne3A_1787 = vector.broadcast %sign3A_1786 : i32 to vector<16xi32>
        %ne3A_1788 = arith.cmpi ne, %sign3A_1779, %ne3A_1787 : vector<16xi32>
        %rem3A_1789 = vector.broadcast %jit3A_1768 : i32 to vector<16xi32>
        %rem3A_1790 = arith.remsi %add3A_1762, %rem3A_1789 : vector<16xi32>
        %ne3A_1791 = arith.constant 0 : i32
        %ne3A_1792 = vector.broadcast %ne3A_1791 : i32 to vector<16xi32>
        %ne3A_1793 = arith.cmpi ne, %rem3A_1790, %ne3A_1792 : vector<16xi32>
        %and3A_1794 = arith.andi %ne3A_1788, %ne3A_1793 : vector<16xi1>
        %sub3A_1795 = arith.constant 1 : i32
        %sub3A_1796 = vector.broadcast %sub3A_1795 : i32 to vector<16xi32>
        %sub3A_1797 = arith.subi %div3A_1770, %sub3A_1796 : vector<16xi32>
        %select_n3A_1798 = arith.select %and3A_1794, %sub3A_1797, %div3A_1770 : vector<16xi1>, vector<16xi32>
        %rem3A_1799 = arith.constant 8 : i32
        %rem3A_1800 = vector.broadcast %rem3A_1799 : i32 to vector<16xi32>
        %rem3A_1801 = arith.remsi %add3A_1762, %rem3A_1800 : vector<16xi32>
        %scatter3A_1802 = arith.constant 0 : i32
        %scatter3A_1803 = arith.constant 0 : i32
        %scatter3A_1804 = arith.constant 0 : i32
        %scatter3A_1805 = arith.constant 0 : i32
        %scatter3A_1806 = arith.constant 0 : i32
        %scatter3A_1807 = tpu.memref_slice %arg7[%scatter3A_1802, %scatter3A_1803, %scatter3A_1804, %scatter3A_1805, %scatter3A_1806] : memref<2x4x4x8x129xf32, #tpu.memory_space<vmem>> -> memref<1x4x4x8x129xf32, #tpu.memory_space<vmem>>
        %scatter3A_1808 = tpu.memref_squeeze %scatter3A_1807 : memref<1x4x4x8x129xf32, #tpu.memory_space<vmem>> -> memref<4x4x8x129xf32, #tpu.memory_space<vmem>>
        tpu.vector_store_idx %scatter3A_1808[%select_n3A_1798, %add3A_1706, %rem3A_1801, %add3A_1710], %get3A_1767 : memref<4x4x8x129xf32, #tpu.memory_space<vmem>>[vector<16xi32>, vector<16xi32>, vector<16xi32>, vector<16xi32>], vector<16xf32>,
        %mul3A_1809 = arith.constant 16 : i32
        %mul3A_1810 = arith.muli %scan3A_187, %mul3A_1809 : i32
        %add3A_1811 = arith.constant 12 : i32
        %add3A_1812 = arith.addi %mul3A_1810, %add3A_1811 : i32
        %jit3A_1813 = arith.constant 128 : i32
        %div3A_1814 = arith.divsi %add3A_1812, %jit3A_1813 : i32
        %sign3A_1815 = arith.constant 0 : i32
        %sign3A_1816 = arith.cmpi sgt, %add3A_1812, %sign3A_1815 : i32
        %sign3A_1817 = arith.extui %sign3A_1816 : i1 to i32
        %sign3A_1818 = arith.constant 0 : i32
        %sign3A_1819 = arith.cmpi slt, %add3A_1812, %sign3A_1818 : i32
        %sign3A_1820 = arith.extui %sign3A_1819 : i1 to i32
        %sign3A_1821 = arith.subi %sign3A_1817, %sign3A_1820 : i32
        %sign3A_1822 = arith.constant 0 : i32
        %sign3A_1823 = arith.cmpi sgt, %jit3A_1813, %sign3A_1822 : i32
        %sign3A_1824 = arith.extui %sign3A_1823 : i1 to i32
        %sign3A_1825 = arith.constant 0 : i32
        %sign3A_1826 = arith.cmpi slt, %jit3A_1813, %sign3A_1825 : i32
        %sign3A_1827 = arith.extui %sign3A_1826 : i1 to i32
        %sign3A_1828 = arith.subi %sign3A_1824, %sign3A_1827 : i32
        %ne3A_1829 = arith.cmpi ne, %sign3A_1821, %sign3A_1828 : i32
        %rem3A_1830 = arith.remsi %add3A_1812, %jit3A_1813 : i32
        %ne3A_1831 = arith.constant 0 : i32
        %ne3A_1832 = arith.cmpi ne, %rem3A_1830, %ne3A_1831 : i32
        %and3A_1833 = arith.andi %ne3A_1829, %ne3A_1832 : i1
        %sub3A_1834 = arith.constant 1 : i32
        %sub3A_1835 = arith.subi %div3A_1814, %sub3A_1834 : i32
        %select_n3A_1836 = arith.select %and3A_1833, %sub3A_1835, %div3A_1814 : i32
        %rem3A_1837 = arith.constant 128 : i32
        %rem3A_1838 = arith.remsi %add3A_1812, %rem3A_1837 : i32
        %broadcast_in_dim3A_1839 = arith.constant 0 : i32
        %broadcast_in_dim3A_1840 = vector.broadcast %broadcast_in_dim3A_1839 : i32 to vector<16xi32>
        %add3A_1841 = vector.broadcast %select_n3A_1836 : i32 to vector<16xi32>
        %add3A_1842 = arith.addi %broadcast_in_dim3A_1840, %add3A_1841 : vector<16xi32>
        %broadcast_in_dim3A_1843 = arith.constant 0 : i32
        %broadcast_in_dim3A_1844 = vector.broadcast %broadcast_in_dim3A_1843 : i32 to vector<16xi32>
        %add3A_1845 = vector.broadcast %rem3A_1838 : i32 to vector<16xi32>
        %add3A_1846 = arith.addi %broadcast_in_dim3A_1844, %add3A_1845 : vector<16xi32>
        %add3A_1847 = arith.constant 0 : i32
        %add3A_1848 = vector.broadcast %add3A_1847 : i32 to vector<16xi32>
        %add3A_1849 = arith.addi %iota3A, %add3A_1848 : vector<16xi32>
        %get3A_1850 = arith.constant 0 : i32
        %get3A_1851 = arith.index_cast %get3A_1850 : i32 to index
        %get3A_1852 = arith.index_cast %add3A_1812 : i32 to index
        %get3A_1853 = arith.constant 0 : index
        %get3A_1854 = tpu.vector_load %arg6[%get3A_1851, %get3A_1852, %get3A_1853] {strides = array<i32>} : memref<2x512x32xf32, #tpu.memory_space<vmem>>, vector<16xf32>,
        %jit3A_1855 = arith.constant 8 : i32
        %div3A_1856 = vector.broadcast %jit3A_1855 : i32 to vector<16xi32>
        %div3A_1857 = arith.divsi %add3A_1849, %div3A_1856 : vector<16xi32>
        %sign3A_1858 = arith.constant 0 : i32
        %sign3A_1859 = vector.broadcast %sign3A_1858 : i32 to vector<16xi32>
        %sign3A_1860 = arith.cmpi sgt, %add3A_1849, %sign3A_1859 : vector<16xi32>
        %sign3A_1861 = arith.extui %sign3A_1860 : vector<16xi1> to vector<16xi32>
        %sign3A_1862 = arith.constant 0 : i32
        %sign3A_1863 = vector.broadcast %sign3A_1862 : i32 to vector<16xi32>
        %sign3A_1864 = arith.cmpi slt, %add3A_1849, %sign3A_1863 : vector<16xi32>
        %sign3A_1865 = arith.extui %sign3A_1864 : vector<16xi1> to vector<16xi32>
        %sign3A_1866 = arith.subi %sign3A_1861, %sign3A_1865 : vector<16xi32>
        %sign3A_1867 = arith.constant 0 : i32
        %sign3A_1868 = arith.cmpi sgt, %jit3A_1855, %sign3A_1867 : i32
        %sign3A_1869 = arith.extui %sign3A_1868 : i1 to i32
        %sign3A_1870 = arith.constant 0 : i32
        %sign3A_1871 = arith.cmpi slt, %jit3A_1855, %sign3A_1870 : i32
        %sign3A_1872 = arith.extui %sign3A_1871 : i1 to i32
        %sign3A_1873 = arith.subi %sign3A_1869, %sign3A_1872 : i32
        %ne3A_1874 = vector.broadcast %sign3A_1873 : i32 to vector<16xi32>
        %ne3A_1875 = arith.cmpi ne, %sign3A_1866, %ne3A_1874 : vector<16xi32>
        %rem3A_1876 = vector.broadcast %jit3A_1855 : i32 to vector<16xi32>
        %rem3A_1877 = arith.remsi %add3A_1849, %rem3A_1876 : vector<16xi32>
        %ne3A_1878 = arith.constant 0 : i32
        %ne3A_1879 = vector.broadcast %ne3A_1878 : i32 to vector<16xi32>
        %ne3A_1880 = arith.cmpi ne, %rem3A_1877, %ne3A_1879 : vector<16xi32>
        %and3A_1881 = arith.andi %ne3A_1875, %ne3A_1880 : vector<16xi1>
        %sub3A_1882 = arith.constant 1 : i32
        %sub3A_1883 = vector.broadcast %sub3A_1882 : i32 to vector<16xi32>
        %sub3A_1884 = arith.subi %div3A_1857, %sub3A_1883 : vector<16xi32>
        %select_n3A_1885 = arith.select %and3A_1881, %sub3A_1884, %div3A_1857 : vector<16xi1>, vector<16xi32>
        %rem3A_1886 = arith.constant 8 : i32
        %rem3A_1887 = vector.broadcast %rem3A_1886 : i32 to vector<16xi32>
        %rem3A_1888 = arith.remsi %add3A_1849, %rem3A_1887 : vector<16xi32>
        %scatter3A_1889 = arith.constant 0 : i32
        %scatter3A_1890 = arith.constant 0 : i32
        %scatter3A_1891 = arith.constant 0 : i32
        %scatter3A_1892 = arith.constant 0 : i32
        %scatter3A_1893 = arith.constant 0 : i32
        %scatter3A_1894 = tpu.memref_slice %arg7[%scatter3A_1889, %scatter3A_1890, %scatter3A_1891, %scatter3A_1892, %scatter3A_1893] : memref<2x4x4x8x129xf32, #tpu.memory_space<vmem>> -> memref<1x4x4x8x129xf32, #tpu.memory_space<vmem>>
        %scatter3A_1895 = tpu.memref_squeeze %scatter3A_1894 : memref<1x4x4x8x129xf32, #tpu.memory_space<vmem>> -> memref<4x4x8x129xf32, #tpu.memory_space<vmem>>
        tpu.vector_store_idx %scatter3A_1895[%select_n3A_1885, %add3A_1842, %rem3A_1888, %add3A_1846], %get3A_1854 : memref<4x4x8x129xf32, #tpu.memory_space<vmem>>[vector<16xi32>, vector<16xi32>, vector<16xi32>, vector<16xi32>], vector<16xf32>,
        %add3A_1896 = arith.constant 16 : i32
        %add3A_1897 = vector.broadcast %add3A_1896 : i32 to vector<16xi32>
        %add3A_1898 = arith.addi %iota3A, %add3A_1897 : vector<16xi32>
        %get3A_1899 = arith.constant 0 : i32
        %get3A_1900 = arith.index_cast %get3A_1899 : i32 to index
        %get3A_1901 = arith.index_cast %add3A_1812 : i32 to index
        %get3A_1902 = arith.constant 16 : index
        %get3A_1903 = tpu.vector_load %arg6[%get3A_1900, %get3A_1901, %get3A_1902] {strides = array<i32>} : memref<2x512x32xf32, #tpu.memory_space<vmem>>, vector<16xf32>,
        %jit3A_1904 = arith.constant 8 : i32
        %div3A_1905 = vector.broadcast %jit3A_1904 : i32 to vector<16xi32>
        %div3A_1906 = arith.divsi %add3A_1898, %div3A_1905 : vector<16xi32>
        %sign3A_1907 = arith.constant 0 : i32
        %sign3A_1908 = vector.broadcast %sign3A_1907 : i32 to vector<16xi32>
        %sign3A_1909 = arith.cmpi sgt, %add3A_1898, %sign3A_1908 : vector<16xi32>
        %sign3A_1910 = arith.extui %sign3A_1909 : vector<16xi1> to vector<16xi32>
        %sign3A_1911 = arith.constant 0 : i32
        %sign3A_1912 = vector.broadcast %sign3A_1911 : i32 to vector<16xi32>
        %sign3A_1913 = arith.cmpi slt, %add3A_1898, %sign3A_1912 : vector<16xi32>
        %sign3A_1914 = arith.extui %sign3A_1913 : vector<16xi1> to vector<16xi32>
        %sign3A_1915 = arith.subi %sign3A_1910, %sign3A_1914 : vector<16xi32>
        %sign3A_1916 = arith.constant 0 : i32
        %sign3A_1917 = arith.cmpi sgt, %jit3A_1904, %sign3A_1916 : i32
        %sign3A_1918 = arith.extui %sign3A_1917 : i1 to i32
        %sign3A_1919 = arith.constant 0 : i32
        %sign3A_1920 = arith.cmpi slt, %jit3A_1904, %sign3A_1919 : i32
        %sign3A_1921 = arith.extui %sign3A_1920 : i1 to i32
        %sign3A_1922 = arith.subi %sign3A_1918, %sign3A_1921 : i32
        %ne3A_1923 = vector.broadcast %sign3A_1922 : i32 to vector<16xi32>
        %ne3A_1924 = arith.cmpi ne, %sign3A_1915, %ne3A_1923 : vector<16xi32>
        %rem3A_1925 = vector.broadcast %jit3A_1904 : i32 to vector<16xi32>
        %rem3A_1926 = arith.remsi %add3A_1898, %rem3A_1925 : vector<16xi32>
        %ne3A_1927 = arith.constant 0 : i32
        %ne3A_1928 = vector.broadcast %ne3A_1927 : i32 to vector<16xi32>
        %ne3A_1929 = arith.cmpi ne, %rem3A_1926, %ne3A_1928 : vector<16xi32>
        %and3A_1930 = arith.andi %ne3A_1924, %ne3A_1929 : vector<16xi1>
        %sub3A_1931 = arith.constant 1 : i32
        %sub3A_1932 = vector.broadcast %sub3A_1931 : i32 to vector<16xi32>
        %sub3A_1933 = arith.subi %div3A_1906, %sub3A_1932 : vector<16xi32>
        %select_n3A_1934 = arith.select %and3A_1930, %sub3A_1933, %div3A_1906 : vector<16xi1>, vector<16xi32>
        %rem3A_1935 = arith.constant 8 : i32
        %rem3A_1936 = vector.broadcast %rem3A_1935 : i32 to vector<16xi32>
        %rem3A_1937 = arith.remsi %add3A_1898, %rem3A_1936 : vector<16xi32>
        %scatter3A_1938 = arith.constant 0 : i32
        %scatter3A_1939 = arith.constant 0 : i32
        %scatter3A_1940 = arith.constant 0 : i32
        %scatter3A_1941 = arith.constant 0 : i32
        %scatter3A_1942 = arith.constant 0 : i32
        %scatter3A_1943 = tpu.memref_slice %arg7[%scatter3A_1938, %scatter3A_1939, %scatter3A_1940, %scatter3A_1941, %scatter3A_1942] : memref<2x4x4x8x129xf32, #tpu.memory_space<vmem>> -> memref<1x4x4x8x129xf32, #tpu.memory_space<vmem>>
        %scatter3A_1944 = tpu.memref_squeeze %scatter3A_1943 : memref<1x4x4x8x129xf32, #tpu.memory_space<vmem>> -> memref<4x4x8x129xf32, #tpu.memory_space<vmem>>
        tpu.vector_store_idx %scatter3A_1944[%select_n3A_1934, %add3A_1842, %rem3A_1937, %add3A_1846], %get3A_1903 : memref<4x4x8x129xf32, #tpu.memory_space<vmem>>[vector<16xi32>, vector<16xi32>, vector<16xi32>, vector<16xi32>], vector<16xf32>,
        %mul3A_1945 = arith.constant 16 : i32
        %mul3A_1946 = arith.muli %scan3A_187, %mul3A_1945 : i32
        %add3A_1947 = arith.constant 13 : i32
        %add3A_1948 = arith.addi %mul3A_1946, %add3A_1947 : i32
        %jit3A_1949 = arith.constant 128 : i32
        %div3A_1950 = arith.divsi %add3A_1948, %jit3A_1949 : i32
        %sign3A_1951 = arith.constant 0 : i32
        %sign3A_1952 = arith.cmpi sgt, %add3A_1948, %sign3A_1951 : i32
        %sign3A_1953 = arith.extui %sign3A_1952 : i1 to i32
        %sign3A_1954 = arith.constant 0 : i32
        %sign3A_1955 = arith.cmpi slt, %add3A_1948, %sign3A_1954 : i32
        %sign3A_1956 = arith.extui %sign3A_1955 : i1 to i32
        %sign3A_1957 = arith.subi %sign3A_1953, %sign3A_1956 : i32
        %sign3A_1958 = arith.constant 0 : i32
        %sign3A_1959 = arith.cmpi sgt, %jit3A_1949, %sign3A_1958 : i32
        %sign3A_1960 = arith.extui %sign3A_1959 : i1 to i32
        %sign3A_1961 = arith.constant 0 : i32
        %sign3A_1962 = arith.cmpi slt, %jit3A_1949, %sign3A_1961 : i32
        %sign3A_1963 = arith.extui %sign3A_1962 : i1 to i32
        %sign3A_1964 = arith.subi %sign3A_1960, %sign3A_1963 : i32
        %ne3A_1965 = arith.cmpi ne, %sign3A_1957, %sign3A_1964 : i32
        %rem3A_1966 = arith.remsi %add3A_1948, %jit3A_1949 : i32
        %ne3A_1967 = arith.constant 0 : i32
        %ne3A_1968 = arith.cmpi ne, %rem3A_1966, %ne3A_1967 : i32
        %and3A_1969 = arith.andi %ne3A_1965, %ne3A_1968 : i1
        %sub3A_1970 = arith.constant 1 : i32
        %sub3A_1971 = arith.subi %div3A_1950, %sub3A_1970 : i32
        %select_n3A_1972 = arith.select %and3A_1969, %sub3A_1971, %div3A_1950 : i32
        %rem3A_1973 = arith.constant 128 : i32
        %rem3A_1974 = arith.remsi %add3A_1948, %rem3A_1973 : i32
        %broadcast_in_dim3A_1975 = arith.constant 0 : i32
        %broadcast_in_dim3A_1976 = vector.broadcast %broadcast_in_dim3A_1975 : i32 to vector<16xi32>
        %add3A_1977 = vector.broadcast %select_n3A_1972 : i32 to vector<16xi32>
        %add3A_1978 = arith.addi %broadcast_in_dim3A_1976, %add3A_1977 : vector<16xi32>
        %broadcast_in_dim3A_1979 = arith.constant 0 : i32
        %broadcast_in_dim3A_1980 = vector.broadcast %broadcast_in_dim3A_1979 : i32 to vector<16xi32>
        %add3A_1981 = vector.broadcast %rem3A_1974 : i32 to vector<16xi32>
        %add3A_1982 = arith.addi %broadcast_in_dim3A_1980, %add3A_1981 : vector<16xi32>
        %add3A_1983 = arith.constant 0 : i32
        %add3A_1984 = vector.broadcast %add3A_1983 : i32 to vector<16xi32>
        %add3A_1985 = arith.addi %iota3A, %add3A_1984 : vector<16xi32>
        %get3A_1986 = arith.constant 0 : i32
        %get3A_1987 = arith.index_cast %get3A_1986 : i32 to index
        %get3A_1988 = arith.index_cast %add3A_1948 : i32 to index
        %get3A_1989 = arith.constant 0 : index
        %get3A_1990 = tpu.vector_load %arg6[%get3A_1987, %get3A_1988, %get3A_1989] {strides = array<i32>} : memref<2x512x32xf32, #tpu.memory_space<vmem>>, vector<16xf32>,
        %jit3A_1991 = arith.constant 8 : i32
        %div3A_1992 = vector.broadcast %jit3A_1991 : i32 to vector<16xi32>
        %div3A_1993 = arith.divsi %add3A_1985, %div3A_1992 : vector<16xi32>
        %sign3A_1994 = arith.constant 0 : i32
        %sign3A_1995 = vector.broadcast %sign3A_1994 : i32 to vector<16xi32>
        %sign3A_1996 = arith.cmpi sgt, %add3A_1985, %sign3A_1995 : vector<16xi32>
        %sign3A_1997 = arith.extui %sign3A_1996 : vector<16xi1> to vector<16xi32>
        %sign3A_1998 = arith.constant 0 : i32
        %sign3A_1999 = vector.broadcast %sign3A_1998 : i32 to vector<16xi32>
        %sign3A_2000 = arith.cmpi slt, %add3A_1985, %sign3A_1999 : vector<16xi32>
        %sign3A_2001 = arith.extui %sign3A_2000 : vector<16xi1> to vector<16xi32>
        %sign3A_2002 = arith.subi %sign3A_1997, %sign3A_2001 : vector<16xi32>
        %sign3A_2003 = arith.constant 0 : i32
        %sign3A_2004 = arith.cmpi sgt, %jit3A_1991, %sign3A_2003 : i32
        %sign3A_2005 = arith.extui %sign3A_2004 : i1 to i32
        %sign3A_2006 = arith.constant 0 : i32
        %sign3A_2007 = arith.cmpi slt, %jit3A_1991, %sign3A_2006 : i32
        %sign3A_2008 = arith.extui %sign3A_2007 : i1 to i32
        %sign3A_2009 = arith.subi %sign3A_2005, %sign3A_2008 : i32
        %ne3A_2010 = vector.broadcast %sign3A_2009 : i32 to vector<16xi32>
        %ne3A_2011 = arith.cmpi ne, %sign3A_2002, %ne3A_2010 : vector<16xi32>
        %rem3A_2012 = vector.broadcast %jit3A_1991 : i32 to vector<16xi32>
        %rem3A_2013 = arith.remsi %add3A_1985, %rem3A_2012 : vector<16xi32>
        %ne3A_2014 = arith.constant 0 : i32
        %ne3A_2015 = vector.broadcast %ne3A_2014 : i32 to vector<16xi32>
        %ne3A_2016 = arith.cmpi ne, %rem3A_2013, %ne3A_2015 : vector<16xi32>
        %and3A_2017 = arith.andi %ne3A_2011, %ne3A_2016 : vector<16xi1>
        %sub3A_2018 = arith.constant 1 : i32
        %sub3A_2019 = vector.broadcast %sub3A_2018 : i32 to vector<16xi32>
        %sub3A_2020 = arith.subi %div3A_1993, %sub3A_2019 : vector<16xi32>
        %select_n3A_2021 = arith.select %and3A_2017, %sub3A_2020, %div3A_1993 : vector<16xi1>, vector<16xi32>
        %rem3A_2022 = arith.constant 8 : i32
        %rem3A_2023 = vector.broadcast %rem3A_2022 : i32 to vector<16xi32>
        %rem3A_2024 = arith.remsi %add3A_1985, %rem3A_2023 : vector<16xi32>
        %scatter3A_2025 = arith.constant 0 : i32
        %scatter3A_2026 = arith.constant 0 : i32
        %scatter3A_2027 = arith.constant 0 : i32
        %scatter3A_2028 = arith.constant 0 : i32
        %scatter3A_2029 = arith.constant 0 : i32
        %scatter3A_2030 = tpu.memref_slice %arg7[%scatter3A_2025, %scatter3A_2026, %scatter3A_2027, %scatter3A_2028, %scatter3A_2029] : memref<2x4x4x8x129xf32, #tpu.memory_space<vmem>> -> memref<1x4x4x8x129xf32, #tpu.memory_space<vmem>>
        %scatter3A_2031 = tpu.memref_squeeze %scatter3A_2030 : memref<1x4x4x8x129xf32, #tpu.memory_space<vmem>> -> memref<4x4x8x129xf32, #tpu.memory_space<vmem>>
        tpu.vector_store_idx %scatter3A_2031[%select_n3A_2021, %add3A_1978, %rem3A_2024, %add3A_1982], %get3A_1990 : memref<4x4x8x129xf32, #tpu.memory_space<vmem>>[vector<16xi32>, vector<16xi32>, vector<16xi32>, vector<16xi32>], vector<16xf32>,
        %add3A_2032 = arith.constant 16 : i32
        %add3A_2033 = vector.broadcast %add3A_2032 : i32 to vector<16xi32>
        %add3A_2034 = arith.addi %iota3A, %add3A_2033 : vector<16xi32>
        %get3A_2035 = arith.constant 0 : i32
        %get3A_2036 = arith.index_cast %get3A_2035 : i32 to index
        %get3A_2037 = arith.index_cast %add3A_1948 : i32 to index
        %get3A_2038 = arith.constant 16 : index
        %get3A_2039 = tpu.vector_load %arg6[%get3A_2036, %get3A_2037, %get3A_2038] {strides = array<i32>} : memref<2x512x32xf32, #tpu.memory_space<vmem>>, vector<16xf32>,
        %jit3A_2040 = arith.constant 8 : i32
        %div3A_2041 = vector.broadcast %jit3A_2040 : i32 to vector<16xi32>
        %div3A_2042 = arith.divsi %add3A_2034, %div3A_2041 : vector<16xi32>
        %sign3A_2043 = arith.constant 0 : i32
        %sign3A_2044 = vector.broadcast %sign3A_2043 : i32 to vector<16xi32>
        %sign3A_2045 = arith.cmpi sgt, %add3A_2034, %sign3A_2044 : vector<16xi32>
        %sign3A_2046 = arith.extui %sign3A_2045 : vector<16xi1> to vector<16xi32>
        %sign3A_2047 = arith.constant 0 : i32
        %sign3A_2048 = vector.broadcast %sign3A_2047 : i32 to vector<16xi32>
        %sign3A_2049 = arith.cmpi slt, %add3A_2034, %sign3A_2048 : vector<16xi32>
        %sign3A_2050 = arith.extui %sign3A_2049 : vector<16xi1> to vector<16xi32>
        %sign3A_2051 = arith.subi %sign3A_2046, %sign3A_2050 : vector<16xi32>
        %sign3A_2052 = arith.constant 0 : i32
        %sign3A_2053 = arith.cmpi sgt, %jit3A_2040, %sign3A_2052 : i32
        %sign3A_2054 = arith.extui %sign3A_2053 : i1 to i32
        %sign3A_2055 = arith.constant 0 : i32
        %sign3A_2056 = arith.cmpi slt, %jit3A_2040, %sign3A_2055 : i32
        %sign3A_2057 = arith.extui %sign3A_2056 : i1 to i32
        %sign3A_2058 = arith.subi %sign3A_2054, %sign3A_2057 : i32
        %ne3A_2059 = vector.broadcast %sign3A_2058 : i32 to vector<16xi32>
        %ne3A_2060 = arith.cmpi ne, %sign3A_2051, %ne3A_2059 : vector<16xi32>
        %rem3A_2061 = vector.broadcast %jit3A_2040 : i32 to vector<16xi32>
        %rem3A_2062 = arith.remsi %add3A_2034, %rem3A_2061 : vector<16xi32>
        %ne3A_2063 = arith.constant 0 : i32
        %ne3A_2064 = vector.broadcast %ne3A_2063 : i32 to vector<16xi32>
        %ne3A_2065 = arith.cmpi ne, %rem3A_2062, %ne3A_2064 : vector<16xi32>
        %and3A_2066 = arith.andi %ne3A_2060, %ne3A_2065 : vector<16xi1>
        %sub3A_2067 = arith.constant 1 : i32
        %sub3A_2068 = vector.broadcast %sub3A_2067 : i32 to vector<16xi32>
        %sub3A_2069 = arith.subi %div3A_2042, %sub3A_2068 : vector<16xi32>
        %select_n3A_2070 = arith.select %and3A_2066, %sub3A_2069, %div3A_2042 : vector<16xi1>, vector<16xi32>
        %rem3A_2071 = arith.constant 8 : i32
        %rem3A_2072 = vector.broadcast %rem3A_2071 : i32 to vector<16xi32>
        %rem3A_2073 = arith.remsi %add3A_2034, %rem3A_2072 : vector<16xi32>
        %scatter3A_2074 = arith.constant 0 : i32
        %scatter3A_2075 = arith.constant 0 : i32
        %scatter3A_2076 = arith.constant 0 : i32
        %scatter3A_2077 = arith.constant 0 : i32
        %scatter3A_2078 = arith.constant 0 : i32
        %scatter3A_2079 = tpu.memref_slice %arg7[%scatter3A_2074, %scatter3A_2075, %scatter3A_2076, %scatter3A_2077, %scatter3A_2078] : memref<2x4x4x8x129xf32, #tpu.memory_space<vmem>> -> memref<1x4x4x8x129xf32, #tpu.memory_space<vmem>>
        %scatter3A_2080 = tpu.memref_squeeze %scatter3A_2079 : memref<1x4x4x8x129xf32, #tpu.memory_space<vmem>> -> memref<4x4x8x129xf32, #tpu.memory_space<vmem>>
        tpu.vector_store_idx %scatter3A_2080[%select_n3A_2070, %add3A_1978, %rem3A_2073, %add3A_1982], %get3A_2039 : memref<4x4x8x129xf32, #tpu.memory_space<vmem>>[vector<16xi32>, vector<16xi32>, vector<16xi32>, vector<16xi32>], vector<16xf32>,
        %mul3A_2081 = arith.constant 16 : i32
        %mul3A_2082 = arith.muli %scan3A_187, %mul3A_2081 : i32
        %add3A_2083 = arith.constant 14 : i32
        %add3A_2084 = arith.addi %mul3A_2082, %add3A_2083 : i32
        %jit3A_2085 = arith.constant 128 : i32
        %div3A_2086 = arith.divsi %add3A_2084, %jit3A_2085 : i32
        %sign3A_2087 = arith.constant 0 : i32
        %sign3A_2088 = arith.cmpi sgt, %add3A_2084, %sign3A_2087 : i32
        %sign3A_2089 = arith.extui %sign3A_2088 : i1 to i32
        %sign3A_2090 = arith.constant 0 : i32
        %sign3A_2091 = arith.cmpi slt, %add3A_2084, %sign3A_2090 : i32
        %sign3A_2092 = arith.extui %sign3A_2091 : i1 to i32
        %sign3A_2093 = arith.subi %sign3A_2089, %sign3A_2092 : i32
        %sign3A_2094 = arith.constant 0 : i32
        %sign3A_2095 = arith.cmpi sgt, %jit3A_2085, %sign3A_2094 : i32
        %sign3A_2096 = arith.extui %sign3A_2095 : i1 to i32
        %sign3A_2097 = arith.constant 0 : i32
        %sign3A_2098 = arith.cmpi slt, %jit3A_2085, %sign3A_2097 : i32
        %sign3A_2099 = arith.extui %sign3A_2098 : i1 to i32
        %sign3A_2100 = arith.subi %sign3A_2096, %sign3A_2099 : i32
        %ne3A_2101 = arith.cmpi ne, %sign3A_2093, %sign3A_2100 : i32
        %rem3A_2102 = arith.remsi %add3A_2084, %jit3A_2085 : i32
        %ne3A_2103 = arith.constant 0 : i32
        %ne3A_2104 = arith.cmpi ne, %rem3A_2102, %ne3A_2103 : i32
        %and3A_2105 = arith.andi %ne3A_2101, %ne3A_2104 : i1
        %sub3A_2106 = arith.constant 1 : i32
        %sub3A_2107 = arith.subi %div3A_2086, %sub3A_2106 : i32
        %select_n3A_2108 = arith.select %and3A_2105, %sub3A_2107, %div3A_2086 : i32
        %rem3A_2109 = arith.constant 128 : i32
        %rem3A_2110 = arith.remsi %add3A_2084, %rem3A_2109 : i32
        %broadcast_in_dim3A_2111 = arith.constant 0 : i32
        %broadcast_in_dim3A_2112 = vector.broadcast %broadcast_in_dim3A_2111 : i32 to vector<16xi32>
        %add3A_2113 = vector.broadcast %select_n3A_2108 : i32 to vector<16xi32>
        %add3A_2114 = arith.addi %broadcast_in_dim3A_2112, %add3A_2113 : vector<16xi32>
        %broadcast_in_dim3A_2115 = arith.constant 0 : i32
        %broadcast_in_dim3A_2116 = vector.broadcast %broadcast_in_dim3A_2115 : i32 to vector<16xi32>
        %add3A_2117 = vector.broadcast %rem3A_2110 : i32 to vector<16xi32>
        %add3A_2118 = arith.addi %broadcast_in_dim3A_2116, %add3A_2117 : vector<16xi32>
        %add3A_2119 = arith.constant 0 : i32
        %add3A_2120 = vector.broadcast %add3A_2119 : i32 to vector<16xi32>
        %add3A_2121 = arith.addi %iota3A, %add3A_2120 : vector<16xi32>
        %get3A_2122 = arith.constant 0 : i32
        %get3A_2123 = arith.index_cast %get3A_2122 : i32 to index
        %get3A_2124 = arith.index_cast %add3A_2084 : i32 to index
        %get3A_2125 = arith.constant 0 : index
        %get3A_2126 = tpu.vector_load %arg6[%get3A_2123, %get3A_2124, %get3A_2125] {strides = array<i32>} : memref<2x512x32xf32, #tpu.memory_space<vmem>>, vector<16xf32>,
        %jit3A_2127 = arith.constant 8 : i32
        %div3A_2128 = vector.broadcast %jit3A_2127 : i32 to vector<16xi32>
        %div3A_2129 = arith.divsi %add3A_2121, %div3A_2128 : vector<16xi32>
        %sign3A_2130 = arith.constant 0 : i32
        %sign3A_2131 = vector.broadcast %sign3A_2130 : i32 to vector<16xi32>
        %sign3A_2132 = arith.cmpi sgt, %add3A_2121, %sign3A_2131 : vector<16xi32>
        %sign3A_2133 = arith.extui %sign3A_2132 : vector<16xi1> to vector<16xi32>
        %sign3A_2134 = arith.constant 0 : i32
        %sign3A_2135 = vector.broadcast %sign3A_2134 : i32 to vector<16xi32>
        %sign3A_2136 = arith.cmpi slt, %add3A_2121, %sign3A_2135 : vector<16xi32>
        %sign3A_2137 = arith.extui %sign3A_2136 : vector<16xi1> to vector<16xi32>
        %sign3A_2138 = arith.subi %sign3A_2133, %sign3A_2137 : vector<16xi32>
        %sign3A_2139 = arith.constant 0 : i32
        %sign3A_2140 = arith.cmpi sgt, %jit3A_2127, %sign3A_2139 : i32
        %sign3A_2141 = arith.extui %sign3A_2140 : i1 to i32
        %sign3A_2142 = arith.constant 0 : i32
        %sign3A_2143 = arith.cmpi slt, %jit3A_2127, %sign3A_2142 : i32
        %sign3A_2144 = arith.extui %sign3A_2143 : i1 to i32
        %sign3A_2145 = arith.subi %sign3A_2141, %sign3A_2144 : i32
        %ne3A_2146 = vector.broadcast %sign3A_2145 : i32 to vector<16xi32>
        %ne3A_2147 = arith.cmpi ne, %sign3A_2138, %ne3A_2146 : vector<16xi32>
        %rem3A_2148 = vector.broadcast %jit3A_2127 : i32 to vector<16xi32>
        %rem3A_2149 = arith.remsi %add3A_2121, %rem3A_2148 : vector<16xi32>
        %ne3A_2150 = arith.constant 0 : i32
        %ne3A_2151 = vector.broadcast %ne3A_2150 : i32 to vector<16xi32>
        %ne3A_2152 = arith.cmpi ne, %rem3A_2149, %ne3A_2151 : vector<16xi32>
        %and3A_2153 = arith.andi %ne3A_2147, %ne3A_2152 : vector<16xi1>
        %sub3A_2154 = arith.constant 1 : i32
        %sub3A_2155 = vector.broadcast %sub3A_2154 : i32 to vector<16xi32>
        %sub3A_2156 = arith.subi %div3A_2129, %sub3A_2155 : vector<16xi32>
        %select_n3A_2157 = arith.select %and3A_2153, %sub3A_2156, %div3A_2129 : vector<16xi1>, vector<16xi32>
        %rem3A_2158 = arith.constant 8 : i32
        %rem3A_2159 = vector.broadcast %rem3A_2158 : i32 to vector<16xi32>
        %rem3A_2160 = arith.remsi %add3A_2121, %rem3A_2159 : vector<16xi32>
        %scatter3A_2161 = arith.constant 0 : i32
        %scatter3A_2162 = arith.constant 0 : i32
        %scatter3A_2163 = arith.constant 0 : i32
        %scatter3A_2164 = arith.constant 0 : i32
        %scatter3A_2165 = arith.constant 0 : i32
        %scatter3A_2166 = tpu.memref_slice %arg7[%scatter3A_2161, %scatter3A_2162, %scatter3A_2163, %scatter3A_2164, %scatter3A_2165] : memref<2x4x4x8x129xf32, #tpu.memory_space<vmem>> -> memref<1x4x4x8x129xf32, #tpu.memory_space<vmem>>
        %scatter3A_2167 = tpu.memref_squeeze %scatter3A_2166 : memref<1x4x4x8x129xf32, #tpu.memory_space<vmem>> -> memref<4x4x8x129xf32, #tpu.memory_space<vmem>>
        tpu.vector_store_idx %scatter3A_2167[%select_n3A_2157, %add3A_2114, %rem3A_2160, %add3A_2118], %get3A_2126 : memref<4x4x8x129xf32, #tpu.memory_space<vmem>>[vector<16xi32>, vector<16xi32>, vector<16xi32>, vector<16xi32>], vector<16xf32>,
        %add3A_2168 = arith.constant 16 : i32
        %add3A_2169 = vector.broadcast %add3A_2168 : i32 to vector<16xi32>
        %add3A_2170 = arith.addi %iota3A, %add3A_2169 : vector<16xi32>
        %get3A_2171 = arith.constant 0 : i32
        %get3A_2172 = arith.index_cast %get3A_2171 : i32 to index
        %get3A_2173 = arith.index_cast %add3A_2084 : i32 to index
        %get3A_2174 = arith.constant 16 : index
        %get3A_2175 = tpu.vector_load %arg6[%get3A_2172, %get3A_2173, %get3A_2174] {strides = array<i32>} : memref<2x512x32xf32, #tpu.memory_space<vmem>>, vector<16xf32>,
        %jit3A_2176 = arith.constant 8 : i32
        %div3A_2177 = vector.broadcast %jit3A_2176 : i32 to vector<16xi32>
        %div3A_2178 = arith.divsi %add3A_2170, %div3A_2177 : vector<16xi32>
        %sign3A_2179 = arith.constant 0 : i32
        %sign3A_2180 = vector.broadcast %sign3A_2179 : i32 to vector<16xi32>
        %sign3A_2181 = arith.cmpi sgt, %add3A_2170, %sign3A_2180 : vector<16xi32>
        %sign3A_2182 = arith.extui %sign3A_2181 : vector<16xi1> to vector<16xi32>
        %sign3A_2183 = arith.constant 0 : i32
        %sign3A_2184 = vector.broadcast %sign3A_2183 : i32 to vector<16xi32>
        %sign3A_2185 = arith.cmpi slt, %add3A_2170, %sign3A_2184 : vector<16xi32>
        %sign3A_2186 = arith.extui %sign3A_2185 : vector<16xi1> to vector<16xi32>
        %sign3A_2187 = arith.subi %sign3A_2182, %sign3A_2186 : vector<16xi32>
        %sign3A_2188 = arith.constant 0 : i32
        %sign3A_2189 = arith.cmpi sgt, %jit3A_2176, %sign3A_2188 : i32
        %sign3A_2190 = arith.extui %sign3A_2189 : i1 to i32
        %sign3A_2191 = arith.constant 0 : i32
        %sign3A_2192 = arith.cmpi slt, %jit3A_2176, %sign3A_2191 : i32
        %sign3A_2193 = arith.extui %sign3A_2192 : i1 to i32
        %sign3A_2194 = arith.subi %sign3A_2190, %sign3A_2193 : i32
        %ne3A_2195 = vector.broadcast %sign3A_2194 : i32 to vector<16xi32>
        %ne3A_2196 = arith.cmpi ne, %sign3A_2187, %ne3A_2195 : vector<16xi32>
        %rem3A_2197 = vector.broadcast %jit3A_2176 : i32 to vector<16xi32>
        %rem3A_2198 = arith.remsi %add3A_2170, %rem3A_2197 : vector<16xi32>
        %ne3A_2199 = arith.constant 0 : i32
        %ne3A_2200 = vector.broadcast %ne3A_2199 : i32 to vector<16xi32>
        %ne3A_2201 = arith.cmpi ne, %rem3A_2198, %ne3A_2200 : vector<16xi32>
        %and3A_2202 = arith.andi %ne3A_2196, %ne3A_2201 : vector<16xi1>
        %sub3A_2203 = arith.constant 1 : i32
        %sub3A_2204 = vector.broadcast %sub3A_2203 : i32 to vector<16xi32>
        %sub3A_2205 = arith.subi %div3A_2178, %sub3A_2204 : vector<16xi32>
        %select_n3A_2206 = arith.select %and3A_2202, %sub3A_2205, %div3A_2178 : vector<16xi1>, vector<16xi32>
        %rem3A_2207 = arith.constant 8 : i32
        %rem3A_2208 = vector.broadcast %rem3A_2207 : i32 to vector<16xi32>
        %rem3A_2209 = arith.remsi %add3A_2170, %rem3A_2208 : vector<16xi32>
        %scatter3A_2210 = arith.constant 0 : i32
        %scatter3A_2211 = arith.constant 0 : i32
        %scatter3A_2212 = arith.constant 0 : i32
        %scatter3A_2213 = arith.constant 0 : i32
        %scatter3A_2214 = arith.constant 0 : i32
        %scatter3A_2215 = tpu.memref_slice %arg7[%scatter3A_2210, %scatter3A_2211, %scatter3A_2212, %scatter3A_2213, %scatter3A_2214] : memref<2x4x4x8x129xf32, #tpu.memory_space<vmem>> -> memref<1x4x4x8x129xf32, #tpu.memory_space<vmem>>
        %scatter3A_2216 = tpu.memref_squeeze %scatter3A_2215 : memref<1x4x4x8x129xf32, #tpu.memory_space<vmem>> -> memref<4x4x8x129xf32, #tpu.memory_space<vmem>>
        tpu.vector_store_idx %scatter3A_2216[%select_n3A_2206, %add3A_2114, %rem3A_2209, %add3A_2118], %get3A_2175 : memref<4x4x8x129xf32, #tpu.memory_space<vmem>>[vector<16xi32>, vector<16xi32>, vector<16xi32>, vector<16xi32>], vector<16xf32>,
        %mul3A_2217 = arith.constant 16 : i32
        %mul3A_2218 = arith.muli %scan3A_187, %mul3A_2217 : i32
        %add3A_2219 = arith.constant 15 : i32
        %add3A_2220 = arith.addi %mul3A_2218, %add3A_2219 : i32
        %jit3A_2221 = arith.constant 128 : i32
        %div3A_2222 = arith.divsi %add3A_2220, %jit3A_2221 : i32
        %sign3A_2223 = arith.constant 0 : i32
        %sign3A_2224 = arith.cmpi sgt, %add3A_2220, %sign3A_2223 : i32
        %sign3A_2225 = arith.extui %sign3A_2224 : i1 to i32
        %sign3A_2226 = arith.constant 0 : i32
        %sign3A_2227 = arith.cmpi slt, %add3A_2220, %sign3A_2226 : i32
        %sign3A_2228 = arith.extui %sign3A_2227 : i1 to i32
        %sign3A_2229 = arith.subi %sign3A_2225, %sign3A_2228 : i32
        %sign3A_2230 = arith.constant 0 : i32
        %sign3A_2231 = arith.cmpi sgt, %jit3A_2221, %sign3A_2230 : i32
        %sign3A_2232 = arith.extui %sign3A_2231 : i1 to i32
        %sign3A_2233 = arith.constant 0 : i32
        %sign3A_2234 = arith.cmpi slt, %jit3A_2221, %sign3A_2233 : i32
        %sign3A_2235 = arith.extui %sign3A_2234 : i1 to i32
        %sign3A_2236 = arith.subi %sign3A_2232, %sign3A_2235 : i32
        %ne3A_2237 = arith.cmpi ne, %sign3A_2229, %sign3A_2236 : i32
        %rem3A_2238 = arith.remsi %add3A_2220, %jit3A_2221 : i32
        %ne3A_2239 = arith.constant 0 : i32
        %ne3A_2240 = arith.cmpi ne, %rem3A_2238, %ne3A_2239 : i32
        %and3A_2241 = arith.andi %ne3A_2237, %ne3A_2240 : i1
        %sub3A_2242 = arith.constant 1 : i32
        %sub3A_2243 = arith.subi %div3A_2222, %sub3A_2242 : i32
        %select_n3A_2244 = arith.select %and3A_2241, %sub3A_2243, %div3A_2222 : i32
        %rem3A_2245 = arith.constant 128 : i32
        %rem3A_2246 = arith.remsi %add3A_2220, %rem3A_2245 : i32
        %broadcast_in_dim3A_2247 = arith.constant 0 : i32
        %broadcast_in_dim3A_2248 = vector.broadcast %broadcast_in_dim3A_2247 : i32 to vector<16xi32>
        %add3A_2249 = vector.broadcast %select_n3A_2244 : i32 to vector<16xi32>
        %add3A_2250 = arith.addi %broadcast_in_dim3A_2248, %add3A_2249 : vector<16xi32>
        %broadcast_in_dim3A_2251 = arith.constant 0 : i32
        %broadcast_in_dim3A_2252 = vector.broadcast %broadcast_in_dim3A_2251 : i32 to vector<16xi32>
        %add3A_2253 = vector.broadcast %rem3A_2246 : i32 to vector<16xi32>
        %add3A_2254 = arith.addi %broadcast_in_dim3A_2252, %add3A_2253 : vector<16xi32>
        %add3A_2255 = arith.constant 0 : i32
        %add3A_2256 = vector.broadcast %add3A_2255 : i32 to vector<16xi32>
        %add3A_2257 = arith.addi %iota3A, %add3A_2256 : vector<16xi32>
        %get3A_2258 = arith.constant 0 : i32
        %get3A_2259 = arith.index_cast %get3A_2258 : i32 to index
        %get3A_2260 = arith.index_cast %add3A_2220 : i32 to index
        %get3A_2261 = arith.constant 0 : index
        %get3A_2262 = tpu.vector_load %arg6[%get3A_2259, %get3A_2260, %get3A_2261] {strides = array<i32>} : memref<2x512x32xf32, #tpu.memory_space<vmem>>, vector<16xf32>,
        %jit3A_2263 = arith.constant 8 : i32
        %div3A_2264 = vector.broadcast %jit3A_2263 : i32 to vector<16xi32>
        %div3A_2265 = arith.divsi %add3A_2257, %div3A_2264 : vector<16xi32>
        %sign3A_2266 = arith.constant 0 : i32
        %sign3A_2267 = vector.broadcast %sign3A_2266 : i32 to vector<16xi32>
        %sign3A_2268 = arith.cmpi sgt, %add3A_2257, %sign3A_2267 : vector<16xi32>
        %sign3A_2269 = arith.extui %sign3A_2268 : vector<16xi1> to vector<16xi32>
        %sign3A_2270 = arith.constant 0 : i32
        %sign3A_2271 = vector.broadcast %sign3A_2270 : i32 to vector<16xi32>
        %sign3A_2272 = arith.cmpi slt, %add3A_2257, %sign3A_2271 : vector<16xi32>
        %sign3A_2273 = arith.extui %sign3A_2272 : vector<16xi1> to vector<16xi32>
        %sign3A_2274 = arith.subi %sign3A_2269, %sign3A_2273 : vector<16xi32>
        %sign3A_2275 = arith.constant 0 : i32
        %sign3A_2276 = arith.cmpi sgt, %jit3A_2263, %sign3A_2275 : i32
        %sign3A_2277 = arith.extui %sign3A_2276 : i1 to i32
        %sign3A_2278 = arith.constant 0 : i32
        %sign3A_2279 = arith.cmpi slt, %jit3A_2263, %sign3A_2278 : i32
        %sign3A_2280 = arith.extui %sign3A_2279 : i1 to i32
        %sign3A_2281 = arith.subi %sign3A_2277, %sign3A_2280 : i32
        %ne3A_2282 = vector.broadcast %sign3A_2281 : i32 to vector<16xi32>
        %ne3A_2283 = arith.cmpi ne, %sign3A_2274, %ne3A_2282 : vector<16xi32>
        %rem3A_2284 = vector.broadcast %jit3A_2263 : i32 to vector<16xi32>
        %rem3A_2285 = arith.remsi %add3A_2257, %rem3A_2284 : vector<16xi32>
        %ne3A_2286 = arith.constant 0 : i32
        %ne3A_2287 = vector.broadcast %ne3A_2286 : i32 to vector<16xi32>
        %ne3A_2288 = arith.cmpi ne, %rem3A_2285, %ne3A_2287 : vector<16xi32>
        %and3A_2289 = arith.andi %ne3A_2283, %ne3A_2288 : vector<16xi1>
        %sub3A_2290 = arith.constant 1 : i32
        %sub3A_2291 = vector.broadcast %sub3A_2290 : i32 to vector<16xi32>
        %sub3A_2292 = arith.subi %div3A_2265, %sub3A_2291 : vector<16xi32>
        %select_n3A_2293 = arith.select %and3A_2289, %sub3A_2292, %div3A_2265 : vector<16xi1>, vector<16xi32>
        %rem3A_2294 = arith.constant 8 : i32
        %rem3A_2295 = vector.broadcast %rem3A_2294 : i32 to vector<16xi32>
        %rem3A_2296 = arith.remsi %add3A_2257, %rem3A_2295 : vector<16xi32>
        %scatter3A_2297 = arith.constant 0 : i32
        %scatter3A_2298 = arith.constant 0 : i32
        %scatter3A_2299 = arith.constant 0 : i32
        %scatter3A_2300 = arith.constant 0 : i32
        %scatter3A_2301 = arith.constant 0 : i32
        %scatter3A_2302 = tpu.memref_slice %arg7[%scatter3A_2297, %scatter3A_2298, %scatter3A_2299, %scatter3A_2300, %scatter3A_2301] : memref<2x4x4x8x129xf32, #tpu.memory_space<vmem>> -> memref<1x4x4x8x129xf32, #tpu.memory_space<vmem>>
        %scatter3A_2303 = tpu.memref_squeeze %scatter3A_2302 : memref<1x4x4x8x129xf32, #tpu.memory_space<vmem>> -> memref<4x4x8x129xf32, #tpu.memory_space<vmem>>
        tpu.vector_store_idx %scatter3A_2303[%select_n3A_2293, %add3A_2250, %rem3A_2296, %add3A_2254], %get3A_2262 : memref<4x4x8x129xf32, #tpu.memory_space<vmem>>[vector<16xi32>, vector<16xi32>, vector<16xi32>, vector<16xi32>], vector<16xf32>,
        %add3A_2304 = arith.constant 16 : i32
        %add3A_2305 = vector.broadcast %add3A_2304 : i32 to vector<16xi32>
        %add3A_2306 = arith.addi %iota3A, %add3A_2305 : vector<16xi32>
        %get3A_2307 = arith.constant 0 : i32
        %get3A_2308 = arith.index_cast %get3A_2307 : i32 to index
        %get3A_2309 = arith.index_cast %add3A_2220 : i32 to index
        %get3A_2310 = arith.constant 16 : index
        %get3A_2311 = tpu.vector_load %arg6[%get3A_2308, %get3A_2309, %get3A_2310] {strides = array<i32>} : memref<2x512x32xf32, #tpu.memory_space<vmem>>, vector<16xf32>,
        %jit3A_2312 = arith.constant 8 : i32
        %div3A_2313 = vector.broadcast %jit3A_2312 : i32 to vector<16xi32>
        %div3A_2314 = arith.divsi %add3A_2306, %div3A_2313 : vector<16xi32>
        %sign3A_2315 = arith.constant 0 : i32
        %sign3A_2316 = vector.broadcast %sign3A_2315 : i32 to vector<16xi32>
        %sign3A_2317 = arith.cmpi sgt, %add3A_2306, %sign3A_2316 : vector<16xi32>
        %sign3A_2318 = arith.extui %sign3A_2317 : vector<16xi1> to vector<16xi32>
        %sign3A_2319 = arith.constant 0 : i32
        %sign3A_2320 = vector.broadcast %sign3A_2319 : i32 to vector<16xi32>
        %sign3A_2321 = arith.cmpi slt, %add3A_2306, %sign3A_2320 : vector<16xi32>
        %sign3A_2322 = arith.extui %sign3A_2321 : vector<16xi1> to vector<16xi32>
        %sign3A_2323 = arith.subi %sign3A_2318, %sign3A_2322 : vector<16xi32>
        %sign3A_2324 = arith.constant 0 : i32
        %sign3A_2325 = arith.cmpi sgt, %jit3A_2312, %sign3A_2324 : i32
        %sign3A_2326 = arith.extui %sign3A_2325 : i1 to i32
        %sign3A_2327 = arith.constant 0 : i32
        %sign3A_2328 = arith.cmpi slt, %jit3A_2312, %sign3A_2327 : i32
        %sign3A_2329 = arith.extui %sign3A_2328 : i1 to i32
        %sign3A_2330 = arith.subi %sign3A_2326, %sign3A_2329 : i32
        %ne3A_2331 = vector.broadcast %sign3A_2330 : i32 to vector<16xi32>
        %ne3A_2332 = arith.cmpi ne, %sign3A_2323, %ne3A_2331 : vector<16xi32>
        %rem3A_2333 = vector.broadcast %jit3A_2312 : i32 to vector<16xi32>
        %rem3A_2334 = arith.remsi %add3A_2306, %rem3A_2333 : vector<16xi32>
        %ne3A_2335 = arith.constant 0 : i32
        %ne3A_2336 = vector.broadcast %ne3A_2335 : i32 to vector<16xi32>
        %ne3A_2337 = arith.cmpi ne, %rem3A_2334, %ne3A_2336 : vector<16xi32>
        %and3A_2338 = arith.andi %ne3A_2332, %ne3A_2337 : vector<16xi1>
        %sub3A_2339 = arith.constant 1 : i32
        %sub3A_2340 = vector.broadcast %sub3A_2339 : i32 to vector<16xi32>
        %sub3A_2341 = arith.subi %div3A_2314, %sub3A_2340 : vector<16xi32>
        %select_n3A_2342 = arith.select %and3A_2338, %sub3A_2341, %div3A_2314 : vector<16xi1>, vector<16xi32>
        %rem3A_2343 = arith.constant 8 : i32
        %rem3A_2344 = vector.broadcast %rem3A_2343 : i32 to vector<16xi32>
        %rem3A_2345 = arith.remsi %add3A_2306, %rem3A_2344 : vector<16xi32>
        %scatter3A_2346 = arith.constant 0 : i32
        %scatter3A_2347 = arith.constant 0 : i32
        %scatter3A_2348 = arith.constant 0 : i32
        %scatter3A_2349 = arith.constant 0 : i32
        %scatter3A_2350 = arith.constant 0 : i32
        %scatter3A_2351 = tpu.memref_slice %arg7[%scatter3A_2346, %scatter3A_2347, %scatter3A_2348, %scatter3A_2349, %scatter3A_2350] : memref<2x4x4x8x129xf32, #tpu.memory_space<vmem>> -> memref<1x4x4x8x129xf32, #tpu.memory_space<vmem>>
        %scatter3A_2352 = tpu.memref_squeeze %scatter3A_2351 : memref<1x4x4x8x129xf32, #tpu.memory_space<vmem>> -> memref<4x4x8x129xf32, #tpu.memory_space<vmem>>
        tpu.vector_store_idx %scatter3A_2352[%select_n3A_2342, %add3A_2250, %rem3A_2345, %add3A_2254], %get3A_2311 : memref<4x4x8x129xf32, #tpu.memory_space<vmem>>[vector<16xi32>, vector<16xi32>, vector<16xi32>, vector<16xi32>], vector<16xf32>,
      }
      %scan3A_101 = arith.constant 32 : i32
      %dma_start3A_102 = arith.constant 0 : i32
      %dma_start3A_103 = arith.constant 0 : i32
      %dma_start3A_104 = arith.constant 0 : i32
      %dma_start3A_105 = arith.constant 0 : i32
      %dma_start3A_106 = arith.constant 0 : i32
      %dma_start3A_107 = tpu.memref_slice %arg7[%dma_start3A_102, %dma_start3A_103, %dma_start3A_104, %dma_start3A_105, %dma_start3A_106] : memref<2x4x4x8x129xf32, #tpu.memory_space<vmem>> -> memref<1x4x4x8x128xf32, #tpu.memory_space<vmem>>
      %dma_start3A_108 = tpu.memref_squeeze %dma_start3A_107 : memref<1x4x4x8x128xf32, #tpu.memory_space<vmem>> -> memref<4x4x8x128xf32, #tpu.memory_space<vmem>>
      %dma_start3A_109 = arith.constant 0 : i32
      %dma_start3A_110 = arith.constant 0 : i32
      %dma_start3A_111 = arith.constant 0 : i32
      %dma_start3A_112 = tpu.memref_slice %arg4[%mul3A_82, %dma_start3A_109, %mul3A_2, %dma_start3A_110, %dma_start3A_111] : memref<50x4x128x8x128xf32, #tpu.memory_space<hbm>> -> memref<1x4x4x8x128xf32, #tpu.memory_space<hbm>>
      %dma_start3A_113 = tpu.memref_squeeze %dma_start3A_112 : memref<1x4x4x8x128xf32, #tpu.memory_space<hbm>> -> memref<4x4x8x128xf32, #tpu.memory_space<hbm>>
      %dma_start3A_114 = arith.constant 0 : i32
      %dma_start3A_115 = arith.constant 0 : i32
      %dma_start3A_116 = arith.constant 0 : i32
      %dma_start3A_117 = tpu.memref_slice %arg4[%mul3A_82, %dma_start3A_114, %mul3A_2, %dma_start3A_115, %dma_start3A_116] : memref<50x4x128x8x128xf32, #tpu.memory_space<hbm>> -> memref<1x4x4x8x128xf32, #tpu.memory_space<hbm>>
      %dma_start3A_118 = tpu.memref_squeeze %dma_start3A_117 : memref<1x4x4x8x128xf32, #tpu.memory_space<hbm>> -> memref<4x4x8x128xf32, #tpu.memory_space<hbm>>
      %dma_start3A_119 = arith.constant 0 : i32
      %dma_start3A_120 = arith.constant 0 : i32
      %dma_start3A_121 = arith.constant 0 : i32
      %dma_start3A_122 = arith.constant 0 : i32
      %dma_start3A_123 = tpu.memref_slice %arg7[%dma_start3A_102, %dma_start3A_119, %dma_start3A_120, %dma_start3A_121, %dma_start3A_122] : memref<2x4x4x8x129xf32, #tpu.memory_space<vmem>> -> memref<1x4x4x8x128xf32, #tpu.memory_space<vmem>>
      %dma_start3A_124 = tpu.memref_squeeze %dma_start3A_123 : memref<1x4x4x8x128xf32, #tpu.memory_space<vmem>> -> memref<4x4x8x128xf32, #tpu.memory_space<vmem>>
      tpu.enqueue_dma source(%dma_start3A_124 : memref<4x4x8x128xf32, #tpu.memory_space<vmem>>) target(%dma_start3A_118 : memref<4x4x8x128xf32, #tpu.memory_space<hbm>>) target_semaphore(%arg10 : memref<!tpu.dma_semaphore, #tpu.memory_space<semaphore_mem>>)
      %add3A_125 = arith.constant 2 : i32
      %add3A_126 = arith.addi %mul3A_82, %add3A_125 : i32
      %lt3A = arith.constant 50 : i32
      %lt3A_127 = arith.cmpi slt, %add3A_126, %lt3A : i32
      %convert_element_type3A_128 = arith.extui %lt3A_127 : i1 to i32
      %cond3A_129 = arith.constant 0 : i32
      %cond3A_130 = arith.cmpi ne, %convert_element_type3A_128, %cond3A_129 : i32
      scf.if %cond3A_130 {
        %add3A_187 = arith.constant 2 : i32
        %add3A_188 = arith.addi %mul3A_82, %add3A_187 : i32
        %dma_start3A_189 = arith.constant 0 : i32
        %dma_start3A_190 = arith.constant 0 : i32
        %dma_start3A_191 = arith.constant 0 : i32
        %dma_start3A_192 = tpu.memref_slice %arg6[%dma_start3A_189, %dma_start3A_190, %dma_start3A_191] : memref<2x512x32xf32, #tpu.memory_space<vmem>> -> memref<1x512x32xf32, #tpu.memory_space<vmem>>
        %dma_start3A_193 = tpu.memref_squeeze %dma_start3A_192 : memref<1x512x32xf32, #tpu.memory_space<vmem>> -> memref<512x32xf32, #tpu.memory_space<vmem>>
        %dma_start3A_194 = arith.constant 0 : i32
        %dma_start3A_195 = tpu.memref_slice %arg5[%add3A_188, %dma_start3A_194] : memref<50x512xi32, #tpu.memory_space<vmem>> -> memref<1x512xi32, #tpu.memory_space<vmem>>
        %dma_start3A_196 = tpu.memref_squeeze %dma_start3A_195 : memref<1x512xi32, #tpu.memory_space<vmem>> -> memref<512xi32, #tpu.memory_space<vmem>>
        %dma_start3A_197 = arith.constant 0 : i32
        %dma_start3A_198 = arith.constant 0 : i32
        %dma_start3A_199 = tpu.memref_slice %arg2[%dma_start3A_197, %dma_start3A_198] : memref<1000000x32xf32, #tpu.memory_space<hbm>> -> memref<1000000x32xf32, #tpu.memory_space<hbm>>
        tpu.enqueue_indirect_dma source(%dma_start3A_199 : memref<1000000x32xf32, #tpu.memory_space<hbm>>) target(%dma_start3A_193 : memref<512x32xf32, #tpu.memory_space<vmem>>) offsets(%dma_start3A_196 : memref<512xi32, #tpu.memory_space<vmem>>) semaphore(%arg8 : memref<!tpu.dma_semaphore, #tpu.memory_space<semaphore_mem>>)
      } else {
      }
      %mul3A_131 = arith.constant 2 : i32
      %mul3A_132 = arith.muli %mul3A_131, %scan3A_80 : i32
      %add3A_133 = arith.constant 1 : i32
      %add3A_134 = arith.addi %mul3A_132, %add3A_133 : i32
      %dma_wait3A_135 = arith.constant 1 : i32
      %dma_wait3A_136 = arith.constant 0 : i32
      %dma_wait3A_137 = arith.constant 0 : i32
      %dma_wait3A_138 = tpu.memref_slice %arg6[%dma_wait3A_135, %dma_wait3A_136, %dma_wait3A_137] : memref<2x512x32xf32, #tpu.memory_space<vmem>> -> memref<1x512x32xf32, #tpu.memory_space<vmem>>
      %dma_wait3A_139 = tpu.memref_squeeze %dma_wait3A_138 : memref<1x512x32xf32, #tpu.memory_space<vmem>> -> memref<512x32xf32, #tpu.memory_space<vmem>>
      %dma_wait3A_140 = arith.constant 0 : i32
      %dma_wait3A_141 = tpu.memref_slice %arg5[%add3A_134, %dma_wait3A_140] : memref<50x512xi32, #tpu.memory_space<vmem>> -> memref<1x512xi32, #tpu.memory_space<vmem>>
      %dma_wait3A_142 = tpu.memref_squeeze %dma_wait3A_141 : memref<1x512xi32, #tpu.memory_space<vmem>> -> memref<512xi32, #tpu.memory_space<vmem>>
      %dma_wait3A_143 = arith.constant 0 : i32
      %dma_wait3A_144 = arith.constant 0 : i32
      %dma_wait3A_145 = tpu.memref_slice %arg2[%dma_wait3A_143, %dma_wait3A_144] : memref<1000000x32xf32, #tpu.memory_space<hbm>> -> memref<1000000x32xf32, #tpu.memory_space<hbm>>
      tpu.wait_indirect_dma semaphore(%arg9 : memref<!tpu.dma_semaphore, #tpu.memory_space<semaphore_mem>>) src(%dma_wait3A_145 : memref<1000000x32xf32, #tpu.memory_space<hbm>>) dst(%dma_wait3A_139 : memref<512x32xf32, #tpu.memory_space<vmem>>)
      %gt3A_146 = arith.constant 0 : i32
      %gt3A_147 = arith.cmpi sgt, %scan3A_80, %gt3A_146 : i32
      %convert_element_type3A_148 = arith.extui %gt3A_147 : i1 to i32
      %cond3A_149 = arith.constant 0 : i32
      %cond3A_150 = arith.cmpi ne, %convert_element_type3A_148, %cond3A_149 : i32
      scf.if %cond3A_150 {
        %sub3A = arith.constant 2 : i32
        %sub3A_187 = arith.subi %add3A_134, %sub3A : i32
        %dma_wait3A_188 = arith.constant 1 : i32
        %dma_wait3A_189 = arith.constant 0 : i32
        %dma_wait3A_190 = arith.constant 0 : i32
        %dma_wait3A_191 = arith.constant 0 : i32
        %dma_wait3A_192 = arith.constant 0 : i32
        %dma_wait3A_193 = tpu.memref_slice %arg7[%dma_wait3A_188, %dma_wait3A_189, %dma_wait3A_190, %dma_wait3A_191, %dma_wait3A_192] : memref<2x4x4x8x129xf32, #tpu.memory_space<vmem>> -> memref<1x4x4x8x128xf32, #tpu.memory_space<vmem>>
        %dma_wait3A_194 = tpu.memref_squeeze %dma_wait3A_193 : memref<1x4x4x8x128xf32, #tpu.memory_space<vmem>> -> memref<4x4x8x128xf32, #tpu.memory_space<vmem>>
        %dma_wait3A_195 = arith.constant 0 : i32
        %dma_wait3A_196 = arith.constant 0 : i32
        %dma_wait3A_197 = arith.constant 0 : i32
        %dma_wait3A_198 = tpu.memref_slice %arg4[%sub3A_187, %dma_wait3A_195, %mul3A_2, %dma_wait3A_196, %dma_wait3A_197] : memref<50x4x128x8x128xf32, #tpu.memory_space<hbm>> -> memref<1x4x4x8x128xf32, #tpu.memory_space<hbm>>
        %dma_wait3A_199 = tpu.memref_squeeze %dma_wait3A_198 : memref<1x4x4x8x128xf32, #tpu.memory_space<hbm>> -> memref<4x4x8x128xf32, #tpu.memory_space<hbm>>
        %dma_wait3A_200 = arith.constant 0 : i32
        %dma_wait3A_201 = arith.constant 0 : i32
        %dma_wait3A_202 = arith.constant 0 : i32
        %dma_wait3A_203 = tpu.memref_slice %arg4[%sub3A_187, %dma_wait3A_200, %mul3A_2, %dma_wait3A_201, %dma_wait3A_202] : memref<50x4x128x8x128xf32, #tpu.memory_space<hbm>> -> memref<1x4x4x8x128xf32, #tpu.memory_space<hbm>>
        %dma_wait3A_204 = tpu.memref_squeeze %dma_wait3A_203 : memref<1x4x4x8x128xf32, #tpu.memory_space<hbm>> -> memref<4x4x8x128xf32, #tpu.memory_space<hbm>>
        %dma_wait3A_205 = arith.constant 0 : i32
        %dma_wait3A_206 = arith.constant 0 : i32
        %dma_wait3A_207 = arith.constant 0 : i32
        %dma_wait3A_208 = arith.constant 0 : i32
        %dma_wait3A_209 = tpu.memref_slice %arg7[%dma_wait3A_188, %dma_wait3A_205, %dma_wait3A_206, %dma_wait3A_207, %dma_wait3A_208] : memref<2x4x4x8x129xf32, #tpu.memory_space<vmem>> -> memref<1x4x4x8x128xf32, #tpu.memory_space<vmem>>
        %dma_wait3A_210 = tpu.memref_squeeze %dma_wait3A_209 : memref<1x4x4x8x128xf32, #tpu.memory_space<vmem>> -> memref<4x4x8x128xf32, #tpu.memory_space<vmem>>
        tpu.wait_dma2 semaphore(%arg11 : memref<!tpu.dma_semaphore, #tpu.memory_space<semaphore_mem>>) src(%dma_wait3A_210 : memref<4x4x8x128xf32, #tpu.memory_space<vmem>>) dst(%dma_wait3A_204 : memref<4x4x8x128xf32, #tpu.memory_space<hbm>>)
      } else {
      }
      %scan3A_151 = arith.constant 0 : i32
      %scan3A_152 = arith.constant 0 : i32
      %scan3A_153 = arith.constant 32 : i32
      %scan3A_154 = arith.addi %scan3A_152, %scan3A_153 : i32
      %scan3A_155 = arith.constant 1 : i32
      scf.for %scan3A_187 = %scan3A_152 to %scan3A_154 step %scan3A_155  : i32 {
        %mul3A_188 = arith.constant 16 : i32
        %mul3A_189 = arith.muli %scan3A_187, %mul3A_188 : i32
        %add3A_190 = arith.constant 0 : i32
        %add3A_191 = arith.addi %mul3A_189, %add3A_190 : i32
        %jit3A = arith.constant 128 : i32
        %div3A = arith.divsi %add3A_191, %jit3A : i32
        %sign3A = arith.constant 0 : i32
        %sign3A_192 = arith.cmpi sgt, %add3A_191, %sign3A : i32
        %sign3A_193 = arith.extui %sign3A_192 : i1 to i32
        %sign3A_194 = arith.constant 0 : i32
        %sign3A_195 = arith.cmpi slt, %add3A_191, %sign3A_194 : i32
        %sign3A_196 = arith.extui %sign3A_195 : i1 to i32
        %sign3A_197 = arith.subi %sign3A_193, %sign3A_196 : i32
        %sign3A_198 = arith.constant 0 : i32
        %sign3A_199 = arith.cmpi sgt, %jit3A, %sign3A_198 : i32
        %sign3A_200 = arith.extui %sign3A_199 : i1 to i32
        %sign3A_201 = arith.constant 0 : i32
        %sign3A_202 = arith.cmpi slt, %jit3A, %sign3A_201 : i32
        %sign3A_203 = arith.extui %sign3A_202 : i1 to i32
        %sign3A_204 = arith.subi %sign3A_200, %sign3A_203 : i32
        %ne3A = arith.cmpi ne, %sign3A_197, %sign3A_204 : i32
        %rem3A = arith.remsi %add3A_191, %jit3A : i32
        %ne3A_205 = arith.constant 0 : i32
        %ne3A_206 = arith.cmpi ne, %rem3A, %ne3A_205 : i32
        %and3A = arith.andi %ne3A, %ne3A_206 : i1
        %sub3A = arith.constant 1 : i32
        %sub3A_207 = arith.subi %div3A, %sub3A : i32
        %select_n3A = arith.select %and3A, %sub3A_207, %div3A : i32
        %rem3A_208 = arith.constant 128 : i32
        %rem3A_209 = arith.remsi %add3A_191, %rem3A_208 : i32
        %broadcast_in_dim3A = arith.constant 0 : i32
        %broadcast_in_dim3A_210 = vector.broadcast %broadcast_in_dim3A : i32 to vector<16xi32>
        %add3A_211 = vector.broadcast %select_n3A : i32 to vector<16xi32>
        %add3A_212 = arith.addi %broadcast_in_dim3A_210, %add3A_211 : vector<16xi32>
        %broadcast_in_dim3A_213 = arith.constant 0 : i32
        %broadcast_in_dim3A_214 = vector.broadcast %broadcast_in_dim3A_213 : i32 to vector<16xi32>
        %add3A_215 = vector.broadcast %rem3A_209 : i32 to vector<16xi32>
        %add3A_216 = arith.addi %broadcast_in_dim3A_214, %add3A_215 : vector<16xi32>
        %add3A_217 = arith.constant 0 : i32
        %add3A_218 = vector.broadcast %add3A_217 : i32 to vector<16xi32>
        %add3A_219 = arith.addi %iota3A, %add3A_218 : vector<16xi32>
        %get3A = arith.constant 1 : i32
        %get3A_220 = arith.index_cast %get3A : i32 to index
        %get3A_221 = arith.index_cast %add3A_191 : i32 to index
        %get3A_222 = arith.constant 0 : index
        %get3A_223 = tpu.vector_load %arg6[%get3A_220, %get3A_221, %get3A_222] {strides = array<i32>} : memref<2x512x32xf32, #tpu.memory_space<vmem>>, vector<16xf32>,
        %jit3A_224 = arith.constant 8 : i32
        %div3A_225 = vector.broadcast %jit3A_224 : i32 to vector<16xi32>
        %div3A_226 = arith.divsi %add3A_219, %div3A_225 : vector<16xi32>
        %sign3A_227 = arith.constant 0 : i32
        %sign3A_228 = vector.broadcast %sign3A_227 : i32 to vector<16xi32>
        %sign3A_229 = arith.cmpi sgt, %add3A_219, %sign3A_228 : vector<16xi32>
        %sign3A_230 = arith.extui %sign3A_229 : vector<16xi1> to vector<16xi32>
        %sign3A_231 = arith.constant 0 : i32
        %sign3A_232 = vector.broadcast %sign3A_231 : i32 to vector<16xi32>
        %sign3A_233 = arith.cmpi slt, %add3A_219, %sign3A_232 : vector<16xi32>
        %sign3A_234 = arith.extui %sign3A_233 : vector<16xi1> to vector<16xi32>
        %sign3A_235 = arith.subi %sign3A_230, %sign3A_234 : vector<16xi32>
        %sign3A_236 = arith.constant 0 : i32
        %sign3A_237 = arith.cmpi sgt, %jit3A_224, %sign3A_236 : i32
        %sign3A_238 = arith.extui %sign3A_237 : i1 to i32
        %sign3A_239 = arith.constant 0 : i32
        %sign3A_240 = arith.cmpi slt, %jit3A_224, %sign3A_239 : i32
        %sign3A_241 = arith.extui %sign3A_240 : i1 to i32
        %sign3A_242 = arith.subi %sign3A_238, %sign3A_241 : i32
        %ne3A_243 = vector.broadcast %sign3A_242 : i32 to vector<16xi32>
        %ne3A_244 = arith.cmpi ne, %sign3A_235, %ne3A_243 : vector<16xi32>
        %rem3A_245 = vector.broadcast %jit3A_224 : i32 to vector<16xi32>
        %rem3A_246 = arith.remsi %add3A_219, %rem3A_245 : vector<16xi32>
        %ne3A_247 = arith.constant 0 : i32
        %ne3A_248 = vector.broadcast %ne3A_247 : i32 to vector<16xi32>
        %ne3A_249 = arith.cmpi ne, %rem3A_246, %ne3A_248 : vector<16xi32>
        %and3A_250 = arith.andi %ne3A_244, %ne3A_249 : vector<16xi1>
        %sub3A_251 = arith.constant 1 : i32
        %sub3A_252 = vector.broadcast %sub3A_251 : i32 to vector<16xi32>
        %sub3A_253 = arith.subi %div3A_226, %sub3A_252 : vector<16xi32>
        %select_n3A_254 = arith.select %and3A_250, %sub3A_253, %div3A_226 : vector<16xi1>, vector<16xi32>
        %rem3A_255 = arith.constant 8 : i32
        %rem3A_256 = vector.broadcast %rem3A_255 : i32 to vector<16xi32>
        %rem3A_257 = arith.remsi %add3A_219, %rem3A_256 : vector<16xi32>
        %scatter3A = arith.constant 1 : i32
        %scatter3A_258 = arith.constant 0 : i32
        %scatter3A_259 = arith.constant 0 : i32
        %scatter3A_260 = arith.constant 0 : i32
        %scatter3A_261 = arith.constant 0 : i32
        %scatter3A_262 = tpu.memref_slice %arg7[%scatter3A, %scatter3A_258, %scatter3A_259, %scatter3A_260, %scatter3A_261] : memref<2x4x4x8x129xf32, #tpu.memory_space<vmem>> -> memref<1x4x4x8x129xf32, #tpu.memory_space<vmem>>
        %scatter3A_263 = tpu.memref_squeeze %scatter3A_262 : memref<1x4x4x8x129xf32, #tpu.memory_space<vmem>> -> memref<4x4x8x129xf32, #tpu.memory_space<vmem>>
        tpu.vector_store_idx %scatter3A_263[%select_n3A_254, %add3A_212, %rem3A_257, %add3A_216], %get3A_223 : memref<4x4x8x129xf32, #tpu.memory_space<vmem>>[vector<16xi32>, vector<16xi32>, vector<16xi32>, vector<16xi32>], vector<16xf32>,
        %add3A_264 = arith.constant 16 : i32
        %add3A_265 = vector.broadcast %add3A_264 : i32 to vector<16xi32>
        %add3A_266 = arith.addi %iota3A, %add3A_265 : vector<16xi32>
        %get3A_267 = arith.constant 1 : i32
        %get3A_268 = arith.index_cast %get3A_267 : i32 to index
        %get3A_269 = arith.index_cast %add3A_191 : i32 to index
        %get3A_270 = arith.constant 16 : index
        %get3A_271 = tpu.vector_load %arg6[%get3A_268, %get3A_269, %get3A_270] {strides = array<i32>} : memref<2x512x32xf32, #tpu.memory_space<vmem>>, vector<16xf32>,
        %jit3A_272 = arith.constant 8 : i32
        %div3A_273 = vector.broadcast %jit3A_272 : i32 to vector<16xi32>
        %div3A_274 = arith.divsi %add3A_266, %div3A_273 : vector<16xi32>
        %sign3A_275 = arith.constant 0 : i32
        %sign3A_276 = vector.broadcast %sign3A_275 : i32 to vector<16xi32>
        %sign3A_277 = arith.cmpi sgt, %add3A_266, %sign3A_276 : vector<16xi32>
        %sign3A_278 = arith.extui %sign3A_277 : vector<16xi1> to vector<16xi32>
        %sign3A_279 = arith.constant 0 : i32
        %sign3A_280 = vector.broadcast %sign3A_279 : i32 to vector<16xi32>
        %sign3A_281 = arith.cmpi slt, %add3A_266, %sign3A_280 : vector<16xi32>
        %sign3A_282 = arith.extui %sign3A_281 : vector<16xi1> to vector<16xi32>
        %sign3A_283 = arith.subi %sign3A_278, %sign3A_282 : vector<16xi32>
        %sign3A_284 = arith.constant 0 : i32
        %sign3A_285 = arith.cmpi sgt, %jit3A_272, %sign3A_284 : i32
        %sign3A_286 = arith.extui %sign3A_285 : i1 to i32
        %sign3A_287 = arith.constant 0 : i32
        %sign3A_288 = arith.cmpi slt, %jit3A_272, %sign3A_287 : i32
        %sign3A_289 = arith.extui %sign3A_288 : i1 to i32
        %sign3A_290 = arith.subi %sign3A_286, %sign3A_289 : i32
        %ne3A_291 = vector.broadcast %sign3A_290 : i32 to vector<16xi32>
        %ne3A_292 = arith.cmpi ne, %sign3A_283, %ne3A_291 : vector<16xi32>
        %rem3A_293 = vector.broadcast %jit3A_272 : i32 to vector<16xi32>
        %rem3A_294 = arith.remsi %add3A_266, %rem3A_293 : vector<16xi32>
        %ne3A_295 = arith.constant 0 : i32
        %ne3A_296 = vector.broadcast %ne3A_295 : i32 to vector<16xi32>
        %ne3A_297 = arith.cmpi ne, %rem3A_294, %ne3A_296 : vector<16xi32>
        %and3A_298 = arith.andi %ne3A_292, %ne3A_297 : vector<16xi1>
        %sub3A_299 = arith.constant 1 : i32
        %sub3A_300 = vector.broadcast %sub3A_299 : i32 to vector<16xi32>
        %sub3A_301 = arith.subi %div3A_274, %sub3A_300 : vector<16xi32>
        %select_n3A_302 = arith.select %and3A_298, %sub3A_301, %div3A_274 : vector<16xi1>, vector<16xi32>
        %rem3A_303 = arith.constant 8 : i32
        %rem3A_304 = vector.broadcast %rem3A_303 : i32 to vector<16xi32>
        %rem3A_305 = arith.remsi %add3A_266, %rem3A_304 : vector<16xi32>
        %scatter3A_306 = arith.constant 1 : i32
        %scatter3A_307 = arith.constant 0 : i32
        %scatter3A_308 = arith.constant 0 : i32
        %scatter3A_309 = arith.constant 0 : i32
        %scatter3A_310 = arith.constant 0 : i32
        %scatter3A_311 = tpu.memref_slice %arg7[%scatter3A_306, %scatter3A_307, %scatter3A_308, %scatter3A_309, %scatter3A_310] : memref<2x4x4x8x129xf32, #tpu.memory_space<vmem>> -> memref<1x4x4x8x129xf32, #tpu.memory_space<vmem>>
        %scatter3A_312 = tpu.memref_squeeze %scatter3A_311 : memref<1x4x4x8x129xf32, #tpu.memory_space<vmem>> -> memref<4x4x8x129xf32, #tpu.memory_space<vmem>>
        tpu.vector_store_idx %scatter3A_312[%select_n3A_302, %add3A_212, %rem3A_305, %add3A_216], %get3A_271 : memref<4x4x8x129xf32, #tpu.memory_space<vmem>>[vector<16xi32>, vector<16xi32>, vector<16xi32>, vector<16xi32>], vector<16xf32>,
        %mul3A_313 = arith.constant 16 : i32
        %mul3A_314 = arith.muli %scan3A_187, %mul3A_313 : i32
        %add3A_315 = arith.constant 1 : i32
        %add3A_316 = arith.addi %mul3A_314, %add3A_315 : i32
        %jit3A_317 = arith.constant 128 : i32
        %div3A_318 = arith.divsi %add3A_316, %jit3A_317 : i32
        %sign3A_319 = arith.constant 0 : i32
        %sign3A_320 = arith.cmpi sgt, %add3A_316, %sign3A_319 : i32
        %sign3A_321 = arith.extui %sign3A_320 : i1 to i32
        %sign3A_322 = arith.constant 0 : i32
        %sign3A_323 = arith.cmpi slt, %add3A_316, %sign3A_322 : i32
        %sign3A_324 = arith.extui %sign3A_323 : i1 to i32
        %sign3A_325 = arith.subi %sign3A_321, %sign3A_324 : i32
        %sign3A_326 = arith.constant 0 : i32
        %sign3A_327 = arith.cmpi sgt, %jit3A_317, %sign3A_326 : i32
        %sign3A_328 = arith.extui %sign3A_327 : i1 to i32
        %sign3A_329 = arith.constant 0 : i32
        %sign3A_330 = arith.cmpi slt, %jit3A_317, %sign3A_329 : i32
        %sign3A_331 = arith.extui %sign3A_330 : i1 to i32
        %sign3A_332 = arith.subi %sign3A_328, %sign3A_331 : i32
        %ne3A_333 = arith.cmpi ne, %sign3A_325, %sign3A_332 : i32
        %rem3A_334 = arith.remsi %add3A_316, %jit3A_317 : i32
        %ne3A_335 = arith.constant 0 : i32
        %ne3A_336 = arith.cmpi ne, %rem3A_334, %ne3A_335 : i32
        %and3A_337 = arith.andi %ne3A_333, %ne3A_336 : i1
        %sub3A_338 = arith.constant 1 : i32
        %sub3A_339 = arith.subi %div3A_318, %sub3A_338 : i32
        %select_n3A_340 = arith.select %and3A_337, %sub3A_339, %div3A_318 : i32
        %rem3A_341 = arith.constant 128 : i32
        %rem3A_342 = arith.remsi %add3A_316, %rem3A_341 : i32
        %broadcast_in_dim3A_343 = arith.constant 0 : i32
        %broadcast_in_dim3A_344 = vector.broadcast %broadcast_in_dim3A_343 : i32 to vector<16xi32>
        %add3A_345 = vector.broadcast %select_n3A_340 : i32 to vector<16xi32>
        %add3A_346 = arith.addi %broadcast_in_dim3A_344, %add3A_345 : vector<16xi32>
        %broadcast_in_dim3A_347 = arith.constant 0 : i32
        %broadcast_in_dim3A_348 = vector.broadcast %broadcast_in_dim3A_347 : i32 to vector<16xi32>
        %add3A_349 = vector.broadcast %rem3A_342 : i32 to vector<16xi32>
        %add3A_350 = arith.addi %broadcast_in_dim3A_348, %add3A_349 : vector<16xi32>
        %add3A_351 = arith.constant 0 : i32
        %add3A_352 = vector.broadcast %add3A_351 : i32 to vector<16xi32>
        %add3A_353 = arith.addi %iota3A, %add3A_352 : vector<16xi32>
        %get3A_354 = arith.constant 1 : i32
        %get3A_355 = arith.index_cast %get3A_354 : i32 to index
        %get3A_356 = arith.index_cast %add3A_316 : i32 to index
        %get3A_357 = arith.constant 0 : index
        %get3A_358 = tpu.vector_load %arg6[%get3A_355, %get3A_356, %get3A_357] {strides = array<i32>} : memref<2x512x32xf32, #tpu.memory_space<vmem>>, vector<16xf32>,
        %jit3A_359 = arith.constant 8 : i32
        %div3A_360 = vector.broadcast %jit3A_359 : i32 to vector<16xi32>
        %div3A_361 = arith.divsi %add3A_353, %div3A_360 : vector<16xi32>
        %sign3A_362 = arith.constant 0 : i32
        %sign3A_363 = vector.broadcast %sign3A_362 : i32 to vector<16xi32>
        %sign3A_364 = arith.cmpi sgt, %add3A_353, %sign3A_363 : vector<16xi32>
        %sign3A_365 = arith.extui %sign3A_364 : vector<16xi1> to vector<16xi32>
        %sign3A_366 = arith.constant 0 : i32
        %sign3A_367 = vector.broadcast %sign3A_366 : i32 to vector<16xi32>
        %sign3A_368 = arith.cmpi slt, %add3A_353, %sign3A_367 : vector<16xi32>
        %sign3A_369 = arith.extui %sign3A_368 : vector<16xi1> to vector<16xi32>
        %sign3A_370 = arith.subi %sign3A_365, %sign3A_369 : vector<16xi32>
        %sign3A_371 = arith.constant 0 : i32
        %sign3A_372 = arith.cmpi sgt, %jit3A_359, %sign3A_371 : i32
        %sign3A_373 = arith.extui %sign3A_372 : i1 to i32
        %sign3A_374 = arith.constant 0 : i32
        %sign3A_375 = arith.cmpi slt, %jit3A_359, %sign3A_374 : i32
        %sign3A_376 = arith.extui %sign3A_375 : i1 to i32
        %sign3A_377 = arith.subi %sign3A_373, %sign3A_376 : i32
        %ne3A_378 = vector.broadcast %sign3A_377 : i32 to vector<16xi32>
        %ne3A_379 = arith.cmpi ne, %sign3A_370, %ne3A_378 : vector<16xi32>
        %rem3A_380 = vector.broadcast %jit3A_359 : i32 to vector<16xi32>
        %rem3A_381 = arith.remsi %add3A_353, %rem3A_380 : vector<16xi32>
        %ne3A_382 = arith.constant 0 : i32
        %ne3A_383 = vector.broadcast %ne3A_382 : i32 to vector<16xi32>
        %ne3A_384 = arith.cmpi ne, %rem3A_381, %ne3A_383 : vector<16xi32>
        %and3A_385 = arith.andi %ne3A_379, %ne3A_384 : vector<16xi1>
        %sub3A_386 = arith.constant 1 : i32
        %sub3A_387 = vector.broadcast %sub3A_386 : i32 to vector<16xi32>
        %sub3A_388 = arith.subi %div3A_361, %sub3A_387 : vector<16xi32>
        %select_n3A_389 = arith.select %and3A_385, %sub3A_388, %div3A_361 : vector<16xi1>, vector<16xi32>
        %rem3A_390 = arith.constant 8 : i32
        %rem3A_391 = vector.broadcast %rem3A_390 : i32 to vector<16xi32>
        %rem3A_392 = arith.remsi %add3A_353, %rem3A_391 : vector<16xi32>
        %scatter3A_393 = arith.constant 1 : i32
        %scatter3A_394 = arith.constant 0 : i32
        %scatter3A_395 = arith.constant 0 : i32
        %scatter3A_396 = arith.constant 0 : i32
        %scatter3A_397 = arith.constant 0 : i32
        %scatter3A_398 = tpu.memref_slice %arg7[%scatter3A_393, %scatter3A_394, %scatter3A_395, %scatter3A_396, %scatter3A_397] : memref<2x4x4x8x129xf32, #tpu.memory_space<vmem>> -> memref<1x4x4x8x129xf32, #tpu.memory_space<vmem>>
        %scatter3A_399 = tpu.memref_squeeze %scatter3A_398 : memref<1x4x4x8x129xf32, #tpu.memory_space<vmem>> -> memref<4x4x8x129xf32, #tpu.memory_space<vmem>>
        tpu.vector_store_idx %scatter3A_399[%select_n3A_389, %add3A_346, %rem3A_392, %add3A_350], %get3A_358 : memref<4x4x8x129xf32, #tpu.memory_space<vmem>>[vector<16xi32>, vector<16xi32>, vector<16xi32>, vector<16xi32>], vector<16xf32>,
        %add3A_400 = arith.constant 16 : i32
        %add3A_401 = vector.broadcast %add3A_400 : i32 to vector<16xi32>
        %add3A_402 = arith.addi %iota3A, %add3A_401 : vector<16xi32>
        %get3A_403 = arith.constant 1 : i32
        %get3A_404 = arith.index_cast %get3A_403 : i32 to index
        %get3A_405 = arith.index_cast %add3A_316 : i32 to index
        %get3A_406 = arith.constant 16 : index
        %get3A_407 = tpu.vector_load %arg6[%get3A_404, %get3A_405, %get3A_406] {strides = array<i32>} : memref<2x512x32xf32, #tpu.memory_space<vmem>>, vector<16xf32>,
        %jit3A_408 = arith.constant 8 : i32
        %div3A_409 = vector.broadcast %jit3A_408 : i32 to vector<16xi32>
        %div3A_410 = arith.divsi %add3A_402, %div3A_409 : vector<16xi32>
        %sign3A_411 = arith.constant 0 : i32
        %sign3A_412 = vector.broadcast %sign3A_411 : i32 to vector<16xi32>
        %sign3A_413 = arith.cmpi sgt, %add3A_402, %sign3A_412 : vector<16xi32>
        %sign3A_414 = arith.extui %sign3A_413 : vector<16xi1> to vector<16xi32>
        %sign3A_415 = arith.constant 0 : i32
        %sign3A_416 = vector.broadcast %sign3A_415 : i32 to vector<16xi32>
        %sign3A_417 = arith.cmpi slt, %add3A_402, %sign3A_416 : vector<16xi32>
        %sign3A_418 = arith.extui %sign3A_417 : vector<16xi1> to vector<16xi32>
        %sign3A_419 = arith.subi %sign3A_414, %sign3A_418 : vector<16xi32>
        %sign3A_420 = arith.constant 0 : i32
        %sign3A_421 = arith.cmpi sgt, %jit3A_408, %sign3A_420 : i32
        %sign3A_422 = arith.extui %sign3A_421 : i1 to i32
        %sign3A_423 = arith.constant 0 : i32
        %sign3A_424 = arith.cmpi slt, %jit3A_408, %sign3A_423 : i32
        %sign3A_425 = arith.extui %sign3A_424 : i1 to i32
        %sign3A_426 = arith.subi %sign3A_422, %sign3A_425 : i32
        %ne3A_427 = vector.broadcast %sign3A_426 : i32 to vector<16xi32>
        %ne3A_428 = arith.cmpi ne, %sign3A_419, %ne3A_427 : vector<16xi32>
        %rem3A_429 = vector.broadcast %jit3A_408 : i32 to vector<16xi32>
        %rem3A_430 = arith.remsi %add3A_402, %rem3A_429 : vector<16xi32>
        %ne3A_431 = arith.constant 0 : i32
        %ne3A_432 = vector.broadcast %ne3A_431 : i32 to vector<16xi32>
        %ne3A_433 = arith.cmpi ne, %rem3A_430, %ne3A_432 : vector<16xi32>
        %and3A_434 = arith.andi %ne3A_428, %ne3A_433 : vector<16xi1>
        %sub3A_435 = arith.constant 1 : i32
        %sub3A_436 = vector.broadcast %sub3A_435 : i32 to vector<16xi32>
        %sub3A_437 = arith.subi %div3A_410, %sub3A_436 : vector<16xi32>
        %select_n3A_438 = arith.select %and3A_434, %sub3A_437, %div3A_410 : vector<16xi1>, vector<16xi32>
        %rem3A_439 = arith.constant 8 : i32
        %rem3A_440 = vector.broadcast %rem3A_439 : i32 to vector<16xi32>
        %rem3A_441 = arith.remsi %add3A_402, %rem3A_440 : vector<16xi32>
        %scatter3A_442 = arith.constant 1 : i32
        %scatter3A_443 = arith.constant 0 : i32
        %scatter3A_444 = arith.constant 0 : i32
        %scatter3A_445 = arith.constant 0 : i32
        %scatter3A_446 = arith.constant 0 : i32
        %scatter3A_447 = tpu.memref_slice %arg7[%scatter3A_442, %scatter3A_443, %scatter3A_444, %scatter3A_445, %scatter3A_446] : memref<2x4x4x8x129xf32, #tpu.memory_space<vmem>> -> memref<1x4x4x8x129xf32, #tpu.memory_space<vmem>>
        %scatter3A_448 = tpu.memref_squeeze %scatter3A_447 : memref<1x4x4x8x129xf32, #tpu.memory_space<vmem>> -> memref<4x4x8x129xf32, #tpu.memory_space<vmem>>
        tpu.vector_store_idx %scatter3A_448[%select_n3A_438, %add3A_346, %rem3A_441, %add3A_350], %get3A_407 : memref<4x4x8x129xf32, #tpu.memory_space<vmem>>[vector<16xi32>, vector<16xi32>, vector<16xi32>, vector<16xi32>], vector<16xf32>,
        %mul3A_449 = arith.constant 16 : i32
        %mul3A_450 = arith.muli %scan3A_187, %mul3A_449 : i32
        %add3A_451 = arith.constant 2 : i32
        %add3A_452 = arith.addi %mul3A_450, %add3A_451 : i32
        %jit3A_453 = arith.constant 128 : i32
        %div3A_454 = arith.divsi %add3A_452, %jit3A_453 : i32
        %sign3A_455 = arith.constant 0 : i32
        %sign3A_456 = arith.cmpi sgt, %add3A_452, %sign3A_455 : i32
        %sign3A_457 = arith.extui %sign3A_456 : i1 to i32
        %sign3A_458 = arith.constant 0 : i32
        %sign3A_459 = arith.cmpi slt, %add3A_452, %sign3A_458 : i32
        %sign3A_460 = arith.extui %sign3A_459 : i1 to i32
        %sign3A_461 = arith.subi %sign3A_457, %sign3A_460 : i32
        %sign3A_462 = arith.constant 0 : i32
        %sign3A_463 = arith.cmpi sgt, %jit3A_453, %sign3A_462 : i32
        %sign3A_464 = arith.extui %sign3A_463 : i1 to i32
        %sign3A_465 = arith.constant 0 : i32
        %sign3A_466 = arith.cmpi slt, %jit3A_453, %sign3A_465 : i32
        %sign3A_467 = arith.extui %sign3A_466 : i1 to i32
        %sign3A_468 = arith.subi %sign3A_464, %sign3A_467 : i32
        %ne3A_469 = arith.cmpi ne, %sign3A_461, %sign3A_468 : i32
        %rem3A_470 = arith.remsi %add3A_452, %jit3A_453 : i32
        %ne3A_471 = arith.constant 0 : i32
        %ne3A_472 = arith.cmpi ne, %rem3A_470, %ne3A_471 : i32
        %and3A_473 = arith.andi %ne3A_469, %ne3A_472 : i1
        %sub3A_474 = arith.constant 1 : i32
        %sub3A_475 = arith.subi %div3A_454, %sub3A_474 : i32
        %select_n3A_476 = arith.select %and3A_473, %sub3A_475, %div3A_454 : i32
        %rem3A_477 = arith.constant 128 : i32
        %rem3A_478 = arith.remsi %add3A_452, %rem3A_477 : i32
        %broadcast_in_dim3A_479 = arith.constant 0 : i32
        %broadcast_in_dim3A_480 = vector.broadcast %broadcast_in_dim3A_479 : i32 to vector<16xi32>
        %add3A_481 = vector.broadcast %select_n3A_476 : i32 to vector<16xi32>
        %add3A_482 = arith.addi %broadcast_in_dim3A_480, %add3A_481 : vector<16xi32>
        %broadcast_in_dim3A_483 = arith.constant 0 : i32
        %broadcast_in_dim3A_484 = vector.broadcast %broadcast_in_dim3A_483 : i32 to vector<16xi32>
        %add3A_485 = vector.broadcast %rem3A_478 : i32 to vector<16xi32>
        %add3A_486 = arith.addi %broadcast_in_dim3A_484, %add3A_485 : vector<16xi32>
        %add3A_487 = arith.constant 0 : i32
        %add3A_488 = vector.broadcast %add3A_487 : i32 to vector<16xi32>
        %add3A_489 = arith.addi %iota3A, %add3A_488 : vector<16xi32>
        %get3A_490 = arith.constant 1 : i32
        %get3A_491 = arith.index_cast %get3A_490 : i32 to index
        %get3A_492 = arith.index_cast %add3A_452 : i32 to index
        %get3A_493 = arith.constant 0 : index
        %get3A_494 = tpu.vector_load %arg6[%get3A_491, %get3A_492, %get3A_493] {strides = array<i32>} : memref<2x512x32xf32, #tpu.memory_space<vmem>>, vector<16xf32>,
        %jit3A_495 = arith.constant 8 : i32
        %div3A_496 = vector.broadcast %jit3A_495 : i32 to vector<16xi32>
        %div3A_497 = arith.divsi %add3A_489, %div3A_496 : vector<16xi32>
        %sign3A_498 = arith.constant 0 : i32
        %sign3A_499 = vector.broadcast %sign3A_498 : i32 to vector<16xi32>
        %sign3A_500 = arith.cmpi sgt, %add3A_489, %sign3A_499 : vector<16xi32>
        %sign3A_501 = arith.extui %sign3A_500 : vector<16xi1> to vector<16xi32>
        %sign3A_502 = arith.constant 0 : i32
        %sign3A_503 = vector.broadcast %sign3A_502 : i32 to vector<16xi32>
        %sign3A_504 = arith.cmpi slt, %add3A_489, %sign3A_503 : vector<16xi32>
        %sign3A_505 = arith.extui %sign3A_504 : vector<16xi1> to vector<16xi32>
        %sign3A_506 = arith.subi %sign3A_501, %sign3A_505 : vector<16xi32>
        %sign3A_507 = arith.constant 0 : i32
        %sign3A_508 = arith.cmpi sgt, %jit3A_495, %sign3A_507 : i32
        %sign3A_509 = arith.extui %sign3A_508 : i1 to i32
        %sign3A_510 = arith.constant 0 : i32
        %sign3A_511 = arith.cmpi slt, %jit3A_495, %sign3A_510 : i32
        %sign3A_512 = arith.extui %sign3A_511 : i1 to i32
        %sign3A_513 = arith.subi %sign3A_509, %sign3A_512 : i32
        %ne3A_514 = vector.broadcast %sign3A_513 : i32 to vector<16xi32>
        %ne3A_515 = arith.cmpi ne, %sign3A_506, %ne3A_514 : vector<16xi32>
        %rem3A_516 = vector.broadcast %jit3A_495 : i32 to vector<16xi32>
        %rem3A_517 = arith.remsi %add3A_489, %rem3A_516 : vector<16xi32>
        %ne3A_518 = arith.constant 0 : i32
        %ne3A_519 = vector.broadcast %ne3A_518 : i32 to vector<16xi32>
        %ne3A_520 = arith.cmpi ne, %rem3A_517, %ne3A_519 : vector<16xi32>
        %and3A_521 = arith.andi %ne3A_515, %ne3A_520 : vector<16xi1>
        %sub3A_522 = arith.constant 1 : i32
        %sub3A_523 = vector.broadcast %sub3A_522 : i32 to vector<16xi32>
        %sub3A_524 = arith.subi %div3A_497, %sub3A_523 : vector<16xi32>
        %select_n3A_525 = arith.select %and3A_521, %sub3A_524, %div3A_497 : vector<16xi1>, vector<16xi32>
        %rem3A_526 = arith.constant 8 : i32
        %rem3A_527 = vector.broadcast %rem3A_526 : i32 to vector<16xi32>
        %rem3A_528 = arith.remsi %add3A_489, %rem3A_527 : vector<16xi32>
        %scatter3A_529 = arith.constant 1 : i32
        %scatter3A_530 = arith.constant 0 : i32
        %scatter3A_531 = arith.constant 0 : i32
        %scatter3A_532 = arith.constant 0 : i32
        %scatter3A_533 = arith.constant 0 : i32
        %scatter3A_534 = tpu.memref_slice %arg7[%scatter3A_529, %scatter3A_530, %scatter3A_531, %scatter3A_532, %scatter3A_533] : memref<2x4x4x8x129xf32, #tpu.memory_space<vmem>> -> memref<1x4x4x8x129xf32, #tpu.memory_space<vmem>>
        %scatter3A_535 = tpu.memref_squeeze %scatter3A_534 : memref<1x4x4x8x129xf32, #tpu.memory_space<vmem>> -> memref<4x4x8x129xf32, #tpu.memory_space<vmem>>
        tpu.vector_store_idx %scatter3A_535[%select_n3A_525, %add3A_482, %rem3A_528, %add3A_486], %get3A_494 : memref<4x4x8x129xf32, #tpu.memory_space<vmem>>[vector<16xi32>, vector<16xi32>, vector<16xi32>, vector<16xi32>], vector<16xf32>,
        %add3A_536 = arith.constant 16 : i32
        %add3A_537 = vector.broadcast %add3A_536 : i32 to vector<16xi32>
        %add3A_538 = arith.addi %iota3A, %add3A_537 : vector<16xi32>
        %get3A_539 = arith.constant 1 : i32
        %get3A_540 = arith.index_cast %get3A_539 : i32 to index
        %get3A_541 = arith.index_cast %add3A_452 : i32 to index
        %get3A_542 = arith.constant 16 : index
        %get3A_543 = tpu.vector_load %arg6[%get3A_540, %get3A_541, %get3A_542] {strides = array<i32>} : memref<2x512x32xf32, #tpu.memory_space<vmem>>, vector<16xf32>,
        %jit3A_544 = arith.constant 8 : i32
        %div3A_545 = vector.broadcast %jit3A_544 : i32 to vector<16xi32>
        %div3A_546 = arith.divsi %add3A_538, %div3A_545 : vector<16xi32>
        %sign3A_547 = arith.constant 0 : i32
        %sign3A_548 = vector.broadcast %sign3A_547 : i32 to vector<16xi32>
        %sign3A_549 = arith.cmpi sgt, %add3A_538, %sign3A_548 : vector<16xi32>
        %sign3A_550 = arith.extui %sign3A_549 : vector<16xi1> to vector<16xi32>
        %sign3A_551 = arith.constant 0 : i32
        %sign3A_552 = vector.broadcast %sign3A_551 : i32 to vector<16xi32>
        %sign3A_553 = arith.cmpi slt, %add3A_538, %sign3A_552 : vector<16xi32>
        %sign3A_554 = arith.extui %sign3A_553 : vector<16xi1> to vector<16xi32>
        %sign3A_555 = arith.subi %sign3A_550, %sign3A_554 : vector<16xi32>
        %sign3A_556 = arith.constant 0 : i32
        %sign3A_557 = arith.cmpi sgt, %jit3A_544, %sign3A_556 : i32
        %sign3A_558 = arith.extui %sign3A_557 : i1 to i32
        %sign3A_559 = arith.constant 0 : i32
        %sign3A_560 = arith.cmpi slt, %jit3A_544, %sign3A_559 : i32
        %sign3A_561 = arith.extui %sign3A_560 : i1 to i32
        %sign3A_562 = arith.subi %sign3A_558, %sign3A_561 : i32
        %ne3A_563 = vector.broadcast %sign3A_562 : i32 to vector<16xi32>
        %ne3A_564 = arith.cmpi ne, %sign3A_555, %ne3A_563 : vector<16xi32>
        %rem3A_565 = vector.broadcast %jit3A_544 : i32 to vector<16xi32>
        %rem3A_566 = arith.remsi %add3A_538, %rem3A_565 : vector<16xi32>
        %ne3A_567 = arith.constant 0 : i32
        %ne3A_568 = vector.broadcast %ne3A_567 : i32 to vector<16xi32>
        %ne3A_569 = arith.cmpi ne, %rem3A_566, %ne3A_568 : vector<16xi32>
        %and3A_570 = arith.andi %ne3A_564, %ne3A_569 : vector<16xi1>
        %sub3A_571 = arith.constant 1 : i32
        %sub3A_572 = vector.broadcast %sub3A_571 : i32 to vector<16xi32>
        %sub3A_573 = arith.subi %div3A_546, %sub3A_572 : vector<16xi32>
        %select_n3A_574 = arith.select %and3A_570, %sub3A_573, %div3A_546 : vector<16xi1>, vector<16xi32>
        %rem3A_575 = arith.constant 8 : i32
        %rem3A_576 = vector.broadcast %rem3A_575 : i32 to vector<16xi32>
        %rem3A_577 = arith.remsi %add3A_538, %rem3A_576 : vector<16xi32>
        %scatter3A_578 = arith.constant 1 : i32
        %scatter3A_579 = arith.constant 0 : i32
        %scatter3A_580 = arith.constant 0 : i32
        %scatter3A_581 = arith.constant 0 : i32
        %scatter3A_582 = arith.constant 0 : i32
        %scatter3A_583 = tpu.memref_slice %arg7[%scatter3A_578, %scatter3A_579, %scatter3A_580, %scatter3A_581, %scatter3A_582] : memref<2x4x4x8x129xf32, #tpu.memory_space<vmem>> -> memref<1x4x4x8x129xf32, #tpu.memory_space<vmem>>
        %scatter3A_584 = tpu.memref_squeeze %scatter3A_583 : memref<1x4x4x8x129xf32, #tpu.memory_space<vmem>> -> memref<4x4x8x129xf32, #tpu.memory_space<vmem>>
        tpu.vector_store_idx %scatter3A_584[%select_n3A_574, %add3A_482, %rem3A_577, %add3A_486], %get3A_543 : memref<4x4x8x129xf32, #tpu.memory_space<vmem>>[vector<16xi32>, vector<16xi32>, vector<16xi32>, vector<16xi32>], vector<16xf32>,
        %mul3A_585 = arith.constant 16 : i32
        %mul3A_586 = arith.muli %scan3A_187, %mul3A_585 : i32
        %add3A_587 = arith.constant 3 : i32
        %add3A_588 = arith.addi %mul3A_586, %add3A_587 : i32
        %jit3A_589 = arith.constant 128 : i32
        %div3A_590 = arith.divsi %add3A_588, %jit3A_589 : i32
        %sign3A_591 = arith.constant 0 : i32
        %sign3A_592 = arith.cmpi sgt, %add3A_588, %sign3A_591 : i32
        %sign3A_593 = arith.extui %sign3A_592 : i1 to i32
        %sign3A_594 = arith.constant 0 : i32
        %sign3A_595 = arith.cmpi slt, %add3A_588, %sign3A_594 : i32
        %sign3A_596 = arith.extui %sign3A_595 : i1 to i32
        %sign3A_597 = arith.subi %sign3A_593, %sign3A_596 : i32
        %sign3A_598 = arith.constant 0 : i32
        %sign3A_599 = arith.cmpi sgt, %jit3A_589, %sign3A_598 : i32
        %sign3A_600 = arith.extui %sign3A_599 : i1 to i32
        %sign3A_601 = arith.constant 0 : i32
        %sign3A_602 = arith.cmpi slt, %jit3A_589, %sign3A_601 : i32
        %sign3A_603 = arith.extui %sign3A_602 : i1 to i32
        %sign3A_604 = arith.subi %sign3A_600, %sign3A_603 : i32
        %ne3A_605 = arith.cmpi ne, %sign3A_597, %sign3A_604 : i32
        %rem3A_606 = arith.remsi %add3A_588, %jit3A_589 : i32
        %ne3A_607 = arith.constant 0 : i32
        %ne3A_608 = arith.cmpi ne, %rem3A_606, %ne3A_607 : i32
        %and3A_609 = arith.andi %ne3A_605, %ne3A_608 : i1
        %sub3A_610 = arith.constant 1 : i32
        %sub3A_611 = arith.subi %div3A_590, %sub3A_610 : i32
        %select_n3A_612 = arith.select %and3A_609, %sub3A_611, %div3A_590 : i32
        %rem3A_613 = arith.constant 128 : i32
        %rem3A_614 = arith.remsi %add3A_588, %rem3A_613 : i32
        %broadcast_in_dim3A_615 = arith.constant 0 : i32
        %broadcast_in_dim3A_616 = vector.broadcast %broadcast_in_dim3A_615 : i32 to vector<16xi32>
        %add3A_617 = vector.broadcast %select_n3A_612 : i32 to vector<16xi32>
        %add3A_618 = arith.addi %broadcast_in_dim3A_616, %add3A_617 : vector<16xi32>
        %broadcast_in_dim3A_619 = arith.constant 0 : i32
        %broadcast_in_dim3A_620 = vector.broadcast %broadcast_in_dim3A_619 : i32 to vector<16xi32>
        %add3A_621 = vector.broadcast %rem3A_614 : i32 to vector<16xi32>
        %add3A_622 = arith.addi %broadcast_in_dim3A_620, %add3A_621 : vector<16xi32>
        %add3A_623 = arith.constant 0 : i32
        %add3A_624 = vector.broadcast %add3A_623 : i32 to vector<16xi32>
        %add3A_625 = arith.addi %iota3A, %add3A_624 : vector<16xi32>
        %get3A_626 = arith.constant 1 : i32
        %get3A_627 = arith.index_cast %get3A_626 : i32 to index
        %get3A_628 = arith.index_cast %add3A_588 : i32 to index
        %get3A_629 = arith.constant 0 : index
        %get3A_630 = tpu.vector_load %arg6[%get3A_627, %get3A_628, %get3A_629] {strides = array<i32>} : memref<2x512x32xf32, #tpu.memory_space<vmem>>, vector<16xf32>,
        %jit3A_631 = arith.constant 8 : i32
        %div3A_632 = vector.broadcast %jit3A_631 : i32 to vector<16xi32>
        %div3A_633 = arith.divsi %add3A_625, %div3A_632 : vector<16xi32>
        %sign3A_634 = arith.constant 0 : i32
        %sign3A_635 = vector.broadcast %sign3A_634 : i32 to vector<16xi32>
        %sign3A_636 = arith.cmpi sgt, %add3A_625, %sign3A_635 : vector<16xi32>
        %sign3A_637 = arith.extui %sign3A_636 : vector<16xi1> to vector<16xi32>
        %sign3A_638 = arith.constant 0 : i32
        %sign3A_639 = vector.broadcast %sign3A_638 : i32 to vector<16xi32>
        %sign3A_640 = arith.cmpi slt, %add3A_625, %sign3A_639 : vector<16xi32>
        %sign3A_641 = arith.extui %sign3A_640 : vector<16xi1> to vector<16xi32>
        %sign3A_642 = arith.subi %sign3A_637, %sign3A_641 : vector<16xi32>
        %sign3A_643 = arith.constant 0 : i32
        %sign3A_644 = arith.cmpi sgt, %jit3A_631, %sign3A_643 : i32
        %sign3A_645 = arith.extui %sign3A_644 : i1 to i32
        %sign3A_646 = arith.constant 0 : i32
        %sign3A_647 = arith.cmpi slt, %jit3A_631, %sign3A_646 : i32
        %sign3A_648 = arith.extui %sign3A_647 : i1 to i32
        %sign3A_649 = arith.subi %sign3A_645, %sign3A_648 : i32
        %ne3A_650 = vector.broadcast %sign3A_649 : i32 to vector<16xi32>
        %ne3A_651 = arith.cmpi ne, %sign3A_642, %ne3A_650 : vector<16xi32>
        %rem3A_652 = vector.broadcast %jit3A_631 : i32 to vector<16xi32>
        %rem3A_653 = arith.remsi %add3A_625, %rem3A_652 : vector<16xi32>
        %ne3A_654 = arith.constant 0 : i32
        %ne3A_655 = vector.broadcast %ne3A_654 : i32 to vector<16xi32>
        %ne3A_656 = arith.cmpi ne, %rem3A_653, %ne3A_655 : vector<16xi32>
        %and3A_657 = arith.andi %ne3A_651, %ne3A_656 : vector<16xi1>
        %sub3A_658 = arith.constant 1 : i32
        %sub3A_659 = vector.broadcast %sub3A_658 : i32 to vector<16xi32>
        %sub3A_660 = arith.subi %div3A_633, %sub3A_659 : vector<16xi32>
        %select_n3A_661 = arith.select %and3A_657, %sub3A_660, %div3A_633 : vector<16xi1>, vector<16xi32>
        %rem3A_662 = arith.constant 8 : i32
        %rem3A_663 = vector.broadcast %rem3A_662 : i32 to vector<16xi32>
        %rem3A_664 = arith.remsi %add3A_625, %rem3A_663 : vector<16xi32>
        %scatter3A_665 = arith.constant 1 : i32
        %scatter3A_666 = arith.constant 0 : i32
        %scatter3A_667 = arith.constant 0 : i32
        %scatter3A_668 = arith.constant 0 : i32
        %scatter3A_669 = arith.constant 0 : i32
        %scatter3A_670 = tpu.memref_slice %arg7[%scatter3A_665, %scatter3A_666, %scatter3A_667, %scatter3A_668, %scatter3A_669] : memref<2x4x4x8x129xf32, #tpu.memory_space<vmem>> -> memref<1x4x4x8x129xf32, #tpu.memory_space<vmem>>
        %scatter3A_671 = tpu.memref_squeeze %scatter3A_670 : memref<1x4x4x8x129xf32, #tpu.memory_space<vmem>> -> memref<4x4x8x129xf32, #tpu.memory_space<vmem>>
        tpu.vector_store_idx %scatter3A_671[%select_n3A_661, %add3A_618, %rem3A_664, %add3A_622], %get3A_630 : memref<4x4x8x129xf32, #tpu.memory_space<vmem>>[vector<16xi32>, vector<16xi32>, vector<16xi32>, vector<16xi32>], vector<16xf32>,
        %add3A_672 = arith.constant 16 : i32
        %add3A_673 = vector.broadcast %add3A_672 : i32 to vector<16xi32>
        %add3A_674 = arith.addi %iota3A, %add3A_673 : vector<16xi32>
        %get3A_675 = arith.constant 1 : i32
        %get3A_676 = arith.index_cast %get3A_675 : i32 to index
        %get3A_677 = arith.index_cast %add3A_588 : i32 to index
        %get3A_678 = arith.constant 16 : index
        %get3A_679 = tpu.vector_load %arg6[%get3A_676, %get3A_677, %get3A_678] {strides = array<i32>} : memref<2x512x32xf32, #tpu.memory_space<vmem>>, vector<16xf32>,
        %jit3A_680 = arith.constant 8 : i32
        %div3A_681 = vector.broadcast %jit3A_680 : i32 to vector<16xi32>
        %div3A_682 = arith.divsi %add3A_674, %div3A_681 : vector<16xi32>
        %sign3A_683 = arith.constant 0 : i32
        %sign3A_684 = vector.broadcast %sign3A_683 : i32 to vector<16xi32>
        %sign3A_685 = arith.cmpi sgt, %add3A_674, %sign3A_684 : vector<16xi32>
        %sign3A_686 = arith.extui %sign3A_685 : vector<16xi1> to vector<16xi32>
        %sign3A_687 = arith.constant 0 : i32
        %sign3A_688 = vector.broadcast %sign3A_687 : i32 to vector<16xi32>
        %sign3A_689 = arith.cmpi slt, %add3A_674, %sign3A_688 : vector<16xi32>
        %sign3A_690 = arith.extui %sign3A_689 : vector<16xi1> to vector<16xi32>
        %sign3A_691 = arith.subi %sign3A_686, %sign3A_690 : vector<16xi32>
        %sign3A_692 = arith.constant 0 : i32
        %sign3A_693 = arith.cmpi sgt, %jit3A_680, %sign3A_692 : i32
        %sign3A_694 = arith.extui %sign3A_693 : i1 to i32
        %sign3A_695 = arith.constant 0 : i32
        %sign3A_696 = arith.cmpi slt, %jit3A_680, %sign3A_695 : i32
        %sign3A_697 = arith.extui %sign3A_696 : i1 to i32
        %sign3A_698 = arith.subi %sign3A_694, %sign3A_697 : i32
        %ne3A_699 = vector.broadcast %sign3A_698 : i32 to vector<16xi32>
        %ne3A_700 = arith.cmpi ne, %sign3A_691, %ne3A_699 : vector<16xi32>
        %rem3A_701 = vector.broadcast %jit3A_680 : i32 to vector<16xi32>
        %rem3A_702 = arith.remsi %add3A_674, %rem3A_701 : vector<16xi32>
        %ne3A_703 = arith.constant 0 : i32
        %ne3A_704 = vector.broadcast %ne3A_703 : i32 to vector<16xi32>
        %ne3A_705 = arith.cmpi ne, %rem3A_702, %ne3A_704 : vector<16xi32>
        %and3A_706 = arith.andi %ne3A_700, %ne3A_705 : vector<16xi1>
        %sub3A_707 = arith.constant 1 : i32
        %sub3A_708 = vector.broadcast %sub3A_707 : i32 to vector<16xi32>
        %sub3A_709 = arith.subi %div3A_682, %sub3A_708 : vector<16xi32>
        %select_n3A_710 = arith.select %and3A_706, %sub3A_709, %div3A_682 : vector<16xi1>, vector<16xi32>
        %rem3A_711 = arith.constant 8 : i32
        %rem3A_712 = vector.broadcast %rem3A_711 : i32 to vector<16xi32>
        %rem3A_713 = arith.remsi %add3A_674, %rem3A_712 : vector<16xi32>
        %scatter3A_714 = arith.constant 1 : i32
        %scatter3A_715 = arith.constant 0 : i32
        %scatter3A_716 = arith.constant 0 : i32
        %scatter3A_717 = arith.constant 0 : i32
        %scatter3A_718 = arith.constant 0 : i32
        %scatter3A_719 = tpu.memref_slice %arg7[%scatter3A_714, %scatter3A_715, %scatter3A_716, %scatter3A_717, %scatter3A_718] : memref<2x4x4x8x129xf32, #tpu.memory_space<vmem>> -> memref<1x4x4x8x129xf32, #tpu.memory_space<vmem>>
        %scatter3A_720 = tpu.memref_squeeze %scatter3A_719 : memref<1x4x4x8x129xf32, #tpu.memory_space<vmem>> -> memref<4x4x8x129xf32, #tpu.memory_space<vmem>>
        tpu.vector_store_idx %scatter3A_720[%select_n3A_710, %add3A_618, %rem3A_713, %add3A_622], %get3A_679 : memref<4x4x8x129xf32, #tpu.memory_space<vmem>>[vector<16xi32>, vector<16xi32>, vector<16xi32>, vector<16xi32>], vector<16xf32>,
        %mul3A_721 = arith.constant 16 : i32
        %mul3A_722 = arith.muli %scan3A_187, %mul3A_721 : i32
        %add3A_723 = arith.constant 4 : i32
        %add3A_724 = arith.addi %mul3A_722, %add3A_723 : i32
        %jit3A_725 = arith.constant 128 : i32
        %div3A_726 = arith.divsi %add3A_724, %jit3A_725 : i32
        %sign3A_727 = arith.constant 0 : i32
        %sign3A_728 = arith.cmpi sgt, %add3A_724, %sign3A_727 : i32
        %sign3A_729 = arith.extui %sign3A_728 : i1 to i32
        %sign3A_730 = arith.constant 0 : i32
        %sign3A_731 = arith.cmpi slt, %add3A_724, %sign3A_730 : i32
        %sign3A_732 = arith.extui %sign3A_731 : i1 to i32
        %sign3A_733 = arith.subi %sign3A_729, %sign3A_732 : i32
        %sign3A_734 = arith.constant 0 : i32
        %sign3A_735 = arith.cmpi sgt, %jit3A_725, %sign3A_734 : i32
        %sign3A_736 = arith.extui %sign3A_735 : i1 to i32
        %sign3A_737 = arith.constant 0 : i32
        %sign3A_738 = arith.cmpi slt, %jit3A_725, %sign3A_737 : i32
        %sign3A_739 = arith.extui %sign3A_738 : i1 to i32
        %sign3A_740 = arith.subi %sign3A_736, %sign3A_739 : i32
        %ne3A_741 = arith.cmpi ne, %sign3A_733, %sign3A_740 : i32
        %rem3A_742 = arith.remsi %add3A_724, %jit3A_725 : i32
        %ne3A_743 = arith.constant 0 : i32
        %ne3A_744 = arith.cmpi ne, %rem3A_742, %ne3A_743 : i32
        %and3A_745 = arith.andi %ne3A_741, %ne3A_744 : i1
        %sub3A_746 = arith.constant 1 : i32
        %sub3A_747 = arith.subi %div3A_726, %sub3A_746 : i32
        %select_n3A_748 = arith.select %and3A_745, %sub3A_747, %div3A_726 : i32
        %rem3A_749 = arith.constant 128 : i32
        %rem3A_750 = arith.remsi %add3A_724, %rem3A_749 : i32
        %broadcast_in_dim3A_751 = arith.constant 0 : i32
        %broadcast_in_dim3A_752 = vector.broadcast %broadcast_in_dim3A_751 : i32 to vector<16xi32>
        %add3A_753 = vector.broadcast %select_n3A_748 : i32 to vector<16xi32>
        %add3A_754 = arith.addi %broadcast_in_dim3A_752, %add3A_753 : vector<16xi32>
        %broadcast_in_dim3A_755 = arith.constant 0 : i32
        %broadcast_in_dim3A_756 = vector.broadcast %broadcast_in_dim3A_755 : i32 to vector<16xi32>
        %add3A_757 = vector.broadcast %rem3A_750 : i32 to vector<16xi32>
        %add3A_758 = arith.addi %broadcast_in_dim3A_756, %add3A_757 : vector<16xi32>
        %add3A_759 = arith.constant 0 : i32
        %add3A_760 = vector.broadcast %add3A_759 : i32 to vector<16xi32>
        %add3A_761 = arith.addi %iota3A, %add3A_760 : vector<16xi32>
        %get3A_762 = arith.constant 1 : i32
        %get3A_763 = arith.index_cast %get3A_762 : i32 to index
        %get3A_764 = arith.index_cast %add3A_724 : i32 to index
        %get3A_765 = arith.constant 0 : index
        %get3A_766 = tpu.vector_load %arg6[%get3A_763, %get3A_764, %get3A_765] {strides = array<i32>} : memref<2x512x32xf32, #tpu.memory_space<vmem>>, vector<16xf32>,
        %jit3A_767 = arith.constant 8 : i32
        %div3A_768 = vector.broadcast %jit3A_767 : i32 to vector<16xi32>
        %div3A_769 = arith.divsi %add3A_761, %div3A_768 : vector<16xi32>
        %sign3A_770 = arith.constant 0 : i32
        %sign3A_771 = vector.broadcast %sign3A_770 : i32 to vector<16xi32>
        %sign3A_772 = arith.cmpi sgt, %add3A_761, %sign3A_771 : vector<16xi32>
        %sign3A_773 = arith.extui %sign3A_772 : vector<16xi1> to vector<16xi32>
        %sign3A_774 = arith.constant 0 : i32
        %sign3A_775 = vector.broadcast %sign3A_774 : i32 to vector<16xi32>
        %sign3A_776 = arith.cmpi slt, %add3A_761, %sign3A_775 : vector<16xi32>
        %sign3A_777 = arith.extui %sign3A_776 : vector<16xi1> to vector<16xi32>
        %sign3A_778 = arith.subi %sign3A_773, %sign3A_777 : vector<16xi32>
        %sign3A_779 = arith.constant 0 : i32
        %sign3A_780 = arith.cmpi sgt, %jit3A_767, %sign3A_779 : i32
        %sign3A_781 = arith.extui %sign3A_780 : i1 to i32
        %sign3A_782 = arith.constant 0 : i32
        %sign3A_783 = arith.cmpi slt, %jit3A_767, %sign3A_782 : i32
        %sign3A_784 = arith.extui %sign3A_783 : i1 to i32
        %sign3A_785 = arith.subi %sign3A_781, %sign3A_784 : i32
        %ne3A_786 = vector.broadcast %sign3A_785 : i32 to vector<16xi32>
        %ne3A_787 = arith.cmpi ne, %sign3A_778, %ne3A_786 : vector<16xi32>
        %rem3A_788 = vector.broadcast %jit3A_767 : i32 to vector<16xi32>
        %rem3A_789 = arith.remsi %add3A_761, %rem3A_788 : vector<16xi32>
        %ne3A_790 = arith.constant 0 : i32
        %ne3A_791 = vector.broadcast %ne3A_790 : i32 to vector<16xi32>
        %ne3A_792 = arith.cmpi ne, %rem3A_789, %ne3A_791 : vector<16xi32>
        %and3A_793 = arith.andi %ne3A_787, %ne3A_792 : vector<16xi1>
        %sub3A_794 = arith.constant 1 : i32
        %sub3A_795 = vector.broadcast %sub3A_794 : i32 to vector<16xi32>
        %sub3A_796 = arith.subi %div3A_769, %sub3A_795 : vector<16xi32>
        %select_n3A_797 = arith.select %and3A_793, %sub3A_796, %div3A_769 : vector<16xi1>, vector<16xi32>
        %rem3A_798 = arith.constant 8 : i32
        %rem3A_799 = vector.broadcast %rem3A_798 : i32 to vector<16xi32>
        %rem3A_800 = arith.remsi %add3A_761, %rem3A_799 : vector<16xi32>
        %scatter3A_801 = arith.constant 1 : i32
        %scatter3A_802 = arith.constant 0 : i32
        %scatter3A_803 = arith.constant 0 : i32
        %scatter3A_804 = arith.constant 0 : i32
        %scatter3A_805 = arith.constant 0 : i32
        %scatter3A_806 = tpu.memref_slice %arg7[%scatter3A_801, %scatter3A_802, %scatter3A_803, %scatter3A_804, %scatter3A_805] : memref<2x4x4x8x129xf32, #tpu.memory_space<vmem>> -> memref<1x4x4x8x129xf32, #tpu.memory_space<vmem>>
        %scatter3A_807 = tpu.memref_squeeze %scatter3A_806 : memref<1x4x4x8x129xf32, #tpu.memory_space<vmem>> -> memref<4x4x8x129xf32, #tpu.memory_space<vmem>>
        tpu.vector_store_idx %scatter3A_807[%select_n3A_797, %add3A_754, %rem3A_800, %add3A_758], %get3A_766 : memref<4x4x8x129xf32, #tpu.memory_space<vmem>>[vector<16xi32>, vector<16xi32>, vector<16xi32>, vector<16xi32>], vector<16xf32>,
        %add3A_808 = arith.constant 16 : i32
        %add3A_809 = vector.broadcast %add3A_808 : i32 to vector<16xi32>
        %add3A_810 = arith.addi %iota3A, %add3A_809 : vector<16xi32>
        %get3A_811 = arith.constant 1 : i32
        %get3A_812 = arith.index_cast %get3A_811 : i32 to index
        %get3A_813 = arith.index_cast %add3A_724 : i32 to index
        %get3A_814 = arith.constant 16 : index
        %get3A_815 = tpu.vector_load %arg6[%get3A_812, %get3A_813, %get3A_814] {strides = array<i32>} : memref<2x512x32xf32, #tpu.memory_space<vmem>>, vector<16xf32>,
        %jit3A_816 = arith.constant 8 : i32
        %div3A_817 = vector.broadcast %jit3A_816 : i32 to vector<16xi32>
        %div3A_818 = arith.divsi %add3A_810, %div3A_817 : vector<16xi32>
        %sign3A_819 = arith.constant 0 : i32
        %sign3A_820 = vector.broadcast %sign3A_819 : i32 to vector<16xi32>
        %sign3A_821 = arith.cmpi sgt, %add3A_810, %sign3A_820 : vector<16xi32>
        %sign3A_822 = arith.extui %sign3A_821 : vector<16xi1> to vector<16xi32>
        %sign3A_823 = arith.constant 0 : i32
        %sign3A_824 = vector.broadcast %sign3A_823 : i32 to vector<16xi32>
        %sign3A_825 = arith.cmpi slt, %add3A_810, %sign3A_824 : vector<16xi32>
        %sign3A_826 = arith.extui %sign3A_825 : vector<16xi1> to vector<16xi32>
        %sign3A_827 = arith.subi %sign3A_822, %sign3A_826 : vector<16xi32>
        %sign3A_828 = arith.constant 0 : i32
        %sign3A_829 = arith.cmpi sgt, %jit3A_816, %sign3A_828 : i32
        %sign3A_830 = arith.extui %sign3A_829 : i1 to i32
        %sign3A_831 = arith.constant 0 : i32
        %sign3A_832 = arith.cmpi slt, %jit3A_816, %sign3A_831 : i32
        %sign3A_833 = arith.extui %sign3A_832 : i1 to i32
        %sign3A_834 = arith.subi %sign3A_830, %sign3A_833 : i32
        %ne3A_835 = vector.broadcast %sign3A_834 : i32 to vector<16xi32>
        %ne3A_836 = arith.cmpi ne, %sign3A_827, %ne3A_835 : vector<16xi32>
        %rem3A_837 = vector.broadcast %jit3A_816 : i32 to vector<16xi32>
        %rem3A_838 = arith.remsi %add3A_810, %rem3A_837 : vector<16xi32>
        %ne3A_839 = arith.constant 0 : i32
        %ne3A_840 = vector.broadcast %ne3A_839 : i32 to vector<16xi32>
        %ne3A_841 = arith.cmpi ne, %rem3A_838, %ne3A_840 : vector<16xi32>
        %and3A_842 = arith.andi %ne3A_836, %ne3A_841 : vector<16xi1>
        %sub3A_843 = arith.constant 1 : i32
        %sub3A_844 = vector.broadcast %sub3A_843 : i32 to vector<16xi32>
        %sub3A_845 = arith.subi %div3A_818, %sub3A_844 : vector<16xi32>
        %select_n3A_846 = arith.select %and3A_842, %sub3A_845, %div3A_818 : vector<16xi1>, vector<16xi32>
        %rem3A_847 = arith.constant 8 : i32
        %rem3A_848 = vector.broadcast %rem3A_847 : i32 to vector<16xi32>
        %rem3A_849 = arith.remsi %add3A_810, %rem3A_848 : vector<16xi32>
        %scatter3A_850 = arith.constant 1 : i32
        %scatter3A_851 = arith.constant 0 : i32
        %scatter3A_852 = arith.constant 0 : i32
        %scatter3A_853 = arith.constant 0 : i32
        %scatter3A_854 = arith.constant 0 : i32
        %scatter3A_855 = tpu.memref_slice %arg7[%scatter3A_850, %scatter3A_851, %scatter3A_852, %scatter3A_853, %scatter3A_854] : memref<2x4x4x8x129xf32, #tpu.memory_space<vmem>> -> memref<1x4x4x8x129xf32, #tpu.memory_space<vmem>>
        %scatter3A_856 = tpu.memref_squeeze %scatter3A_855 : memref<1x4x4x8x129xf32, #tpu.memory_space<vmem>> -> memref<4x4x8x129xf32, #tpu.memory_space<vmem>>
        tpu.vector_store_idx %scatter3A_856[%select_n3A_846, %add3A_754, %rem3A_849, %add3A_758], %get3A_815 : memref<4x4x8x129xf32, #tpu.memory_space<vmem>>[vector<16xi32>, vector<16xi32>, vector<16xi32>, vector<16xi32>], vector<16xf32>,
        %mul3A_857 = arith.constant 16 : i32
        %mul3A_858 = arith.muli %scan3A_187, %mul3A_857 : i32
        %add3A_859 = arith.constant 5 : i32
        %add3A_860 = arith.addi %mul3A_858, %add3A_859 : i32
        %jit3A_861 = arith.constant 128 : i32
        %div3A_862 = arith.divsi %add3A_860, %jit3A_861 : i32
        %sign3A_863 = arith.constant 0 : i32
        %sign3A_864 = arith.cmpi sgt, %add3A_860, %sign3A_863 : i32
        %sign3A_865 = arith.extui %sign3A_864 : i1 to i32
        %sign3A_866 = arith.constant 0 : i32
        %sign3A_867 = arith.cmpi slt, %add3A_860, %sign3A_866 : i32
        %sign3A_868 = arith.extui %sign3A_867 : i1 to i32
        %sign3A_869 = arith.subi %sign3A_865, %sign3A_868 : i32
        %sign3A_870 = arith.constant 0 : i32
        %sign3A_871 = arith.cmpi sgt, %jit3A_861, %sign3A_870 : i32
        %sign3A_872 = arith.extui %sign3A_871 : i1 to i32
        %sign3A_873 = arith.constant 0 : i32
        %sign3A_874 = arith.cmpi slt, %jit3A_861, %sign3A_873 : i32
        %sign3A_875 = arith.extui %sign3A_874 : i1 to i32
        %sign3A_876 = arith.subi %sign3A_872, %sign3A_875 : i32
        %ne3A_877 = arith.cmpi ne, %sign3A_869, %sign3A_876 : i32
        %rem3A_878 = arith.remsi %add3A_860, %jit3A_861 : i32
        %ne3A_879 = arith.constant 0 : i32
        %ne3A_880 = arith.cmpi ne, %rem3A_878, %ne3A_879 : i32
        %and3A_881 = arith.andi %ne3A_877, %ne3A_880 : i1
        %sub3A_882 = arith.constant 1 : i32
        %sub3A_883 = arith.subi %div3A_862, %sub3A_882 : i32
        %select_n3A_884 = arith.select %and3A_881, %sub3A_883, %div3A_862 : i32
        %rem3A_885 = arith.constant 128 : i32
        %rem3A_886 = arith.remsi %add3A_860, %rem3A_885 : i32
        %broadcast_in_dim3A_887 = arith.constant 0 : i32
        %broadcast_in_dim3A_888 = vector.broadcast %broadcast_in_dim3A_887 : i32 to vector<16xi32>
        %add3A_889 = vector.broadcast %select_n3A_884 : i32 to vector<16xi32>
        %add3A_890 = arith.addi %broadcast_in_dim3A_888, %add3A_889 : vector<16xi32>
        %broadcast_in_dim3A_891 = arith.constant 0 : i32
        %broadcast_in_dim3A_892 = vector.broadcast %broadcast_in_dim3A_891 : i32 to vector<16xi32>
        %add3A_893 = vector.broadcast %rem3A_886 : i32 to vector<16xi32>
        %add3A_894 = arith.addi %broadcast_in_dim3A_892, %add3A_893 : vector<16xi32>
        %add3A_895 = arith.constant 0 : i32
        %add3A_896 = vector.broadcast %add3A_895 : i32 to vector<16xi32>
        %add3A_897 = arith.addi %iota3A, %add3A_896 : vector<16xi32>
        %get3A_898 = arith.constant 1 : i32
        %get3A_899 = arith.index_cast %get3A_898 : i32 to index
        %get3A_900 = arith.index_cast %add3A_860 : i32 to index
        %get3A_901 = arith.constant 0 : index
        %get3A_902 = tpu.vector_load %arg6[%get3A_899, %get3A_900, %get3A_901] {strides = array<i32>} : memref<2x512x32xf32, #tpu.memory_space<vmem>>, vector<16xf32>,
        %jit3A_903 = arith.constant 8 : i32
        %div3A_904 = vector.broadcast %jit3A_903 : i32 to vector<16xi32>
        %div3A_905 = arith.divsi %add3A_897, %div3A_904 : vector<16xi32>
        %sign3A_906 = arith.constant 0 : i32
        %sign3A_907 = vector.broadcast %sign3A_906 : i32 to vector<16xi32>
        %sign3A_908 = arith.cmpi sgt, %add3A_897, %sign3A_907 : vector<16xi32>
        %sign3A_909 = arith.extui %sign3A_908 : vector<16xi1> to vector<16xi32>
        %sign3A_910 = arith.constant 0 : i32
        %sign3A_911 = vector.broadcast %sign3A_910 : i32 to vector<16xi32>
        %sign3A_912 = arith.cmpi slt, %add3A_897, %sign3A_911 : vector<16xi32>
        %sign3A_913 = arith.extui %sign3A_912 : vector<16xi1> to vector<16xi32>
        %sign3A_914 = arith.subi %sign3A_909, %sign3A_913 : vector<16xi32>
        %sign3A_915 = arith.constant 0 : i32
        %sign3A_916 = arith.cmpi sgt, %jit3A_903, %sign3A_915 : i32
        %sign3A_917 = arith.extui %sign3A_916 : i1 to i32
        %sign3A_918 = arith.constant 0 : i32
        %sign3A_919 = arith.cmpi slt, %jit3A_903, %sign3A_918 : i32
        %sign3A_920 = arith.extui %sign3A_919 : i1 to i32
        %sign3A_921 = arith.subi %sign3A_917, %sign3A_920 : i32
        %ne3A_922 = vector.broadcast %sign3A_921 : i32 to vector<16xi32>
        %ne3A_923 = arith.cmpi ne, %sign3A_914, %ne3A_922 : vector<16xi32>
        %rem3A_924 = vector.broadcast %jit3A_903 : i32 to vector<16xi32>
        %rem3A_925 = arith.remsi %add3A_897, %rem3A_924 : vector<16xi32>
        %ne3A_926 = arith.constant 0 : i32
        %ne3A_927 = vector.broadcast %ne3A_926 : i32 to vector<16xi32>
        %ne3A_928 = arith.cmpi ne, %rem3A_925, %ne3A_927 : vector<16xi32>
        %and3A_929 = arith.andi %ne3A_923, %ne3A_928 : vector<16xi1>
        %sub3A_930 = arith.constant 1 : i32
        %sub3A_931 = vector.broadcast %sub3A_930 : i32 to vector<16xi32>
        %sub3A_932 = arith.subi %div3A_905, %sub3A_931 : vector<16xi32>
        %select_n3A_933 = arith.select %and3A_929, %sub3A_932, %div3A_905 : vector<16xi1>, vector<16xi32>
        %rem3A_934 = arith.constant 8 : i32
        %rem3A_935 = vector.broadcast %rem3A_934 : i32 to vector<16xi32>
        %rem3A_936 = arith.remsi %add3A_897, %rem3A_935 : vector<16xi32>
        %scatter3A_937 = arith.constant 1 : i32
        %scatter3A_938 = arith.constant 0 : i32
        %scatter3A_939 = arith.constant 0 : i32
        %scatter3A_940 = arith.constant 0 : i32
        %scatter3A_941 = arith.constant 0 : i32
        %scatter3A_942 = tpu.memref_slice %arg7[%scatter3A_937, %scatter3A_938, %scatter3A_939, %scatter3A_940, %scatter3A_941] : memref<2x4x4x8x129xf32, #tpu.memory_space<vmem>> -> memref<1x4x4x8x129xf32, #tpu.memory_space<vmem>>
        %scatter3A_943 = tpu.memref_squeeze %scatter3A_942 : memref<1x4x4x8x129xf32, #tpu.memory_space<vmem>> -> memref<4x4x8x129xf32, #tpu.memory_space<vmem>>
        tpu.vector_store_idx %scatter3A_943[%select_n3A_933, %add3A_890, %rem3A_936, %add3A_894], %get3A_902 : memref<4x4x8x129xf32, #tpu.memory_space<vmem>>[vector<16xi32>, vector<16xi32>, vector<16xi32>, vector<16xi32>], vector<16xf32>,
        %add3A_944 = arith.constant 16 : i32
        %add3A_945 = vector.broadcast %add3A_944 : i32 to vector<16xi32>
        %add3A_946 = arith.addi %iota3A, %add3A_945 : vector<16xi32>
        %get3A_947 = arith.constant 1 : i32
        %get3A_948 = arith.index_cast %get3A_947 : i32 to index
        %get3A_949 = arith.index_cast %add3A_860 : i32 to index
        %get3A_950 = arith.constant 16 : index
        %get3A_951 = tpu.vector_load %arg6[%get3A_948, %get3A_949, %get3A_950] {strides = array<i32>} : memref<2x512x32xf32, #tpu.memory_space<vmem>>, vector<16xf32>,
        %jit3A_952 = arith.constant 8 : i32
        %div3A_953 = vector.broadcast %jit3A_952 : i32 to vector<16xi32>
        %div3A_954 = arith.divsi %add3A_946, %div3A_953 : vector<16xi32>
        %sign3A_955 = arith.constant 0 : i32
        %sign3A_956 = vector.broadcast %sign3A_955 : i32 to vector<16xi32>
        %sign3A_957 = arith.cmpi sgt, %add3A_946, %sign3A_956 : vector<16xi32>
        %sign3A_958 = arith.extui %sign3A_957 : vector<16xi1> to vector<16xi32>
        %sign3A_959 = arith.constant 0 : i32
        %sign3A_960 = vector.broadcast %sign3A_959 : i32 to vector<16xi32>
        %sign3A_961 = arith.cmpi slt, %add3A_946, %sign3A_960 : vector<16xi32>
        %sign3A_962 = arith.extui %sign3A_961 : vector<16xi1> to vector<16xi32>
        %sign3A_963 = arith.subi %sign3A_958, %sign3A_962 : vector<16xi32>
        %sign3A_964 = arith.constant 0 : i32
        %sign3A_965 = arith.cmpi sgt, %jit3A_952, %sign3A_964 : i32
        %sign3A_966 = arith.extui %sign3A_965 : i1 to i32
        %sign3A_967 = arith.constant 0 : i32
        %sign3A_968 = arith.cmpi slt, %jit3A_952, %sign3A_967 : i32
        %sign3A_969 = arith.extui %sign3A_968 : i1 to i32
        %sign3A_970 = arith.subi %sign3A_966, %sign3A_969 : i32
        %ne3A_971 = vector.broadcast %sign3A_970 : i32 to vector<16xi32>
        %ne3A_972 = arith.cmpi ne, %sign3A_963, %ne3A_971 : vector<16xi32>
        %rem3A_973 = vector.broadcast %jit3A_952 : i32 to vector<16xi32>
        %rem3A_974 = arith.remsi %add3A_946, %rem3A_973 : vector<16xi32>
        %ne3A_975 = arith.constant 0 : i32
        %ne3A_976 = vector.broadcast %ne3A_975 : i32 to vector<16xi32>
        %ne3A_977 = arith.cmpi ne, %rem3A_974, %ne3A_976 : vector<16xi32>
        %and3A_978 = arith.andi %ne3A_972, %ne3A_977 : vector<16xi1>
        %sub3A_979 = arith.constant 1 : i32
        %sub3A_980 = vector.broadcast %sub3A_979 : i32 to vector<16xi32>
        %sub3A_981 = arith.subi %div3A_954, %sub3A_980 : vector<16xi32>
        %select_n3A_982 = arith.select %and3A_978, %sub3A_981, %div3A_954 : vector<16xi1>, vector<16xi32>
        %rem3A_983 = arith.constant 8 : i32
        %rem3A_984 = vector.broadcast %rem3A_983 : i32 to vector<16xi32>
        %rem3A_985 = arith.remsi %add3A_946, %rem3A_984 : vector<16xi32>
        %scatter3A_986 = arith.constant 1 : i32
        %scatter3A_987 = arith.constant 0 : i32
        %scatter3A_988 = arith.constant 0 : i32
        %scatter3A_989 = arith.constant 0 : i32
        %scatter3A_990 = arith.constant 0 : i32
        %scatter3A_991 = tpu.memref_slice %arg7[%scatter3A_986, %scatter3A_987, %scatter3A_988, %scatter3A_989, %scatter3A_990] : memref<2x4x4x8x129xf32, #tpu.memory_space<vmem>> -> memref<1x4x4x8x129xf32, #tpu.memory_space<vmem>>
        %scatter3A_992 = tpu.memref_squeeze %scatter3A_991 : memref<1x4x4x8x129xf32, #tpu.memory_space<vmem>> -> memref<4x4x8x129xf32, #tpu.memory_space<vmem>>
        tpu.vector_store_idx %scatter3A_992[%select_n3A_982, %add3A_890, %rem3A_985, %add3A_894], %get3A_951 : memref<4x4x8x129xf32, #tpu.memory_space<vmem>>[vector<16xi32>, vector<16xi32>, vector<16xi32>, vector<16xi32>], vector<16xf32>,
        %mul3A_993 = arith.constant 16 : i32
        %mul3A_994 = arith.muli %scan3A_187, %mul3A_993 : i32
        %add3A_995 = arith.constant 6 : i32
        %add3A_996 = arith.addi %mul3A_994, %add3A_995 : i32
        %jit3A_997 = arith.constant 128 : i32
        %div3A_998 = arith.divsi %add3A_996, %jit3A_997 : i32
        %sign3A_999 = arith.constant 0 : i32
        %sign3A_1000 = arith.cmpi sgt, %add3A_996, %sign3A_999 : i32
        %sign3A_1001 = arith.extui %sign3A_1000 : i1 to i32
        %sign3A_1002 = arith.constant 0 : i32
        %sign3A_1003 = arith.cmpi slt, %add3A_996, %sign3A_1002 : i32
        %sign3A_1004 = arith.extui %sign3A_1003 : i1 to i32
        %sign3A_1005 = arith.subi %sign3A_1001, %sign3A_1004 : i32
        %sign3A_1006 = arith.constant 0 : i32
        %sign3A_1007 = arith.cmpi sgt, %jit3A_997, %sign3A_1006 : i32
        %sign3A_1008 = arith.extui %sign3A_1007 : i1 to i32
        %sign3A_1009 = arith.constant 0 : i32
        %sign3A_1010 = arith.cmpi slt, %jit3A_997, %sign3A_1009 : i32
        %sign3A_1011 = arith.extui %sign3A_1010 : i1 to i32
        %sign3A_1012 = arith.subi %sign3A_1008, %sign3A_1011 : i32
        %ne3A_1013 = arith.cmpi ne, %sign3A_1005, %sign3A_1012 : i32
        %rem3A_1014 = arith.remsi %add3A_996, %jit3A_997 : i32
        %ne3A_1015 = arith.constant 0 : i32
        %ne3A_1016 = arith.cmpi ne, %rem3A_1014, %ne3A_1015 : i32
        %and3A_1017 = arith.andi %ne3A_1013, %ne3A_1016 : i1
        %sub3A_1018 = arith.constant 1 : i32
        %sub3A_1019 = arith.subi %div3A_998, %sub3A_1018 : i32
        %select_n3A_1020 = arith.select %and3A_1017, %sub3A_1019, %div3A_998 : i32
        %rem3A_1021 = arith.constant 128 : i32
        %rem3A_1022 = arith.remsi %add3A_996, %rem3A_1021 : i32
        %broadcast_in_dim3A_1023 = arith.constant 0 : i32
        %broadcast_in_dim3A_1024 = vector.broadcast %broadcast_in_dim3A_1023 : i32 to vector<16xi32>
        %add3A_1025 = vector.broadcast %select_n3A_1020 : i32 to vector<16xi32>
        %add3A_1026 = arith.addi %broadcast_in_dim3A_1024, %add3A_1025 : vector<16xi32>
        %broadcast_in_dim3A_1027 = arith.constant 0 : i32
        %broadcast_in_dim3A_1028 = vector.broadcast %broadcast_in_dim3A_1027 : i32 to vector<16xi32>
        %add3A_1029 = vector.broadcast %rem3A_1022 : i32 to vector<16xi32>
        %add3A_1030 = arith.addi %broadcast_in_dim3A_1028, %add3A_1029 : vector<16xi32>
        %add3A_1031 = arith.constant 0 : i32
        %add3A_1032 = vector.broadcast %add3A_1031 : i32 to vector<16xi32>
        %add3A_1033 = arith.addi %iota3A, %add3A_1032 : vector<16xi32>
        %get3A_1034 = arith.constant 1 : i32
        %get3A_1035 = arith.index_cast %get3A_1034 : i32 to index
        %get3A_1036 = arith.index_cast %add3A_996 : i32 to index
        %get3A_1037 = arith.constant 0 : index
        %get3A_1038 = tpu.vector_load %arg6[%get3A_1035, %get3A_1036, %get3A_1037] {strides = array<i32>} : memref<2x512x32xf32, #tpu.memory_space<vmem>>, vector<16xf32>,
        %jit3A_1039 = arith.constant 8 : i32
        %div3A_1040 = vector.broadcast %jit3A_1039 : i32 to vector<16xi32>
        %div3A_1041 = arith.divsi %add3A_1033, %div3A_1040 : vector<16xi32>
        %sign3A_1042 = arith.constant 0 : i32
        %sign3A_1043 = vector.broadcast %sign3A_1042 : i32 to vector<16xi32>
        %sign3A_1044 = arith.cmpi sgt, %add3A_1033, %sign3A_1043 : vector<16xi32>
        %sign3A_1045 = arith.extui %sign3A_1044 : vector<16xi1> to vector<16xi32>
        %sign3A_1046 = arith.constant 0 : i32
        %sign3A_1047 = vector.broadcast %sign3A_1046 : i32 to vector<16xi32>
        %sign3A_1048 = arith.cmpi slt, %add3A_1033, %sign3A_1047 : vector<16xi32>
        %sign3A_1049 = arith.extui %sign3A_1048 : vector<16xi1> to vector<16xi32>
        %sign3A_1050 = arith.subi %sign3A_1045, %sign3A_1049 : vector<16xi32>
        %sign3A_1051 = arith.constant 0 : i32
        %sign3A_1052 = arith.cmpi sgt, %jit3A_1039, %sign3A_1051 : i32
        %sign3A_1053 = arith.extui %sign3A_1052 : i1 to i32
        %sign3A_1054 = arith.constant 0 : i32
        %sign3A_1055 = arith.cmpi slt, %jit3A_1039, %sign3A_1054 : i32
        %sign3A_1056 = arith.extui %sign3A_1055 : i1 to i32
        %sign3A_1057 = arith.subi %sign3A_1053, %sign3A_1056 : i32
        %ne3A_1058 = vector.broadcast %sign3A_1057 : i32 to vector<16xi32>
        %ne3A_1059 = arith.cmpi ne, %sign3A_1050, %ne3A_1058 : vector<16xi32>
        %rem3A_1060 = vector.broadcast %jit3A_1039 : i32 to vector<16xi32>
        %rem3A_1061 = arith.remsi %add3A_1033, %rem3A_1060 : vector<16xi32>
        %ne3A_1062 = arith.constant 0 : i32
        %ne3A_1063 = vector.broadcast %ne3A_1062 : i32 to vector<16xi32>
        %ne3A_1064 = arith.cmpi ne, %rem3A_1061, %ne3A_1063 : vector<16xi32>
        %and3A_1065 = arith.andi %ne3A_1059, %ne3A_1064 : vector<16xi1>
        %sub3A_1066 = arith.constant 1 : i32
        %sub3A_1067 = vector.broadcast %sub3A_1066 : i32 to vector<16xi32>
        %sub3A_1068 = arith.subi %div3A_1041, %sub3A_1067 : vector<16xi32>
        %select_n3A_1069 = arith.select %and3A_1065, %sub3A_1068, %div3A_1041 : vector<16xi1>, vector<16xi32>
        %rem3A_1070 = arith.constant 8 : i32
        %rem3A_1071 = vector.broadcast %rem3A_1070 : i32 to vector<16xi32>
        %rem3A_1072 = arith.remsi %add3A_1033, %rem3A_1071 : vector<16xi32>
        %scatter3A_1073 = arith.constant 1 : i32
        %scatter3A_1074 = arith.constant 0 : i32
        %scatter3A_1075 = arith.constant 0 : i32
        %scatter3A_1076 = arith.constant 0 : i32
        %scatter3A_1077 = arith.constant 0 : i32
        %scatter3A_1078 = tpu.memref_slice %arg7[%scatter3A_1073, %scatter3A_1074, %scatter3A_1075, %scatter3A_1076, %scatter3A_1077] : memref<2x4x4x8x129xf32, #tpu.memory_space<vmem>> -> memref<1x4x4x8x129xf32, #tpu.memory_space<vmem>>
        %scatter3A_1079 = tpu.memref_squeeze %scatter3A_1078 : memref<1x4x4x8x129xf32, #tpu.memory_space<vmem>> -> memref<4x4x8x129xf32, #tpu.memory_space<vmem>>
        tpu.vector_store_idx %scatter3A_1079[%select_n3A_1069, %add3A_1026, %rem3A_1072, %add3A_1030], %get3A_1038 : memref<4x4x8x129xf32, #tpu.memory_space<vmem>>[vector<16xi32>, vector<16xi32>, vector<16xi32>, vector<16xi32>], vector<16xf32>,
        %add3A_1080 = arith.constant 16 : i32
        %add3A_1081 = vector.broadcast %add3A_1080 : i32 to vector<16xi32>
        %add3A_1082 = arith.addi %iota3A, %add3A_1081 : vector<16xi32>
        %get3A_1083 = arith.constant 1 : i32
        %get3A_1084 = arith.index_cast %get3A_1083 : i32 to index
        %get3A_1085 = arith.index_cast %add3A_996 : i32 to index
        %get3A_1086 = arith.constant 16 : index
        %get3A_1087 = tpu.vector_load %arg6[%get3A_1084, %get3A_1085, %get3A_1086] {strides = array<i32>} : memref<2x512x32xf32, #tpu.memory_space<vmem>>, vector<16xf32>,
        %jit3A_1088 = arith.constant 8 : i32
        %div3A_1089 = vector.broadcast %jit3A_1088 : i32 to vector<16xi32>
        %div3A_1090 = arith.divsi %add3A_1082, %div3A_1089 : vector<16xi32>
        %sign3A_1091 = arith.constant 0 : i32
        %sign3A_1092 = vector.broadcast %sign3A_1091 : i32 to vector<16xi32>
        %sign3A_1093 = arith.cmpi sgt, %add3A_1082, %sign3A_1092 : vector<16xi32>
        %sign3A_1094 = arith.extui %sign3A_1093 : vector<16xi1> to vector<16xi32>
        %sign3A_1095 = arith.constant 0 : i32
        %sign3A_1096 = vector.broadcast %sign3A_1095 : i32 to vector<16xi32>
        %sign3A_1097 = arith.cmpi slt, %add3A_1082, %sign3A_1096 : vector<16xi32>
        %sign3A_1098 = arith.extui %sign3A_1097 : vector<16xi1> to vector<16xi32>
        %sign3A_1099 = arith.subi %sign3A_1094, %sign3A_1098 : vector<16xi32>
        %sign3A_1100 = arith.constant 0 : i32
        %sign3A_1101 = arith.cmpi sgt, %jit3A_1088, %sign3A_1100 : i32
        %sign3A_1102 = arith.extui %sign3A_1101 : i1 to i32
        %sign3A_1103 = arith.constant 0 : i32
        %sign3A_1104 = arith.cmpi slt, %jit3A_1088, %sign3A_1103 : i32
        %sign3A_1105 = arith.extui %sign3A_1104 : i1 to i32
        %sign3A_1106 = arith.subi %sign3A_1102, %sign3A_1105 : i32
        %ne3A_1107 = vector.broadcast %sign3A_1106 : i32 to vector<16xi32>
        %ne3A_1108 = arith.cmpi ne, %sign3A_1099, %ne3A_1107 : vector<16xi32>
        %rem3A_1109 = vector.broadcast %jit3A_1088 : i32 to vector<16xi32>
        %rem3A_1110 = arith.remsi %add3A_1082, %rem3A_1109 : vector<16xi32>
        %ne3A_1111 = arith.constant 0 : i32
        %ne3A_1112 = vector.broadcast %ne3A_1111 : i32 to vector<16xi32>
        %ne3A_1113 = arith.cmpi ne, %rem3A_1110, %ne3A_1112 : vector<16xi32>
        %and3A_1114 = arith.andi %ne3A_1108, %ne3A_1113 : vector<16xi1>
        %sub3A_1115 = arith.constant 1 : i32
        %sub3A_1116 = vector.broadcast %sub3A_1115 : i32 to vector<16xi32>
        %sub3A_1117 = arith.subi %div3A_1090, %sub3A_1116 : vector<16xi32>
        %select_n3A_1118 = arith.select %and3A_1114, %sub3A_1117, %div3A_1090 : vector<16xi1>, vector<16xi32>
        %rem3A_1119 = arith.constant 8 : i32
        %rem3A_1120 = vector.broadcast %rem3A_1119 : i32 to vector<16xi32>
        %rem3A_1121 = arith.remsi %add3A_1082, %rem3A_1120 : vector<16xi32>
        %scatter3A_1122 = arith.constant 1 : i32
        %scatter3A_1123 = arith.constant 0 : i32
        %scatter3A_1124 = arith.constant 0 : i32
        %scatter3A_1125 = arith.constant 0 : i32
        %scatter3A_1126 = arith.constant 0 : i32
        %scatter3A_1127 = tpu.memref_slice %arg7[%scatter3A_1122, %scatter3A_1123, %scatter3A_1124, %scatter3A_1125, %scatter3A_1126] : memref<2x4x4x8x129xf32, #tpu.memory_space<vmem>> -> memref<1x4x4x8x129xf32, #tpu.memory_space<vmem>>
        %scatter3A_1128 = tpu.memref_squeeze %scatter3A_1127 : memref<1x4x4x8x129xf32, #tpu.memory_space<vmem>> -> memref<4x4x8x129xf32, #tpu.memory_space<vmem>>
        tpu.vector_store_idx %scatter3A_1128[%select_n3A_1118, %add3A_1026, %rem3A_1121, %add3A_1030], %get3A_1087 : memref<4x4x8x129xf32, #tpu.memory_space<vmem>>[vector<16xi32>, vector<16xi32>, vector<16xi32>, vector<16xi32>], vector<16xf32>,
        %mul3A_1129 = arith.constant 16 : i32
        %mul3A_1130 = arith.muli %scan3A_187, %mul3A_1129 : i32
        %add3A_1131 = arith.constant 7 : i32
        %add3A_1132 = arith.addi %mul3A_1130, %add3A_1131 : i32
        %jit3A_1133 = arith.constant 128 : i32
        %div3A_1134 = arith.divsi %add3A_1132, %jit3A_1133 : i32
        %sign3A_1135 = arith.constant 0 : i32
        %sign3A_1136 = arith.cmpi sgt, %add3A_1132, %sign3A_1135 : i32
        %sign3A_1137 = arith.extui %sign3A_1136 : i1 to i32
        %sign3A_1138 = arith.constant 0 : i32
        %sign3A_1139 = arith.cmpi slt, %add3A_1132, %sign3A_1138 : i32
        %sign3A_1140 = arith.extui %sign3A_1139 : i1 to i32
        %sign3A_1141 = arith.subi %sign3A_1137, %sign3A_1140 : i32
        %sign3A_1142 = arith.constant 0 : i32
        %sign3A_1143 = arith.cmpi sgt, %jit3A_1133, %sign3A_1142 : i32
        %sign3A_1144 = arith.extui %sign3A_1143 : i1 to i32
        %sign3A_1145 = arith.constant 0 : i32
        %sign3A_1146 = arith.cmpi slt, %jit3A_1133, %sign3A_1145 : i32
        %sign3A_1147 = arith.extui %sign3A_1146 : i1 to i32
        %sign3A_1148 = arith.subi %sign3A_1144, %sign3A_1147 : i32
        %ne3A_1149 = arith.cmpi ne, %sign3A_1141, %sign3A_1148 : i32
        %rem3A_1150 = arith.remsi %add3A_1132, %jit3A_1133 : i32
        %ne3A_1151 = arith.constant 0 : i32
        %ne3A_1152 = arith.cmpi ne, %rem3A_1150, %ne3A_1151 : i32
        %and3A_1153 = arith.andi %ne3A_1149, %ne3A_1152 : i1
        %sub3A_1154 = arith.constant 1 : i32
        %sub3A_1155 = arith.subi %div3A_1134, %sub3A_1154 : i32
        %select_n3A_1156 = arith.select %and3A_1153, %sub3A_1155, %div3A_1134 : i32
        %rem3A_1157 = arith.constant 128 : i32
        %rem3A_1158 = arith.remsi %add3A_1132, %rem3A_1157 : i32
        %broadcast_in_dim3A_1159 = arith.constant 0 : i32
        %broadcast_in_dim3A_1160 = vector.broadcast %broadcast_in_dim3A_1159 : i32 to vector<16xi32>
        %add3A_1161 = vector.broadcast %select_n3A_1156 : i32 to vector<16xi32>
        %add3A_1162 = arith.addi %broadcast_in_dim3A_1160, %add3A_1161 : vector<16xi32>
        %broadcast_in_dim3A_1163 = arith.constant 0 : i32
        %broadcast_in_dim3A_1164 = vector.broadcast %broadcast_in_dim3A_1163 : i32 to vector<16xi32>
        %add3A_1165 = vector.broadcast %rem3A_1158 : i32 to vector<16xi32>
        %add3A_1166 = arith.addi %broadcast_in_dim3A_1164, %add3A_1165 : vector<16xi32>
        %add3A_1167 = arith.constant 0 : i32
        %add3A_1168 = vector.broadcast %add3A_1167 : i32 to vector<16xi32>
        %add3A_1169 = arith.addi %iota3A, %add3A_1168 : vector<16xi32>
        %get3A_1170 = arith.constant 1 : i32
        %get3A_1171 = arith.index_cast %get3A_1170 : i32 to index
        %get3A_1172 = arith.index_cast %add3A_1132 : i32 to index
        %get3A_1173 = arith.constant 0 : index
        %get3A_1174 = tpu.vector_load %arg6[%get3A_1171, %get3A_1172, %get3A_1173] {strides = array<i32>} : memref<2x512x32xf32, #tpu.memory_space<vmem>>, vector<16xf32>,
        %jit3A_1175 = arith.constant 8 : i32
        %div3A_1176 = vector.broadcast %jit3A_1175 : i32 to vector<16xi32>
        %div3A_1177 = arith.divsi %add3A_1169, %div3A_1176 : vector<16xi32>
        %sign3A_1178 = arith.constant 0 : i32
        %sign3A_1179 = vector.broadcast %sign3A_1178 : i32 to vector<16xi32>
        %sign3A_1180 = arith.cmpi sgt, %add3A_1169, %sign3A_1179 : vector<16xi32>
        %sign3A_1181 = arith.extui %sign3A_1180 : vector<16xi1> to vector<16xi32>
        %sign3A_1182 = arith.constant 0 : i32
        %sign3A_1183 = vector.broadcast %sign3A_1182 : i32 to vector<16xi32>
        %sign3A_1184 = arith.cmpi slt, %add3A_1169, %sign3A_1183 : vector<16xi32>
        %sign3A_1185 = arith.extui %sign3A_1184 : vector<16xi1> to vector<16xi32>
        %sign3A_1186 = arith.subi %sign3A_1181, %sign3A_1185 : vector<16xi32>
        %sign3A_1187 = arith.constant 0 : i32
        %sign3A_1188 = arith.cmpi sgt, %jit3A_1175, %sign3A_1187 : i32
        %sign3A_1189 = arith.extui %sign3A_1188 : i1 to i32
        %sign3A_1190 = arith.constant 0 : i32
        %sign3A_1191 = arith.cmpi slt, %jit3A_1175, %sign3A_1190 : i32
        %sign3A_1192 = arith.extui %sign3A_1191 : i1 to i32
        %sign3A_1193 = arith.subi %sign3A_1189, %sign3A_1192 : i32
        %ne3A_1194 = vector.broadcast %sign3A_1193 : i32 to vector<16xi32>
        %ne3A_1195 = arith.cmpi ne, %sign3A_1186, %ne3A_1194 : vector<16xi32>
        %rem3A_1196 = vector.broadcast %jit3A_1175 : i32 to vector<16xi32>
        %rem3A_1197 = arith.remsi %add3A_1169, %rem3A_1196 : vector<16xi32>
        %ne3A_1198 = arith.constant 0 : i32
        %ne3A_1199 = vector.broadcast %ne3A_1198 : i32 to vector<16xi32>
        %ne3A_1200 = arith.cmpi ne, %rem3A_1197, %ne3A_1199 : vector<16xi32>
        %and3A_1201 = arith.andi %ne3A_1195, %ne3A_1200 : vector<16xi1>
        %sub3A_1202 = arith.constant 1 : i32
        %sub3A_1203 = vector.broadcast %sub3A_1202 : i32 to vector<16xi32>
        %sub3A_1204 = arith.subi %div3A_1177, %sub3A_1203 : vector<16xi32>
        %select_n3A_1205 = arith.select %and3A_1201, %sub3A_1204, %div3A_1177 : vector<16xi1>, vector<16xi32>
        %rem3A_1206 = arith.constant 8 : i32
        %rem3A_1207 = vector.broadcast %rem3A_1206 : i32 to vector<16xi32>
        %rem3A_1208 = arith.remsi %add3A_1169, %rem3A_1207 : vector<16xi32>
        %scatter3A_1209 = arith.constant 1 : i32
        %scatter3A_1210 = arith.constant 0 : i32
        %scatter3A_1211 = arith.constant 0 : i32
        %scatter3A_1212 = arith.constant 0 : i32
        %scatter3A_1213 = arith.constant 0 : i32
        %scatter3A_1214 = tpu.memref_slice %arg7[%scatter3A_1209, %scatter3A_1210, %scatter3A_1211, %scatter3A_1212, %scatter3A_1213] : memref<2x4x4x8x129xf32, #tpu.memory_space<vmem>> -> memref<1x4x4x8x129xf32, #tpu.memory_space<vmem>>
        %scatter3A_1215 = tpu.memref_squeeze %scatter3A_1214 : memref<1x4x4x8x129xf32, #tpu.memory_space<vmem>> -> memref<4x4x8x129xf32, #tpu.memory_space<vmem>>
        tpu.vector_store_idx %scatter3A_1215[%select_n3A_1205, %add3A_1162, %rem3A_1208, %add3A_1166], %get3A_1174 : memref<4x4x8x129xf32, #tpu.memory_space<vmem>>[vector<16xi32>, vector<16xi32>, vector<16xi32>, vector<16xi32>], vector<16xf32>,
        %add3A_1216 = arith.constant 16 : i32
        %add3A_1217 = vector.broadcast %add3A_1216 : i32 to vector<16xi32>
        %add3A_1218 = arith.addi %iota3A, %add3A_1217 : vector<16xi32>
        %get3A_1219 = arith.constant 1 : i32
        %get3A_1220 = arith.index_cast %get3A_1219 : i32 to index
        %get3A_1221 = arith.index_cast %add3A_1132 : i32 to index
        %get3A_1222 = arith.constant 16 : index
        %get3A_1223 = tpu.vector_load %arg6[%get3A_1220, %get3A_1221, %get3A_1222] {strides = array<i32>} : memref<2x512x32xf32, #tpu.memory_space<vmem>>, vector<16xf32>,
        %jit3A_1224 = arith.constant 8 : i32
        %div3A_1225 = vector.broadcast %jit3A_1224 : i32 to vector<16xi32>
        %div3A_1226 = arith.divsi %add3A_1218, %div3A_1225 : vector<16xi32>
        %sign3A_1227 = arith.constant 0 : i32
        %sign3A_1228 = vector.broadcast %sign3A_1227 : i32 to vector<16xi32>
        %sign3A_1229 = arith.cmpi sgt, %add3A_1218, %sign3A_1228 : vector<16xi32>
        %sign3A_1230 = arith.extui %sign3A_1229 : vector<16xi1> to vector<16xi32>
        %sign3A_1231 = arith.constant 0 : i32
        %sign3A_1232 = vector.broadcast %sign3A_1231 : i32 to vector<16xi32>
        %sign3A_1233 = arith.cmpi slt, %add3A_1218, %sign3A_1232 : vector<16xi32>
        %sign3A_1234 = arith.extui %sign3A_1233 : vector<16xi1> to vector<16xi32>
        %sign3A_1235 = arith.subi %sign3A_1230, %sign3A_1234 : vector<16xi32>
        %sign3A_1236 = arith.constant 0 : i32
        %sign3A_1237 = arith.cmpi sgt, %jit3A_1224, %sign3A_1236 : i32
        %sign3A_1238 = arith.extui %sign3A_1237 : i1 to i32
        %sign3A_1239 = arith.constant 0 : i32
        %sign3A_1240 = arith.cmpi slt, %jit3A_1224, %sign3A_1239 : i32
        %sign3A_1241 = arith.extui %sign3A_1240 : i1 to i32
        %sign3A_1242 = arith.subi %sign3A_1238, %sign3A_1241 : i32
        %ne3A_1243 = vector.broadcast %sign3A_1242 : i32 to vector<16xi32>
        %ne3A_1244 = arith.cmpi ne, %sign3A_1235, %ne3A_1243 : vector<16xi32>
        %rem3A_1245 = vector.broadcast %jit3A_1224 : i32 to vector<16xi32>
        %rem3A_1246 = arith.remsi %add3A_1218, %rem3A_1245 : vector<16xi32>
        %ne3A_1247 = arith.constant 0 : i32
        %ne3A_1248 = vector.broadcast %ne3A_1247 : i32 to vector<16xi32>
        %ne3A_1249 = arith.cmpi ne, %rem3A_1246, %ne3A_1248 : vector<16xi32>
        %and3A_1250 = arith.andi %ne3A_1244, %ne3A_1249 : vector<16xi1>
        %sub3A_1251 = arith.constant 1 : i32
        %sub3A_1252 = vector.broadcast %sub3A_1251 : i32 to vector<16xi32>
        %sub3A_1253 = arith.subi %div3A_1226, %sub3A_1252 : vector<16xi32>
        %select_n3A_1254 = arith.select %and3A_1250, %sub3A_1253, %div3A_1226 : vector<16xi1>, vector<16xi32>
        %rem3A_1255 = arith.constant 8 : i32
        %rem3A_1256 = vector.broadcast %rem3A_1255 : i32 to vector<16xi32>
        %rem3A_1257 = arith.remsi %add3A_1218, %rem3A_1256 : vector<16xi32>
        %scatter3A_1258 = arith.constant 1 : i32
        %scatter3A_1259 = arith.constant 0 : i32
        %scatter3A_1260 = arith.constant 0 : i32
        %scatter3A_1261 = arith.constant 0 : i32
        %scatter3A_1262 = arith.constant 0 : i32
        %scatter3A_1263 = tpu.memref_slice %arg7[%scatter3A_1258, %scatter3A_1259, %scatter3A_1260, %scatter3A_1261, %scatter3A_1262] : memref<2x4x4x8x129xf32, #tpu.memory_space<vmem>> -> memref<1x4x4x8x129xf32, #tpu.memory_space<vmem>>
        %scatter3A_1264 = tpu.memref_squeeze %scatter3A_1263 : memref<1x4x4x8x129xf32, #tpu.memory_space<vmem>> -> memref<4x4x8x129xf32, #tpu.memory_space<vmem>>
        tpu.vector_store_idx %scatter3A_1264[%select_n3A_1254, %add3A_1162, %rem3A_1257, %add3A_1166], %get3A_1223 : memref<4x4x8x129xf32, #tpu.memory_space<vmem>>[vector<16xi32>, vector<16xi32>, vector<16xi32>, vector<16xi32>], vector<16xf32>,
        %mul3A_1265 = arith.constant 16 : i32
        %mul3A_1266 = arith.muli %scan3A_187, %mul3A_1265 : i32
        %add3A_1267 = arith.constant 8 : i32
        %add3A_1268 = arith.addi %mul3A_1266, %add3A_1267 : i32
        %jit3A_1269 = arith.constant 128 : i32
        %div3A_1270 = arith.divsi %add3A_1268, %jit3A_1269 : i32
        %sign3A_1271 = arith.constant 0 : i32
        %sign3A_1272 = arith.cmpi sgt, %add3A_1268, %sign3A_1271 : i32
        %sign3A_1273 = arith.extui %sign3A_1272 : i1 to i32
        %sign3A_1274 = arith.constant 0 : i32
        %sign3A_1275 = arith.cmpi slt, %add3A_1268, %sign3A_1274 : i32
        %sign3A_1276 = arith.extui %sign3A_1275 : i1 to i32
        %sign3A_1277 = arith.subi %sign3A_1273, %sign3A_1276 : i32
        %sign3A_1278 = arith.constant 0 : i32
        %sign3A_1279 = arith.cmpi sgt, %jit3A_1269, %sign3A_1278 : i32
        %sign3A_1280 = arith.extui %sign3A_1279 : i1 to i32
        %sign3A_1281 = arith.constant 0 : i32
        %sign3A_1282 = arith.cmpi slt, %jit3A_1269, %sign3A_1281 : i32
        %sign3A_1283 = arith.extui %sign3A_1282 : i1 to i32
        %sign3A_1284 = arith.subi %sign3A_1280, %sign3A_1283 : i32
        %ne3A_1285 = arith.cmpi ne, %sign3A_1277, %sign3A_1284 : i32
        %rem3A_1286 = arith.remsi %add3A_1268, %jit3A_1269 : i32
        %ne3A_1287 = arith.constant 0 : i32
        %ne3A_1288 = arith.cmpi ne, %rem3A_1286, %ne3A_1287 : i32
        %and3A_1289 = arith.andi %ne3A_1285, %ne3A_1288 : i1
        %sub3A_1290 = arith.constant 1 : i32
        %sub3A_1291 = arith.subi %div3A_1270, %sub3A_1290 : i32
        %select_n3A_1292 = arith.select %and3A_1289, %sub3A_1291, %div3A_1270 : i32
        %rem3A_1293 = arith.constant 128 : i32
        %rem3A_1294 = arith.remsi %add3A_1268, %rem3A_1293 : i32
        %broadcast_in_dim3A_1295 = arith.constant 0 : i32
        %broadcast_in_dim3A_1296 = vector.broadcast %broadcast_in_dim3A_1295 : i32 to vector<16xi32>
        %add3A_1297 = vector.broadcast %select_n3A_1292 : i32 to vector<16xi32>
        %add3A_1298 = arith.addi %broadcast_in_dim3A_1296, %add3A_1297 : vector<16xi32>
        %broadcast_in_dim3A_1299 = arith.constant 0 : i32
        %broadcast_in_dim3A_1300 = vector.broadcast %broadcast_in_dim3A_1299 : i32 to vector<16xi32>
        %add3A_1301 = vector.broadcast %rem3A_1294 : i32 to vector<16xi32>
        %add3A_1302 = arith.addi %broadcast_in_dim3A_1300, %add3A_1301 : vector<16xi32>
        %add3A_1303 = arith.constant 0 : i32
        %add3A_1304 = vector.broadcast %add3A_1303 : i32 to vector<16xi32>
        %add3A_1305 = arith.addi %iota3A, %add3A_1304 : vector<16xi32>
        %get3A_1306 = arith.constant 1 : i32
        %get3A_1307 = arith.index_cast %get3A_1306 : i32 to index
        %get3A_1308 = arith.index_cast %add3A_1268 : i32 to index
        %get3A_1309 = arith.constant 0 : index
        %get3A_1310 = tpu.vector_load %arg6[%get3A_1307, %get3A_1308, %get3A_1309] {strides = array<i32>} : memref<2x512x32xf32, #tpu.memory_space<vmem>>, vector<16xf32>,
        %jit3A_1311 = arith.constant 8 : i32
        %div3A_1312 = vector.broadcast %jit3A_1311 : i32 to vector<16xi32>
        %div3A_1313 = arith.divsi %add3A_1305, %div3A_1312 : vector<16xi32>
        %sign3A_1314 = arith.constant 0 : i32
        %sign3A_1315 = vector.broadcast %sign3A_1314 : i32 to vector<16xi32>
        %sign3A_1316 = arith.cmpi sgt, %add3A_1305, %sign3A_1315 : vector<16xi32>
        %sign3A_1317 = arith.extui %sign3A_1316 : vector<16xi1> to vector<16xi32>
        %sign3A_1318 = arith.constant 0 : i32
        %sign3A_1319 = vector.broadcast %sign3A_1318 : i32 to vector<16xi32>
        %sign3A_1320 = arith.cmpi slt, %add3A_1305, %sign3A_1319 : vector<16xi32>
        %sign3A_1321 = arith.extui %sign3A_1320 : vector<16xi1> to vector<16xi32>
        %sign3A_1322 = arith.subi %sign3A_1317, %sign3A_1321 : vector<16xi32>
        %sign3A_1323 = arith.constant 0 : i32
        %sign3A_1324 = arith.cmpi sgt, %jit3A_1311, %sign3A_1323 : i32
        %sign3A_1325 = arith.extui %sign3A_1324 : i1 to i32
        %sign3A_1326 = arith.constant 0 : i32
        %sign3A_1327 = arith.cmpi slt, %jit3A_1311, %sign3A_1326 : i32
        %sign3A_1328 = arith.extui %sign3A_1327 : i1 to i32
        %sign3A_1329 = arith.subi %sign3A_1325, %sign3A_1328 : i32
        %ne3A_1330 = vector.broadcast %sign3A_1329 : i32 to vector<16xi32>
        %ne3A_1331 = arith.cmpi ne, %sign3A_1322, %ne3A_1330 : vector<16xi32>
        %rem3A_1332 = vector.broadcast %jit3A_1311 : i32 to vector<16xi32>
        %rem3A_1333 = arith.remsi %add3A_1305, %rem3A_1332 : vector<16xi32>
        %ne3A_1334 = arith.constant 0 : i32
        %ne3A_1335 = vector.broadcast %ne3A_1334 : i32 to vector<16xi32>
        %ne3A_1336 = arith.cmpi ne, %rem3A_1333, %ne3A_1335 : vector<16xi32>
        %and3A_1337 = arith.andi %ne3A_1331, %ne3A_1336 : vector<16xi1>
        %sub3A_1338 = arith.constant 1 : i32
        %sub3A_1339 = vector.broadcast %sub3A_1338 : i32 to vector<16xi32>
        %sub3A_1340 = arith.subi %div3A_1313, %sub3A_1339 : vector<16xi32>
        %select_n3A_1341 = arith.select %and3A_1337, %sub3A_1340, %div3A_1313 : vector<16xi1>, vector<16xi32>
        %rem3A_1342 = arith.constant 8 : i32
        %rem3A_1343 = vector.broadcast %rem3A_1342 : i32 to vector<16xi32>
        %rem3A_1344 = arith.remsi %add3A_1305, %rem3A_1343 : vector<16xi32>
        %scatter3A_1345 = arith.constant 1 : i32
        %scatter3A_1346 = arith.constant 0 : i32
        %scatter3A_1347 = arith.constant 0 : i32
        %scatter3A_1348 = arith.constant 0 : i32
        %scatter3A_1349 = arith.constant 0 : i32
        %scatter3A_1350 = tpu.memref_slice %arg7[%scatter3A_1345, %scatter3A_1346, %scatter3A_1347, %scatter3A_1348, %scatter3A_1349] : memref<2x4x4x8x129xf32, #tpu.memory_space<vmem>> -> memref<1x4x4x8x129xf32, #tpu.memory_space<vmem>>
        %scatter3A_1351 = tpu.memref_squeeze %scatter3A_1350 : memref<1x4x4x8x129xf32, #tpu.memory_space<vmem>> -> memref<4x4x8x129xf32, #tpu.memory_space<vmem>>
        tpu.vector_store_idx %scatter3A_1351[%select_n3A_1341, %add3A_1298, %rem3A_1344, %add3A_1302], %get3A_1310 : memref<4x4x8x129xf32, #tpu.memory_space<vmem>>[vector<16xi32>, vector<16xi32>, vector<16xi32>, vector<16xi32>], vector<16xf32>,
        %add3A_1352 = arith.constant 16 : i32
        %add3A_1353 = vector.broadcast %add3A_1352 : i32 to vector<16xi32>
        %add3A_1354 = arith.addi %iota3A, %add3A_1353 : vector<16xi32>
        %get3A_1355 = arith.constant 1 : i32
        %get3A_1356 = arith.index_cast %get3A_1355 : i32 to index
        %get3A_1357 = arith.index_cast %add3A_1268 : i32 to index
        %get3A_1358 = arith.constant 16 : index
        %get3A_1359 = tpu.vector_load %arg6[%get3A_1356, %get3A_1357, %get3A_1358] {strides = array<i32>} : memref<2x512x32xf32, #tpu.memory_space<vmem>>, vector<16xf32>,
        %jit3A_1360 = arith.constant 8 : i32
        %div3A_1361 = vector.broadcast %jit3A_1360 : i32 to vector<16xi32>
        %div3A_1362 = arith.divsi %add3A_1354, %div3A_1361 : vector<16xi32>
        %sign3A_1363 = arith.constant 0 : i32
        %sign3A_1364 = vector.broadcast %sign3A_1363 : i32 to vector<16xi32>
        %sign3A_1365 = arith.cmpi sgt, %add3A_1354, %sign3A_1364 : vector<16xi32>
        %sign3A_1366 = arith.extui %sign3A_1365 : vector<16xi1> to vector<16xi32>
        %sign3A_1367 = arith.constant 0 : i32
        %sign3A_1368 = vector.broadcast %sign3A_1367 : i32 to vector<16xi32>
        %sign3A_1369 = arith.cmpi slt, %add3A_1354, %sign3A_1368 : vector<16xi32>
        %sign3A_1370 = arith.extui %sign3A_1369 : vector<16xi1> to vector<16xi32>
        %sign3A_1371 = arith.subi %sign3A_1366, %sign3A_1370 : vector<16xi32>
        %sign3A_1372 = arith.constant 0 : i32
        %sign3A_1373 = arith.cmpi sgt, %jit3A_1360, %sign3A_1372 : i32
        %sign3A_1374 = arith.extui %sign3A_1373 : i1 to i32
        %sign3A_1375 = arith.constant 0 : i32
        %sign3A_1376 = arith.cmpi slt, %jit3A_1360, %sign3A_1375 : i32
        %sign3A_1377 = arith.extui %sign3A_1376 : i1 to i32
        %sign3A_1378 = arith.subi %sign3A_1374, %sign3A_1377 : i32
        %ne3A_1379 = vector.broadcast %sign3A_1378 : i32 to vector<16xi32>
        %ne3A_1380 = arith.cmpi ne, %sign3A_1371, %ne3A_1379 : vector<16xi32>
        %rem3A_1381 = vector.broadcast %jit3A_1360 : i32 to vector<16xi32>
        %rem3A_1382 = arith.remsi %add3A_1354, %rem3A_1381 : vector<16xi32>
        %ne3A_1383 = arith.constant 0 : i32
        %ne3A_1384 = vector.broadcast %ne3A_1383 : i32 to vector<16xi32>
        %ne3A_1385 = arith.cmpi ne, %rem3A_1382, %ne3A_1384 : vector<16xi32>
        %and3A_1386 = arith.andi %ne3A_1380, %ne3A_1385 : vector<16xi1>
        %sub3A_1387 = arith.constant 1 : i32
        %sub3A_1388 = vector.broadcast %sub3A_1387 : i32 to vector<16xi32>
        %sub3A_1389 = arith.subi %div3A_1362, %sub3A_1388 : vector<16xi32>
        %select_n3A_1390 = arith.select %and3A_1386, %sub3A_1389, %div3A_1362 : vector<16xi1>, vector<16xi32>
        %rem3A_1391 = arith.constant 8 : i32
        %rem3A_1392 = vector.broadcast %rem3A_1391 : i32 to vector<16xi32>
        %rem3A_1393 = arith.remsi %add3A_1354, %rem3A_1392 : vector<16xi32>
        %scatter3A_1394 = arith.constant 1 : i32
        %scatter3A_1395 = arith.constant 0 : i32
        %scatter3A_1396 = arith.constant 0 : i32
        %scatter3A_1397 = arith.constant 0 : i32
        %scatter3A_1398 = arith.constant 0 : i32
        %scatter3A_1399 = tpu.memref_slice %arg7[%scatter3A_1394, %scatter3A_1395, %scatter3A_1396, %scatter3A_1397, %scatter3A_1398] : memref<2x4x4x8x129xf32, #tpu.memory_space<vmem>> -> memref<1x4x4x8x129xf32, #tpu.memory_space<vmem>>
        %scatter3A_1400 = tpu.memref_squeeze %scatter3A_1399 : memref<1x4x4x8x129xf32, #tpu.memory_space<vmem>> -> memref<4x4x8x129xf32, #tpu.memory_space<vmem>>
        tpu.vector_store_idx %scatter3A_1400[%select_n3A_1390, %add3A_1298, %rem3A_1393, %add3A_1302], %get3A_1359 : memref<4x4x8x129xf32, #tpu.memory_space<vmem>>[vector<16xi32>, vector<16xi32>, vector<16xi32>, vector<16xi32>], vector<16xf32>,
        %mul3A_1401 = arith.constant 16 : i32
        %mul3A_1402 = arith.muli %scan3A_187, %mul3A_1401 : i32
        %add3A_1403 = arith.constant 9 : i32
        %add3A_1404 = arith.addi %mul3A_1402, %add3A_1403 : i32
        %jit3A_1405 = arith.constant 128 : i32
        %div3A_1406 = arith.divsi %add3A_1404, %jit3A_1405 : i32
        %sign3A_1407 = arith.constant 0 : i32
        %sign3A_1408 = arith.cmpi sgt, %add3A_1404, %sign3A_1407 : i32
        %sign3A_1409 = arith.extui %sign3A_1408 : i1 to i32
        %sign3A_1410 = arith.constant 0 : i32
        %sign3A_1411 = arith.cmpi slt, %add3A_1404, %sign3A_1410 : i32
        %sign3A_1412 = arith.extui %sign3A_1411 : i1 to i32
        %sign3A_1413 = arith.subi %sign3A_1409, %sign3A_1412 : i32
        %sign3A_1414 = arith.constant 0 : i32
        %sign3A_1415 = arith.cmpi sgt, %jit3A_1405, %sign3A_1414 : i32
        %sign3A_1416 = arith.extui %sign3A_1415 : i1 to i32
        %sign3A_1417 = arith.constant 0 : i32
        %sign3A_1418 = arith.cmpi slt, %jit3A_1405, %sign3A_1417 : i32
        %sign3A_1419 = arith.extui %sign3A_1418 : i1 to i32
        %sign3A_1420 = arith.subi %sign3A_1416, %sign3A_1419 : i32
        %ne3A_1421 = arith.cmpi ne, %sign3A_1413, %sign3A_1420 : i32
        %rem3A_1422 = arith.remsi %add3A_1404, %jit3A_1405 : i32
        %ne3A_1423 = arith.constant 0 : i32
        %ne3A_1424 = arith.cmpi ne, %rem3A_1422, %ne3A_1423 : i32
        %and3A_1425 = arith.andi %ne3A_1421, %ne3A_1424 : i1
        %sub3A_1426 = arith.constant 1 : i32
        %sub3A_1427 = arith.subi %div3A_1406, %sub3A_1426 : i32
        %select_n3A_1428 = arith.select %and3A_1425, %sub3A_1427, %div3A_1406 : i32
        %rem3A_1429 = arith.constant 128 : i32
        %rem3A_1430 = arith.remsi %add3A_1404, %rem3A_1429 : i32
        %broadcast_in_dim3A_1431 = arith.constant 0 : i32
        %broadcast_in_dim3A_1432 = vector.broadcast %broadcast_in_dim3A_1431 : i32 to vector<16xi32>
        %add3A_1433 = vector.broadcast %select_n3A_1428 : i32 to vector<16xi32>
        %add3A_1434 = arith.addi %broadcast_in_dim3A_1432, %add3A_1433 : vector<16xi32>
        %broadcast_in_dim3A_1435 = arith.constant 0 : i32
        %broadcast_in_dim3A_1436 = vector.broadcast %broadcast_in_dim3A_1435 : i32 to vector<16xi32>
        %add3A_1437 = vector.broadcast %rem3A_1430 : i32 to vector<16xi32>
        %add3A_1438 = arith.addi %broadcast_in_dim3A_1436, %add3A_1437 : vector<16xi32>
        %add3A_1439 = arith.constant 0 : i32
        %add3A_1440 = vector.broadcast %add3A_1439 : i32 to vector<16xi32>
        %add3A_1441 = arith.addi %iota3A, %add3A_1440 : vector<16xi32>
        %get3A_1442 = arith.constant 1 : i32
        %get3A_1443 = arith.index_cast %get3A_1442 : i32 to index
        %get3A_1444 = arith.index_cast %add3A_1404 : i32 to index
        %get3A_1445 = arith.constant 0 : index
        %get3A_1446 = tpu.vector_load %arg6[%get3A_1443, %get3A_1444, %get3A_1445] {strides = array<i32>} : memref<2x512x32xf32, #tpu.memory_space<vmem>>, vector<16xf32>,
        %jit3A_1447 = arith.constant 8 : i32
        %div3A_1448 = vector.broadcast %jit3A_1447 : i32 to vector<16xi32>
        %div3A_1449 = arith.divsi %add3A_1441, %div3A_1448 : vector<16xi32>
        %sign3A_1450 = arith.constant 0 : i32
        %sign3A_1451 = vector.broadcast %sign3A_1450 : i32 to vector<16xi32>
        %sign3A_1452 = arith.cmpi sgt, %add3A_1441, %sign3A_1451 : vector<16xi32>
        %sign3A_1453 = arith.extui %sign3A_1452 : vector<16xi1> to vector<16xi32>
        %sign3A_1454 = arith.constant 0 : i32
        %sign3A_1455 = vector.broadcast %sign3A_1454 : i32 to vector<16xi32>
        %sign3A_1456 = arith.cmpi slt, %add3A_1441, %sign3A_1455 : vector<16xi32>
        %sign3A_1457 = arith.extui %sign3A_1456 : vector<16xi1> to vector<16xi32>
        %sign3A_1458 = arith.subi %sign3A_1453, %sign3A_1457 : vector<16xi32>
        %sign3A_1459 = arith.constant 0 : i32
        %sign3A_1460 = arith.cmpi sgt, %jit3A_1447, %sign3A_1459 : i32
        %sign3A_1461 = arith.extui %sign3A_1460 : i1 to i32
        %sign3A_1462 = arith.constant 0 : i32
        %sign3A_1463 = arith.cmpi slt, %jit3A_1447, %sign3A_1462 : i32
        %sign3A_1464 = arith.extui %sign3A_1463 : i1 to i32
        %sign3A_1465 = arith.subi %sign3A_1461, %sign3A_1464 : i32
        %ne3A_1466 = vector.broadcast %sign3A_1465 : i32 to vector<16xi32>
        %ne3A_1467 = arith.cmpi ne, %sign3A_1458, %ne3A_1466 : vector<16xi32>
        %rem3A_1468 = vector.broadcast %jit3A_1447 : i32 to vector<16xi32>
        %rem3A_1469 = arith.remsi %add3A_1441, %rem3A_1468 : vector<16xi32>
        %ne3A_1470 = arith.constant 0 : i32
        %ne3A_1471 = vector.broadcast %ne3A_1470 : i32 to vector<16xi32>
        %ne3A_1472 = arith.cmpi ne, %rem3A_1469, %ne3A_1471 : vector<16xi32>
        %and3A_1473 = arith.andi %ne3A_1467, %ne3A_1472 : vector<16xi1>
        %sub3A_1474 = arith.constant 1 : i32
        %sub3A_1475 = vector.broadcast %sub3A_1474 : i32 to vector<16xi32>
        %sub3A_1476 = arith.subi %div3A_1449, %sub3A_1475 : vector<16xi32>
        %select_n3A_1477 = arith.select %and3A_1473, %sub3A_1476, %div3A_1449 : vector<16xi1>, vector<16xi32>
        %rem3A_1478 = arith.constant 8 : i32
        %rem3A_1479 = vector.broadcast %rem3A_1478 : i32 to vector<16xi32>
        %rem3A_1480 = arith.remsi %add3A_1441, %rem3A_1479 : vector<16xi32>
        %scatter3A_1481 = arith.constant 1 : i32
        %scatter3A_1482 = arith.constant 0 : i32
        %scatter3A_1483 = arith.constant 0 : i32
        %scatter3A_1484 = arith.constant 0 : i32
        %scatter3A_1485 = arith.constant 0 : i32
        %scatter3A_1486 = tpu.memref_slice %arg7[%scatter3A_1481, %scatter3A_1482, %scatter3A_1483, %scatter3A_1484, %scatter3A_1485] : memref<2x4x4x8x129xf32, #tpu.memory_space<vmem>> -> memref<1x4x4x8x129xf32, #tpu.memory_space<vmem>>
        %scatter3A_1487 = tpu.memref_squeeze %scatter3A_1486 : memref<1x4x4x8x129xf32, #tpu.memory_space<vmem>> -> memref<4x4x8x129xf32, #tpu.memory_space<vmem>>
        tpu.vector_store_idx %scatter3A_1487[%select_n3A_1477, %add3A_1434, %rem3A_1480, %add3A_1438], %get3A_1446 : memref<4x4x8x129xf32, #tpu.memory_space<vmem>>[vector<16xi32>, vector<16xi32>, vector<16xi32>, vector<16xi32>], vector<16xf32>,
        %add3A_1488 = arith.constant 16 : i32
        %add3A_1489 = vector.broadcast %add3A_1488 : i32 to vector<16xi32>
        %add3A_1490 = arith.addi %iota3A, %add3A_1489 : vector<16xi32>
        %get3A_1491 = arith.constant 1 : i32
        %get3A_1492 = arith.index_cast %get3A_1491 : i32 to index
        %get3A_1493 = arith.index_cast %add3A_1404 : i32 to index
        %get3A_1494 = arith.constant 16 : index
        %get3A_1495 = tpu.vector_load %arg6[%get3A_1492, %get3A_1493, %get3A_1494] {strides = array<i32>} : memref<2x512x32xf32, #tpu.memory_space<vmem>>, vector<16xf32>,
        %jit3A_1496 = arith.constant 8 : i32
        %div3A_1497 = vector.broadcast %jit3A_1496 : i32 to vector<16xi32>
        %div3A_1498 = arith.divsi %add3A_1490, %div3A_1497 : vector<16xi32>
        %sign3A_1499 = arith.constant 0 : i32
        %sign3A_1500 = vector.broadcast %sign3A_1499 : i32 to vector<16xi32>
        %sign3A_1501 = arith.cmpi sgt, %add3A_1490, %sign3A_1500 : vector<16xi32>
        %sign3A_1502 = arith.extui %sign3A_1501 : vector<16xi1> to vector<16xi32>
        %sign3A_1503 = arith.constant 0 : i32
        %sign3A_1504 = vector.broadcast %sign3A_1503 : i32 to vector<16xi32>
        %sign3A_1505 = arith.cmpi slt, %add3A_1490, %sign3A_1504 : vector<16xi32>
        %sign3A_1506 = arith.extui %sign3A_1505 : vector<16xi1> to vector<16xi32>
        %sign3A_1507 = arith.subi %sign3A_1502, %sign3A_1506 : vector<16xi32>
        %sign3A_1508 = arith.constant 0 : i32
        %sign3A_1509 = arith.cmpi sgt, %jit3A_1496, %sign3A_1508 : i32
        %sign3A_1510 = arith.extui %sign3A_1509 : i1 to i32
        %sign3A_1511 = arith.constant 0 : i32
        %sign3A_1512 = arith.cmpi slt, %jit3A_1496, %sign3A_1511 : i32
        %sign3A_1513 = arith.extui %sign3A_1512 : i1 to i32
        %sign3A_1514 = arith.subi %sign3A_1510, %sign3A_1513 : i32
        %ne3A_1515 = vector.broadcast %sign3A_1514 : i32 to vector<16xi32>
        %ne3A_1516 = arith.cmpi ne, %sign3A_1507, %ne3A_1515 : vector<16xi32>
        %rem3A_1517 = vector.broadcast %jit3A_1496 : i32 to vector<16xi32>
        %rem3A_1518 = arith.remsi %add3A_1490, %rem3A_1517 : vector<16xi32>
        %ne3A_1519 = arith.constant 0 : i32
        %ne3A_1520 = vector.broadcast %ne3A_1519 : i32 to vector<16xi32>
        %ne3A_1521 = arith.cmpi ne, %rem3A_1518, %ne3A_1520 : vector<16xi32>
        %and3A_1522 = arith.andi %ne3A_1516, %ne3A_1521 : vector<16xi1>
        %sub3A_1523 = arith.constant 1 : i32
        %sub3A_1524 = vector.broadcast %sub3A_1523 : i32 to vector<16xi32>
        %sub3A_1525 = arith.subi %div3A_1498, %sub3A_1524 : vector<16xi32>
        %select_n3A_1526 = arith.select %and3A_1522, %sub3A_1525, %div3A_1498 : vector<16xi1>, vector<16xi32>
        %rem3A_1527 = arith.constant 8 : i32
        %rem3A_1528 = vector.broadcast %rem3A_1527 : i32 to vector<16xi32>
        %rem3A_1529 = arith.remsi %add3A_1490, %rem3A_1528 : vector<16xi32>
        %scatter3A_1530 = arith.constant 1 : i32
        %scatter3A_1531 = arith.constant 0 : i32
        %scatter3A_1532 = arith.constant 0 : i32
        %scatter3A_1533 = arith.constant 0 : i32
        %scatter3A_1534 = arith.constant 0 : i32
        %scatter3A_1535 = tpu.memref_slice %arg7[%scatter3A_1530, %scatter3A_1531, %scatter3A_1532, %scatter3A_1533, %scatter3A_1534] : memref<2x4x4x8x129xf32, #tpu.memory_space<vmem>> -> memref<1x4x4x8x129xf32, #tpu.memory_space<vmem>>
        %scatter3A_1536 = tpu.memref_squeeze %scatter3A_1535 : memref<1x4x4x8x129xf32, #tpu.memory_space<vmem>> -> memref<4x4x8x129xf32, #tpu.memory_space<vmem>>
        tpu.vector_store_idx %scatter3A_1536[%select_n3A_1526, %add3A_1434, %rem3A_1529, %add3A_1438], %get3A_1495 : memref<4x4x8x129xf32, #tpu.memory_space<vmem>>[vector<16xi32>, vector<16xi32>, vector<16xi32>, vector<16xi32>], vector<16xf32>,
        %mul3A_1537 = arith.constant 16 : i32
        %mul3A_1538 = arith.muli %scan3A_187, %mul3A_1537 : i32
        %add3A_1539 = arith.constant 10 : i32
        %add3A_1540 = arith.addi %mul3A_1538, %add3A_1539 : i32
        %jit3A_1541 = arith.constant 128 : i32
        %div3A_1542 = arith.divsi %add3A_1540, %jit3A_1541 : i32
        %sign3A_1543 = arith.constant 0 : i32
        %sign3A_1544 = arith.cmpi sgt, %add3A_1540, %sign3A_1543 : i32
        %sign3A_1545 = arith.extui %sign3A_1544 : i1 to i32
        %sign3A_1546 = arith.constant 0 : i32
        %sign3A_1547 = arith.cmpi slt, %add3A_1540, %sign3A_1546 : i32
        %sign3A_1548 = arith.extui %sign3A_1547 : i1 to i32
        %sign3A_1549 = arith.subi %sign3A_1545, %sign3A_1548 : i32
        %sign3A_1550 = arith.constant 0 : i32
        %sign3A_1551 = arith.cmpi sgt, %jit3A_1541, %sign3A_1550 : i32
        %sign3A_1552 = arith.extui %sign3A_1551 : i1 to i32
        %sign3A_1553 = arith.constant 0 : i32
        %sign3A_1554 = arith.cmpi slt, %jit3A_1541, %sign3A_1553 : i32
        %sign3A_1555 = arith.extui %sign3A_1554 : i1 to i32
        %sign3A_1556 = arith.subi %sign3A_1552, %sign3A_1555 : i32
        %ne3A_1557 = arith.cmpi ne, %sign3A_1549, %sign3A_1556 : i32
        %rem3A_1558 = arith.remsi %add3A_1540, %jit3A_1541 : i32
        %ne3A_1559 = arith.constant 0 : i32
        %ne3A_1560 = arith.cmpi ne, %rem3A_1558, %ne3A_1559 : i32
        %and3A_1561 = arith.andi %ne3A_1557, %ne3A_1560 : i1
        %sub3A_1562 = arith.constant 1 : i32
        %sub3A_1563 = arith.subi %div3A_1542, %sub3A_1562 : i32
        %select_n3A_1564 = arith.select %and3A_1561, %sub3A_1563, %div3A_1542 : i32
        %rem3A_1565 = arith.constant 128 : i32
        %rem3A_1566 = arith.remsi %add3A_1540, %rem3A_1565 : i32
        %broadcast_in_dim3A_1567 = arith.constant 0 : i32
        %broadcast_in_dim3A_1568 = vector.broadcast %broadcast_in_dim3A_1567 : i32 to vector<16xi32>
        %add3A_1569 = vector.broadcast %select_n3A_1564 : i32 to vector<16xi32>
        %add3A_1570 = arith.addi %broadcast_in_dim3A_1568, %add3A_1569 : vector<16xi32>
        %broadcast_in_dim3A_1571 = arith.constant 0 : i32
        %broadcast_in_dim3A_1572 = vector.broadcast %broadcast_in_dim3A_1571 : i32 to vector<16xi32>
        %add3A_1573 = vector.broadcast %rem3A_1566 : i32 to vector<16xi32>
        %add3A_1574 = arith.addi %broadcast_in_dim3A_1572, %add3A_1573 : vector<16xi32>
        %add3A_1575 = arith.constant 0 : i32
        %add3A_1576 = vector.broadcast %add3A_1575 : i32 to vector<16xi32>
        %add3A_1577 = arith.addi %iota3A, %add3A_1576 : vector<16xi32>
        %get3A_1578 = arith.constant 1 : i32
        %get3A_1579 = arith.index_cast %get3A_1578 : i32 to index
        %get3A_1580 = arith.index_cast %add3A_1540 : i32 to index
        %get3A_1581 = arith.constant 0 : index
        %get3A_1582 = tpu.vector_load %arg6[%get3A_1579, %get3A_1580, %get3A_1581] {strides = array<i32>} : memref<2x512x32xf32, #tpu.memory_space<vmem>>, vector<16xf32>,
        %jit3A_1583 = arith.constant 8 : i32
        %div3A_1584 = vector.broadcast %jit3A_1583 : i32 to vector<16xi32>
        %div3A_1585 = arith.divsi %add3A_1577, %div3A_1584 : vector<16xi32>
        %sign3A_1586 = arith.constant 0 : i32
        %sign3A_1587 = vector.broadcast %sign3A_1586 : i32 to vector<16xi32>
        %sign3A_1588 = arith.cmpi sgt, %add3A_1577, %sign3A_1587 : vector<16xi32>
        %sign3A_1589 = arith.extui %sign3A_1588 : vector<16xi1> to vector<16xi32>
        %sign3A_1590 = arith.constant 0 : i32
        %sign3A_1591 = vector.broadcast %sign3A_1590 : i32 to vector<16xi32>
        %sign3A_1592 = arith.cmpi slt, %add3A_1577, %sign3A_1591 : vector<16xi32>
        %sign3A_1593 = arith.extui %sign3A_1592 : vector<16xi1> to vector<16xi32>
        %sign3A_1594 = arith.subi %sign3A_1589, %sign3A_1593 : vector<16xi32>
        %sign3A_1595 = arith.constant 0 : i32
        %sign3A_1596 = arith.cmpi sgt, %jit3A_1583, %sign3A_1595 : i32
        %sign3A_1597 = arith.extui %sign3A_1596 : i1 to i32
        %sign3A_1598 = arith.constant 0 : i32
        %sign3A_1599 = arith.cmpi slt, %jit3A_1583, %sign3A_1598 : i32
        %sign3A_1600 = arith.extui %sign3A_1599 : i1 to i32
        %sign3A_1601 = arith.subi %sign3A_1597, %sign3A_1600 : i32
        %ne3A_1602 = vector.broadcast %sign3A_1601 : i32 to vector<16xi32>
        %ne3A_1603 = arith.cmpi ne, %sign3A_1594, %ne3A_1602 : vector<16xi32>
        %rem3A_1604 = vector.broadcast %jit3A_1583 : i32 to vector<16xi32>
        %rem3A_1605 = arith.remsi %add3A_1577, %rem3A_1604 : vector<16xi32>
        %ne3A_1606 = arith.constant 0 : i32
        %ne3A_1607 = vector.broadcast %ne3A_1606 : i32 to vector<16xi32>
        %ne3A_1608 = arith.cmpi ne, %rem3A_1605, %ne3A_1607 : vector<16xi32>
        %and3A_1609 = arith.andi %ne3A_1603, %ne3A_1608 : vector<16xi1>
        %sub3A_1610 = arith.constant 1 : i32
        %sub3A_1611 = vector.broadcast %sub3A_1610 : i32 to vector<16xi32>
        %sub3A_1612 = arith.subi %div3A_1585, %sub3A_1611 : vector<16xi32>
        %select_n3A_1613 = arith.select %and3A_1609, %sub3A_1612, %div3A_1585 : vector<16xi1>, vector<16xi32>
        %rem3A_1614 = arith.constant 8 : i32
        %rem3A_1615 = vector.broadcast %rem3A_1614 : i32 to vector<16xi32>
        %rem3A_1616 = arith.remsi %add3A_1577, %rem3A_1615 : vector<16xi32>
        %scatter3A_1617 = arith.constant 1 : i32
        %scatter3A_1618 = arith.constant 0 : i32
        %scatter3A_1619 = arith.constant 0 : i32
        %scatter3A_1620 = arith.constant 0 : i32
        %scatter3A_1621 = arith.constant 0 : i32
        %scatter3A_1622 = tpu.memref_slice %arg7[%scatter3A_1617, %scatter3A_1618, %scatter3A_1619, %scatter3A_1620, %scatter3A_1621] : memref<2x4x4x8x129xf32, #tpu.memory_space<vmem>> -> memref<1x4x4x8x129xf32, #tpu.memory_space<vmem>>
        %scatter3A_1623 = tpu.memref_squeeze %scatter3A_1622 : memref<1x4x4x8x129xf32, #tpu.memory_space<vmem>> -> memref<4x4x8x129xf32, #tpu.memory_space<vmem>>
        tpu.vector_store_idx %scatter3A_1623[%select_n3A_1613, %add3A_1570, %rem3A_1616, %add3A_1574], %get3A_1582 : memref<4x4x8x129xf32, #tpu.memory_space<vmem>>[vector<16xi32>, vector<16xi32>, vector<16xi32>, vector<16xi32>], vector<16xf32>,
        %add3A_1624 = arith.constant 16 : i32
        %add3A_1625 = vector.broadcast %add3A_1624 : i32 to vector<16xi32>
        %add3A_1626 = arith.addi %iota3A, %add3A_1625 : vector<16xi32>
        %get3A_1627 = arith.constant 1 : i32
        %get3A_1628 = arith.index_cast %get3A_1627 : i32 to index
        %get3A_1629 = arith.index_cast %add3A_1540 : i32 to index
        %get3A_1630 = arith.constant 16 : index
        %get3A_1631 = tpu.vector_load %arg6[%get3A_1628, %get3A_1629, %get3A_1630] {strides = array<i32>} : memref<2x512x32xf32, #tpu.memory_space<vmem>>, vector<16xf32>,
        %jit3A_1632 = arith.constant 8 : i32
        %div3A_1633 = vector.broadcast %jit3A_1632 : i32 to vector<16xi32>
        %div3A_1634 = arith.divsi %add3A_1626, %div3A_1633 : vector<16xi32>
        %sign3A_1635 = arith.constant 0 : i32
        %sign3A_1636 = vector.broadcast %sign3A_1635 : i32 to vector<16xi32>
        %sign3A_1637 = arith.cmpi sgt, %add3A_1626, %sign3A_1636 : vector<16xi32>
        %sign3A_1638 = arith.extui %sign3A_1637 : vector<16xi1> to vector<16xi32>
        %sign3A_1639 = arith.constant 0 : i32
        %sign3A_1640 = vector.broadcast %sign3A_1639 : i32 to vector<16xi32>
        %sign3A_1641 = arith.cmpi slt, %add3A_1626, %sign3A_1640 : vector<16xi32>
        %sign3A_1642 = arith.extui %sign3A_1641 : vector<16xi1> to vector<16xi32>
        %sign3A_1643 = arith.subi %sign3A_1638, %sign3A_1642 : vector<16xi32>
        %sign3A_1644 = arith.constant 0 : i32
        %sign3A_1645 = arith.cmpi sgt, %jit3A_1632, %sign3A_1644 : i32
        %sign3A_1646 = arith.extui %sign3A_1645 : i1 to i32
        %sign3A_1647 = arith.constant 0 : i32
        %sign3A_1648 = arith.cmpi slt, %jit3A_1632, %sign3A_1647 : i32
        %sign3A_1649 = arith.extui %sign3A_1648 : i1 to i32
        %sign3A_1650 = arith.subi %sign3A_1646, %sign3A_1649 : i32
        %ne3A_1651 = vector.broadcast %sign3A_1650 : i32 to vector<16xi32>
        %ne3A_1652 = arith.cmpi ne, %sign3A_1643, %ne3A_1651 : vector<16xi32>
        %rem3A_1653 = vector.broadcast %jit3A_1632 : i32 to vector<16xi32>
        %rem3A_1654 = arith.remsi %add3A_1626, %rem3A_1653 : vector<16xi32>
        %ne3A_1655 = arith.constant 0 : i32
        %ne3A_1656 = vector.broadcast %ne3A_1655 : i32 to vector<16xi32>
        %ne3A_1657 = arith.cmpi ne, %rem3A_1654, %ne3A_1656 : vector<16xi32>
        %and3A_1658 = arith.andi %ne3A_1652, %ne3A_1657 : vector<16xi1>
        %sub3A_1659 = arith.constant 1 : i32
        %sub3A_1660 = vector.broadcast %sub3A_1659 : i32 to vector<16xi32>
        %sub3A_1661 = arith.subi %div3A_1634, %sub3A_1660 : vector<16xi32>
        %select_n3A_1662 = arith.select %and3A_1658, %sub3A_1661, %div3A_1634 : vector<16xi1>, vector<16xi32>
        %rem3A_1663 = arith.constant 8 : i32
        %rem3A_1664 = vector.broadcast %rem3A_1663 : i32 to vector<16xi32>
        %rem3A_1665 = arith.remsi %add3A_1626, %rem3A_1664 : vector<16xi32>
        %scatter3A_1666 = arith.constant 1 : i32
        %scatter3A_1667 = arith.constant 0 : i32
        %scatter3A_1668 = arith.constant 0 : i32
        %scatter3A_1669 = arith.constant 0 : i32
        %scatter3A_1670 = arith.constant 0 : i32
        %scatter3A_1671 = tpu.memref_slice %arg7[%scatter3A_1666, %scatter3A_1667, %scatter3A_1668, %scatter3A_1669, %scatter3A_1670] : memref<2x4x4x8x129xf32, #tpu.memory_space<vmem>> -> memref<1x4x4x8x129xf32, #tpu.memory_space<vmem>>
        %scatter3A_1672 = tpu.memref_squeeze %scatter3A_1671 : memref<1x4x4x8x129xf32, #tpu.memory_space<vmem>> -> memref<4x4x8x129xf32, #tpu.memory_space<vmem>>
        tpu.vector_store_idx %scatter3A_1672[%select_n3A_1662, %add3A_1570, %rem3A_1665, %add3A_1574], %get3A_1631 : memref<4x4x8x129xf32, #tpu.memory_space<vmem>>[vector<16xi32>, vector<16xi32>, vector<16xi32>, vector<16xi32>], vector<16xf32>,
        %mul3A_1673 = arith.constant 16 : i32
        %mul3A_1674 = arith.muli %scan3A_187, %mul3A_1673 : i32
        %add3A_1675 = arith.constant 11 : i32
        %add3A_1676 = arith.addi %mul3A_1674, %add3A_1675 : i32
        %jit3A_1677 = arith.constant 128 : i32
        %div3A_1678 = arith.divsi %add3A_1676, %jit3A_1677 : i32
        %sign3A_1679 = arith.constant 0 : i32
        %sign3A_1680 = arith.cmpi sgt, %add3A_1676, %sign3A_1679 : i32
        %sign3A_1681 = arith.extui %sign3A_1680 : i1 to i32
        %sign3A_1682 = arith.constant 0 : i32
        %sign3A_1683 = arith.cmpi slt, %add3A_1676, %sign3A_1682 : i32
        %sign3A_1684 = arith.extui %sign3A_1683 : i1 to i32
        %sign3A_1685 = arith.subi %sign3A_1681, %sign3A_1684 : i32
        %sign3A_1686 = arith.constant 0 : i32
        %sign3A_1687 = arith.cmpi sgt, %jit3A_1677, %sign3A_1686 : i32
        %sign3A_1688 = arith.extui %sign3A_1687 : i1 to i32
        %sign3A_1689 = arith.constant 0 : i32
        %sign3A_1690 = arith.cmpi slt, %jit3A_1677, %sign3A_1689 : i32
        %sign3A_1691 = arith.extui %sign3A_1690 : i1 to i32
        %sign3A_1692 = arith.subi %sign3A_1688, %sign3A_1691 : i32
        %ne3A_1693 = arith.cmpi ne, %sign3A_1685, %sign3A_1692 : i32
        %rem3A_1694 = arith.remsi %add3A_1676, %jit3A_1677 : i32
        %ne3A_1695 = arith.constant 0 : i32
        %ne3A_1696 = arith.cmpi ne, %rem3A_1694, %ne3A_1695 : i32
        %and3A_1697 = arith.andi %ne3A_1693, %ne3A_1696 : i1
        %sub3A_1698 = arith.constant 1 : i32
        %sub3A_1699 = arith.subi %div3A_1678, %sub3A_1698 : i32
        %select_n3A_1700 = arith.select %and3A_1697, %sub3A_1699, %div3A_1678 : i32
        %rem3A_1701 = arith.constant 128 : i32
        %rem3A_1702 = arith.remsi %add3A_1676, %rem3A_1701 : i32
        %broadcast_in_dim3A_1703 = arith.constant 0 : i32
        %broadcast_in_dim3A_1704 = vector.broadcast %broadcast_in_dim3A_1703 : i32 to vector<16xi32>
        %add3A_1705 = vector.broadcast %select_n3A_1700 : i32 to vector<16xi32>
        %add3A_1706 = arith.addi %broadcast_in_dim3A_1704, %add3A_1705 : vector<16xi32>
        %broadcast_in_dim3A_1707 = arith.constant 0 : i32
        %broadcast_in_dim3A_1708 = vector.broadcast %broadcast_in_dim3A_1707 : i32 to vector<16xi32>
        %add3A_1709 = vector.broadcast %rem3A_1702 : i32 to vector<16xi32>
        %add3A_1710 = arith.addi %broadcast_in_dim3A_1708, %add3A_1709 : vector<16xi32>
        %add3A_1711 = arith.constant 0 : i32
        %add3A_1712 = vector.broadcast %add3A_1711 : i32 to vector<16xi32>
        %add3A_1713 = arith.addi %iota3A, %add3A_1712 : vector<16xi32>
        %get3A_1714 = arith.constant 1 : i32
        %get3A_1715 = arith.index_cast %get3A_1714 : i32 to index
        %get3A_1716 = arith.index_cast %add3A_1676 : i32 to index
        %get3A_1717 = arith.constant 0 : index
        %get3A_1718 = tpu.vector_load %arg6[%get3A_1715, %get3A_1716, %get3A_1717] {strides = array<i32>} : memref<2x512x32xf32, #tpu.memory_space<vmem>>, vector<16xf32>,
        %jit3A_1719 = arith.constant 8 : i32
        %div3A_1720 = vector.broadcast %jit3A_1719 : i32 to vector<16xi32>
        %div3A_1721 = arith.divsi %add3A_1713, %div3A_1720 : vector<16xi32>
        %sign3A_1722 = arith.constant 0 : i32
        %sign3A_1723 = vector.broadcast %sign3A_1722 : i32 to vector<16xi32>
        %sign3A_1724 = arith.cmpi sgt, %add3A_1713, %sign3A_1723 : vector<16xi32>
        %sign3A_1725 = arith.extui %sign3A_1724 : vector<16xi1> to vector<16xi32>
        %sign3A_1726 = arith.constant 0 : i32
        %sign3A_1727 = vector.broadcast %sign3A_1726 : i32 to vector<16xi32>
        %sign3A_1728 = arith.cmpi slt, %add3A_1713, %sign3A_1727 : vector<16xi32>
        %sign3A_1729 = arith.extui %sign3A_1728 : vector<16xi1> to vector<16xi32>
        %sign3A_1730 = arith.subi %sign3A_1725, %sign3A_1729 : vector<16xi32>
        %sign3A_1731 = arith.constant 0 : i32
        %sign3A_1732 = arith.cmpi sgt, %jit3A_1719, %sign3A_1731 : i32
        %sign3A_1733 = arith.extui %sign3A_1732 : i1 to i32
        %sign3A_1734 = arith.constant 0 : i32
        %sign3A_1735 = arith.cmpi slt, %jit3A_1719, %sign3A_1734 : i32
        %sign3A_1736 = arith.extui %sign3A_1735 : i1 to i32
        %sign3A_1737 = arith.subi %sign3A_1733, %sign3A_1736 : i32
        %ne3A_1738 = vector.broadcast %sign3A_1737 : i32 to vector<16xi32>
        %ne3A_1739 = arith.cmpi ne, %sign3A_1730, %ne3A_1738 : vector<16xi32>
        %rem3A_1740 = vector.broadcast %jit3A_1719 : i32 to vector<16xi32>
        %rem3A_1741 = arith.remsi %add3A_1713, %rem3A_1740 : vector<16xi32>
        %ne3A_1742 = arith.constant 0 : i32
        %ne3A_1743 = vector.broadcast %ne3A_1742 : i32 to vector<16xi32>
        %ne3A_1744 = arith.cmpi ne, %rem3A_1741, %ne3A_1743 : vector<16xi32>
        %and3A_1745 = arith.andi %ne3A_1739, %ne3A_1744 : vector<16xi1>
        %sub3A_1746 = arith.constant 1 : i32
        %sub3A_1747 = vector.broadcast %sub3A_1746 : i32 to vector<16xi32>
        %sub3A_1748 = arith.subi %div3A_1721, %sub3A_1747 : vector<16xi32>
        %select_n3A_1749 = arith.select %and3A_1745, %sub3A_1748, %div3A_1721 : vector<16xi1>, vector<16xi32>
        %rem3A_1750 = arith.constant 8 : i32
        %rem3A_1751 = vector.broadcast %rem3A_1750 : i32 to vector<16xi32>
        %rem3A_1752 = arith.remsi %add3A_1713, %rem3A_1751 : vector<16xi32>
        %scatter3A_1753 = arith.constant 1 : i32
        %scatter3A_1754 = arith.constant 0 : i32
        %scatter3A_1755 = arith.constant 0 : i32
        %scatter3A_1756 = arith.constant 0 : i32
        %scatter3A_1757 = arith.constant 0 : i32
        %scatter3A_1758 = tpu.memref_slice %arg7[%scatter3A_1753, %scatter3A_1754, %scatter3A_1755, %scatter3A_1756, %scatter3A_1757] : memref<2x4x4x8x129xf32, #tpu.memory_space<vmem>> -> memref<1x4x4x8x129xf32, #tpu.memory_space<vmem>>
        %scatter3A_1759 = tpu.memref_squeeze %scatter3A_1758 : memref<1x4x4x8x129xf32, #tpu.memory_space<vmem>> -> memref<4x4x8x129xf32, #tpu.memory_space<vmem>>
        tpu.vector_store_idx %scatter3A_1759[%select_n3A_1749, %add3A_1706, %rem3A_1752, %add3A_1710], %get3A_1718 : memref<4x4x8x129xf32, #tpu.memory_space<vmem>>[vector<16xi32>, vector<16xi32>, vector<16xi32>, vector<16xi32>], vector<16xf32>,
        %add3A_1760 = arith.constant 16 : i32
        %add3A_1761 = vector.broadcast %add3A_1760 : i32 to vector<16xi32>
        %add3A_1762 = arith.addi %iota3A, %add3A_1761 : vector<16xi32>
        %get3A_1763 = arith.constant 1 : i32
        %get3A_1764 = arith.index_cast %get3A_1763 : i32 to index
        %get3A_1765 = arith.index_cast %add3A_1676 : i32 to index
        %get3A_1766 = arith.constant 16 : index
        %get3A_1767 = tpu.vector_load %arg6[%get3A_1764, %get3A_1765, %get3A_1766] {strides = array<i32>} : memref<2x512x32xf32, #tpu.memory_space<vmem>>, vector<16xf32>,
        %jit3A_1768 = arith.constant 8 : i32
        %div3A_1769 = vector.broadcast %jit3A_1768 : i32 to vector<16xi32>
        %div3A_1770 = arith.divsi %add3A_1762, %div3A_1769 : vector<16xi32>
        %sign3A_1771 = arith.constant 0 : i32
        %sign3A_1772 = vector.broadcast %sign3A_1771 : i32 to vector<16xi32>
        %sign3A_1773 = arith.cmpi sgt, %add3A_1762, %sign3A_1772 : vector<16xi32>
        %sign3A_1774 = arith.extui %sign3A_1773 : vector<16xi1> to vector<16xi32>
        %sign3A_1775 = arith.constant 0 : i32
        %sign3A_1776 = vector.broadcast %sign3A_1775 : i32 to vector<16xi32>
        %sign3A_1777 = arith.cmpi slt, %add3A_1762, %sign3A_1776 : vector<16xi32>
        %sign3A_1778 = arith.extui %sign3A_1777 : vector<16xi1> to vector<16xi32>
        %sign3A_1779 = arith.subi %sign3A_1774, %sign3A_1778 : vector<16xi32>
        %sign3A_1780 = arith.constant 0 : i32
        %sign3A_1781 = arith.cmpi sgt, %jit3A_1768, %sign3A_1780 : i32
        %sign3A_1782 = arith.extui %sign3A_1781 : i1 to i32
        %sign3A_1783 = arith.constant 0 : i32
        %sign3A_1784 = arith.cmpi slt, %jit3A_1768, %sign3A_1783 : i32
        %sign3A_1785 = arith.extui %sign3A_1784 : i1 to i32
        %sign3A_1786 = arith.subi %sign3A_1782, %sign3A_1785 : i32
        %ne3A_1787 = vector.broadcast %sign3A_1786 : i32 to vector<16xi32>
        %ne3A_1788 = arith.cmpi ne, %sign3A_1779, %ne3A_1787 : vector<16xi32>
        %rem3A_1789 = vector.broadcast %jit3A_1768 : i32 to vector<16xi32>
        %rem3A_1790 = arith.remsi %add3A_1762, %rem3A_1789 : vector<16xi32>
        %ne3A_1791 = arith.constant 0 : i32
        %ne3A_1792 = vector.broadcast %ne3A_1791 : i32 to vector<16xi32>
        %ne3A_1793 = arith.cmpi ne, %rem3A_1790, %ne3A_1792 : vector<16xi32>
        %and3A_1794 = arith.andi %ne3A_1788, %ne3A_1793 : vector<16xi1>
        %sub3A_1795 = arith.constant 1 : i32
        %sub3A_1796 = vector.broadcast %sub3A_1795 : i32 to vector<16xi32>
        %sub3A_1797 = arith.subi %div3A_1770, %sub3A_1796 : vector<16xi32>
        %select_n3A_1798 = arith.select %and3A_1794, %sub3A_1797, %div3A_1770 : vector<16xi1>, vector<16xi32>
        %rem3A_1799 = arith.constant 8 : i32
        %rem3A_1800 = vector.broadcast %rem3A_1799 : i32 to vector<16xi32>
        %rem3A_1801 = arith.remsi %add3A_1762, %rem3A_1800 : vector<16xi32>
        %scatter3A_1802 = arith.constant 1 : i32
        %scatter3A_1803 = arith.constant 0 : i32
        %scatter3A_1804 = arith.constant 0 : i32
        %scatter3A_1805 = arith.constant 0 : i32
        %scatter3A_1806 = arith.constant 0 : i32
        %scatter3A_1807 = tpu.memref_slice %arg7[%scatter3A_1802, %scatter3A_1803, %scatter3A_1804, %scatter3A_1805, %scatter3A_1806] : memref<2x4x4x8x129xf32, #tpu.memory_space<vmem>> -> memref<1x4x4x8x129xf32, #tpu.memory_space<vmem>>
        %scatter3A_1808 = tpu.memref_squeeze %scatter3A_1807 : memref<1x4x4x8x129xf32, #tpu.memory_space<vmem>> -> memref<4x4x8x129xf32, #tpu.memory_space<vmem>>
        tpu.vector_store_idx %scatter3A_1808[%select_n3A_1798, %add3A_1706, %rem3A_1801, %add3A_1710], %get3A_1767 : memref<4x4x8x129xf32, #tpu.memory_space<vmem>>[vector<16xi32>, vector<16xi32>, vector<16xi32>, vector<16xi32>], vector<16xf32>,
        %mul3A_1809 = arith.constant 16 : i32
        %mul3A_1810 = arith.muli %scan3A_187, %mul3A_1809 : i32
        %add3A_1811 = arith.constant 12 : i32
        %add3A_1812 = arith.addi %mul3A_1810, %add3A_1811 : i32
        %jit3A_1813 = arith.constant 128 : i32
        %div3A_1814 = arith.divsi %add3A_1812, %jit3A_1813 : i32
        %sign3A_1815 = arith.constant 0 : i32
        %sign3A_1816 = arith.cmpi sgt, %add3A_1812, %sign3A_1815 : i32
        %sign3A_1817 = arith.extui %sign3A_1816 : i1 to i32
        %sign3A_1818 = arith.constant 0 : i32
        %sign3A_1819 = arith.cmpi slt, %add3A_1812, %sign3A_1818 : i32
        %sign3A_1820 = arith.extui %sign3A_1819 : i1 to i32
        %sign3A_1821 = arith.subi %sign3A_1817, %sign3A_1820 : i32
        %sign3A_1822 = arith.constant 0 : i32
        %sign3A_1823 = arith.cmpi sgt, %jit3A_1813, %sign3A_1822 : i32
        %sign3A_1824 = arith.extui %sign3A_1823 : i1 to i32
        %sign3A_1825 = arith.constant 0 : i32
        %sign3A_1826 = arith.cmpi slt, %jit3A_1813, %sign3A_1825 : i32
        %sign3A_1827 = arith.extui %sign3A_1826 : i1 to i32
        %sign3A_1828 = arith.subi %sign3A_1824, %sign3A_1827 : i32
        %ne3A_1829 = arith.cmpi ne, %sign3A_1821, %sign3A_1828 : i32
        %rem3A_1830 = arith.remsi %add3A_1812, %jit3A_1813 : i32
        %ne3A_1831 = arith.constant 0 : i32
        %ne3A_1832 = arith.cmpi ne, %rem3A_1830, %ne3A_1831 : i32
        %and3A_1833 = arith.andi %ne3A_1829, %ne3A_1832 : i1
        %sub3A_1834 = arith.constant 1 : i32
        %sub3A_1835 = arith.subi %div3A_1814, %sub3A_1834 : i32
        %select_n3A_1836 = arith.select %and3A_1833, %sub3A_1835, %div3A_1814 : i32
        %rem3A_1837 = arith.constant 128 : i32
        %rem3A_1838 = arith.remsi %add3A_1812, %rem3A_1837 : i32
        %broadcast_in_dim3A_1839 = arith.constant 0 : i32
        %broadcast_in_dim3A_1840 = vector.broadcast %broadcast_in_dim3A_1839 : i32 to vector<16xi32>
        %add3A_1841 = vector.broadcast %select_n3A_1836 : i32 to vector<16xi32>
        %add3A_1842 = arith.addi %broadcast_in_dim3A_1840, %add3A_1841 : vector<16xi32>
        %broadcast_in_dim3A_1843 = arith.constant 0 : i32
        %broadcast_in_dim3A_1844 = vector.broadcast %broadcast_in_dim3A_1843 : i32 to vector<16xi32>
        %add3A_1845 = vector.broadcast %rem3A_1838 : i32 to vector<16xi32>
        %add3A_1846 = arith.addi %broadcast_in_dim3A_1844, %add3A_1845 : vector<16xi32>
        %add3A_1847 = arith.constant 0 : i32
        %add3A_1848 = vector.broadcast %add3A_1847 : i32 to vector<16xi32>
        %add3A_1849 = arith.addi %iota3A, %add3A_1848 : vector<16xi32>
        %get3A_1850 = arith.constant 1 : i32
        %get3A_1851 = arith.index_cast %get3A_1850 : i32 to index
        %get3A_1852 = arith.index_cast %add3A_1812 : i32 to index
        %get3A_1853 = arith.constant 0 : index
        %get3A_1854 = tpu.vector_load %arg6[%get3A_1851, %get3A_1852, %get3A_1853] {strides = array<i32>} : memref<2x512x32xf32, #tpu.memory_space<vmem>>, vector<16xf32>,
        %jit3A_1855 = arith.constant 8 : i32
        %div3A_1856 = vector.broadcast %jit3A_1855 : i32 to vector<16xi32>
        %div3A_1857 = arith.divsi %add3A_1849, %div3A_1856 : vector<16xi32>
        %sign3A_1858 = arith.constant 0 : i32
        %sign3A_1859 = vector.broadcast %sign3A_1858 : i32 to vector<16xi32>
        %sign3A_1860 = arith.cmpi sgt, %add3A_1849, %sign3A_1859 : vector<16xi32>
        %sign3A_1861 = arith.extui %sign3A_1860 : vector<16xi1> to vector<16xi32>
        %sign3A_1862 = arith.constant 0 : i32
        %sign3A_1863 = vector.broadcast %sign3A_1862 : i32 to vector<16xi32>
        %sign3A_1864 = arith.cmpi slt, %add3A_1849, %sign3A_1863 : vector<16xi32>
        %sign3A_1865 = arith.extui %sign3A_1864 : vector<16xi1> to vector<16xi32>
        %sign3A_1866 = arith.subi %sign3A_1861, %sign3A_1865 : vector<16xi32>
        %sign3A_1867 = arith.constant 0 : i32
        %sign3A_1868 = arith.cmpi sgt, %jit3A_1855, %sign3A_1867 : i32
        %sign3A_1869 = arith.extui %sign3A_1868 : i1 to i32
        %sign3A_1870 = arith.constant 0 : i32
        %sign3A_1871 = arith.cmpi slt, %jit3A_1855, %sign3A_1870 : i32
        %sign3A_1872 = arith.extui %sign3A_1871 : i1 to i32
        %sign3A_1873 = arith.subi %sign3A_1869, %sign3A_1872 : i32
        %ne3A_1874 = vector.broadcast %sign3A_1873 : i32 to vector<16xi32>
        %ne3A_1875 = arith.cmpi ne, %sign3A_1866, %ne3A_1874 : vector<16xi32>
        %rem3A_1876 = vector.broadcast %jit3A_1855 : i32 to vector<16xi32>
        %rem3A_1877 = arith.remsi %add3A_1849, %rem3A_1876 : vector<16xi32>
        %ne3A_1878 = arith.constant 0 : i32
        %ne3A_1879 = vector.broadcast %ne3A_1878 : i32 to vector<16xi32>
        %ne3A_1880 = arith.cmpi ne, %rem3A_1877, %ne3A_1879 : vector<16xi32>
        %and3A_1881 = arith.andi %ne3A_1875, %ne3A_1880 : vector<16xi1>
        %sub3A_1882 = arith.constant 1 : i32
        %sub3A_1883 = vector.broadcast %sub3A_1882 : i32 to vector<16xi32>
        %sub3A_1884 = arith.subi %div3A_1857, %sub3A_1883 : vector<16xi32>
        %select_n3A_1885 = arith.select %and3A_1881, %sub3A_1884, %div3A_1857 : vector<16xi1>, vector<16xi32>
        %rem3A_1886 = arith.constant 8 : i32
        %rem3A_1887 = vector.broadcast %rem3A_1886 : i32 to vector<16xi32>
        %rem3A_1888 = arith.remsi %add3A_1849, %rem3A_1887 : vector<16xi32>
        %scatter3A_1889 = arith.constant 1 : i32
        %scatter3A_1890 = arith.constant 0 : i32
        %scatter3A_1891 = arith.constant 0 : i32
        %scatter3A_1892 = arith.constant 0 : i32
        %scatter3A_1893 = arith.constant 0 : i32
        %scatter3A_1894 = tpu.memref_slice %arg7[%scatter3A_1889, %scatter3A_1890, %scatter3A_1891, %scatter3A_1892, %scatter3A_1893] : memref<2x4x4x8x129xf32, #tpu.memory_space<vmem>> -> memref<1x4x4x8x129xf32, #tpu.memory_space<vmem>>
        %scatter3A_1895 = tpu.memref_squeeze %scatter3A_1894 : memref<1x4x4x8x129xf32, #tpu.memory_space<vmem>> -> memref<4x4x8x129xf32, #tpu.memory_space<vmem>>
        tpu.vector_store_idx %scatter3A_1895[%select_n3A_1885, %add3A_1842, %rem3A_1888, %add3A_1846], %get3A_1854 : memref<4x4x8x129xf32, #tpu.memory_space<vmem>>[vector<16xi32>, vector<16xi32>, vector<16xi32>, vector<16xi32>], vector<16xf32>,
        %add3A_1896 = arith.constant 16 : i32
        %add3A_1897 = vector.broadcast %add3A_1896 : i32 to vector<16xi32>
        %add3A_1898 = arith.addi %iota3A, %add3A_1897 : vector<16xi32>
        %get3A_1899 = arith.constant 1 : i32
        %get3A_1900 = arith.index_cast %get3A_1899 : i32 to index
        %get3A_1901 = arith.index_cast %add3A_1812 : i32 to index
        %get3A_1902 = arith.constant 16 : index
        %get3A_1903 = tpu.vector_load %arg6[%get3A_1900, %get3A_1901, %get3A_1902] {strides = array<i32>} : memref<2x512x32xf32, #tpu.memory_space<vmem>>, vector<16xf32>,
        %jit3A_1904 = arith.constant 8 : i32
        %div3A_1905 = vector.broadcast %jit3A_1904 : i32 to vector<16xi32>
        %div3A_1906 = arith.divsi %add3A_1898, %div3A_1905 : vector<16xi32>
        %sign3A_1907 = arith.constant 0 : i32
        %sign3A_1908 = vector.broadcast %sign3A_1907 : i32 to vector<16xi32>
        %sign3A_1909 = arith.cmpi sgt, %add3A_1898, %sign3A_1908 : vector<16xi32>
        %sign3A_1910 = arith.extui %sign3A_1909 : vector<16xi1> to vector<16xi32>
        %sign3A_1911 = arith.constant 0 : i32
        %sign3A_1912 = vector.broadcast %sign3A_1911 : i32 to vector<16xi32>
        %sign3A_1913 = arith.cmpi slt, %add3A_1898, %sign3A_1912 : vector<16xi32>
        %sign3A_1914 = arith.extui %sign3A_1913 : vector<16xi1> to vector<16xi32>
        %sign3A_1915 = arith.subi %sign3A_1910, %sign3A_1914 : vector<16xi32>
        %sign3A_1916 = arith.constant 0 : i32
        %sign3A_1917 = arith.cmpi sgt, %jit3A_1904, %sign3A_1916 : i32
        %sign3A_1918 = arith.extui %sign3A_1917 : i1 to i32
        %sign3A_1919 = arith.constant 0 : i32
        %sign3A_1920 = arith.cmpi slt, %jit3A_1904, %sign3A_1919 : i32
        %sign3A_1921 = arith.extui %sign3A_1920 : i1 to i32
        %sign3A_1922 = arith.subi %sign3A_1918, %sign3A_1921 : i32
        %ne3A_1923 = vector.broadcast %sign3A_1922 : i32 to vector<16xi32>
        %ne3A_1924 = arith.cmpi ne, %sign3A_1915, %ne3A_1923 : vector<16xi32>
        %rem3A_1925 = vector.broadcast %jit3A_1904 : i32 to vector<16xi32>
        %rem3A_1926 = arith.remsi %add3A_1898, %rem3A_1925 : vector<16xi32>
        %ne3A_1927 = arith.constant 0 : i32
        %ne3A_1928 = vector.broadcast %ne3A_1927 : i32 to vector<16xi32>
        %ne3A_1929 = arith.cmpi ne, %rem3A_1926, %ne3A_1928 : vector<16xi32>
        %and3A_1930 = arith.andi %ne3A_1924, %ne3A_1929 : vector<16xi1>
        %sub3A_1931 = arith.constant 1 : i32
        %sub3A_1932 = vector.broadcast %sub3A_1931 : i32 to vector<16xi32>
        %sub3A_1933 = arith.subi %div3A_1906, %sub3A_1932 : vector<16xi32>
        %select_n3A_1934 = arith.select %and3A_1930, %sub3A_1933, %div3A_1906 : vector<16xi1>, vector<16xi32>
        %rem3A_1935 = arith.constant 8 : i32
        %rem3A_1936 = vector.broadcast %rem3A_1935 : i32 to vector<16xi32>
        %rem3A_1937 = arith.remsi %add3A_1898, %rem3A_1936 : vector<16xi32>
        %scatter3A_1938 = arith.constant 1 : i32
        %scatter3A_1939 = arith.constant 0 : i32
        %scatter3A_1940 = arith.constant 0 : i32
        %scatter3A_1941 = arith.constant 0 : i32
        %scatter3A_1942 = arith.constant 0 : i32
        %scatter3A_1943 = tpu.memref_slice %arg7[%scatter3A_1938, %scatter3A_1939, %scatter3A_1940, %scatter3A_1941, %scatter3A_1942] : memref<2x4x4x8x129xf32, #tpu.memory_space<vmem>> -> memref<1x4x4x8x129xf32, #tpu.memory_space<vmem>>
        %scatter3A_1944 = tpu.memref_squeeze %scatter3A_1943 : memref<1x4x4x8x129xf32, #tpu.memory_space<vmem>> -> memref<4x4x8x129xf32, #tpu.memory_space<vmem>>
        tpu.vector_store_idx %scatter3A_1944[%select_n3A_1934, %add3A_1842, %rem3A_1937, %add3A_1846], %get3A_1903 : memref<4x4x8x129xf32, #tpu.memory_space<vmem>>[vector<16xi32>, vector<16xi32>, vector<16xi32>, vector<16xi32>], vector<16xf32>,
        %mul3A_1945 = arith.constant 16 : i32
        %mul3A_1946 = arith.muli %scan3A_187, %mul3A_1945 : i32
        %add3A_1947 = arith.constant 13 : i32
        %add3A_1948 = arith.addi %mul3A_1946, %add3A_1947 : i32
        %jit3A_1949 = arith.constant 128 : i32
        %div3A_1950 = arith.divsi %add3A_1948, %jit3A_1949 : i32
        %sign3A_1951 = arith.constant 0 : i32
        %sign3A_1952 = arith.cmpi sgt, %add3A_1948, %sign3A_1951 : i32
        %sign3A_1953 = arith.extui %sign3A_1952 : i1 to i32
        %sign3A_1954 = arith.constant 0 : i32
        %sign3A_1955 = arith.cmpi slt, %add3A_1948, %sign3A_1954 : i32
        %sign3A_1956 = arith.extui %sign3A_1955 : i1 to i32
        %sign3A_1957 = arith.subi %sign3A_1953, %sign3A_1956 : i32
        %sign3A_1958 = arith.constant 0 : i32
        %sign3A_1959 = arith.cmpi sgt, %jit3A_1949, %sign3A_1958 : i32
        %sign3A_1960 = arith.extui %sign3A_1959 : i1 to i32
        %sign3A_1961 = arith.constant 0 : i32
        %sign3A_1962 = arith.cmpi slt, %jit3A_1949, %sign3A_1961 : i32
        %sign3A_1963 = arith.extui %sign3A_1962 : i1 to i32
        %sign3A_1964 = arith.subi %sign3A_1960, %sign3A_1963 : i32
        %ne3A_1965 = arith.cmpi ne, %sign3A_1957, %sign3A_1964 : i32
        %rem3A_1966 = arith.remsi %add3A_1948, %jit3A_1949 : i32
        %ne3A_1967 = arith.constant 0 : i32
        %ne3A_1968 = arith.cmpi ne, %rem3A_1966, %ne3A_1967 : i32
        %and3A_1969 = arith.andi %ne3A_1965, %ne3A_1968 : i1
        %sub3A_1970 = arith.constant 1 : i32
        %sub3A_1971 = arith.subi %div3A_1950, %sub3A_1970 : i32
        %select_n3A_1972 = arith.select %and3A_1969, %sub3A_1971, %div3A_1950 : i32
        %rem3A_1973 = arith.constant 128 : i32
        %rem3A_1974 = arith.remsi %add3A_1948, %rem3A_1973 : i32
        %broadcast_in_dim3A_1975 = arith.constant 0 : i32
        %broadcast_in_dim3A_1976 = vector.broadcast %broadcast_in_dim3A_1975 : i32 to vector<16xi32>
        %add3A_1977 = vector.broadcast %select_n3A_1972 : i32 to vector<16xi32>
        %add3A_1978 = arith.addi %broadcast_in_dim3A_1976, %add3A_1977 : vector<16xi32>
        %broadcast_in_dim3A_1979 = arith.constant 0 : i32
        %broadcast_in_dim3A_1980 = vector.broadcast %broadcast_in_dim3A_1979 : i32 to vector<16xi32>
        %add3A_1981 = vector.broadcast %rem3A_1974 : i32 to vector<16xi32>
        %add3A_1982 = arith.addi %broadcast_in_dim3A_1980, %add3A_1981 : vector<16xi32>
        %add3A_1983 = arith.constant 0 : i32
        %add3A_1984 = vector.broadcast %add3A_1983 : i32 to vector<16xi32>
        %add3A_1985 = arith.addi %iota3A, %add3A_1984 : vector<16xi32>
        %get3A_1986 = arith.constant 1 : i32
        %get3A_1987 = arith.index_cast %get3A_1986 : i32 to index
        %get3A_1988 = arith.index_cast %add3A_1948 : i32 to index
        %get3A_1989 = arith.constant 0 : index
        %get3A_1990 = tpu.vector_load %arg6[%get3A_1987, %get3A_1988, %get3A_1989] {strides = array<i32>} : memref<2x512x32xf32, #tpu.memory_space<vmem>>, vector<16xf32>,
        %jit3A_1991 = arith.constant 8 : i32
        %div3A_1992 = vector.broadcast %jit3A_1991 : i32 to vector<16xi32>
        %div3A_1993 = arith.divsi %add3A_1985, %div3A_1992 : vector<16xi32>
        %sign3A_1994 = arith.constant 0 : i32
        %sign3A_1995 = vector.broadcast %sign3A_1994 : i32 to vector<16xi32>
        %sign3A_1996 = arith.cmpi sgt, %add3A_1985, %sign3A_1995 : vector<16xi32>
        %sign3A_1997 = arith.extui %sign3A_1996 : vector<16xi1> to vector<16xi32>
        %sign3A_1998 = arith.constant 0 : i32
        %sign3A_1999 = vector.broadcast %sign3A_1998 : i32 to vector<16xi32>
        %sign3A_2000 = arith.cmpi slt, %add3A_1985, %sign3A_1999 : vector<16xi32>
        %sign3A_2001 = arith.extui %sign3A_2000 : vector<16xi1> to vector<16xi32>
        %sign3A_2002 = arith.subi %sign3A_1997, %sign3A_2001 : vector<16xi32>
        %sign3A_2003 = arith.constant 0 : i32
        %sign3A_2004 = arith.cmpi sgt, %jit3A_1991, %sign3A_2003 : i32
        %sign3A_2005 = arith.extui %sign3A_2004 : i1 to i32
        %sign3A_2006 = arith.constant 0 : i32
        %sign3A_2007 = arith.cmpi slt, %jit3A_1991, %sign3A_2006 : i32
        %sign3A_2008 = arith.extui %sign3A_2007 : i1 to i32
        %sign3A_2009 = arith.subi %sign3A_2005, %sign3A_2008 : i32
        %ne3A_2010 = vector.broadcast %sign3A_2009 : i32 to vector<16xi32>
        %ne3A_2011 = arith.cmpi ne, %sign3A_2002, %ne3A_2010 : vector<16xi32>
        %rem3A_2012 = vector.broadcast %jit3A_1991 : i32 to vector<16xi32>
        %rem3A_2013 = arith.remsi %add3A_1985, %rem3A_2012 : vector<16xi32>
        %ne3A_2014 = arith.constant 0 : i32
        %ne3A_2015 = vector.broadcast %ne3A_2014 : i32 to vector<16xi32>
        %ne3A_2016 = arith.cmpi ne, %rem3A_2013, %ne3A_2015 : vector<16xi32>
        %and3A_2017 = arith.andi %ne3A_2011, %ne3A_2016 : vector<16xi1>
        %sub3A_2018 = arith.constant 1 : i32
        %sub3A_2019 = vector.broadcast %sub3A_2018 : i32 to vector<16xi32>
        %sub3A_2020 = arith.subi %div3A_1993, %sub3A_2019 : vector<16xi32>
        %select_n3A_2021 = arith.select %and3A_2017, %sub3A_2020, %div3A_1993 : vector<16xi1>, vector<16xi32>
        %rem3A_2022 = arith.constant 8 : i32
        %rem3A_2023 = vector.broadcast %rem3A_2022 : i32 to vector<16xi32>
        %rem3A_2024 = arith.remsi %add3A_1985, %rem3A_2023 : vector<16xi32>
        %scatter3A_2025 = arith.constant 1 : i32
        %scatter3A_2026 = arith.constant 0 : i32
        %scatter3A_2027 = arith.constant 0 : i32
        %scatter3A_2028 = arith.constant 0 : i32
        %scatter3A_2029 = arith.constant 0 : i32
        %scatter3A_2030 = tpu.memref_slice %arg7[%scatter3A_2025, %scatter3A_2026, %scatter3A_2027, %scatter3A_2028, %scatter3A_2029] : memref<2x4x4x8x129xf32, #tpu.memory_space<vmem>> -> memref<1x4x4x8x129xf32, #tpu.memory_space<vmem>>
        %scatter3A_2031 = tpu.memref_squeeze %scatter3A_2030 : memref<1x4x4x8x129xf32, #tpu.memory_space<vmem>> -> memref<4x4x8x129xf32, #tpu.memory_space<vmem>>
        tpu.vector_store_idx %scatter3A_2031[%select_n3A_2021, %add3A_1978, %rem3A_2024, %add3A_1982], %get3A_1990 : memref<4x4x8x129xf32, #tpu.memory_space<vmem>>[vector<16xi32>, vector<16xi32>, vector<16xi32>, vector<16xi32>], vector<16xf32>,
        %add3A_2032 = arith.constant 16 : i32
        %add3A_2033 = vector.broadcast %add3A_2032 : i32 to vector<16xi32>
        %add3A_2034 = arith.addi %iota3A, %add3A_2033 : vector<16xi32>
        %get3A_2035 = arith.constant 1 : i32
        %get3A_2036 = arith.index_cast %get3A_2035 : i32 to index
        %get3A_2037 = arith.index_cast %add3A_1948 : i32 to index
        %get3A_2038 = arith.constant 16 : index
        %get3A_2039 = tpu.vector_load %arg6[%get3A_2036, %get3A_2037, %get3A_2038] {strides = array<i32>} : memref<2x512x32xf32, #tpu.memory_space<vmem>>, vector<16xf32>,
        %jit3A_2040 = arith.constant 8 : i32
        %div3A_2041 = vector.broadcast %jit3A_2040 : i32 to vector<16xi32>
        %div3A_2042 = arith.divsi %add3A_2034, %div3A_2041 : vector<16xi32>
        %sign3A_2043 = arith.constant 0 : i32
        %sign3A_2044 = vector.broadcast %sign3A_2043 : i32 to vector<16xi32>
        %sign3A_2045 = arith.cmpi sgt, %add3A_2034, %sign3A_2044 : vector<16xi32>
        %sign3A_2046 = arith.extui %sign3A_2045 : vector<16xi1> to vector<16xi32>
        %sign3A_2047 = arith.constant 0 : i32
        %sign3A_2048 = vector.broadcast %sign3A_2047 : i32 to vector<16xi32>
        %sign3A_2049 = arith.cmpi slt, %add3A_2034, %sign3A_2048 : vector<16xi32>
        %sign3A_2050 = arith.extui %sign3A_2049 : vector<16xi1> to vector<16xi32>
        %sign3A_2051 = arith.subi %sign3A_2046, %sign3A_2050 : vector<16xi32>
        %sign3A_2052 = arith.constant 0 : i32
        %sign3A_2053 = arith.cmpi sgt, %jit3A_2040, %sign3A_2052 : i32
        %sign3A_2054 = arith.extui %sign3A_2053 : i1 to i32
        %sign3A_2055 = arith.constant 0 : i32
        %sign3A_2056 = arith.cmpi slt, %jit3A_2040, %sign3A_2055 : i32
        %sign3A_2057 = arith.extui %sign3A_2056 : i1 to i32
        %sign3A_2058 = arith.subi %sign3A_2054, %sign3A_2057 : i32
        %ne3A_2059 = vector.broadcast %sign3A_2058 : i32 to vector<16xi32>
        %ne3A_2060 = arith.cmpi ne, %sign3A_2051, %ne3A_2059 : vector<16xi32>
        %rem3A_2061 = vector.broadcast %jit3A_2040 : i32 to vector<16xi32>
        %rem3A_2062 = arith.remsi %add3A_2034, %rem3A_2061 : vector<16xi32>
        %ne3A_2063 = arith.constant 0 : i32
        %ne3A_2064 = vector.broadcast %ne3A_2063 : i32 to vector<16xi32>
        %ne3A_2065 = arith.cmpi ne, %rem3A_2062, %ne3A_2064 : vector<16xi32>
        %and3A_2066 = arith.andi %ne3A_2060, %ne3A_2065 : vector<16xi1>
        %sub3A_2067 = arith.constant 1 : i32
        %sub3A_2068 = vector.broadcast %sub3A_2067 : i32 to vector<16xi32>
        %sub3A_2069 = arith.subi %div3A_2042, %sub3A_2068 : vector<16xi32>
        %select_n3A_2070 = arith.select %and3A_2066, %sub3A_2069, %div3A_2042 : vector<16xi1>, vector<16xi32>
        %rem3A_2071 = arith.constant 8 : i32
        %rem3A_2072 = vector.broadcast %rem3A_2071 : i32 to vector<16xi32>
        %rem3A_2073 = arith.remsi %add3A_2034, %rem3A_2072 : vector<16xi32>
        %scatter3A_2074 = arith.constant 1 : i32
        %scatter3A_2075 = arith.constant 0 : i32
        %scatter3A_2076 = arith.constant 0 : i32
        %scatter3A_2077 = arith.constant 0 : i32
        %scatter3A_2078 = arith.constant 0 : i32
        %scatter3A_2079 = tpu.memref_slice %arg7[%scatter3A_2074, %scatter3A_2075, %scatter3A_2076, %scatter3A_2077, %scatter3A_2078] : memref<2x4x4x8x129xf32, #tpu.memory_space<vmem>> -> memref<1x4x4x8x129xf32, #tpu.memory_space<vmem>>
        %scatter3A_2080 = tpu.memref_squeeze %scatter3A_2079 : memref<1x4x4x8x129xf32, #tpu.memory_space<vmem>> -> memref<4x4x8x129xf32, #tpu.memory_space<vmem>>
        tpu.vector_store_idx %scatter3A_2080[%select_n3A_2070, %add3A_1978, %rem3A_2073, %add3A_1982], %get3A_2039 : memref<4x4x8x129xf32, #tpu.memory_space<vmem>>[vector<16xi32>, vector<16xi32>, vector<16xi32>, vector<16xi32>], vector<16xf32>,
        %mul3A_2081 = arith.constant 16 : i32
        %mul3A_2082 = arith.muli %scan3A_187, %mul3A_2081 : i32
        %add3A_2083 = arith.constant 14 : i32
        %add3A_2084 = arith.addi %mul3A_2082, %add3A_2083 : i32
        %jit3A_2085 = arith.constant 128 : i32
        %div3A_2086 = arith.divsi %add3A_2084, %jit3A_2085 : i32
        %sign3A_2087 = arith.constant 0 : i32
        %sign3A_2088 = arith.cmpi sgt, %add3A_2084, %sign3A_2087 : i32
        %sign3A_2089 = arith.extui %sign3A_2088 : i1 to i32
        %sign3A_2090 = arith.constant 0 : i32
        %sign3A_2091 = arith.cmpi slt, %add3A_2084, %sign3A_2090 : i32
        %sign3A_2092 = arith.extui %sign3A_2091 : i1 to i32
        %sign3A_2093 = arith.subi %sign3A_2089, %sign3A_2092 : i32
        %sign3A_2094 = arith.constant 0 : i32
        %sign3A_2095 = arith.cmpi sgt, %jit3A_2085, %sign3A_2094 : i32
        %sign3A_2096 = arith.extui %sign3A_2095 : i1 to i32
        %sign3A_2097 = arith.constant 0 : i32
        %sign3A_2098 = arith.cmpi slt, %jit3A_2085, %sign3A_2097 : i32
        %sign3A_2099 = arith.extui %sign3A_2098 : i1 to i32
        %sign3A_2100 = arith.subi %sign3A_2096, %sign3A_2099 : i32
        %ne3A_2101 = arith.cmpi ne, %sign3A_2093, %sign3A_2100 : i32
        %rem3A_2102 = arith.remsi %add3A_2084, %jit3A_2085 : i32
        %ne3A_2103 = arith.constant 0 : i32
        %ne3A_2104 = arith.cmpi ne, %rem3A_2102, %ne3A_2103 : i32
        %and3A_2105 = arith.andi %ne3A_2101, %ne3A_2104 : i1
        %sub3A_2106 = arith.constant 1 : i32
        %sub3A_2107 = arith.subi %div3A_2086, %sub3A_2106 : i32
        %select_n3A_2108 = arith.select %and3A_2105, %sub3A_2107, %div3A_2086 : i32
        %rem3A_2109 = arith.constant 128 : i32
        %rem3A_2110 = arith.remsi %add3A_2084, %rem3A_2109 : i32
        %broadcast_in_dim3A_2111 = arith.constant 0 : i32
        %broadcast_in_dim3A_2112 = vector.broadcast %broadcast_in_dim3A_2111 : i32 to vector<16xi32>
        %add3A_2113 = vector.broadcast %select_n3A_2108 : i32 to vector<16xi32>
        %add3A_2114 = arith.addi %broadcast_in_dim3A_2112, %add3A_2113 : vector<16xi32>
        %broadcast_in_dim3A_2115 = arith.constant 0 : i32
        %broadcast_in_dim3A_2116 = vector.broadcast %broadcast_in_dim3A_2115 : i32 to vector<16xi32>
        %add3A_2117 = vector.broadcast %rem3A_2110 : i32 to vector<16xi32>
        %add3A_2118 = arith.addi %broadcast_in_dim3A_2116, %add3A_2117 : vector<16xi32>
        %add3A_2119 = arith.constant 0 : i32
        %add3A_2120 = vector.broadcast %add3A_2119 : i32 to vector<16xi32>
        %add3A_2121 = arith.addi %iota3A, %add3A_2120 : vector<16xi32>
        %get3A_2122 = arith.constant 1 : i32
        %get3A_2123 = arith.index_cast %get3A_2122 : i32 to index
        %get3A_2124 = arith.index_cast %add3A_2084 : i32 to index
        %get3A_2125 = arith.constant 0 : index
        %get3A_2126 = tpu.vector_load %arg6[%get3A_2123, %get3A_2124, %get3A_2125] {strides = array<i32>} : memref<2x512x32xf32, #tpu.memory_space<vmem>>, vector<16xf32>,
        %jit3A_2127 = arith.constant 8 : i32
        %div3A_2128 = vector.broadcast %jit3A_2127 : i32 to vector<16xi32>
        %div3A_2129 = arith.divsi %add3A_2121, %div3A_2128 : vector<16xi32>
        %sign3A_2130 = arith.constant 0 : i32
        %sign3A_2131 = vector.broadcast %sign3A_2130 : i32 to vector<16xi32>
        %sign3A_2132 = arith.cmpi sgt, %add3A_2121, %sign3A_2131 : vector<16xi32>
        %sign3A_2133 = arith.extui %sign3A_2132 : vector<16xi1> to vector<16xi32>
        %sign3A_2134 = arith.constant 0 : i32
        %sign3A_2135 = vector.broadcast %sign3A_2134 : i32 to vector<16xi32>
        %sign3A_2136 = arith.cmpi slt, %add3A_2121, %sign3A_2135 : vector<16xi32>
        %sign3A_2137 = arith.extui %sign3A_2136 : vector<16xi1> to vector<16xi32>
        %sign3A_2138 = arith.subi %sign3A_2133, %sign3A_2137 : vector<16xi32>
        %sign3A_2139 = arith.constant 0 : i32
        %sign3A_2140 = arith.cmpi sgt, %jit3A_2127, %sign3A_2139 : i32
        %sign3A_2141 = arith.extui %sign3A_2140 : i1 to i32
        %sign3A_2142 = arith.constant 0 : i32
        %sign3A_2143 = arith.cmpi slt, %jit3A_2127, %sign3A_2142 : i32
        %sign3A_2144 = arith.extui %sign3A_2143 : i1 to i32
        %sign3A_2145 = arith.subi %sign3A_2141, %sign3A_2144 : i32
        %ne3A_2146 = vector.broadcast %sign3A_2145 : i32 to vector<16xi32>
        %ne3A_2147 = arith.cmpi ne, %sign3A_2138, %ne3A_2146 : vector<16xi32>
        %rem3A_2148 = vector.broadcast %jit3A_2127 : i32 to vector<16xi32>
        %rem3A_2149 = arith.remsi %add3A_2121, %rem3A_2148 : vector<16xi32>
        %ne3A_2150 = arith.constant 0 : i32
        %ne3A_2151 = vector.broadcast %ne3A_2150 : i32 to vector<16xi32>
        %ne3A_2152 = arith.cmpi ne, %rem3A_2149, %ne3A_2151 : vector<16xi32>
        %and3A_2153 = arith.andi %ne3A_2147, %ne3A_2152 : vector<16xi1>
        %sub3A_2154 = arith.constant 1 : i32
        %sub3A_2155 = vector.broadcast %sub3A_2154 : i32 to vector<16xi32>
        %sub3A_2156 = arith.subi %div3A_2129, %sub3A_2155 : vector<16xi32>
        %select_n3A_2157 = arith.select %and3A_2153, %sub3A_2156, %div3A_2129 : vector<16xi1>, vector<16xi32>
        %rem3A_2158 = arith.constant 8 : i32
        %rem3A_2159 = vector.broadcast %rem3A_2158 : i32 to vector<16xi32>
        %rem3A_2160 = arith.remsi %add3A_2121, %rem3A_2159 : vector<16xi32>
        %scatter3A_2161 = arith.constant 1 : i32
        %scatter3A_2162 = arith.constant 0 : i32
        %scatter3A_2163 = arith.constant 0 : i32
        %scatter3A_2164 = arith.constant 0 : i32
        %scatter3A_2165 = arith.constant 0 : i32
        %scatter3A_2166 = tpu.memref_slice %arg7[%scatter3A_2161, %scatter3A_2162, %scatter3A_2163, %scatter3A_2164, %scatter3A_2165] : memref<2x4x4x8x129xf32, #tpu.memory_space<vmem>> -> memref<1x4x4x8x129xf32, #tpu.memory_space<vmem>>
        %scatter3A_2167 = tpu.memref_squeeze %scatter3A_2166 : memref<1x4x4x8x129xf32, #tpu.memory_space<vmem>> -> memref<4x4x8x129xf32, #tpu.memory_space<vmem>>
        tpu.vector_store_idx %scatter3A_2167[%select_n3A_2157, %add3A_2114, %rem3A_2160, %add3A_2118], %get3A_2126 : memref<4x4x8x129xf32, #tpu.memory_space<vmem>>[vector<16xi32>, vector<16xi32>, vector<16xi32>, vector<16xi32>], vector<16xf32>,
        %add3A_2168 = arith.constant 16 : i32
        %add3A_2169 = vector.broadcast %add3A_2168 : i32 to vector<16xi32>
        %add3A_2170 = arith.addi %iota3A, %add3A_2169 : vector<16xi32>
        %get3A_2171 = arith.constant 1 : i32
        %get3A_2172 = arith.index_cast %get3A_2171 : i32 to index
        %get3A_2173 = arith.index_cast %add3A_2084 : i32 to index
        %get3A_2174 = arith.constant 16 : index
        %get3A_2175 = tpu.vector_load %arg6[%get3A_2172, %get3A_2173, %get3A_2174] {strides = array<i32>} : memref<2x512x32xf32, #tpu.memory_space<vmem>>, vector<16xf32>,
        %jit3A_2176 = arith.constant 8 : i32
        %div3A_2177 = vector.broadcast %jit3A_2176 : i32 to vector<16xi32>
        %div3A_2178 = arith.divsi %add3A_2170, %div3A_2177 : vector<16xi32>
        %sign3A_2179 = arith.constant 0 : i32
        %sign3A_2180 = vector.broadcast %sign3A_2179 : i32 to vector<16xi32>
        %sign3A_2181 = arith.cmpi sgt, %add3A_2170, %sign3A_2180 : vector<16xi32>
        %sign3A_2182 = arith.extui %sign3A_2181 : vector<16xi1> to vector<16xi32>
        %sign3A_2183 = arith.constant 0 : i32
        %sign3A_2184 = vector.broadcast %sign3A_2183 : i32 to vector<16xi32>
        %sign3A_2185 = arith.cmpi slt, %add3A_2170, %sign3A_2184 : vector<16xi32>
        %sign3A_2186 = arith.extui %sign3A_2185 : vector<16xi1> to vector<16xi32>
        %sign3A_2187 = arith.subi %sign3A_2182, %sign3A_2186 : vector<16xi32>
        %sign3A_2188 = arith.constant 0 : i32
        %sign3A_2189 = arith.cmpi sgt, %jit3A_2176, %sign3A_2188 : i32
        %sign3A_2190 = arith.extui %sign3A_2189 : i1 to i32
        %sign3A_2191 = arith.constant 0 : i32
        %sign3A_2192 = arith.cmpi slt, %jit3A_2176, %sign3A_2191 : i32
        %sign3A_2193 = arith.extui %sign3A_2192 : i1 to i32
        %sign3A_2194 = arith.subi %sign3A_2190, %sign3A_2193 : i32
        %ne3A_2195 = vector.broadcast %sign3A_2194 : i32 to vector<16xi32>
        %ne3A_2196 = arith.cmpi ne, %sign3A_2187, %ne3A_2195 : vector<16xi32>
        %rem3A_2197 = vector.broadcast %jit3A_2176 : i32 to vector<16xi32>
        %rem3A_2198 = arith.remsi %add3A_2170, %rem3A_2197 : vector<16xi32>
        %ne3A_2199 = arith.constant 0 : i32
        %ne3A_2200 = vector.broadcast %ne3A_2199 : i32 to vector<16xi32>
        %ne3A_2201 = arith.cmpi ne, %rem3A_2198, %ne3A_2200 : vector<16xi32>
        %and3A_2202 = arith.andi %ne3A_2196, %ne3A_2201 : vector<16xi1>
        %sub3A_2203 = arith.constant 1 : i32
        %sub3A_2204 = vector.broadcast %sub3A_2203 : i32 to vector<16xi32>
        %sub3A_2205 = arith.subi %div3A_2178, %sub3A_2204 : vector<16xi32>
        %select_n3A_2206 = arith.select %and3A_2202, %sub3A_2205, %div3A_2178 : vector<16xi1>, vector<16xi32>
        %rem3A_2207 = arith.constant 8 : i32
        %rem3A_2208 = vector.broadcast %rem3A_2207 : i32 to vector<16xi32>
        %rem3A_2209 = arith.remsi %add3A_2170, %rem3A_2208 : vector<16xi32>
        %scatter3A_2210 = arith.constant 1 : i32
        %scatter3A_2211 = arith.constant 0 : i32
        %scatter3A_2212 = arith.constant 0 : i32
        %scatter3A_2213 = arith.constant 0 : i32
        %scatter3A_2214 = arith.constant 0 : i32
        %scatter3A_2215 = tpu.memref_slice %arg7[%scatter3A_2210, %scatter3A_2211, %scatter3A_2212, %scatter3A_2213, %scatter3A_2214] : memref<2x4x4x8x129xf32, #tpu.memory_space<vmem>> -> memref<1x4x4x8x129xf32, #tpu.memory_space<vmem>>
        %scatter3A_2216 = tpu.memref_squeeze %scatter3A_2215 : memref<1x4x4x8x129xf32, #tpu.memory_space<vmem>> -> memref<4x4x8x129xf32, #tpu.memory_space<vmem>>
        tpu.vector_store_idx %scatter3A_2216[%select_n3A_2206, %add3A_2114, %rem3A_2209, %add3A_2118], %get3A_2175 : memref<4x4x8x129xf32, #tpu.memory_space<vmem>>[vector<16xi32>, vector<16xi32>, vector<16xi32>, vector<16xi32>], vector<16xf32>,
        %mul3A_2217 = arith.constant 16 : i32
        %mul3A_2218 = arith.muli %scan3A_187, %mul3A_2217 : i32
        %add3A_2219 = arith.constant 15 : i32
        %add3A_2220 = arith.addi %mul3A_2218, %add3A_2219 : i32
        %jit3A_2221 = arith.constant 128 : i32
        %div3A_2222 = arith.divsi %add3A_2220, %jit3A_2221 : i32
        %sign3A_2223 = arith.constant 0 : i32
        %sign3A_2224 = arith.cmpi sgt, %add3A_2220, %sign3A_2223 : i32
        %sign3A_2225 = arith.extui %sign3A_2224 : i1 to i32
        %sign3A_2226 = arith.constant 0 : i32
        %sign3A_2227 = arith.cmpi slt, %add3A_2220, %sign3A_2226 : i32
        %sign3A_2228 = arith.extui %sign3A_2227 : i1 to i32
        %sign3A_2229 = arith.subi %sign3A_2225, %sign3A_2228 : i32
        %sign3A_2230 = arith.constant 0 : i32
        %sign3A_2231 = arith.cmpi sgt, %jit3A_2221, %sign3A_2230 : i32
        %sign3A_2232 = arith.extui %sign3A_2231 : i1 to i32
        %sign3A_2233 = arith.constant 0 : i32
        %sign3A_2234 = arith.cmpi slt, %jit3A_2221, %sign3A_2233 : i32
        %sign3A_2235 = arith.extui %sign3A_2234 : i1 to i32
        %sign3A_2236 = arith.subi %sign3A_2232, %sign3A_2235 : i32
        %ne3A_2237 = arith.cmpi ne, %sign3A_2229, %sign3A_2236 : i32
        %rem3A_2238 = arith.remsi %add3A_2220, %jit3A_2221 : i32
        %ne3A_2239 = arith.constant 0 : i32
        %ne3A_2240 = arith.cmpi ne, %rem3A_2238, %ne3A_2239 : i32
        %and3A_2241 = arith.andi %ne3A_2237, %ne3A_2240 : i1
        %sub3A_2242 = arith.constant 1 : i32
        %sub3A_2243 = arith.subi %div3A_2222, %sub3A_2242 : i32
        %select_n3A_2244 = arith.select %and3A_2241, %sub3A_2243, %div3A_2222 : i32
        %rem3A_2245 = arith.constant 128 : i32
        %rem3A_2246 = arith.remsi %add3A_2220, %rem3A_2245 : i32
        %broadcast_in_dim3A_2247 = arith.constant 0 : i32
        %broadcast_in_dim3A_2248 = vector.broadcast %broadcast_in_dim3A_2247 : i32 to vector<16xi32>
        %add3A_2249 = vector.broadcast %select_n3A_2244 : i32 to vector<16xi32>
        %add3A_2250 = arith.addi %broadcast_in_dim3A_2248, %add3A_2249 : vector<16xi32>
        %broadcast_in_dim3A_2251 = arith.constant 0 : i32
        %broadcast_in_dim3A_2252 = vector.broadcast %broadcast_in_dim3A_2251 : i32 to vector<16xi32>
        %add3A_2253 = vector.broadcast %rem3A_2246 : i32 to vector<16xi32>
        %add3A_2254 = arith.addi %broadcast_in_dim3A_2252, %add3A_2253 : vector<16xi32>
        %add3A_2255 = arith.constant 0 : i32
        %add3A_2256 = vector.broadcast %add3A_2255 : i32 to vector<16xi32>
        %add3A_2257 = arith.addi %iota3A, %add3A_2256 : vector<16xi32>
        %get3A_2258 = arith.constant 1 : i32
        %get3A_2259 = arith.index_cast %get3A_2258 : i32 to index
        %get3A_2260 = arith.index_cast %add3A_2220 : i32 to index
        %get3A_2261 = arith.constant 0 : index
        %get3A_2262 = tpu.vector_load %arg6[%get3A_2259, %get3A_2260, %get3A_2261] {strides = array<i32>} : memref<2x512x32xf32, #tpu.memory_space<vmem>>, vector<16xf32>,
        %jit3A_2263 = arith.constant 8 : i32
        %div3A_2264 = vector.broadcast %jit3A_2263 : i32 to vector<16xi32>
        %div3A_2265 = arith.divsi %add3A_2257, %div3A_2264 : vector<16xi32>
        %sign3A_2266 = arith.constant 0 : i32
        %sign3A_2267 = vector.broadcast %sign3A_2266 : i32 to vector<16xi32>
        %sign3A_2268 = arith.cmpi sgt, %add3A_2257, %sign3A_2267 : vector<16xi32>
        %sign3A_2269 = arith.extui %sign3A_2268 : vector<16xi1> to vector<16xi32>
        %sign3A_2270 = arith.constant 0 : i32
        %sign3A_2271 = vector.broadcast %sign3A_2270 : i32 to vector<16xi32>
        %sign3A_2272 = arith.cmpi slt, %add3A_2257, %sign3A_2271 : vector<16xi32>
        %sign3A_2273 = arith.extui %sign3A_2272 : vector<16xi1> to vector<16xi32>
        %sign3A_2274 = arith.subi %sign3A_2269, %sign3A_2273 : vector<16xi32>
        %sign3A_2275 = arith.constant 0 : i32
        %sign3A_2276 = arith.cmpi sgt, %jit3A_2263, %sign3A_2275 : i32
        %sign3A_2277 = arith.extui %sign3A_2276 : i1 to i32
        %sign3A_2278 = arith.constant 0 : i32
        %sign3A_2279 = arith.cmpi slt, %jit3A_2263, %sign3A_2278 : i32
        %sign3A_2280 = arith.extui %sign3A_2279 : i1 to i32
        %sign3A_2281 = arith.subi %sign3A_2277, %sign3A_2280 : i32
        %ne3A_2282 = vector.broadcast %sign3A_2281 : i32 to vector<16xi32>
        %ne3A_2283 = arith.cmpi ne, %sign3A_2274, %ne3A_2282 : vector<16xi32>
        %rem3A_2284 = vector.broadcast %jit3A_2263 : i32 to vector<16xi32>
        %rem3A_2285 = arith.remsi %add3A_2257, %rem3A_2284 : vector<16xi32>
        %ne3A_2286 = arith.constant 0 : i32
        %ne3A_2287 = vector.broadcast %ne3A_2286 : i32 to vector<16xi32>
        %ne3A_2288 = arith.cmpi ne, %rem3A_2285, %ne3A_2287 : vector<16xi32>
        %and3A_2289 = arith.andi %ne3A_2283, %ne3A_2288 : vector<16xi1>
        %sub3A_2290 = arith.constant 1 : i32
        %sub3A_2291 = vector.broadcast %sub3A_2290 : i32 to vector<16xi32>
        %sub3A_2292 = arith.subi %div3A_2265, %sub3A_2291 : vector<16xi32>
        %select_n3A_2293 = arith.select %and3A_2289, %sub3A_2292, %div3A_2265 : vector<16xi1>, vector<16xi32>
        %rem3A_2294 = arith.constant 8 : i32
        %rem3A_2295 = vector.broadcast %rem3A_2294 : i32 to vector<16xi32>
        %rem3A_2296 = arith.remsi %add3A_2257, %rem3A_2295 : vector<16xi32>
        %scatter3A_2297 = arith.constant 1 : i32
        %scatter3A_2298 = arith.constant 0 : i32
        %scatter3A_2299 = arith.constant 0 : i32
        %scatter3A_2300 = arith.constant 0 : i32
        %scatter3A_2301 = arith.constant 0 : i32
        %scatter3A_2302 = tpu.memref_slice %arg7[%scatter3A_2297, %scatter3A_2298, %scatter3A_2299, %scatter3A_2300, %scatter3A_2301] : memref<2x4x4x8x129xf32, #tpu.memory_space<vmem>> -> memref<1x4x4x8x129xf32, #tpu.memory_space<vmem>>
        %scatter3A_2303 = tpu.memref_squeeze %scatter3A_2302 : memref<1x4x4x8x129xf32, #tpu.memory_space<vmem>> -> memref<4x4x8x129xf32, #tpu.memory_space<vmem>>
        tpu.vector_store_idx %scatter3A_2303[%select_n3A_2293, %add3A_2250, %rem3A_2296, %add3A_2254], %get3A_2262 : memref<4x4x8x129xf32, #tpu.memory_space<vmem>>[vector<16xi32>, vector<16xi32>, vector<16xi32>, vector<16xi32>], vector<16xf32>,
        %add3A_2304 = arith.constant 16 : i32
        %add3A_2305 = vector.broadcast %add3A_2304 : i32 to vector<16xi32>
        %add3A_2306 = arith.addi %iota3A, %add3A_2305 : vector<16xi32>
        %get3A_2307 = arith.constant 1 : i32
        %get3A_2308 = arith.index_cast %get3A_2307 : i32 to index
        %get3A_2309 = arith.index_cast %add3A_2220 : i32 to index
        %get3A_2310 = arith.constant 16 : index
        %get3A_2311 = tpu.vector_load %arg6[%get3A_2308, %get3A_2309, %get3A_2310] {strides = array<i32>} : memref<2x512x32xf32, #tpu.memory_space<vmem>>, vector<16xf32>,
        %jit3A_2312 = arith.constant 8 : i32
        %div3A_2313 = vector.broadcast %jit3A_2312 : i32 to vector<16xi32>
        %div3A_2314 = arith.divsi %add3A_2306, %div3A_2313 : vector<16xi32>
        %sign3A_2315 = arith.constant 0 : i32
        %sign3A_2316 = vector.broadcast %sign3A_2315 : i32 to vector<16xi32>
        %sign3A_2317 = arith.cmpi sgt, %add3A_2306, %sign3A_2316 : vector<16xi32>
        %sign3A_2318 = arith.extui %sign3A_2317 : vector<16xi1> to vector<16xi32>
        %sign3A_2319 = arith.constant 0 : i32
        %sign3A_2320 = vector.broadcast %sign3A_2319 : i32 to vector<16xi32>
        %sign3A_2321 = arith.cmpi slt, %add3A_2306, %sign3A_2320 : vector<16xi32>
        %sign3A_2322 = arith.extui %sign3A_2321 : vector<16xi1> to vector<16xi32>
        %sign3A_2323 = arith.subi %sign3A_2318, %sign3A_2322 : vector<16xi32>
        %sign3A_2324 = arith.constant 0 : i32
        %sign3A_2325 = arith.cmpi sgt, %jit3A_2312, %sign3A_2324 : i32
        %sign3A_2326 = arith.extui %sign3A_2325 : i1 to i32
        %sign3A_2327 = arith.constant 0 : i32
        %sign3A_2328 = arith.cmpi slt, %jit3A_2312, %sign3A_2327 : i32
        %sign3A_2329 = arith.extui %sign3A_2328 : i1 to i32
        %sign3A_2330 = arith.subi %sign3A_2326, %sign3A_2329 : i32
        %ne3A_2331 = vector.broadcast %sign3A_2330 : i32 to vector<16xi32>
        %ne3A_2332 = arith.cmpi ne, %sign3A_2323, %ne3A_2331 : vector<16xi32>
        %rem3A_2333 = vector.broadcast %jit3A_2312 : i32 to vector<16xi32>
        %rem3A_2334 = arith.remsi %add3A_2306, %rem3A_2333 : vector<16xi32>
        %ne3A_2335 = arith.constant 0 : i32
        %ne3A_2336 = vector.broadcast %ne3A_2335 : i32 to vector<16xi32>
        %ne3A_2337 = arith.cmpi ne, %rem3A_2334, %ne3A_2336 : vector<16xi32>
        %and3A_2338 = arith.andi %ne3A_2332, %ne3A_2337 : vector<16xi1>
        %sub3A_2339 = arith.constant 1 : i32
        %sub3A_2340 = vector.broadcast %sub3A_2339 : i32 to vector<16xi32>
        %sub3A_2341 = arith.subi %div3A_2314, %sub3A_2340 : vector<16xi32>
        %select_n3A_2342 = arith.select %and3A_2338, %sub3A_2341, %div3A_2314 : vector<16xi1>, vector<16xi32>
        %rem3A_2343 = arith.constant 8 : i32
        %rem3A_2344 = vector.broadcast %rem3A_2343 : i32 to vector<16xi32>
        %rem3A_2345 = arith.remsi %add3A_2306, %rem3A_2344 : vector<16xi32>
        %scatter3A_2346 = arith.constant 1 : i32
        %scatter3A_2347 = arith.constant 0 : i32
        %scatter3A_2348 = arith.constant 0 : i32
        %scatter3A_2349 = arith.constant 0 : i32
        %scatter3A_2350 = arith.constant 0 : i32
        %scatter3A_2351 = tpu.memref_slice %arg7[%scatter3A_2346, %scatter3A_2347, %scatter3A_2348, %scatter3A_2349, %scatter3A_2350] : memref<2x4x4x8x129xf32, #tpu.memory_space<vmem>> -> memref<1x4x4x8x129xf32, #tpu.memory_space<vmem>>
        %scatter3A_2352 = tpu.memref_squeeze %scatter3A_2351 : memref<1x4x4x8x129xf32, #tpu.memory_space<vmem>> -> memref<4x4x8x129xf32, #tpu.memory_space<vmem>>
        tpu.vector_store_idx %scatter3A_2352[%select_n3A_2342, %add3A_2250, %rem3A_2345, %add3A_2254], %get3A_2311 : memref<4x4x8x129xf32, #tpu.memory_space<vmem>>[vector<16xi32>, vector<16xi32>, vector<16xi32>, vector<16xi32>], vector<16xf32>,
      }
      %scan3A_156 = arith.constant 32 : i32
      %dma_start3A_157 = arith.constant 1 : i32
      %dma_start3A_158 = arith.constant 0 : i32
      %dma_start3A_159 = arith.constant 0 : i32
      %dma_start3A_160 = arith.constant 0 : i32
      %dma_start3A_161 = arith.constant 0 : i32
      %dma_start3A_162 = tpu.memref_slice %arg7[%dma_start3A_157, %dma_start3A_158, %dma_start3A_159, %dma_start3A_160, %dma_start3A_161] : memref<2x4x4x8x129xf32, #tpu.memory_space<vmem>> -> memref<1x4x4x8x128xf32, #tpu.memory_space<vmem>>
      %dma_start3A_163 = tpu.memref_squeeze %dma_start3A_162 : memref<1x4x4x8x128xf32, #tpu.memory_space<vmem>> -> memref<4x4x8x128xf32, #tpu.memory_space<vmem>>
      %dma_start3A_164 = arith.constant 0 : i32
      %dma_start3A_165 = arith.constant 0 : i32
      %dma_start3A_166 = arith.constant 0 : i32
      %dma_start3A_167 = tpu.memref_slice %arg4[%add3A_134, %dma_start3A_164, %mul3A_2, %dma_start3A_165, %dma_start3A_166] : memref<50x4x128x8x128xf32, #tpu.memory_space<hbm>> -> memref<1x4x4x8x128xf32, #tpu.memory_space<hbm>>
      %dma_start3A_168 = tpu.memref_squeeze %dma_start3A_167 : memref<1x4x4x8x128xf32, #tpu.memory_space<hbm>> -> memref<4x4x8x128xf32, #tpu.memory_space<hbm>>
      %dma_start3A_169 = arith.constant 0 : i32
      %dma_start3A_170 = arith.constant 0 : i32
      %dma_start3A_171 = arith.constant 0 : i32
      %dma_start3A_172 = tpu.memref_slice %arg4[%add3A_134, %dma_start3A_169, %mul3A_2, %dma_start3A_170, %dma_start3A_171] : memref<50x4x128x8x128xf32, #tpu.memory_space<hbm>> -> memref<1x4x4x8x128xf32, #tpu.memory_space<hbm>>
      %dma_start3A_173 = tpu.memref_squeeze %dma_start3A_172 : memref<1x4x4x8x128xf32, #tpu.memory_space<hbm>> -> memref<4x4x8x128xf32, #tpu.memory_space<hbm>>
      %dma_start3A_174 = arith.constant 0 : i32
      %dma_start3A_175 = arith.constant 0 : i32
      %dma_start3A_176 = arith.constant 0 : i32
      %dma_start3A_177 = arith.constant 0 : i32
      %dma_start3A_178 = tpu.memref_slice %arg7[%dma_start3A_157, %dma_start3A_174, %dma_start3A_175, %dma_start3A_176, %dma_start3A_177] : memref<2x4x4x8x129xf32, #tpu.memory_space<vmem>> -> memref<1x4x4x8x128xf32, #tpu.memory_space<vmem>>
      %dma_start3A_179 = tpu.memref_squeeze %dma_start3A_178 : memref<1x4x4x8x128xf32, #tpu.memory_space<vmem>> -> memref<4x4x8x128xf32, #tpu.memory_space<vmem>>
      tpu.enqueue_dma source(%dma_start3A_179 : memref<4x4x8x128xf32, #tpu.memory_space<vmem>>) target(%dma_start3A_173 : memref<4x4x8x128xf32, #tpu.memory_space<hbm>>) target_semaphore(%arg11 : memref<!tpu.dma_semaphore, #tpu.memory_space<semaphore_mem>>)
      %add3A_180 = arith.constant 2 : i32
      %add3A_181 = arith.addi %add3A_134, %add3A_180 : i32
      %lt3A_182 = arith.constant 50 : i32
      %lt3A_183 = arith.cmpi slt, %add3A_181, %lt3A_182 : i32
      %convert_element_type3A_184 = arith.extui %lt3A_183 : i1 to i32
      %cond3A_185 = arith.constant 0 : i32
      %cond3A_186 = arith.cmpi ne, %convert_element_type3A_184, %cond3A_185 : i32
      scf.if %cond3A_186 {
        %add3A_187 = arith.constant 2 : i32
        %add3A_188 = arith.addi %add3A_134, %add3A_187 : i32
        %dma_start3A_189 = arith.constant 1 : i32
        %dma_start3A_190 = arith.constant 0 : i32
        %dma_start3A_191 = arith.constant 0 : i32
        %dma_start3A_192 = tpu.memref_slice %arg6[%dma_start3A_189, %dma_start3A_190, %dma_start3A_191] : memref<2x512x32xf32, #tpu.memory_space<vmem>> -> memref<1x512x32xf32, #tpu.memory_space<vmem>>
        %dma_start3A_193 = tpu.memref_squeeze %dma_start3A_192 : memref<1x512x32xf32, #tpu.memory_space<vmem>> -> memref<512x32xf32, #tpu.memory_space<vmem>>
        %dma_start3A_194 = arith.constant 0 : i32
        %dma_start3A_195 = tpu.memref_slice %arg5[%add3A_188, %dma_start3A_194] : memref<50x512xi32, #tpu.memory_space<vmem>> -> memref<1x512xi32, #tpu.memory_space<vmem>>
        %dma_start3A_196 = tpu.memref_squeeze %dma_start3A_195 : memref<1x512xi32, #tpu.memory_space<vmem>> -> memref<512xi32, #tpu.memory_space<vmem>>
        %dma_start3A_197 = arith.constant 0 : i32
        %dma_start3A_198 = arith.constant 0 : i32
        %dma_start3A_199 = tpu.memref_slice %arg2[%dma_start3A_197, %dma_start3A_198] : memref<1000000x32xf32, #tpu.memory_space<hbm>> -> memref<1000000x32xf32, #tpu.memory_space<hbm>>
        tpu.enqueue_indirect_dma source(%dma_start3A_199 : memref<1000000x32xf32, #tpu.memory_space<hbm>>) target(%dma_start3A_193 : memref<512x32xf32, #tpu.memory_space<vmem>>) offsets(%dma_start3A_196 : memref<512xi32, #tpu.memory_space<vmem>>) semaphore(%arg9 : memref<!tpu.dma_semaphore, #tpu.memory_space<semaphore_mem>>)
      } else {
      }
    }
    %scan3A_32 = arith.constant 25 : i32
    %dma_wait3A = arith.constant 0 : i32
    %dma_wait3A_33 = arith.constant 48 : i32
    %dma_wait3A_34 = arith.constant 0 : i32
    %dma_wait3A_35 = arith.constant 0 : i32
    %dma_wait3A_36 = arith.constant 0 : i32
    %dma_wait3A_37 = arith.constant 0 : i32
    %dma_wait3A_38 = tpu.memref_slice %arg7[%dma_wait3A, %dma_wait3A_34, %dma_wait3A_35, %dma_wait3A_36, %dma_wait3A_37] : memref<2x4x4x8x129xf32, #tpu.memory_space<vmem>> -> memref<1x4x4x8x128xf32, #tpu.memory_space<vmem>>
    %dma_wait3A_39 = tpu.memref_squeeze %dma_wait3A_38 : memref<1x4x4x8x128xf32, #tpu.memory_space<vmem>> -> memref<4x4x8x128xf32, #tpu.memory_space<vmem>>
    %dma_wait3A_40 = arith.constant 0 : i32
    %dma_wait3A_41 = arith.constant 0 : i32
    %dma_wait3A_42 = arith.constant 0 : i32
    %dma_wait3A_43 = tpu.memref_slice %arg4[%dma_wait3A_33, %dma_wait3A_40, %mul3A_2, %dma_wait3A_41, %dma_wait3A_42] : memref<50x4x128x8x128xf32, #tpu.memory_space<hbm>> -> memref<1x4x4x8x128xf32, #tpu.memory_space<hbm>>
    %dma_wait3A_44 = tpu.memref_squeeze %dma_wait3A_43 : memref<1x4x4x8x128xf32, #tpu.memory_space<hbm>> -> memref<4x4x8x128xf32, #tpu.memory_space<hbm>>
    %dma_wait3A_45 = arith.constant 0 : i32
    %dma_wait3A_46 = arith.constant 0 : i32
    %dma_wait3A_47 = arith.constant 0 : i32
    %dma_wait3A_48 = tpu.memref_slice %arg4[%dma_wait3A_33, %dma_wait3A_45, %mul3A_2, %dma_wait3A_46, %dma_wait3A_47] : memref<50x4x128x8x128xf32, #tpu.memory_space<hbm>> -> memref<1x4x4x8x128xf32, #tpu.memory_space<hbm>>
    %dma_wait3A_49 = tpu.memref_squeeze %dma_wait3A_48 : memref<1x4x4x8x128xf32, #tpu.memory_space<hbm>> -> memref<4x4x8x128xf32, #tpu.memory_space<hbm>>
    %dma_wait3A_50 = arith.constant 0 : i32
    %dma_wait3A_51 = arith.constant 0 : i32
    %dma_wait3A_52 = arith.constant 0 : i32
    %dma_wait3A_53 = arith.constant 0 : i32
    %dma_wait3A_54 = tpu.memref_slice %arg7[%dma_wait3A, %dma_wait3A_50, %dma_wait3A_51, %dma_wait3A_52, %dma_wait3A_53] : memref<2x4x4x8x129xf32, #tpu.memory_space<vmem>> -> memref<1x4x4x8x128xf32, #tpu.memory_space<vmem>>
    %dma_wait3A_55 = tpu.memref_squeeze %dma_wait3A_54 : memref<1x4x4x8x128xf32, #tpu.memory_space<vmem>> -> memref<4x4x8x128xf32, #tpu.memory_space<vmem>>
    tpu.wait_dma2 semaphore(%arg10 : memref<!tpu.dma_semaphore, #tpu.memory_space<semaphore_mem>>) src(%dma_wait3A_55 : memref<4x4x8x128xf32, #tpu.memory_space<vmem>>) dst(%dma_wait3A_49 : memref<4x4x8x128xf32, #tpu.memory_space<hbm>>)
    %dma_wait3A_56 = arith.constant 1 : i32
    %dma_wait3A_57 = arith.constant 49 : i32
    %dma_wait3A_58 = arith.constant 0 : i32
    %dma_wait3A_59 = arith.constant 0 : i32
    %dma_wait3A_60 = arith.constant 0 : i32
    %dma_wait3A_61 = arith.constant 0 : i32
    %dma_wait3A_62 = tpu.memref_slice %arg7[%dma_wait3A_56, %dma_wait3A_58, %dma_wait3A_59, %dma_wait3A_60, %dma_wait3A_61] : memref<2x4x4x8x129xf32, #tpu.memory_space<vmem>> -> memref<1x4x4x8x128xf32, #tpu.memory_space<vmem>>
    %dma_wait3A_63 = tpu.memref_squeeze %dma_wait3A_62 : memref<1x4x4x8x128xf32, #tpu.memory_space<vmem>> -> memref<4x4x8x128xf32, #tpu.memory_space<vmem>>
    %dma_wait3A_64 = arith.constant 0 : i32
    %dma_wait3A_65 = arith.constant 0 : i32
    %dma_wait3A_66 = arith.constant 0 : i32
    %dma_wait3A_67 = tpu.memref_slice %arg4[%dma_wait3A_57, %dma_wait3A_64, %mul3A_2, %dma_wait3A_65, %dma_wait3A_66] : memref<50x4x128x8x128xf32, #tpu.memory_space<hbm>> -> memref<1x4x4x8x128xf32, #tpu.memory_space<hbm>>
    %dma_wait3A_68 = tpu.memref_squeeze %dma_wait3A_67 : memref<1x4x4x8x128xf32, #tpu.memory_space<hbm>> -> memref<4x4x8x128xf32, #tpu.memory_space<hbm>>
    %dma_wait3A_69 = arith.constant 0 : i32
    %dma_wait3A_70 = arith.constant 0 : i32
    %dma_wait3A_71 = arith.constant 0 : i32
    %dma_wait3A_72 = tpu.memref_slice %arg4[%dma_wait3A_57, %dma_wait3A_69, %mul3A_2, %dma_wait3A_70, %dma_wait3A_71] : memref<50x4x128x8x128xf32, #tpu.memory_space<hbm>> -> memref<1x4x4x8x128xf32, #tpu.memory_space<hbm>>
    %dma_wait3A_73 = tpu.memref_squeeze %dma_wait3A_72 : memref<1x4x4x8x128xf32, #tpu.memory_space<hbm>> -> memref<4x4x8x128xf32, #tpu.memory_space<hbm>>
    %dma_wait3A_74 = arith.constant 0 : i32
    %dma_wait3A_75 = arith.constant 0 : i32
    %dma_wait3A_76 = arith.constant 0 : i32
    %dma_wait3A_77 = arith.constant 0 : i32
    %dma_wait3A_78 = tpu.memref_slice %arg7[%dma_wait3A_56, %dma_wait3A_74, %dma_wait3A_75, %dma_wait3A_76, %dma_wait3A_77] : memref<2x4x4x8x129xf32, #tpu.memory_space<vmem>> -> memref<1x4x4x8x128xf32, #tpu.memory_space<vmem>>
    %dma_wait3A_79 = tpu.memref_squeeze %dma_wait3A_78 : memref<1x4x4x8x128xf32, #tpu.memory_space<vmem>> -> memref<4x4x8x128xf32, #tpu.memory_space<vmem>>
    tpu.wait_dma2 semaphore(%arg11 : memref<!tpu.dma_semaphore, #tpu.memory_space<semaphore_mem>>) src(%dma_wait3A_79 : memref<4x4x8x128xf32, #tpu.memory_space<vmem>>) dst(%dma_wait3A_73 : memref<4x4x8x128xf32, #tpu.memory_space<hbm>>)
    return
  }
}

</mosaic_0001>

<sc_bundles>
// kernel: kernel.3.cloned.1.call-start
scs
__scs_entry_jumppad:
0x0: {  	(pc) =	sbr.rel $0x88, $3  }
0x1: {  	(tag) =	ssettag $0x0;
	lr =	simm.s32 $0x1  }
0x2: {  	[smem:$0x3F9F] =	sst lr;
	_ =	strace $0xD0000000  }
0x3: {  	_ = 	snop  }
0x4: {  	_ = 	snop  }
0x5: {  	_ = 	snop  }
0x6: {  	_ = 	snop  }
0x7: {  	_ = 	snop  }
__scs_overlays_trampoline_lowered:
0x8: {  	[smem:$0x3FAE] =	sst s0  }
0x9: {  	[smem:$0x3FAF] =	sst s1  }
0xa: {  	[smem:$0x3FB0] =	sst s2  }
0xb: {  	[smem:$0x3FB1] =	sst s3  }
0xc: {  	[smem:$0x3FB2] =	sst s4  }
0xd: {  	[smem:$0x3FB3] =	sst s5  }
0xe: {  	[smem:$0x3FB4] =	sst s6  }
0xf: {  	[smem:$0x3FB5] =	sst s7  }
0x10: {  	[smem:$0x3FB6] =	sst s8  }
0x11: {  	[smem:$0x3FB7] =	sst s9;
	s0 =	simm.s32 @!p0 $0x0  }
0x12: {  	s1 =	sld [smem:$0x3F9D];
	s0 =	simm.s32 @p0 $0x1  }
0x13: {  	[smem:$0x3FB8] =	sst s0;
	s0 =	simm.s32 @!p1 $0x0  }
0x14: {  	s2 =	sld [smem:$0x3F9C];
	s0 =	simm.s32 @p1 $0x1  }
0x15: {  	[smem:$0x3FB9] =	sst s0;
	s0 =	simm.s32 @!p2 $0x0  }
0x16: {  	s3 =	sld [smem:$0x3FDB];
	s0 =	simm.s32 @p2 $0x1  }
0x17: {  	s4 =	simm.s32 $0x1BF5;
	[smem:$0x3FBB] =	sst s0  }
0x18: {  	s0 =	sld [smem:$0x3F9E];
	_ =	swait.ge [sflag:s4], $0x0  }
0x19: {  	s7 =	sld [smem:$0x3F9F]  }
0x1a: {  	s8 =	sadd.s32 $0xFFFFE003, lr  }
0x1b: {  	s9 =	sadd.s32 $0xFFFFFEF7, lr;
	s5 =	simm.s32 $0xFFFFFFFF;
	p2 =	slt.u32 s8, $0xFFFFF086  }
0x1c: {  	p1 =	slt.u32 s9, $0xF7A;
	s5 =	simm.s32 @!p2 $0x0  }
0x1d: {  	s5 =	simm.s32 @p1 $0x1;
	p0 =	seq.s32 s7, s2  }
0x1e: {  	s7 =	smul.u32 @!p0 $0xF7A, s2;
	p2 =	seq.s32 @!p0 s5, $0x0  }
0x1f: {  	s9 =	smul.u32 $0xF7A, s1;
	s8 =	simm.s32 @!p0 $0x1BF5;
	p2 =	por !p2, p0  }
0x20: {  	[sflag:s8] =	ssyncset.s32 @!p0 $0xFFFFF086;
	s6 =	sadd.s32 @!p0 s3, s7;
	s7 =	simm.s32 @!p0 $0x108  }
0x21: {  	s3 =	sadd.s32 s3, s9;
	s6 =	sadd.s32 @!p0 $0x88, s6;
	s7 =	simm.s32 @p2 $0x1082  }
0x22: {  	[simem:s7], [sflag:s8] =	dma.local @!p0 [hbm:s6], $0xF7A  }
0x23: {  	s9 =	sor.u32 $0xD0000000, s2;
	s6 =	simm.s32 $0x108;
	_ =	swait.ge @!p0 [sflag:s8], $0x0  }
0x24: {  	s3 =	sadd.s32 $0x88, s3;
	s6 =	simm.s32 @!p1 $0x1082;
	[sflag:s4] =	ssyncset.s32 $0xFFFFF086  }
0x25: {  	[simem:s6], [sflag:s4] =	dma.local [hbm:s3], $0xF7A  }
0x26: {  	[smem:$0x3F9F] =	sst s1;
	(tag) =	ssettag s2;
	_ =	strace s9  }
0x27: {  	s1 =	sld [smem:$0x3FAF]  }
0x28: {  	s2 =	sld [smem:$0x3FB0]  }
0x29: {  	s4 =	sld [smem:$0x3FB2]  }
0x2a: {  	p0 =	seq.s32 s5, $0x0;
	s5 =	sld [smem:$0x3FB3]  }
0x2b: {  	s6 =	sld [smem:$0x3FB4]  }
0x2c: {  	s7 =	sld [smem:$0x3FB5]  }
0x2d: {  	s3 =	simm.s32 $0x108;
	s8 =	sld [smem:$0x3FB6]  }
0x2e: {  	s3 =	simm.s32 @!p0 $0x1082;
	s9 =	sld [smem:$0x3FB7]  }
0x2f: {  	lr =	sadd.s32 s0, s3;
	s0 =	sld [smem:$0x3FAE]  }
0x30: {  	s3 =	sld [smem:$0x3FB1]  }
0x31: {  	[smem:$0x3FBA] =	sst s10  }
0x32: {  	s10 =	sld [smem:$0x3FB8];
	_ =	sdelay $0x3  }
0x33: {  	p0 =	seq.s32 s10, $0x1;
	s10 =	sld [smem:$0x3FBA];
	_ =	sdelay $0x3  }
0x34: {  	[smem:$0x3FBA] =	sst s10  }
0x35: {  	s10 =	sld [smem:$0x3FB9];
	_ =	sdelay $0x3  }
0x36: {  	p1 =	seq.s32 s10, $0x1;
	s10 =	sld [smem:$0x3FBA];
	_ =	sdelay $0x3  }
0x37: {  	[smem:$0x3FBA] =	sst s10  }
0x38: {  	s10 =	sld [smem:$0x3FBB]  }
0x39: {  	_ = 	snop;
	(pc) =	sbr.ind lr, $3  }
0x3a: {  	_ = 	snop  }
0x3b: {  	_ = 	snop  }
0x3c: {  	p2 =	seq.s32 s10, $0x1;
	s10 =	sld [smem:$0x3FBA]  }
0x3d: {  	_ =	shalt  }
0x3e: {  	_ =	shalt  }
0x3f: {  	_ =	shalt  }
0x40: {  	_ =	shalt  }
0x41: {  	_ =	shalt  }
0x42: {  	_ =	shalt  }
0x43: {  	_ =	shalt  }
0x44: {  	_ =	shalt  }
0x45: {  	_ =	shalt  }
0x46: {  	_ =	shalt  }
0x47: {  	_ =	shalt  }
0x48: {  	_ =	shalt  }
0x49: {  	_ =	shalt  }
0x4a: {  	_ =	shalt  }
0x4b: {  	_ =	shalt  }
0x4c: {  	_ =	shalt  }
0x4d: {  	_ =	shalt  }
0x4e: {  	_ =	shalt  }
0x4f: {  	_ =	shalt  }
0x50: {  	_ =	shalt  }
0x51: {  	_ =	shalt  }
0x52: {  	_ =	shalt  }
0x53: {  	_ =	shalt  }
0x54: {  	_ =	shalt  }
0x55: {  	_ =	shalt  }
0x56: {  	_ =	shalt  }
0x57: {  	_ =	shalt  }
0x58: {  	_ =	shalt  }
0x59: {  	_ =	shalt  }
0x5a: {  	_ =	shalt  }
0x5b: {  	_ =	shalt  }
0x5c: {  	_ =	shalt  }
0x5d: {  	_ =	shalt  }
0x5e: {  	_ =	shalt  }
0x5f: {  	_ =	shalt  }
0x60: {  	_ =	shalt  }
0x61: {  	_ =	shalt  }
0x62: {  	_ =	shalt  }
0x63: {  	_ =	shalt  }
0x64: {  	_ =	shalt  }
0x65: {  	_ =	shalt  }
0x66: {  	_ =	shalt  }
0x67: {  	_ =	shalt  }
0x68: {  	_ =	shalt  }
0x69: {  	_ =	shalt  }
0x6a: {  	_ =	shalt  }
0x6b: {  	_ =	shalt  }
0x6c: {  	_ =	shalt  }
0x6d: {  	_ =	shalt  }
0x6e: {  	_ =	shalt  }
0x6f: {  	_ =	shalt  }
0x70: {  	_ =	shalt  }
0x71: {  	_ =	shalt  }
0x72: {  	_ =	shalt  }
0x73: {  	_ =	shalt  }
0x74: {  	_ =	shalt  }
0x75: {  	_ =	shalt  }
0x76: {  	_ =	shalt  }
0x77: {  	_ =	shalt  }
0x78: {  	_ =	shalt  }
0x79: {  	_ =	shalt  }
0x7a: {  	_ =	shalt  }
0x7b: {  	_ =	shalt  }
0x7c: {  	_ =	shalt  }
0x7d: {  	_ =	shalt  }
0x7e: {  	_ =	shalt  }
0x7f: {  	_ =	shalt  }
0x80: {  	_ =	shalt  }
0x81: {  	_ =	shalt  }
0x82: {  	_ =	shalt  }
0x83: {  	_ =	shalt  }
0x84: {  	_ =	shalt  }
0x85: {  	_ =	shalt  }
0x86: {  	_ =	shalt  }
0x87: {  	_ =	shalt  }
.Lfunc_end0:
.L_simem_size_0:
called_computation_lowered:
.L_overlay_start_0:
0x88: {  	s2 =	sld [smem:$0x3FD9]  }
0x89: {  	s3 =	sld [smem:$0x3FFE];
	_ =	sdelay $0x1  }
0x8a: {  	s1 =	srdreg.scid  }
0x8b: {  	s0 =	sand.u32 $0x1, s1  }
0x8c: {  	s17 =	sshll.u32 s0, $0xA;
	s2 =	sadd.s32 s3, s2  }
0x8d: {  	s2 =	sadd.s32 s2, s17  }
0x8e: {  	[smem:$0x3FC6] =	sst s2  }
0x8f: {  	_ = 	snop  }
0x90: {  	s2 =	sld [smem:$0x3FD0];
	(tm) =	ssettm $0x1  }
0x91: {  	s18 =	sld [smem:$0x3FFB];
	_ =	sdelay $0x3  }
0x92: {  	_ =	strace s18  }
0x93: {  	s3 =	sld [smem:$0x3FFC];
	_ =	sdelay $0x3  }
0x94: {  	_ =	strace s3  }
0x95: {  	s3 =	sld [smem:$0x3FFD];
	_ =	sdelay $0x3  }
0x96: {  	_ =	strace s3  }
0x97: {  	_ =	strace $0x8FFFFFFF  }
0x98: {  	s19 =	sld [smem:$0x3FDB];
	_ =	sdelay $0x1  }
0x99: {  	s4 =	simm.s32 $_scs_section_size  }
0x9a: {  	s5 =	simm.s32 $_size__tile_overlayer_lowered;
	s6 =	simm.s32 $_tile_overlayer_lowered  }
0x9b: {  	s22 =	simm.s32 $0x1BFF;
	s21 =	sshll.u32 s6, $0x1;
	s3 =	sadd.s32 s4, s19  }
0x9c: {  	s7 =	simm.s32 $0x0;
	s20 =	sshll.u32 s5, $0x1;
	s5 =	sadd.s32 s21, s3  }
0x9d: {  	[timem:s7], [sflag:s22] =	dma.local [hbm:s5], s20  }
0x9e: {  	_ =	swait.ge [sflag:s22], s20  }
0x9f: {  	s4 =	ssub.s32 $0x0, s20;
	[sflag:s22] =	ssyncset.done $0x0  }
0xa0: {  	[sflag:s22] =	ssyncadd.s32 s4;
	_ =	sdelay $0x1  }
0xa1: {  	s23 =	simm.s32 $0x1B8B  }
0xa2: {  	_ =	swait.ge [sflag:s23], $0x1  }
0xa3: {  	[sflag:s23] =	ssyncset.done $0x0  }
0xa4: {  	s25 =	simm.s32 $0x1B8E;
	s24 =	sld [smem:$0x3FFE];
	[sflag:s23] =	ssyncadd.s32 $0xFFFFFFFF  }
0xa5: {  	s26 =	simm.s32 $execute0_lowered;
	[smem:$0x3FD2] =	sst s25  }
0xa6: {  	s5 =	sshll.u32 s26, $0x1;
	_ =	strace $0x80000046;
	[dreg:$0x1] =	wrdreg $0xFFFFFFFF  }
0xa7: {  	s28 =	simm.s32 $_size_execute0_lowered;
	s3 =	sadd.s32 s3, s5;
	[dreg:$0x0] =	wrdreg $0x0  }
0xa8: {  	s5 =	sshll.u32 s28, $0x1;
	[dreg:$0x2] =	wrdreg s3  }
0xa9: {  	[dreg:$0x3] =	wrdreg s5  }
0xaa: {  	[dreg:$0x4] =	wrdreg $0xC0  }
0xab: {  	_ =	task [dreg:s7], $0x5FFFF  }
0xac: {  	[dreg:$0x1] =	wrdreg $0xFFFFFFFF  }
0xad: {  	[dreg:$0x0] =	wrdreg $0x60  }
0xae: {  	[dreg:$0x2] =	wrdreg s24  }
0xaf: {  	[dreg:$0x3] =	wrdreg s2  }
0xb0: {  	[dreg:$0x4] =	wrdreg $0x9  }
0xb1: {  	_ =	task.clear_ibuf [dreg:s7], $0x5FFFF;
	_ =	strace $0x90000046  }
0xb2: {  	s29 =	simm.s32 $0x9;
	_ =	strace $0x80000048  }
0xb3: {  	_ =	swait.ge [sflag:s29], $0x1  }
0xb4: {  	[sflag:s29] =	ssyncadd.s32 $0xFFFFFFFF  }
0xb5: {  	_ =	strace $0x90000048  }
0xb6: {  	_ =	sfence  }
0xb7: {  	s30 =	sld [smem:$0x0];
	_ =	sdelay $0x2  }
0xb8: {  	s31 =	sshll.u32 s1, $0xD;
	s1 =	sshrl.u32 s1, $0x2  }
0xb9: {  	s3 =	sand.u32 $0x4000, s31;
	s1 =	sadd.s32 s1, s30  }
0xba: {  	s0 =	sor.u32 s3, s0;
	s1 =	sshll.u32 s1, $0x11  }
0xbb: {  	s0 =	sor.u32 s1, s0  }
0xbc: {  	s0 =	sadd.s32 $0x8F2B, s0  }
0xbd: {  	[sflag:s0] =	ssyncadd.remote.s32 $0x1  }
0xbe: {  	_ =	sfence.sel $0xFFFF  }
0xbf: {  	[dreg:$0x0] =	wrdreg $0xFFFFFFFF;
	(pc) =	sbr.abs _section_cstart, $3  }
0xc0: {  	[dreg:$0x1] =	wrdreg $0xFFFFFFFF  }
0xc1: {  	_ =	task.clear_ibuf [dreg:s7], $0x2FFFF;
	_ =	strace $0x9FFFFFFF  }
0xc2: {  	(tm) =	ssettm $0x7FFFFFFF  }
0xc3: {  	_ =	shalt  }
tec
execute0_lowered:
.L_overlay_start_1:
0x0: {  	(tag) =	ssettag $0x1  }
0x1: {  	v0 =	vimm.s32 $0x14B8  }
0x2: {  	vm0 =	vcmask $0x300;
	vm1 =	vcmask $0x704;
	v1 =	vimm.s32 $0x36B8  }
0x3: {  	vm2 =	vcmask $0xB08;
	v0 =	vsel vm0, $0x0, v0;
	v1 =	vsel vm0, $0x2200, v1  }
0x4: {  	vm3 =	vcmask $0xF0C;
	v0 =	vsel vm1, $0x88, v0;
	v1 =	vsel vm1, $0x2288, v1  }
0x5: {  	vm15 =	vcmask $0x1310;
	v0 =	vsel vm2, $0x110, v0;
	v1 =	vsel vm2, $0x2310, v1  }
0x6: {  	s4 =	rddreg [dreg:$0x0];
	vm6 =	vcmask $0x1714;
	s1 =	srdreg.scid;
	v0 =	vsel vm3, $0x198, v0;
	v1 =	vsel vm3, $0x2398, v1  }
0x7: {  	s0 =	stileid.u32;
	vm7 =	vcmask $0x1B18;
	s2 =	rddreg [dreg:$0x1];
	v0 =	vsel vm15, $0x220, v0;
	v1 =	vsel vm15, $0x2420, v1  }
0x8: {  	vm8 =	vcmask $0x1F1C;
	s3 =	simm.s32 $0x0;
	s9 =	simm.s32 $0x200;
	s10 =	simm.s32 $0x4000;
	v0 =	vsel vm6, $0x2A8, v0;
	v1 =	vsel vm6, $0x24A8, v1  }
0x9: {  	vm9 =	vcmask $0x2320;
	s11 =	simm.s32 $0x5;
	s12 =	simm.s32 $0x6400;
	s13 =	simm.s32 $0xA400;
	v0 =	vsel vm7, $0x330, v0;
	v1 =	vsel vm7, $0x2530, v1  }
0xa: {  	vm10 =	vcmask $0x2724;
	s14 =	simm.s32 $0x1;
	s15 =	simm.s32 $0xE400;
	s16 =	simm.s32 $0x2;
	v0 =	vsel vm8, $0x3B8, v0;
	v1 =	vsel vm8, $0x25B8, v1  }
0xb: {  	vm11 =	vcmask $0x2B28;
	s17 =	simm.s32 $0x4;
	s18 =	simm.s32 $0x12800;
	s19 =	simm.s32 $0x3;
	v0 =	vsel vm9, $0x1100, v0;
	v1 =	vsel vm9, $0x3300, v1  }
0xc: {  	vm12 =	vcmask $0x2F2C;
	s20 =	simm.s32 $0x0;
	s5 =	sand.u32 $0x1, s1;
	s1 =	rddreg [dreg:$0x2];
	v0 =	vsel vm10, $0x1188, v0;
	v1 =	vsel vm10, $0x3388, v1  }
.Ltmp0:
0xd: {  	vm13 =	vcmask $0x3330;
	s6 =	sshll.u32 s0, $0x1;
	[smem:$0x7FF] =	sst s3;
	v0 =	vsel vm11, $0x1210, v0;
	v1 =	vsel vm11, $0x3410, v1;
	(pc) =	sbr.rel .LBB2_1-.Ltmp0, $4  }
0xe: {  	vm14 =	vcmask $0x3734;
	s6 =	sor.u32 s5, s6;
	s5 =	ssub.s32 $0x2, s5;
	_ =	strace $0x80000047;
	v0 =	vsel vm12, $0x1298, v0;
	v1 =	vsel vm12, $0x3498, v1  }
0xf: {  	v2 =	vimm.s32 $0x0;
	s7 =	sshll.u32 s6, $0x6;
	s8 =	sshrl.u32 s5, $0x1;
	s6 =	sshll.u32 s6, $0x9;
	v0 =	vsel vm13, $0x1320, v0;
	v1 =	vsel vm13, $0x3520, v1  }
0x10: {  	s7 =	sadd.s32 s7, s4;
	s4 =	sadd.s32 $0xF42A00, s4;
	s8 =	ssub.s32 s5, s8;
	vm15 =	vcmask $0x3B38;
	v0 =	vsel vm14, $0x13A8, v0;
	v3 =	vsel vm14, $0x35A8, v1  }
0x11: {  	s5 =	sadd.s32 $0x600, s7;
	s7 =	sadd.s32 $0x10000, s2;
	s8 =	smax.u32 s8, $0x1;
	v1 =	vsel vm0, $0x3, v2;
	v0 =	vsel vm15, $0x1430, v0;
	v2 =	vsel vm15, $0x3630, v3  }
.LBB2_28:
0x12: {  	s20 =	sadd.s32 $0x1, s20  }
0x13: {  	_ =	swait.ge [sflag:s19], $0x4000;
	p0 =	sne.s32 s20, s8  }
.Ltmp1:
0x14: {  	[sflag:s19] =	ssyncset.done $0x0;
	(pc) =	sbr.rel @!p0 .LBB2_29-.Ltmp1, $4  }
0x15: {  	[sflag:s19] =	ssyncadd.s32 $0xFFFFC000  }
0x16: {  	_ =	swait.ge [sflag:s17], $0x4000  }
0x17: {  	[sflag:s17] =	ssyncset.done $0x0  }
0x18: {  	[sflag:s17] =	ssyncadd.s32 $0xFFFFC000  }
.LBB2_1:
0x19: {  	[tilespmem:s3], [sflag:$0x5] =	stream.strided.gather [hbm4b:s5+s9], $0x6400, s10, s9, $0x38;
	[tilespmem:$0x16C00] =	vst v63  }
0x1a: {  	_ =	swait.ge [sflag:s11], $0x6400  }
0x1b: {  	[sflag:s11] =	ssyncset.done $0x0  }
0x1c: {  	[sflag:s11] =	ssyncadd.s32 $0xFFFF9C00  }
0x1d: {  	[tilespmem:s12], [sflag:$0x1] =	stream.indirect.gather [hbm4b:s4+s9], $0x20, s3, s9, $0xb8;
	[tilespmem:$0x16C00] =	vst v63  }
0x1e: {  	s21 =	simm.s32 $0x0  }
0x1f: {  	[tilespmem:s13], [sflag:$0x2] =	stream.indirect.gather [hbm4b:s4+s9], $0x20, s9, s9, $0xb8;
	[tilespmem:$0x16C00] =	vst v63  }
.LBB2_2:
0x20: {  	s22 =	simm.s32 $0x0;
	s23 =	simm.s32 $0x0  }
0x21: {  	_ =	swait.ge [sflag:s14], $0x4000;
	s22 =	sand.u32 $0x70, s22;
	v3 =	vmov s23  }
0x22: {  	p0 =	seq.s32 s21, $0x0;
	[sflag:s14] =	ssyncset.done $0x0;
	v4 =	vmov s22;
	v3 =	vmul.u32 $0x440, v3  }
0x23: {  	[sflag:s14] =	ssyncadd.s32 $0xFFFFC000;
	s22 =	simm.s32 @!p0 $0x3;
	v4 =	vshrl.u32 v4, $0x3  }
0x24: {  	_ =	swait.ge @!p0 [sflag:s22], $0x4000;
	v3 =	vbroadcast v3, $0x0;
	v4 =	vshll.u32 v4, v1  }
0x25: {  	[sflag:s22] =	ssyncset.done @!p0 $0x0;
	v5 =	vbroadcast v4, $0x0  }
0x26: {  	s23 =	simm.s32 $0x6500;
	[sflag:s22] =	ssyncadd.s32 @!p0 $0xFFFFC000;
	v4 =	vadd.s32 v0, v3  }
0x27: {  	v6 =	vld [tilespmem:s23+$0xFFFFFF00];
	v7 =	vadd.s32 v4, v5;
	_ =	sdelay $0x3  }
0x28: {  	s29 =	simm.s32 $0x1  }
0x29: {  	s22 =	sand.u32 $0x70, s29;
	v3 =	vadd.s32 v2, v3;
	[tilespmem:v7+s15+$0x0] =	vst.idx.msk $0xffff, v6  }
0x2a: {  	v47 =	vmov s22;
	v5 =	vadd.s32 v3, v5;
	v6 =	vld [tilespmem:s23+$0xFFFFFF10]  }
0x2b: {  	v7 =	vshrl.u32 v47, $0x3  }
0x2c: {  	v7 =	vshll.u32 v7, v1  }
0x2d: {  	v7 =	vbroadcast v7, $0x0;
	_ =	sdelay $0x1  }
0x2e: {  	[tilespmem:v5+s15+$0x0] =	vst.idx.msk $0xffff, v6;
	v5 =	vadd.s32 v4, v7  }
0x2f: {  	v6 =	vld [tilespmem:s23+$0xFFFFFF20];
	v5 =	vor.u32 $0x1, v5;
	_ =	sdelay $0x3  }
0x30: {  	s30 =	simm.s32 $0x2  }
0x31: {  	s22 =	sand.u32 $0x70, s30;
	[tilespmem:v5+s15+$0x0] =	vst.idx.msk $0xffff, v6;
	v5 =	vadd.s32 v3, v7  }
0x32: {  	v48 =	vmov s22;
	v6 =	vld [tilespmem:s23+$0xFFFFFF30];
	v5 =	vor.u32 $0x1, v5  }
0x33: {  	v7 =	vshrl.u32 v48, $0x3  }
0x34: {  	v7 =	vshll.u32 v7, v1  }
0x35: {  	v7 =	vbroadcast v7, $0x0;
	_ =	sdelay $0x1  }
0x36: {  	[tilespmem:v5+s15+$0x0] =	vst.idx.msk $0xffff, v6;
	v5 =	vadd.s32 v4, v7  }
0x37: {  	v6 =	vld [tilespmem:s23+$0xFFFFFF40];
	v5 =	vor.u32 $0x2, v5;
	_ =	sdelay $0x3  }
0x38: {  	s31 =	simm.s32 $0x3  }
0x39: {  	s22 =	sand.u32 $0x70, s31;
	[tilespmem:v5+s15+$0x0] =	vst.idx.msk $0xffff, v6;
	v5 =	vadd.s32 v3, v7  }
0x3a: {  	v49 =	vmov s22;
	v6 =	vld [tilespmem:s23+$0xFFFFFF50];
	v5 =	vor.u32 $0x2, v5  }
0x3b: {  	v7 =	vshrl.u32 v49, $0x3  }
0x3c: {  	v7 =	vshll.u32 v7, v1  }
0x3d: {  	v7 =	vbroadcast v7, $0x0;
	_ =	sdelay $0x1  }
0x3e: {  	[tilespmem:v5+s15+$0x0] =	vst.idx.msk $0xffff, v6;
	v5 =	vadd.s32 v4, v7  }
0x3f: {  	v6 =	vld [tilespmem:s23+$0xFFFFFF60];
	v5 =	vor.u32 $0x3, v5;
	_ =	sdelay $0x3  }
0x40: {  	s24 =	simm.s32 $0x4  }
0x41: {  	s22 =	sand.u32 $0x70, s24;
	[tilespmem:v5+s15+$0x0] =	vst.idx.msk $0xffff, v6;
	v5 =	vadd.s32 v3, v7  }
0x42: {  	v50 =	vmov s22;
	v6 =	vld [tilespmem:s23+$0xFFFFFF70];
	v5 =	vor.u32 $0x3, v5  }
0x43: {  	v7 =	vshrl.u32 v50, $0x3  }
0x44: {  	v7 =	vshll.u32 v7, v1  }
0x45: {  	v7 =	vbroadcast v7, $0x0;
	_ =	sdelay $0x1  }
0x46: {  	[tilespmem:v5+s15+$0x0] =	vst.idx.msk $0xffff, v6;
	v5 =	vadd.s32 v4, v7  }
0x47: {  	v6 =	vld [tilespmem:s23+$0xFFFFFF80];
	v5 =	vor.u32 $0x4, v5;
	_ =	sdelay $0x3  }
0x48: {  	s25 =	simm.s32 $0x5  }
0x49: {  	s22 =	sand.u32 $0x70, s25;
	[tilespmem:v5+s15+$0x0] =	vst.idx.msk $0xffff, v6;
	v5 =	vadd.s32 v3, v7  }
0x4a: {  	v51 =	vmov s22;
	v6 =	vld [tilespmem:s23+$0xFFFFFF90];
	v5 =	vor.u32 $0x4, v5  }
0x4b: {  	v7 =	vshrl.u32 v51, $0x3  }
0x4c: {  	v7 =	vshll.u32 v7, v1  }
0x4d: {  	v7 =	vbroadcast v7, $0x0;
	_ =	sdelay $0x1  }
0x4e: {  	[tilespmem:v5+s15+$0x0] =	vst.idx.msk $0xffff, v6;
	v5 =	vadd.s32 v4, v7  }
0x4f: {  	v6 =	vld [tilespmem:s23+$0xFFFFFFA0];
	v5 =	vor.u32 $0x5, v5;
	_ =	sdelay $0x3  }
0x50: {  	s26 =	simm.s32 $0x6  }
0x51: {  	s22 =	sand.u32 $0x70, s26;
	[tilespmem:v5+s15+$0x0] =	vst.idx.msk $0xffff, v6;
	v5 =	vadd.s32 v3, v7  }
0x52: {  	v52 =	vmov s22;
	v6 =	vld [tilespmem:s23+$0xFFFFFFB0];
	v5 =	vor.u32 $0x5, v5  }
0x53: {  	v7 =	vshrl.u32 v52, $0x3  }
0x54: {  	v7 =	vshll.u32 v7, v1  }
0x55: {  	v7 =	vbroadcast v7, $0x0;
	_ =	sdelay $0x1  }
0x56: {  	[tilespmem:v5+s15+$0x0] =	vst.idx.msk $0xffff, v6;
	v5 =	vadd.s32 v4, v7  }
0x57: {  	v6 =	vld [tilespmem:s23+$0xFFFFFFC0];
	v5 =	vor.u32 $0x6, v5;
	_ =	sdelay $0x3  }
0x58: {  	s29 =	simm.s32 $0x7  }
0x59: {  	s22 =	sand.u32 $0x70, s29;
	[tilespmem:v5+s15+$0x0] =	vst.idx.msk $0xffff, v6;
	v5 =	vadd.s32 v3, v7  }
0x5a: {  	v53 =	vmov s22;
	v6 =	vld [tilespmem:s23+$0xFFFFFFD0];
	v5 =	vor.u32 $0x6, v5  }
0x5b: {  	v7 =	vshrl.u32 v53, $0x3  }
0x5c: {  	v7 =	vshll.u32 v7, v1  }
0x5d: {  	v7 =	vbroadcast v7, $0x0;
	_ =	sdelay $0x1  }
0x5e: {  	[tilespmem:v5+s15+$0x0] =	vst.idx.msk $0xffff, v6;
	v5 =	vadd.s32 v4, v7  }
0x5f: {  	v6 =	vld [tilespmem:s23+$0xFFFFFFE0];
	v5 =	vor.u32 $0x7, v5;
	_ =	sdelay $0x4  }
0x60: {  	s30 =	simm.s32 $0x8;
	[tilespmem:v5+s15+$0x0] =	vst.idx.msk $0xffff, v6;
	v5 =	vadd.s32 v3, v7  }
0x61: {  	s22 =	sand.u32 $0x78, s30;
	v6 =	vld [tilespmem:s23+$0xFFFFFFF0];
	v5 =	vor.u32 $0x7, v5  }
0x62: {  	v54 =	vmov s22  }
0x63: {  	v7 =	vshrl.u32 v54, $0x3  }
0x64: {  	v7 =	vshll.u32 v7, v1  }
0x65: {  	v7 =	vbroadcast v7, $0x0  }
0x66: {  	[tilespmem:v5+s15+$0x0] =	vst.idx.msk $0xffff, v6  }
0x67: {  	v55 =	vadd.s32 v4, v7;
	v5 =	vld [tilespmem:s23+$0x0];
	_ =	sdelay $0x3  }
0x68: {  	s31 =	simm.s32 $0x9  }
0x69: {  	s22 =	sand.u32 $0x78, s31;
	[tilespmem:v55+s15+$0x0] =	vst.idx.msk $0xffff, v5  }
0x6a: {  	v57 =	vmov s22;
	v56 =	vadd.s32 v3, v7;
	v5 =	vld [tilespmem:s23+$0x10]  }
0x6b: {  	v7 =	vshrl.u32 v57, $0x3  }
0x6c: {  	v7 =	vshll.u32 v7, v1  }
0x6d: {  	v7 =	vbroadcast v7, $0x0;
	_ =	sdelay $0x1  }
0x6e: {  	[tilespmem:v56+s15+$0x0] =	vst.idx.msk $0xffff, v5;
	v5 =	vadd.s32 v4, v7  }
0x6f: {  	v6 =	vld [tilespmem:s23+$0x20];
	v5 =	vor.u32 $0x1, v5;
	_ =	sdelay $0x3  }
0x70: {  	s24 =	simm.s32 $0xA  }
0x71: {  	s22 =	sand.u32 $0x78, s24;
	[tilespmem:v5+s15+$0x0] =	vst.idx.msk $0xffff, v6;
	v5 =	vadd.s32 v3, v7  }
0x72: {  	v58 =	vmov s22;
	v6 =	vld [tilespmem:s23+$0x30];
	v5 =	vor.u32 $0x1, v5  }
0x73: {  	v7 =	vshrl.u32 v58, $0x3  }
0x74: {  	v7 =	vshll.u32 v7, v1  }
0x75: {  	v7 =	vbroadcast v7, $0x0;
	_ =	sdelay $0x1  }
0x76: {  	[tilespmem:v5+s15+$0x0] =	vst.idx.msk $0xffff, v6;
	v5 =	vadd.s32 v4, v7  }
0x77: {  	v6 =	vld [tilespmem:s23+$0x40];
	v5 =	vor.u32 $0x2, v5;
	_ =	sdelay $0x3  }
0x78: {  	s25 =	simm.s32 $0xB  }
0x79: {  	s22 =	sand.u32 $0x78, s25;
	[tilespmem:v5+s15+$0x0] =	vst.idx.msk $0xffff, v6;
	v5 =	vadd.s32 v3, v7  }
0x7a: {  	v59 =	vmov s22;
	v6 =	vld [tilespmem:s23+$0x50];
	v5 =	vor.u32 $0x2, v5  }
0x7b: {  	v7 =	vshrl.u32 v59, $0x3  }
0x7c: {  	v7 =	vshll.u32 v7, v1  }
0x7d: {  	v7 =	vbroadcast v7, $0x0;
	_ =	sdelay $0x1  }
0x7e: {  	[tilespmem:v5+s15+$0x0] =	vst.idx.msk $0xffff, v6;
	v5 =	vadd.s32 v4, v7  }
0x7f: {  	v6 =	vld [tilespmem:s23+$0x60];
	v5 =	vor.u32 $0x3, v5;
	_ =	sdelay $0x3  }
0x80: {  	s26 =	simm.s32 $0xC  }
0x81: {  	s22 =	sand.u32 $0x78, s26;
	[tilespmem:v5+s15+$0x0] =	vst.idx.msk $0xffff, v6;
	v5 =	vadd.s32 v3, v7  }
0x82: {  	v60 =	vmov s22;
	v6 =	vld [tilespmem:s23+$0x70];
	v5 =	vor.u32 $0x3, v5  }
0x83: {  	v7 =	vshrl.u32 v60, $0x3  }
0x84: {  	v7 =	vshll.u32 v7, v1  }
0x85: {  	v7 =	vbroadcast v7, $0x0;
	_ =	sdelay $0x1  }
0x86: {  	[tilespmem:v5+s15+$0x0] =	vst.idx.msk $0xffff, v6;
	v5 =	vadd.s32 v4, v7  }
0x87: {  	v6 =	vld [tilespmem:s23+$0x80];
	v5 =	vor.u32 $0x4, v5;
	_ =	sdelay $0x3  }
0x88: {  	s29 =	simm.s32 $0xD  }
0x89: {  	s22 =	sand.u32 $0x78, s29;
	[tilespmem:v5+s15+$0x0] =	vst.idx.msk $0xffff, v6;
	v5 =	vadd.s32 v3, v7  }
0x8a: {  	v61 =	vmov s22;
	v6 =	vld [tilespmem:s23+$0x90];
	v5 =	vor.u32 $0x4, v5  }
0x8b: {  	v7 =	vshrl.u32 v61, $0x3  }
0x8c: {  	v7 =	vshll.u32 v7, v1  }
0x8d: {  	v7 =	vbroadcast v7, $0x0;
	_ =	sdelay $0x1  }
0x8e: {  	[tilespmem:v5+s15+$0x0] =	vst.idx.msk $0xffff, v6;
	v5 =	vadd.s32 v4, v7  }
0x8f: {  	v6 =	vld [tilespmem:s23+$0xA0];
	v5 =	vor.u32 $0x5, v5;
	_ =	sdelay $0x3  }
0x90: {  	s30 =	simm.s32 $0xE  }
0x91: {  	s22 =	sand.u32 $0x78, s30;
	[tilespmem:v5+s15+$0x0] =	vst.idx.msk $0xffff, v6;
	v5 =	vadd.s32 v3, v7  }
0x92: {  	v62 =	vmov s22;
	v6 =	vld [tilespmem:s23+$0xB0];
	v5 =	vor.u32 $0x5, v5  }
0x93: {  	v7 =	vshrl.u32 v62, $0x3  }
0x94: {  	v7 =	vshll.u32 v7, v1  }
0x95: {  	v7 =	vbroadcast v7, $0x0;
	_ =	sdelay $0x1  }
0x96: {  	[tilespmem:v5+s15+$0x0] =	vst.idx.msk $0xffff, v6;
	v5 =	vadd.s32 v4, v7  }
0x97: {  	v6 =	vld [tilespmem:s23+$0xC0];
	v5 =	vor.u32 $0x6, v5;
	_ =	sdelay $0x3  }
0x98: {  	s31 =	simm.s32 $0xF  }
0x99: {  	s22 =	sand.u32 $0x78, s31;
	[tilespmem:v5+s15+$0x0] =	vst.idx.msk $0xffff, v6;
	v5 =	vadd.s32 v3, v7  }
0x9a: {  	v63 =	vmov s22;
	v6 =	vld [tilespmem:s23+$0xD0];
	v5 =	vor.u32 $0x6, v5  }
0x9b: {  	v7 =	vshrl.u32 v63, $0x3  }
0x9c: {  	v7 =	vshll.u32 v7, v1  }
0x9d: {  	v7 =	vbroadcast v7, $0x0;
	_ =	sdelay $0x1  }
0x9e: {  	v4 =	vadd.s32 v4, v7;
	[tilespmem:v5+s15+$0x0] =	vst.idx.msk $0xffff, v6  }
0x9f: {  	v4 =	vor.u32 $0x7, v4;
	v5 =	vld [tilespmem:s23+$0xE0];
	_ =	sdelay $0x3  }
0xa0: {  	s28 =	simm.s32 $0x0;
	s24 =	simm.s32 $0x10  }
0xa1: {  	s25 =	simm.s32 $0x1;
	s26 =	simm.s32 $0x20;
	s22 =	sshll.u32 s21, $0xC;
	v3 =	vadd.s32 v3, v7;
	[tilespmem:v4+s15+$0x0] =	vst.idx.msk $0xffff, v5  }
.LBB2_3:
0xa2: {  	p1 =	sne.s32 s26, $0x1F0;
	s29 =	sand.u32 $0x70, s24;
	v4 =	vmov s28;
	v5 =	vld [tilespmem:s23+$0xF0];
	v6 =	vor.u32 $0x7, v3  }
0xa3: {  	v3 =	vmov s29;
	v4 =	vmul.u32 $0x440, v4  }
0xa4: {  	v3 =	vshrl.u32 v3, $0x3  }
0xa5: {  	v4 =	vbroadcast v4, $0x0;
	v3 =	vshll.u32 v3, v1  }
0xa6: {  	v7 =	vbroadcast v3, $0x0  }
0xa7: {  	s23 =	sadd.s32 $0x200, s23;
	v3 =	vadd.s32 v0, v4;
	[tilespmem:v6+s15+$0x0] =	vst.idx.msk $0xffff, v5  }
0xa8: {  	v5 =	vld [tilespmem:s23+$0xFFFFFF00];
	v6 =	vadd.s32 v3, v7;
	_ =	sdelay $0x3  }
0xa9: {  	s28 =	sadd.s32 $0x1, s24  }
0xaa: {  	s28 =	sand.u32 $0x70, s28;
	v4 =	vadd.s32 v2, v4;
	[tilespmem:v6+s15+$0x0] =	vst.idx.msk $0xffff, v5  }
0xab: {  	v6 =	vadd.s32 v4, v7;
	v7 =	vmov s28;
	v5 =	vld [tilespmem:s23+$0xFFFFFF10]  }
0xac: {  	v7 =	vshrl.u32 v7, $0x3  }
0xad: {  	v7 =	vshll.u32 v7, v1  }
0xae: {  	v7 =	vbroadcast v7, $0x0;
	_ =	sdelay $0x1  }
0xaf: {  	[tilespmem:v6+s15+$0x0] =	vst.idx.msk $0xffff, v5;
	v5 =	vadd.s32 v3, v7  }
0xb0: {  	v6 =	vld [tilespmem:s23+$0xFFFFFF20];
	v5 =	vor.u32 $0x1, v5;
	_ =	sdelay $0x3  }
0xb1: {  	s28 =	sadd.s32 $0x2, s24  }
0xb2: {  	s28 =	sand.u32 $0x70, s28;
	[tilespmem:v5+s15+$0x0] =	vst.idx.msk $0xffff, v6;
	v5 =	vadd.s32 v4, v7  }
0xb3: {  	v7 =	vmov s28;
	v6 =	vld [tilespmem:s23+$0xFFFFFF30];
	v5 =	vor.u32 $0x1, v5  }
0xb4: {  	v7 =	vshrl.u32 v7, $0x3  }
0xb5: {  	v7 =	vshll.u32 v7, v1  }
0xb6: {  	v7 =	vbroadcast v7, $0x0;
	_ =	sdelay $0x1  }
0xb7: {  	[tilespmem:v5+s15+$0x0] =	vst.idx.msk $0xffff, v6;
	v5 =	vadd.s32 v3, v7  }
0xb8: {  	v6 =	vld [tilespmem:s23+$0xFFFFFF40];
	v5 =	vor.u32 $0x2, v5;
	_ =	sdelay $0x3  }
0xb9: {  	s28 =	sadd.s32 $0x3, s24  }
0xba: {  	s28 =	sand.u32 $0x70, s28;
	[tilespmem:v5+s15+$0x0] =	vst.idx.msk $0xffff, v6;
	v5 =	vadd.s32 v4, v7  }
0xbb: {  	v7 =	vmov s28;
	v6 =	vld [tilespmem:s23+$0xFFFFFF50];
	v5 =	vor.u32 $0x2, v5  }
0xbc: {  	v7 =	vshrl.u32 v7, $0x3  }
0xbd: {  	v7 =	vshll.u32 v7, v1  }
0xbe: {  	v7 =	vbroadcast v7, $0x0;
	_ =	sdelay $0x1  }
0xbf: {  	[tilespmem:v5+s15+$0x0] =	vst.idx.msk $0xffff, v6;
	v5 =	vadd.s32 v3, v7  }
0xc0: {  	v6 =	vld [tilespmem:s23+$0xFFFFFF60];
	v5 =	vor.u32 $0x3, v5;
	_ =	sdelay $0x3  }
0xc1: {  	s28 =	sadd.s32 $0x4, s24  }
0xc2: {  	s28 =	sand.u32 $0x70, s28;
	[tilespmem:v5+s15+$0x0] =	vst.idx.msk $0xffff, v6;
	v5 =	vadd.s32 v4, v7  }
0xc3: {  	v7 =	vmov s28;
	v6 =	vld [tilespmem:s23+$0xFFFFFF70];
	v5 =	vor.u32 $0x3, v5  }
0xc4: {  	v7 =	vshrl.u32 v7, $0x3  }
0xc5: {  	v7 =	vshll.u32 v7, v1  }
0xc6: {  	v7 =	vbroadcast v7, $0x0;
	_ =	sdelay $0x1  }
0xc7: {  	[tilespmem:v5+s15+$0x0] =	vst.idx.msk $0xffff, v6;
	v5 =	vadd.s32 v3, v7  }
0xc8: {  	v6 =	vld [tilespmem:s23+$0xFFFFFF80];
	v5 =	vor.u32 $0x4, v5;
	_ =	sdelay $0x3  }
0xc9: {  	s28 =	sadd.s32 $0x5, s24  }
0xca: {  	s28 =	sand.u32 $0x70, s28;
	[tilespmem:v5+s15+$0x0] =	vst.idx.msk $0xffff, v6;
	v5 =	vadd.s32 v4, v7  }
0xcb: {  	v7 =	vmov s28;
	v6 =	vld [tilespmem:s23+$0xFFFFFF90];
	v5 =	vor.u32 $0x4, v5  }
0xcc: {  	v7 =	vshrl.u32 v7, $0x3  }
0xcd: {  	v7 =	vshll.u32 v7, v1  }
0xce: {  	v7 =	vbroadcast v7, $0x0;
	_ =	sdelay $0x1  }
0xcf: {  	[tilespmem:v5+s15+$0x0] =	vst.idx.msk $0xffff, v6;
	v5 =	vadd.s32 v3, v7  }
0xd0: {  	v6 =	vld [tilespmem:s23+$0xFFFFFFA0];
	v5 =	vor.u32 $0x5, v5;
	_ =	sdelay $0x3  }
0xd1: {  	s28 =	sadd.s32 $0x6, s24  }
0xd2: {  	s28 =	sand.u32 $0x70, s28;
	[tilespmem:v5+s15+$0x0] =	vst.idx.msk $0xffff, v6;
	v5 =	vadd.s32 v4, v7  }
0xd3: {  	v7 =	vmov s28;
	v6 =	vld [tilespmem:s23+$0xFFFFFFB0];
	v5 =	vor.u32 $0x5, v5  }
0xd4: {  	v7 =	vshrl.u32 v7, $0x3  }
0xd5: {  	v7 =	vshll.u32 v7, v1  }
0xd6: {  	v7 =	vbroadcast v7, $0x0;
	_ =	sdelay $0x1  }
0xd7: {  	[tilespmem:v5+s15+$0x0] =	vst.idx.msk $0xffff, v6;
	v5 =	vadd.s32 v3, v7  }
0xd8: {  	v6 =	vld [tilespmem:s23+$0xFFFFFFC0];
	v5 =	vor.u32 $0x6, v5;
	_ =	sdelay $0x3  }
0xd9: {  	s28 =	sadd.s32 $0x7, s24  }
0xda: {  	s28 =	sand.u32 $0x70, s28;
	[tilespmem:v5+s15+$0x0] =	vst.idx.msk $0xffff, v6;
	v5 =	vadd.s32 v4, v7  }
0xdb: {  	v7 =	vmov s28;
	v6 =	vld [tilespmem:s23+$0xFFFFFFD0];
	v5 =	vor.u32 $0x6, v5  }
0xdc: {  	v7 =	vshrl.u32 v7, $0x3  }
0xdd: {  	v7 =	vshll.u32 v7, v1  }
0xde: {  	v7 =	vbroadcast v7, $0x0;
	_ =	sdelay $0x1  }
0xdf: {  	[tilespmem:v5+s15+$0x0] =	vst.idx.msk $0xffff, v6;
	v5 =	vadd.s32 v3, v7  }
0xe0: {  	v6 =	vld [tilespmem:s23+$0xFFFFFFE0];
	v5 =	vor.u32 $0x7, v5;
	_ =	sdelay $0x4  }
0xe1: {  	s28 =	sadd.s32 $0x8, s24;
	[tilespmem:v5+s15+$0x0] =	vst.idx.msk $0xffff, v6;
	v5 =	vadd.s32 v4, v7  }
0xe2: {  	s28 =	sand.u32 $0x78, s28;
	v6 =	vld [tilespmem:s23+$0xFFFFFFF0];
	v5 =	vor.u32 $0x7, v5  }
0xe3: {  	v7 =	vmov s28  }
0xe4: {  	v7 =	vshrl.u32 v7, $0x3  }
0xe5: {  	v7 =	vshll.u32 v7, v1  }
0xe6: {  	v7 =	vbroadcast v7, $0x0  }
0xe7: {  	[tilespmem:v5+s15+$0x0] =	vst.idx.msk $0xffff, v6  }
0xe8: {  	v6 =	vadd.s32 v3, v7;
	v5 =	vld [tilespmem:s23+$0x0];
	_ =	sdelay $0x3  }
0xe9: {  	s28 =	sadd.s32 $0x9, s24  }
0xea: {  	s28 =	sand.u32 $0x78, s28;
	[tilespmem:v6+s15+$0x0] =	vst.idx.msk $0xffff, v5  }
0xeb: {  	v6 =	vadd.s32 v4, v7;
	v7 =	vmov s28;
	v5 =	vld [tilespmem:s23+$0x10]  }
0xec: {  	v7 =	vshrl.u32 v7, $0x3  }
0xed: {  	v7 =	vshll.u32 v7, v1  }
0xee: {  	v7 =	vbroadcast v7, $0x0;
	_ =	sdelay $0x1  }
0xef: {  	[tilespmem:v6+s15+$0x0] =	vst.idx.msk $0xffff, v5;
	v5 =	vadd.s32 v3, v7  }
0xf0: {  	v6 =	vld [tilespmem:s23+$0x20];
	v5 =	vor.u32 $0x1, v5;
	_ =	sdelay $0x3  }
0xf1: {  	s28 =	sadd.s32 $0xA, s24  }
0xf2: {  	s28 =	sand.u32 $0x78, s28;
	[tilespmem:v5+s15+$0x0] =	vst.idx.msk $0xffff, v6;
	v5 =	vadd.s32 v4, v7  }
0xf3: {  	v7 =	vmov s28;
	v6 =	vld [tilespmem:s23+$0x30];
	v5 =	vor.u32 $0x1, v5  }
0xf4: {  	v7 =	vshrl.u32 v7, $0x3  }
0xf5: {  	v7 =	vshll.u32 v7, v1  }
0xf6: {  	v7 =	vbroadcast v7, $0x0;
	_ =	sdelay $0x1  }
0xf7: {  	[tilespmem:v5+s15+$0x0] =	vst.idx.msk $0xffff, v6;
	v5 =	vadd.s32 v3, v7  }
0xf8: {  	v6 =	vld [tilespmem:s23+$0x40];
	v5 =	vor.u32 $0x2, v5;
	_ =	sdelay $0x3  }
0xf9: {  	s28 =	sadd.s32 $0xB, s24  }
0xfa: {  	s28 =	sand.u32 $0x78, s28;
	[tilespmem:v5+s15+$0x0] =	vst.idx.msk $0xffff, v6;
	v5 =	vadd.s32 v4, v7  }
0xfb: {  	v7 =	vmov s28;
	v6 =	vld [tilespmem:s23+$0x50];
	v5 =	vor.u32 $0x2, v5  }
0xfc: {  	v7 =	vshrl.u32 v7, $0x3  }
0xfd: {  	v7 =	vshll.u32 v7, v1  }
0xfe: {  	v7 =	vbroadcast v7, $0x0;
	_ =	sdelay $0x1  }
0xff: {  	[tilespmem:v5+s15+$0x0] =	vst.idx.msk $0xffff, v6;
	v5 =	vadd.s32 v3, v7  }
0x100: {  	v6 =	vld [tilespmem:s23+$0x60];
	v5 =	vor.u32 $0x3, v5;
	_ =	sdelay $0x3  }
0x101: {  	s28 =	sadd.s32 $0xC, s24  }
0x102: {  	s28 =	sand.u32 $0x78, s28;
	[tilespmem:v5+s15+$0x0] =	vst.idx.msk $0xffff, v6;
	v5 =	vadd.s32 v4, v7  }
0x103: {  	v7 =	vmov s28;
	v6 =	vld [tilespmem:s23+$0x70];
	v5 =	vor.u32 $0x3, v5  }
0x104: {  	v7 =	vshrl.u32 v7, $0x3  }
0x105: {  	v7 =	vshll.u32 v7, v1  }
0x106: {  	v7 =	vbroadcast v7, $0x0;
	_ =	sdelay $0x1  }
0x107: {  	[tilespmem:v5+s15+$0x0] =	vst.idx.msk $0xffff, v6;
	v5 =	vadd.s32 v3, v7  }
0x108: {  	v6 =	vld [tilespmem:s23+$0x80];
	v5 =	vor.u32 $0x4, v5;
	_ =	sdelay $0x3  }
0x109: {  	s28 =	sadd.s32 $0xD, s24  }
0x10a: {  	s28 =	sand.u32 $0x78, s28;
	[tilespmem:v5+s15+$0x0] =	vst.idx.msk $0xffff, v6;
	v5 =	vadd.s32 v4, v7  }
0x10b: {  	v7 =	vmov s28;
	v6 =	vld [tilespmem:s23+$0x90];
	v5 =	vor.u32 $0x4, v5  }
0x10c: {  	v7 =	vshrl.u32 v7, $0x3  }
0x10d: {  	v7 =	vshll.u32 v7, v1  }
0x10e: {  	v7 =	vbroadcast v7, $0x0;
	_ =	sdelay $0x1  }
0x10f: {  	[tilespmem:v5+s15+$0x0] =	vst.idx.msk $0xffff, v6;
	v5 =	vadd.s32 v3, v7  }
0x110: {  	v6 =	vld [tilespmem:s23+$0xA0];
	v5 =	vor.u32 $0x5, v5;
	_ =	sdelay $0x3  }
0x111: {  	s28 =	sadd.s32 $0xE, s24  }
0x112: {  	s28 =	sand.u32 $0x78, s28;
	[tilespmem:v5+s15+$0x0] =	vst.idx.msk $0xffff, v6;
	v5 =	vadd.s32 v4, v7  }
0x113: {  	v7 =	vmov s28;
	v6 =	vld [tilespmem:s23+$0xB0];
	v5 =	vor.u32 $0x5, v5  }
0x114: {  	v7 =	vshrl.u32 v7, $0x3  }
0x115: {  	v7 =	vshll.u32 v7, v1  }
0x116: {  	v7 =	vbroadcast v7, $0x0;
	_ =	sdelay $0x1  }
0x117: {  	[tilespmem:v5+s15+$0x0] =	vst.idx.msk $0xffff, v6;
	v5 =	vadd.s32 v3, v7  }
0x118: {  	v6 =	vld [tilespmem:s23+$0xC0];
	v5 =	vor.u32 $0x6, v5;
	_ =	sdelay $0x3  }
0x119: {  	s28 =	sadd.s32 $0xF, s24;
	s24 =	smov.u32 s26  }
0x11a: {  	s28 =	sand.u32 $0x78, s28;
	[tilespmem:v5+s15+$0x0] =	vst.idx.msk $0xffff, v6;
	v5 =	vadd.s32 v4, v7  }
0x11b: {  	v7 =	vmov s28;
	v6 =	vld [tilespmem:s23+$0xD0];
	v5 =	vor.u32 $0x6, v5  }
0x11c: {  	v7 =	vshrl.u32 v7, $0x3  }
0x11d: {  	v7 =	vshll.u32 v7, v1  }
0x11e: {  	v7 =	vbroadcast v7, $0x0;
	_ =	sdelay $0x1  }
0x11f: {  	v3 =	vadd.s32 v3, v7;
	[tilespmem:v5+s15+$0x0] =	vst.idx.msk $0xffff, v6  }
0x120: {  	v3 =	vor.u32 $0x7, v3;
	v5 =	vld [tilespmem:s23+$0xE0]  }
.Ltmp2:
0x121: {  	(pc) =	sbr.rel @p1 .LBB2_3-.Ltmp2, $3  }
0x122: {  	_ =	sdelay $0x1  }
0x123: {  	s25 =	sadd.s32 $0x1, s25  }
0x124: {  	s26 =	sadd.s32 $0x10, s26;
	s28 =	sshrl.u32 s25, $0x3;
	[tilespmem:v3+s15+$0x0] =	vst.idx.msk $0xffff, v5;
	v3 =	vadd.s32 v4, v7  }
0x125: {  	s25 =	sand.u32 $0x70, s24;
	v4 =	vmov s28;
	v5 =	vld [tilespmem:s23+$0xF0];
	v6 =	vor.u32 $0x7, v3  }
0x126: {  	v3 =	vmov s25;
	v4 =	vmul.u32 $0x440, v4  }
0x127: {  	v3 =	vshrl.u32 v3, $0x3  }
0x128: {  	v4 =	vbroadcast v4, $0x0;
	v3 =	vshll.u32 v3, v1  }
0x129: {  	v7 =	vbroadcast v3, $0x0  }
0x12a: {  	s23 =	sadd.s32 $0x200, s23;
	v3 =	vadd.s32 v0, v4;
	[tilespmem:v6+s15+$0x0] =	vst.idx.msk $0xffff, v5  }
0x12b: {  	v5 =	vld [tilespmem:s23+$0xFFFFFF00];
	v18 =	vadd.s32 v3, v7;
	_ =	sdelay $0x3  }
0x12c: {  	s31 =	sadd.s32 $0x1, s24  }
0x12d: {  	s25 =	sand.u32 $0x70, s31;
	v4 =	vadd.s32 v2, v4;
	[tilespmem:v18+s15+$0x0] =	vst.idx.msk $0xffff, v5  }
0x12e: {  	v20 =	vmov s25;
	v19 =	vadd.s32 v4, v7;
	v5 =	vld [tilespmem:s23+$0xFFFFFF10]  }
0x12f: {  	v7 =	vshrl.u32 v20, $0x3  }
0x130: {  	v7 =	vshll.u32 v7, v1  }
0x131: {  	v7 =	vbroadcast v7, $0x0;
	_ =	sdelay $0x1  }
0x132: {  	v21 =	vadd.s32 v3, v7;
	[tilespmem:v19+s15+$0x0] =	vst.idx.msk $0xffff, v5  }
0x133: {  	v5 =	vor.u32 $0x1, v21;
	v6 =	vld [tilespmem:s23+$0xFFFFFF20];
	_ =	sdelay $0x3  }
0x134: {  	s26 =	sadd.s32 $0x2, s24  }
0x135: {  	s25 =	sand.u32 $0x70, s26;
	v22 =	vadd.s32 v4, v7;
	[tilespmem:v5+s15+$0x0] =	vst.idx.msk $0xffff, v6  }
0x136: {  	v23 =	vmov s25;
	v5 =	vor.u32 $0x1, v22;
	v6 =	vld [tilespmem:s23+$0xFFFFFF30]  }
0x137: {  	v7 =	vshrl.u32 v23, $0x3  }
0x138: {  	v7 =	vshll.u32 v7, v1  }
0x139: {  	v7 =	vbroadcast v7, $0x0;
	_ =	sdelay $0x1  }
0x13a: {  	v24 =	vadd.s32 v3, v7;
	[tilespmem:v5+s15+$0x0] =	vst.idx.msk $0xffff, v6  }
0x13b: {  	v5 =	vor.u32 $0x2, v24;
	v6 =	vld [tilespmem:s23+$0xFFFFFF40];
	_ =	sdelay $0x3  }
0x13c: {  	s30 =	sadd.s32 $0x3, s24  }
0x13d: {  	s25 =	sand.u32 $0x70, s30;
	v25 =	vadd.s32 v4, v7;
	[tilespmem:v5+s15+$0x0] =	vst.idx.msk $0xffff, v6  }
0x13e: {  	v26 =	vmov s25;
	v5 =	vor.u32 $0x2, v25;
	v6 =	vld [tilespmem:s23+$0xFFFFFF50]  }
0x13f: {  	v7 =	vshrl.u32 v26, $0x3  }
0x140: {  	v7 =	vshll.u32 v7, v1  }
0x141: {  	v7 =	vbroadcast v7, $0x0;
	_ =	sdelay $0x1  }
0x142: {  	v27 =	vadd.s32 v3, v7;
	[tilespmem:v5+s15+$0x0] =	vst.idx.msk $0xffff, v6  }
0x143: {  	v5 =	vor.u32 $0x3, v27;
	v6 =	vld [tilespmem:s23+$0xFFFFFF60];
	_ =	sdelay $0x3  }
0x144: {  	s31 =	sadd.s32 $0x4, s24  }
0x145: {  	s25 =	sand.u32 $0x70, s31;
	v28 =	vadd.s32 v4, v7;
	[tilespmem:v5+s15+$0x0] =	vst.idx.msk $0xffff, v6  }
0x146: {  	v29 =	vmov s25;
	v5 =	vor.u32 $0x3, v28;
	v6 =	vld [tilespmem:s23+$0xFFFFFF70]  }
0x147: {  	v7 =	vshrl.u32 v29, $0x3  }
0x148: {  	v7 =	vshll.u32 v7, v1  }
0x149: {  	v7 =	vbroadcast v7, $0x0;
	_ =	sdelay $0x1  }
0x14a: {  	v30 =	vadd.s32 v3, v7;
	[tilespmem:v5+s15+$0x0] =	vst.idx.msk $0xffff, v6  }
0x14b: {  	v5 =	vor.u32 $0x4, v30;
	v6 =	vld [tilespmem:s23+$0xFFFFFF80];
	_ =	sdelay $0x3  }
0x14c: {  	s26 =	sadd.s32 $0x5, s24  }
0x14d: {  	s25 =	sand.u32 $0x70, s26;
	v31 =	vadd.s32 v4, v7;
	[tilespmem:v5+s15+$0x0] =	vst.idx.msk $0xffff, v6  }
0x14e: {  	v32 =	vmov s25;
	v5 =	vor.u32 $0x4, v31;
	v6 =	vld [tilespmem:s23+$0xFFFFFF90]  }
0x14f: {  	v7 =	vshrl.u32 v32, $0x3  }
0x150: {  	v7 =	vshll.u32 v7, v1  }
0x151: {  	v7 =	vbroadcast v7, $0x0;
	_ =	sdelay $0x1  }
0x152: {  	v33 =	vadd.s32 v3, v7;
	[tilespmem:v5+s15+$0x0] =	vst.idx.msk $0xffff, v6  }
0x153: {  	v5 =	vor.u32 $0x5, v33;
	v6 =	vld [tilespmem:s23+$0xFFFFFFA0];
	_ =	sdelay $0x3  }
0x154: {  	s30 =	sadd.s32 $0x6, s24  }
0x155: {  	s25 =	sand.u32 $0x70, s30;
	v34 =	vadd.s32 v4, v7;
	[tilespmem:v5+s15+$0x0] =	vst.idx.msk $0xffff, v6  }
0x156: {  	v35 =	vmov s25;
	v5 =	vor.u32 $0x5, v34;
	v6 =	vld [tilespmem:s23+$0xFFFFFFB0]  }
0x157: {  	v7 =	vshrl.u32 v35, $0x3  }
0x158: {  	v7 =	vshll.u32 v7, v1  }
0x159: {  	v7 =	vbroadcast v7, $0x0;
	_ =	sdelay $0x1  }
0x15a: {  	v36 =	vadd.s32 v3, v7;
	[tilespmem:v5+s15+$0x0] =	vst.idx.msk $0xffff, v6  }
0x15b: {  	v5 =	vor.u32 $0x6, v36;
	v6 =	vld [tilespmem:s23+$0xFFFFFFC0];
	_ =	sdelay $0x3  }
0x15c: {  	s31 =	sadd.s32 $0x7, s24  }
0x15d: {  	s25 =	sand.u32 $0x70, s31;
	v37 =	vadd.s32 v4, v7;
	[tilespmem:v5+s15+$0x0] =	vst.idx.msk $0xffff, v6  }
0x15e: {  	v38 =	vmov s25;
	v5 =	vor.u32 $0x6, v37;
	v6 =	vld [tilespmem:s23+$0xFFFFFFD0]  }
0x15f: {  	v7 =	vshrl.u32 v38, $0x3  }
0x160: {  	v7 =	vshll.u32 v7, v1  }
0x161: {  	v7 =	vbroadcast v7, $0x0;
	_ =	sdelay $0x1  }
0x162: {  	v39 =	vadd.s32 v3, v7;
	[tilespmem:v5+s15+$0x0] =	vst.idx.msk $0xffff, v6  }
0x163: {  	v5 =	vor.u32 $0x7, v39;
	v6 =	vld [tilespmem:s23+$0xFFFFFFE0];
	_ =	sdelay $0x4  }
0x164: {  	s26 =	sadd.s32 $0x8, s24;
	v40 =	vadd.s32 v4, v7;
	[tilespmem:v5+s15+$0x0] =	vst.idx.msk $0xffff, v6  }
0x165: {  	s25 =	sand.u32 $0x78, s26;
	v5 =	vor.u32 $0x7, v40;
	v6 =	vld [tilespmem:s23+$0xFFFFFFF0]  }
0x166: {  	v41 =	vmov s25  }
0x167: {  	v7 =	vshrl.u32 v41, $0x3  }
0x168: {  	v7 =	vshll.u32 v7, v1  }
0x169: {  	v7 =	vbroadcast v7, $0x0  }
0x16a: {  	[tilespmem:v5+s15+$0x0] =	vst.idx.msk $0xffff, v6  }
0x16b: {  	v42 =	vadd.s32 v3, v7;
	v5 =	vld [tilespmem:s23+$0x0];
	_ =	sdelay $0x3  }
0x16c: {  	s30 =	sadd.s32 $0x9, s24  }
0x16d: {  	s25 =	sand.u32 $0x78, s30;
	[tilespmem:v42+s15+$0x0] =	vst.idx.msk $0xffff, v5  }
0x16e: {  	v44 =	vmov s25;
	v43 =	vadd.s32 v4, v7;
	v5 =	vld [tilespmem:s23+$0x10]  }
0x16f: {  	v7 =	vshrl.u32 v44, $0x3  }
0x170: {  	v7 =	vshll.u32 v7, v1  }
0x171: {  	v7 =	vbroadcast v7, $0x0;
	_ =	sdelay $0x1  }
0x172: {  	v45 =	vadd.s32 v3, v7;
	[tilespmem:v43+s15+$0x0] =	vst.idx.msk $0xffff, v5  }
0x173: {  	v5 =	vor.u32 $0x1, v45;
	v6 =	vld [tilespmem:s23+$0x20];
	_ =	sdelay $0x3  }
0x174: {  	s31 =	sadd.s32 $0xA, s24  }
0x175: {  	s25 =	sand.u32 $0x78, s31;
	v46 =	vadd.s32 v4, v7;
	[tilespmem:v5+s15+$0x0] =	vst.idx.msk $0xffff, v6  }
0x176: {  	v47 =	vmov s25;
	v5 =	vor.u32 $0x1, v46;
	v6 =	vld [tilespmem:s23+$0x30]  }
0x177: {  	v7 =	vshrl.u32 v47, $0x3  }
0x178: {  	v7 =	vshll.u32 v7, v1  }
0x179: {  	v7 =	vbroadcast v7, $0x0;
	_ =	sdelay $0x1  }
0x17a: {  	v48 =	vadd.s32 v3, v7;
	[tilespmem:v5+s15+$0x0] =	vst.idx.msk $0xffff, v6  }
0x17b: {  	v5 =	vor.u32 $0x2, v48;
	v6 =	vld [tilespmem:s23+$0x40];
	_ =	sdelay $0x3  }
0x17c: {  	s26 =	sadd.s32 $0xB, s24  }
0x17d: {  	s25 =	sand.u32 $0x78, s26;
	v49 =	vadd.s32 v4, v7;
	[tilespmem:v5+s15+$0x0] =	vst.idx.msk $0xffff, v6  }
0x17e: {  	v50 =	vmov s25;
	v5 =	vor.u32 $0x2, v49;
	v6 =	vld [tilespmem:s23+$0x50]  }
0x17f: {  	v7 =	vshrl.u32 v50, $0x3  }
0x180: {  	v7 =	vshll.u32 v7, v1  }
0x181: {  	v7 =	vbroadcast v7, $0x0;
	_ =	sdelay $0x1  }
0x182: {  	v51 =	vadd.s32 v3, v7;
	[tilespmem:v5+s15+$0x0] =	vst.idx.msk $0xffff, v6  }
0x183: {  	v5 =	vor.u32 $0x3, v51;
	v6 =	vld [tilespmem:s23+$0x60];
	_ =	sdelay $0x3  }
0x184: {  	s30 =	sadd.s32 $0xC, s24  }
0x185: {  	s25 =	sand.u32 $0x78, s30;
	v52 =	vadd.s32 v4, v7;
	[tilespmem:v5+s15+$0x0] =	vst.idx.msk $0xffff, v6  }
0x186: {  	v53 =	vmov s25;
	v5 =	vor.u32 $0x3, v52;
	v6 =	vld [tilespmem:s23+$0x70]  }
0x187: {  	v7 =	vshrl.u32 v53, $0x3  }
0x188: {  	v7 =	vshll.u32 v7, v1  }
0x189: {  	v7 =	vbroadcast v7, $0x0;
	_ =	sdelay $0x1  }
0x18a: {  	v54 =	vadd.s32 v3, v7;
	[tilespmem:v5+s15+$0x0] =	vst.idx.msk $0xffff, v6  }
0x18b: {  	v5 =	vor.u32 $0x4, v54;
	v6 =	vld [tilespmem:s23+$0x80];
	_ =	sdelay $0x3  }
0x18c: {  	s31 =	sadd.s32 $0xD, s24  }
0x18d: {  	s25 =	sand.u32 $0x78, s31;
	v55 =	vadd.s32 v4, v7;
	[tilespmem:v5+s15+$0x0] =	vst.idx.msk $0xffff, v6  }
0x18e: {  	v56 =	vmov s25;
	v5 =	vor.u32 $0x4, v55;
	v6 =	vld [tilespmem:s23+$0x90]  }
0x18f: {  	v7 =	vshrl.u32 v56, $0x3  }
0x190: {  	v7 =	vshll.u32 v7, v1  }
0x191: {  	v7 =	vbroadcast v7, $0x0;
	_ =	sdelay $0x1  }
0x192: {  	v57 =	vadd.s32 v3, v7;
	[tilespmem:v5+s15+$0x0] =	vst.idx.msk $0xffff, v6  }
0x193: {  	v5 =	vor.u32 $0x5, v57;
	v6 =	vld [tilespmem:s23+$0xA0];
	_ =	sdelay $0x3  }
0x194: {  	s26 =	sadd.s32 $0xE, s24  }
0x195: {  	s25 =	sand.u32 $0x78, s26;
	v58 =	vadd.s32 v4, v7;
	[tilespmem:v5+s15+$0x0] =	vst.idx.msk $0xffff, v6  }
0x196: {  	v59 =	vmov s25;
	v5 =	vor.u32 $0x5, v58;
	v6 =	vld [tilespmem:s23+$0xB0]  }
0x197: {  	v7 =	vshrl.u32 v59, $0x3  }
0x198: {  	v7 =	vshll.u32 v7, v1  }
0x199: {  	v7 =	vbroadcast v7, $0x0;
	_ =	sdelay $0x1  }
0x19a: {  	v60 =	vadd.s32 v3, v7;
	[tilespmem:v5+s15+$0x0] =	vst.idx.msk $0xffff, v6  }
0x19b: {  	v5 =	vor.u32 $0x6, v60;
	v6 =	vld [tilespmem:s23+$0xC0];
	_ =	sdelay $0x3  }
0x19c: {  	s30 =	sadd.s32 $0xF, s24  }
0x19d: {  	s24 =	sand.u32 $0x78, s30;
	v61 =	vadd.s32 v4, v7;
	[tilespmem:v5+s15+$0x0] =	vst.idx.msk $0xffff, v6  }
0x19e: {  	v62 =	vmov s24;
	v5 =	vor.u32 $0x6, v61;
	v6 =	vld [tilespmem:s23+$0xD0]  }
0x19f: {  	v7 =	vshrl.u32 v62, $0x3  }
0x1a0: {  	v7 =	vshll.u32 v7, v1  }
0x1a1: {  	v7 =	vbroadcast v7, $0x0;
	_ =	sdelay $0x1  }
0x1a2: {  	v3 =	vadd.s32 v3, v7;
	[tilespmem:v5+s15+$0x0] =	vst.idx.msk $0xffff, v6  }
0x1a3: {  	v3 =	vor.u32 $0x7, v3;
	v5 =	vld [tilespmem:s23+$0xE0];
	_ =	sdelay $0x4  }
0x1a4: {  	[tilespmem:v3+s15+$0x0] =	vst.idx.msk $0xffff, v5;
	v3 =	vadd.s32 v4, v7  }
0x1a5: {  	v63 =	vld [tilespmem:s23+$0xF0];
	v3 =	vor.u32 $0x7, v3;
	_ =	sdelay $0x1  }
0x1a6: {  	s31 =	sshll.u32 s21, $0x11  }
0x1a7: {  	s23 =	sor.u32 s6, s31  }
0x1a8: {  	s28 =	simm.s32 $0xE488;
	s24 =	sadd.s32 s2, s23  }
0x1a9: {  	s26 =	simm.s32 $0x10;
	s25 =	simm.s32 $0xE400;
	s29 =	sadd.s32 $0x0, s24;
	[tilespmem:v3+s15+$0x0] =	vst.idx.msk $0xffff, v63  }
.LBB2_5:
0x1aa: {  	[hbm4b:s29+s3] =	stream.linear.scatter [tilespmem:s25], [sflag:$0x3], $0x80, $0x38;
	[tilespmem:$0x16C00] =	vst v63  }
0x1ab: {  	s29 =	smov.u32 s26;
	s25 =	smov.u32 s28;
	p1 =	sne.s32 s26, $0x1F0  }
.Ltmp3:
0x1ac: {  	s26 =	sadd.s32 $0x10, s26;
	(pc) =	sbr.rel @p1 .LBB2_5-.Ltmp3, $2  }
0x1ad: {  	_ =	sdelay $0x2  }
0x1ae: {  	s28 =	sadd.s32 $0x88, s28;
	s29 =	sadd.s32 s29, s24  }
0x1af: {  	[hbm4b:s29+s3] =	stream.linear.scatter [tilespmem:s25], [sflag:$0x3], $0x80, $0x38;
	[tilespmem:$0x16C00] =	vst v63  }
0x1b0: {  	s25 =	sadd.s32 $0x4000, s24;
	s26 =	simm.s32 $0xF500  }
0x1b1: {  	s28 =	simm.s32 $0x10;
	s29 =	simm.s32 $0xF588;
	s30 =	sadd.s32 $0x0, s25  }
.LBB2_7:
0x1b2: {  	[hbm4b:s30+s3] =	stream.linear.scatter [tilespmem:s26], [sflag:$0x3], $0x80, $0x38;
	[tilespmem:$0x16C00] =	vst v63  }
0x1b3: {  	s30 =	smov.u32 s28;
	s26 =	smov.u32 s29;
	p1 =	sne.s32 s28, $0x1F0  }
.Ltmp4:
0x1b4: {  	s28 =	sadd.s32 $0x10, s28;
	(pc) =	sbr.rel @p1 .LBB2_7-.Ltmp4, $2  }
0x1b5: {  	_ =	sdelay $0x2  }
0x1b6: {  	s29 =	sadd.s32 $0x88, s29;
	s30 =	sadd.s32 s30, s25  }
0x1b7: {  	[hbm4b:s30+s3] =	stream.linear.scatter [tilespmem:s26], [sflag:$0x3], $0x80, $0x38;
	[tilespmem:$0x16C00] =	vst v63  }
0x1b8: {  	s25 =	sadd.s32 $0x8000, s24;
	s26 =	simm.s32 $0x10600  }
0x1b9: {  	s28 =	simm.s32 $0x10;
	s29 =	simm.s32 $0x10688;
	s30 =	sadd.s32 $0x0, s25  }
.LBB2_9:
0x1ba: {  	[hbm4b:s30+s3] =	stream.linear.scatter [tilespmem:s26], [sflag:$0x3], $0x80, $0x38;
	[tilespmem:$0x16C00] =	vst v63  }
0x1bb: {  	s30 =	smov.u32 s28;
	s26 =	smov.u32 s29;
	p1 =	sne.s32 s28, $0x1F0  }
.Ltmp5:
0x1bc: {  	s28 =	sadd.s32 $0x10, s28;
	(pc) =	sbr.rel @p1 .LBB2_9-.Ltmp5, $2  }
0x1bd: {  	_ =	sdelay $0x2  }
0x1be: {  	s29 =	sadd.s32 $0x88, s29;
	s30 =	sadd.s32 s30, s25  }
0x1bf: {  	[hbm4b:s30+s3] =	stream.linear.scatter [tilespmem:s26], [sflag:$0x3], $0x80, $0x38;
	[tilespmem:$0x16C00] =	vst v63  }
0x1c0: {  	s24 =	sadd.s32 $0xC000, s24;
	s25 =	simm.s32 $0x11700  }
0x1c1: {  	s26 =	simm.s32 $0x10;
	s28 =	simm.s32 $0x11788;
	s29 =	sadd.s32 $0x0, s24  }
.LBB2_11:
0x1c2: {  	[hbm4b:s29+s3] =	stream.linear.scatter [tilespmem:s25], [sflag:$0x3], $0x80, $0x38;
	[tilespmem:$0x16C00] =	vst v63  }
0x1c3: {  	s29 =	smov.u32 s26;
	s25 =	smov.u32 s28;
	p1 =	sne.s32 s26, $0x1F0  }
.Ltmp6:
0x1c4: {  	s26 =	sadd.s32 $0x10, s26;
	(pc) =	sbr.rel @p1 .LBB2_11-.Ltmp6, $2  }
0x1c5: {  	_ =	sdelay $0x2  }
0x1c6: {  	s28 =	sadd.s32 $0x88, s28;
	s29 =	sadd.s32 s29, s24  }
0x1c7: {  	p1 =	sne.s32 s21, $0x18  }
.Ltmp7:
0x1c8: {  	_ = 	snop;
	(pc) =	sbr.rel @p1 .LBB2_14-.Ltmp7, $2  }
0x1c9: {  	_ =	sdelay $0x2  }
0x1ca: {  	[hbm4b:s29+s3] =	stream.linear.scatter [tilespmem:s25], [sflag:$0x3], $0x80, $0x38;
	[tilespmem:$0x16C00] =	vst v63  }
.Ltmp8:
0x1cb: {  	(pc) =	sbr.rel .LBB2_15-.Ltmp8, $4  }
0x1cc: {  	_ = 	snop  }
0x1cd: {  	_ =	swait.ge [sflag:s16], $0x4000  }
0x1ce: {  	[sflag:s16] =	ssyncset.done $0x0  }
0x1cf: {  	[sflag:s16] =	ssyncadd.s32 $0xFFFFC000  }
.LBB2_14:
0x1d0: {  	s24 =	sshrl.u32 s22, $0x2  }
.Ltmp9:
0x1d1: {  	s24 =	sadd.s32 $0x400, s24;
	(pc) =	sbr.rel @p0 .LBB2_16-.Ltmp9, $4  }
0x1d2: {  	[tilespmem:s12], [sflag:$0x1] =	stream.indirect.gather [hbm4b:s4+s9], $0x20, s24, s9, $0xb8;
	[tilespmem:$0x16C00] =	vst v63  }
0x1d3: {  	_ =	swait.ge [sflag:s16], $0x4000  }
0x1d4: {  	[sflag:s16] =	ssyncset.done $0x0  }
0x1d5: {  	[sflag:s16] =	ssyncadd.s32 $0xFFFFC000  }
.LBB2_15:
0x1d6: {  	_ =	swait.ge [sflag:s17], $0x4000  }
0x1d7: {  	[sflag:s17] =	ssyncset.done $0x0  }
0x1d8: {  	[sflag:s17] =	ssyncadd.s32 $0xFFFFC000  }
.LBB2_16:
0x1d9: {  	s24 =	simm.s32 $0x0;
	s25 =	simm.s32 $0x0  }
0x1da: {  	s24 =	sand.u32 $0x70, s24;
	v3 =	vmov s25  }
0x1db: {  	v4 =	vmov s24;
	v3 =	vmul.u32 $0x440, v3  }
0x1dc: {  	v4 =	vshrl.u32 v4, $0x3  }
0x1dd: {  	v3 =	vbroadcast v3, $0x0;
	v4 =	vshll.u32 v4, v1  }
0x1de: {  	v5 =	vbroadcast v4, $0x0  }
0x1df: {  	s26 =	simm.s32 $0x0;
	v4 =	vadd.s32 v0, v3  }
0x1e0: {  	v6 =	vld [tilespmem:s26+$0xA400];
	v7 =	vadd.s32 v4, v5;
	_ =	sdelay $0x3  }
0x1e1: {  	s24 =	simm.s32 $0x1  }
0x1e2: {  	s31 =	sand.u32 $0x70, s24;
	v3 =	vadd.s32 v2, v3;
	[tilespmem:v7+s18+$0x0] =	vst.idx.msk $0xffff, v6  }
0x1e3: {  	v47 =	vmov s31;
	v5 =	vadd.s32 v3, v5;
	v6 =	vld [tilespmem:s26+$0xA410]  }
0x1e4: {  	v7 =	vshrl.u32 v47, $0x3  }
0x1e5: {  	v7 =	vshll.u32 v7, v1  }
0x1e6: {  	v7 =	vbroadcast v7, $0x0;
	_ =	sdelay $0x1  }
0x1e7: {  	[tilespmem:v5+s18+$0x0] =	vst.idx.msk $0xffff, v6;
	v5 =	vadd.s32 v4, v7  }
0x1e8: {  	v6 =	vld [tilespmem:s26+$0xA420];
	v5 =	vor.u32 $0x1, v5;
	_ =	sdelay $0x3  }
0x1e9: {  	s31 =	simm.s32 $0x2  }
0x1ea: {  	s25 =	sand.u32 $0x70, s31;
	[tilespmem:v5+s18+$0x0] =	vst.idx.msk $0xffff, v6;
	v5 =	vadd.s32 v3, v7  }
0x1eb: {  	v48 =	vmov s25;
	v6 =	vld [tilespmem:s26+$0xA430];
	v5 =	vor.u32 $0x1, v5  }
0x1ec: {  	v7 =	vshrl.u32 v48, $0x3  }
0x1ed: {  	v7 =	vshll.u32 v7, v1  }
0x1ee: {  	v7 =	vbroadcast v7, $0x0;
	_ =	sdelay $0x1  }
0x1ef: {  	[tilespmem:v5+s18+$0x0] =	vst.idx.msk $0xffff, v6;
	v5 =	vadd.s32 v4, v7  }
0x1f0: {  	v6 =	vld [tilespmem:s26+$0xA440];
	v5 =	vor.u32 $0x2, v5;
	_ =	sdelay $0x3  }
0x1f1: {  	s31 =	simm.s32 $0x3  }
0x1f2: {  	s25 =	sand.u32 $0x70, s31;
	[tilespmem:v5+s18+$0x0] =	vst.idx.msk $0xffff, v6;
	v5 =	vadd.s32 v3, v7  }
0x1f3: {  	v49 =	vmov s25;
	v6 =	vld [tilespmem:s26+$0xA450];
	v5 =	vor.u32 $0x2, v5  }
0x1f4: {  	v7 =	vshrl.u32 v49, $0x3  }
0x1f5: {  	v7 =	vshll.u32 v7, v1  }
0x1f6: {  	v7 =	vbroadcast v7, $0x0;
	_ =	sdelay $0x1  }
0x1f7: {  	[tilespmem:v5+s18+$0x0] =	vst.idx.msk $0xffff, v6;
	v5 =	vadd.s32 v4, v7  }
0x1f8: {  	v6 =	vld [tilespmem:s26+$0xA460];
	v5 =	vor.u32 $0x3, v5;
	_ =	sdelay $0x3  }
0x1f9: {  	s31 =	simm.s32 $0x4  }
0x1fa: {  	s25 =	sand.u32 $0x70, s31;
	[tilespmem:v5+s18+$0x0] =	vst.idx.msk $0xffff, v6;
	v5 =	vadd.s32 v3, v7  }
0x1fb: {  	v50 =	vmov s25;
	v6 =	vld [tilespmem:s26+$0xA470];
	v5 =	vor.u32 $0x3, v5  }
0x1fc: {  	v7 =	vshrl.u32 v50, $0x3  }
0x1fd: {  	v7 =	vshll.u32 v7, v1  }
0x1fe: {  	v7 =	vbroadcast v7, $0x0;
	_ =	sdelay $0x1  }
0x1ff: {  	[tilespmem:v5+s18+$0x0] =	vst.idx.msk $0xffff, v6;
	v5 =	vadd.s32 v4, v7  }
0x200: {  	v6 =	vld [tilespmem:s26+$0xA480];
	v5 =	vor.u32 $0x4, v5;
	_ =	sdelay $0x3  }
0x201: {  	s31 =	simm.s32 $0x5  }
0x202: {  	s25 =	sand.u32 $0x70, s31;
	[tilespmem:v5+s18+$0x0] =	vst.idx.msk $0xffff, v6;
	v5 =	vadd.s32 v3, v7  }
0x203: {  	v51 =	vmov s25;
	v6 =	vld [tilespmem:s26+$0xA490];
	v5 =	vor.u32 $0x4, v5  }
0x204: {  	v7 =	vshrl.u32 v51, $0x3  }
0x205: {  	v7 =	vshll.u32 v7, v1  }
0x206: {  	v7 =	vbroadcast v7, $0x0;
	_ =	sdelay $0x1  }
0x207: {  	[tilespmem:v5+s18+$0x0] =	vst.idx.msk $0xffff, v6;
	v5 =	vadd.s32 v4, v7  }
0x208: {  	v6 =	vld [tilespmem:s26+$0xA4A0];
	v5 =	vor.u32 $0x5, v5;
	_ =	sdelay $0x3  }
0x209: {  	s31 =	simm.s32 $0x6  }
0x20a: {  	s25 =	sand.u32 $0x70, s31;
	[tilespmem:v5+s18+$0x0] =	vst.idx.msk $0xffff, v6;
	v5 =	vadd.s32 v3, v7  }
0x20b: {  	v52 =	vmov s25;
	v6 =	vld [tilespmem:s26+$0xA4B0];
	v5 =	vor.u32 $0x5, v5  }
0x20c: {  	v7 =	vshrl.u32 v52, $0x3  }
0x20d: {  	v7 =	vshll.u32 v7, v1  }
0x20e: {  	v7 =	vbroadcast v7, $0x0;
	_ =	sdelay $0x1  }
0x20f: {  	[tilespmem:v5+s18+$0x0] =	vst.idx.msk $0xffff, v6;
	v5 =	vadd.s32 v4, v7  }
0x210: {  	v6 =	vld [tilespmem:s26+$0xA4C0];
	v5 =	vor.u32 $0x6, v5;
	_ =	sdelay $0x3  }
0x211: {  	s31 =	simm.s32 $0x7  }
0x212: {  	s25 =	sand.u32 $0x70, s31;
	[tilespmem:v5+s18+$0x0] =	vst.idx.msk $0xffff, v6;
	v5 =	vadd.s32 v3, v7  }
0x213: {  	v53 =	vmov s25;
	v6 =	vld [tilespmem:s26+$0xA4D0];
	v5 =	vor.u32 $0x6, v5  }
0x214: {  	v7 =	vshrl.u32 v53, $0x3  }
0x215: {  	v7 =	vshll.u32 v7, v1  }
0x216: {  	v7 =	vbroadcast v7, $0x0;
	_ =	sdelay $0x1  }
0x217: {  	[tilespmem:v5+s18+$0x0] =	vst.idx.msk $0xffff, v6;
	v5 =	vadd.s32 v4, v7  }
0x218: {  	v6 =	vld [tilespmem:s26+$0xA4E0];
	v5 =	vor.u32 $0x7, v5;
	_ =	sdelay $0x4  }
0x219: {  	s31 =	simm.s32 $0x8;
	[tilespmem:v5+s18+$0x0] =	vst.idx.msk $0xffff, v6;
	v5 =	vadd.s32 v3, v7  }
0x21a: {  	s25 =	sand.u32 $0x78, s31;
	v6 =	vld [tilespmem:s26+$0xA4F0];
	v5 =	vor.u32 $0x7, v5  }
0x21b: {  	v54 =	vmov s25  }
0x21c: {  	v7 =	vshrl.u32 v54, $0x3  }
0x21d: {  	v7 =	vshll.u32 v7, v1  }
0x21e: {  	v7 =	vbroadcast v7, $0x0  }
0x21f: {  	[tilespmem:v5+s18+$0x0] =	vst.idx.msk $0xffff, v6  }
0x220: {  	v55 =	vadd.s32 v4, v7;
	v5 =	vld [tilespmem:s26+$0xA500];
	_ =	sdelay $0x3  }
0x221: {  	s31 =	simm.s32 $0x9  }
0x222: {  	s25 =	sand.u32 $0x78, s31;
	[tilespmem:v55+s18+$0x0] =	vst.idx.msk $0xffff, v5  }
0x223: {  	v57 =	vmov s25;
	v56 =	vadd.s32 v3, v7;
	v5 =	vld [tilespmem:s26+$0xA510]  }
0x224: {  	v7 =	vshrl.u32 v57, $0x3  }
0x225: {  	v7 =	vshll.u32 v7, v1  }
0x226: {  	v7 =	vbroadcast v7, $0x0;
	_ =	sdelay $0x1  }
0x227: {  	[tilespmem:v56+s18+$0x0] =	vst.idx.msk $0xffff, v5;
	v5 =	vadd.s32 v4, v7  }
0x228: {  	v6 =	vld [tilespmem:s26+$0xA520];
	v5 =	vor.u32 $0x1, v5;
	_ =	sdelay $0x3  }
0x229: {  	s31 =	simm.s32 $0xA  }
0x22a: {  	s25 =	sand.u32 $0x78, s31;
	[tilespmem:v5+s18+$0x0] =	vst.idx.msk $0xffff, v6;
	v5 =	vadd.s32 v3, v7  }
0x22b: {  	v58 =	vmov s25;
	v6 =	vld [tilespmem:s26+$0xA530];
	v5 =	vor.u32 $0x1, v5  }
0x22c: {  	v7 =	vshrl.u32 v58, $0x3  }
0x22d: {  	v7 =	vshll.u32 v7, v1  }
0x22e: {  	v7 =	vbroadcast v7, $0x0;
	_ =	sdelay $0x1  }
0x22f: {  	[tilespmem:v5+s18+$0x0] =	vst.idx.msk $0xffff, v6;
	v5 =	vadd.s32 v4, v7  }
0x230: {  	v6 =	vld [tilespmem:s26+$0xA540];
	v5 =	vor.u32 $0x2, v5;
	_ =	sdelay $0x3  }
0x231: {  	s31 =	simm.s32 $0xB  }
0x232: {  	s25 =	sand.u32 $0x78, s31;
	[tilespmem:v5+s18+$0x0] =	vst.idx.msk $0xffff, v6;
	v5 =	vadd.s32 v3, v7  }
0x233: {  	v59 =	vmov s25;
	v6 =	vld [tilespmem:s26+$0xA550];
	v5 =	vor.u32 $0x2, v5  }
0x234: {  	v7 =	vshrl.u32 v59, $0x3  }
0x235: {  	v7 =	vshll.u32 v7, v1  }
0x236: {  	v7 =	vbroadcast v7, $0x0;
	_ =	sdelay $0x1  }
0x237: {  	[tilespmem:v5+s18+$0x0] =	vst.idx.msk $0xffff, v6;
	v5 =	vadd.s32 v4, v7  }
0x238: {  	v6 =	vld [tilespmem:s26+$0xA560];
	v5 =	vor.u32 $0x3, v5;
	_ =	sdelay $0x3  }
0x239: {  	s31 =	simm.s32 $0xC  }
0x23a: {  	s25 =	sand.u32 $0x78, s31;
	[tilespmem:v5+s18+$0x0] =	vst.idx.msk $0xffff, v6;
	v5 =	vadd.s32 v3, v7  }
0x23b: {  	v60 =	vmov s25;
	v6 =	vld [tilespmem:s26+$0xA570];
	v5 =	vor.u32 $0x3, v5  }
0x23c: {  	v7 =	vshrl.u32 v60, $0x3  }
0x23d: {  	v7 =	vshll.u32 v7, v1  }
0x23e: {  	v7 =	vbroadcast v7, $0x0;
	_ =	sdelay $0x1  }
0x23f: {  	[tilespmem:v5+s18+$0x0] =	vst.idx.msk $0xffff, v6;
	v5 =	vadd.s32 v4, v7  }
0x240: {  	v6 =	vld [tilespmem:s26+$0xA580];
	v5 =	vor.u32 $0x4, v5;
	_ =	sdelay $0x3  }
0x241: {  	s31 =	simm.s32 $0xD  }
0x242: {  	s25 =	sand.u32 $0x78, s31;
	[tilespmem:v5+s18+$0x0] =	vst.idx.msk $0xffff, v6;
	v5 =	vadd.s32 v3, v7  }
0x243: {  	v61 =	vmov s25;
	v6 =	vld [tilespmem:s26+$0xA590];
	v5 =	vor.u32 $0x4, v5  }
0x244: {  	v7 =	vshrl.u32 v61, $0x3  }
0x245: {  	v7 =	vshll.u32 v7, v1  }
0x246: {  	v7 =	vbroadcast v7, $0x0;
	_ =	sdelay $0x1  }
0x247: {  	[tilespmem:v5+s18+$0x0] =	vst.idx.msk $0xffff, v6;
	v5 =	vadd.s32 v4, v7  }
0x248: {  	v6 =	vld [tilespmem:s26+$0xA5A0];
	v5 =	vor.u32 $0x5, v5;
	_ =	sdelay $0x3  }
0x249: {  	s31 =	simm.s32 $0xE  }
0x24a: {  	s25 =	sand.u32 $0x78, s31;
	[tilespmem:v5+s18+$0x0] =	vst.idx.msk $0xffff, v6;
	v5 =	vadd.s32 v3, v7  }
0x24b: {  	v62 =	vmov s25;
	v6 =	vld [tilespmem:s26+$0xA5B0];
	v5 =	vor.u32 $0x5, v5  }
0x24c: {  	v7 =	vshrl.u32 v62, $0x3  }
0x24d: {  	v7 =	vshll.u32 v7, v1  }
0x24e: {  	v7 =	vbroadcast v7, $0x0;
	_ =	sdelay $0x1  }
0x24f: {  	[tilespmem:v5+s18+$0x0] =	vst.idx.msk $0xffff, v6;
	v5 =	vadd.s32 v4, v7  }
0x250: {  	v6 =	vld [tilespmem:s26+$0xA5C0];
	v5 =	vor.u32 $0x6, v5;
	_ =	sdelay $0x3  }
0x251: {  	s31 =	simm.s32 $0xF  }
0x252: {  	s25 =	sand.u32 $0x78, s31;
	[tilespmem:v5+s18+$0x0] =	vst.idx.msk $0xffff, v6;
	v5 =	vadd.s32 v3, v7  }
0x253: {  	v63 =	vmov s25;
	v6 =	vld [tilespmem:s26+$0xA5D0];
	v5 =	vor.u32 $0x6, v5  }
0x254: {  	v7 =	vshrl.u32 v63, $0x3  }
0x255: {  	v7 =	vshll.u32 v7, v1  }
0x256: {  	v7 =	vbroadcast v7, $0x0;
	_ =	sdelay $0x1  }
0x257: {  	v4 =	vadd.s32 v4, v7;
	[tilespmem:v5+s18+$0x0] =	vst.idx.msk $0xffff, v6  }
0x258: {  	v4 =	vor.u32 $0x7, v4;
	v5 =	vld [tilespmem:s26+$0xA5E0];
	_ =	sdelay $0x3  }
0x259: {  	s28 =	simm.s32 $0x800  }
0x25a: {  	s30 =	simm.s32 $0x0;
	s29 =	simm.s32 $0x1000;
	s25 =	simm.s32 $0x10;
	v3 =	vadd.s32 v3, v7;
	[tilespmem:v4+s18+$0x0] =	vst.idx.msk $0xffff, v5  }
.LBB2_17:
0x25b: {  	p0 =	sne.s32 s29, $0xF800;
	s31 =	sand.u32 $0x70, s25;
	v4 =	vmov s30;
	v5 =	vld [tilespmem:s26+$0xA5F0];
	v6 =	vor.u32 $0x7, v3  }
0x25c: {  	v3 =	vmov s31;
	v4 =	vmul.u32 $0x440, v4  }
0x25d: {  	v3 =	vshrl.u32 v3, $0x3  }
0x25e: {  	v4 =	vbroadcast v4, $0x0;
	v3 =	vshll.u32 v3, v1  }
0x25f: {  	v7 =	vbroadcast v3, $0x0  }
0x260: {  	s26 =	sshra.s32 s28, $0x2;
	s28 =	smov.u32 s29;
	v3 =	vadd.s32 v0, v4;
	[tilespmem:v6+s18+$0x0] =	vst.idx.msk $0xffff, v5  }
0x261: {  	v5 =	vld [tilespmem:s26+$0xA400];
	v6 =	vadd.s32 v3, v7;
	_ =	sdelay $0x3  }
0x262: {  	s30 =	sadd.s32 $0x1, s25  }
0x263: {  	s30 =	sand.u32 $0x70, s30;
	v4 =	vadd.s32 v2, v4;
	[tilespmem:v6+s18+$0x0] =	vst.idx.msk $0xffff, v5  }
0x264: {  	v6 =	vadd.s32 v4, v7;
	v7 =	vmov s30;
	v5 =	vld [tilespmem:s26+$0xA410]  }
0x265: {  	v7 =	vshrl.u32 v7, $0x3  }
0x266: {  	v7 =	vshll.u32 v7, v1  }
0x267: {  	v7 =	vbroadcast v7, $0x0;
	_ =	sdelay $0x1  }
0x268: {  	[tilespmem:v6+s18+$0x0] =	vst.idx.msk $0xffff, v5;
	v5 =	vadd.s32 v3, v7  }
0x269: {  	v6 =	vld [tilespmem:s26+$0xA420];
	v5 =	vor.u32 $0x1, v5;
	_ =	sdelay $0x3  }
0x26a: {  	s30 =	sadd.s32 $0x2, s25  }
0x26b: {  	s30 =	sand.u32 $0x70, s30;
	[tilespmem:v5+s18+$0x0] =	vst.idx.msk $0xffff, v6;
	v5 =	vadd.s32 v4, v7  }
0x26c: {  	v7 =	vmov s30;
	v6 =	vld [tilespmem:s26+$0xA430];
	v5 =	vor.u32 $0x1, v5  }
0x26d: {  	v7 =	vshrl.u32 v7, $0x3  }
0x26e: {  	v7 =	vshll.u32 v7, v1  }
0x26f: {  	v7 =	vbroadcast v7, $0x0;
	_ =	sdelay $0x1  }
0x270: {  	[tilespmem:v5+s18+$0x0] =	vst.idx.msk $0xffff, v6;
	v5 =	vadd.s32 v3, v7  }
0x271: {  	v6 =	vld [tilespmem:s26+$0xA440];
	v5 =	vor.u32 $0x2, v5;
	_ =	sdelay $0x3  }
0x272: {  	s30 =	sadd.s32 $0x3, s25  }
0x273: {  	s30 =	sand.u32 $0x70, s30;
	[tilespmem:v5+s18+$0x0] =	vst.idx.msk $0xffff, v6;
	v5 =	vadd.s32 v4, v7  }
0x274: {  	v7 =	vmov s30;
	v6 =	vld [tilespmem:s26+$0xA450];
	v5 =	vor.u32 $0x2, v5  }
0x275: {  	v7 =	vshrl.u32 v7, $0x3  }
0x276: {  	v7 =	vshll.u32 v7, v1  }
0x277: {  	v7 =	vbroadcast v7, $0x0;
	_ =	sdelay $0x1  }
0x278: {  	[tilespmem:v5+s18+$0x0] =	vst.idx.msk $0xffff, v6;
	v5 =	vadd.s32 v3, v7  }
0x279: {  	v6 =	vld [tilespmem:s26+$0xA460];
	v5 =	vor.u32 $0x3, v5;
	_ =	sdelay $0x3  }
0x27a: {  	s30 =	sadd.s32 $0x4, s25  }
0x27b: {  	s30 =	sand.u32 $0x70, s30;
	[tilespmem:v5+s18+$0x0] =	vst.idx.msk $0xffff, v6;
	v5 =	vadd.s32 v4, v7  }
0x27c: {  	v7 =	vmov s30;
	v6 =	vld [tilespmem:s26+$0xA470];
	v5 =	vor.u32 $0x3, v5  }
0x27d: {  	v7 =	vshrl.u32 v7, $0x3  }
0x27e: {  	v7 =	vshll.u32 v7, v1  }
0x27f: {  	v7 =	vbroadcast v7, $0x0;
	_ =	sdelay $0x1  }
0x280: {  	[tilespmem:v5+s18+$0x0] =	vst.idx.msk $0xffff, v6;
	v5 =	vadd.s32 v3, v7  }
0x281: {  	v6 =	vld [tilespmem:s26+$0xA480];
	v5 =	vor.u32 $0x4, v5;
	_ =	sdelay $0x3  }
0x282: {  	s30 =	sadd.s32 $0x5, s25  }
0x283: {  	s30 =	sand.u32 $0x70, s30;
	[tilespmem:v5+s18+$0x0] =	vst.idx.msk $0xffff, v6;
	v5 =	vadd.s32 v4, v7  }
0x284: {  	v7 =	vmov s30;
	v6 =	vld [tilespmem:s26+$0xA490];
	v5 =	vor.u32 $0x4, v5  }
0x285: {  	v7 =	vshrl.u32 v7, $0x3  }
0x286: {  	v7 =	vshll.u32 v7, v1  }
0x287: {  	v7 =	vbroadcast v7, $0x0;
	_ =	sdelay $0x1  }
0x288: {  	[tilespmem:v5+s18+$0x0] =	vst.idx.msk $0xffff, v6;
	v5 =	vadd.s32 v3, v7  }
0x289: {  	v6 =	vld [tilespmem:s26+$0xA4A0];
	v5 =	vor.u32 $0x5, v5;
	_ =	sdelay $0x3  }
0x28a: {  	s30 =	sadd.s32 $0x6, s25  }
0x28b: {  	s30 =	sand.u32 $0x70, s30;
	[tilespmem:v5+s18+$0x0] =	vst.idx.msk $0xffff, v6;
	v5 =	vadd.s32 v4, v7  }
0x28c: {  	v7 =	vmov s30;
	v6 =	vld [tilespmem:s26+$0xA4B0];
	v5 =	vor.u32 $0x5, v5  }
0x28d: {  	v7 =	vshrl.u32 v7, $0x3  }
0x28e: {  	v7 =	vshll.u32 v7, v1  }
0x28f: {  	v7 =	vbroadcast v7, $0x0;
	_ =	sdelay $0x1  }
0x290: {  	[tilespmem:v5+s18+$0x0] =	vst.idx.msk $0xffff, v6;
	v5 =	vadd.s32 v3, v7  }
0x291: {  	v6 =	vld [tilespmem:s26+$0xA4C0];
	v5 =	vor.u32 $0x6, v5;
	_ =	sdelay $0x3  }
0x292: {  	s30 =	sadd.s32 $0x7, s25  }
0x293: {  	s30 =	sand.u32 $0x70, s30;
	[tilespmem:v5+s18+$0x0] =	vst.idx.msk $0xffff, v6;
	v5 =	vadd.s32 v4, v7  }
0x294: {  	v7 =	vmov s30;
	v6 =	vld [tilespmem:s26+$0xA4D0];
	v5 =	vor.u32 $0x6, v5  }
0x295: {  	v7 =	vshrl.u32 v7, $0x3  }
0x296: {  	v7 =	vshll.u32 v7, v1  }
0x297: {  	v7 =	vbroadcast v7, $0x0;
	_ =	sdelay $0x1  }
0x298: {  	[tilespmem:v5+s18+$0x0] =	vst.idx.msk $0xffff, v6;
	v5 =	vadd.s32 v3, v7  }
0x299: {  	v6 =	vld [tilespmem:s26+$0xA4E0];
	v5 =	vor.u32 $0x7, v5;
	_ =	sdelay $0x4  }
0x29a: {  	s30 =	sadd.s32 $0x8, s25;
	[tilespmem:v5+s18+$0x0] =	vst.idx.msk $0xffff, v6;
	v5 =	vadd.s32 v4, v7  }
0x29b: {  	s30 =	sand.u32 $0x78, s30;
	v6 =	vld [tilespmem:s26+$0xA4F0];
	v5 =	vor.u32 $0x7, v5  }
0x29c: {  	v7 =	vmov s30  }
0x29d: {  	v7 =	vshrl.u32 v7, $0x3  }
0x29e: {  	v7 =	vshll.u32 v7, v1  }
0x29f: {  	v7 =	vbroadcast v7, $0x0  }
0x2a0: {  	[tilespmem:v5+s18+$0x0] =	vst.idx.msk $0xffff, v6  }
0x2a1: {  	v6 =	vadd.s32 v3, v7;
	v5 =	vld [tilespmem:s26+$0xA500];
	_ =	sdelay $0x3  }
0x2a2: {  	s30 =	sadd.s32 $0x9, s25  }
0x2a3: {  	s30 =	sand.u32 $0x78, s30;
	[tilespmem:v6+s18+$0x0] =	vst.idx.msk $0xffff, v5  }
0x2a4: {  	v6 =	vadd.s32 v4, v7;
	v7 =	vmov s30;
	v5 =	vld [tilespmem:s26+$0xA510]  }
0x2a5: {  	v7 =	vshrl.u32 v7, $0x3  }
0x2a6: {  	v7 =	vshll.u32 v7, v1  }
0x2a7: {  	v7 =	vbroadcast v7, $0x0;
	_ =	sdelay $0x1  }
0x2a8: {  	[tilespmem:v6+s18+$0x0] =	vst.idx.msk $0xffff, v5;
	v5 =	vadd.s32 v3, v7  }
0x2a9: {  	v6 =	vld [tilespmem:s26+$0xA520];
	v5 =	vor.u32 $0x1, v5;
	_ =	sdelay $0x3  }
0x2aa: {  	s30 =	sadd.s32 $0xA, s25  }
0x2ab: {  	s30 =	sand.u32 $0x78, s30;
	[tilespmem:v5+s18+$0x0] =	vst.idx.msk $0xffff, v6;
	v5 =	vadd.s32 v4, v7  }
0x2ac: {  	v7 =	vmov s30;
	v6 =	vld [tilespmem:s26+$0xA530];
	v5 =	vor.u32 $0x1, v5  }
0x2ad: {  	v7 =	vshrl.u32 v7, $0x3  }
0x2ae: {  	v7 =	vshll.u32 v7, v1  }
0x2af: {  	v7 =	vbroadcast v7, $0x0;
	_ =	sdelay $0x1  }
0x2b0: {  	[tilespmem:v5+s18+$0x0] =	vst.idx.msk $0xffff, v6;
	v5 =	vadd.s32 v3, v7  }
0x2b1: {  	v6 =	vld [tilespmem:s26+$0xA540];
	v5 =	vor.u32 $0x2, v5;
	_ =	sdelay $0x3  }
0x2b2: {  	s30 =	sadd.s32 $0xB, s25  }
0x2b3: {  	s30 =	sand.u32 $0x78, s30;
	[tilespmem:v5+s18+$0x0] =	vst.idx.msk $0xffff, v6;
	v5 =	vadd.s32 v4, v7  }
0x2b4: {  	v7 =	vmov s30;
	v6 =	vld [tilespmem:s26+$0xA550];
	v5 =	vor.u32 $0x2, v5  }
0x2b5: {  	v7 =	vshrl.u32 v7, $0x3  }
0x2b6: {  	v7 =	vshll.u32 v7, v1  }
0x2b7: {  	v7 =	vbroadcast v7, $0x0;
	_ =	sdelay $0x1  }
0x2b8: {  	[tilespmem:v5+s18+$0x0] =	vst.idx.msk $0xffff, v6;
	v5 =	vadd.s32 v3, v7  }
0x2b9: {  	v6 =	vld [tilespmem:s26+$0xA560];
	v5 =	vor.u32 $0x3, v5;
	_ =	sdelay $0x3  }
0x2ba: {  	s30 =	sadd.s32 $0xC, s25  }
0x2bb: {  	s30 =	sand.u32 $0x78, s30;
	[tilespmem:v5+s18+$0x0] =	vst.idx.msk $0xffff, v6;
	v5 =	vadd.s32 v4, v7  }
0x2bc: {  	v7 =	vmov s30;
	v6 =	vld [tilespmem:s26+$0xA570];
	v5 =	vor.u32 $0x3, v5  }
0x2bd: {  	v7 =	vshrl.u32 v7, $0x3  }
0x2be: {  	v7 =	vshll.u32 v7, v1  }
0x2bf: {  	v7 =	vbroadcast v7, $0x0;
	_ =	sdelay $0x1  }
0x2c0: {  	[tilespmem:v5+s18+$0x0] =	vst.idx.msk $0xffff, v6;
	v5 =	vadd.s32 v3, v7  }
0x2c1: {  	v6 =	vld [tilespmem:s26+$0xA580];
	v5 =	vor.u32 $0x4, v5;
	_ =	sdelay $0x3  }
0x2c2: {  	s30 =	sadd.s32 $0xD, s25  }
0x2c3: {  	s30 =	sand.u32 $0x78, s30;
	[tilespmem:v5+s18+$0x0] =	vst.idx.msk $0xffff, v6;
	v5 =	vadd.s32 v4, v7  }
0x2c4: {  	v7 =	vmov s30;
	v6 =	vld [tilespmem:s26+$0xA590];
	v5 =	vor.u32 $0x4, v5  }
0x2c5: {  	v7 =	vshrl.u32 v7, $0x3  }
0x2c6: {  	v7 =	vshll.u32 v7, v1  }
0x2c7: {  	v7 =	vbroadcast v7, $0x0;
	_ =	sdelay $0x1  }
0x2c8: {  	[tilespmem:v5+s18+$0x0] =	vst.idx.msk $0xffff, v6;
	v5 =	vadd.s32 v3, v7  }
0x2c9: {  	v6 =	vld [tilespmem:s26+$0xA5A0];
	v5 =	vor.u32 $0x5, v5;
	_ =	sdelay $0x3  }
0x2ca: {  	s30 =	sadd.s32 $0xE, s25  }
0x2cb: {  	s30 =	sand.u32 $0x78, s30;
	[tilespmem:v5+s18+$0x0] =	vst.idx.msk $0xffff, v6;
	v5 =	vadd.s32 v4, v7  }
0x2cc: {  	v7 =	vmov s30;
	v6 =	vld [tilespmem:s26+$0xA5B0];
	v5 =	vor.u32 $0x5, v5  }
0x2cd: {  	v7 =	vshrl.u32 v7, $0x3  }
0x2ce: {  	v7 =	vshll.u32 v7, v1  }
0x2cf: {  	v7 =	vbroadcast v7, $0x0;
	_ =	sdelay $0x1  }
0x2d0: {  	[tilespmem:v5+s18+$0x0] =	vst.idx.msk $0xffff, v6;
	v5 =	vadd.s32 v3, v7  }
0x2d1: {  	v6 =	vld [tilespmem:s26+$0xA5C0];
	v5 =	vor.u32 $0x6, v5;
	_ =	sdelay $0x3  }
0x2d2: {  	s30 =	sadd.s32 $0xF, s25  }
0x2d3: {  	s30 =	sand.u32 $0x78, s30;
	[tilespmem:v5+s18+$0x0] =	vst.idx.msk $0xffff, v6;
	v5 =	vadd.s32 v4, v7  }
0x2d4: {  	v7 =	vmov s30;
	v6 =	vld [tilespmem:s26+$0xA5D0];
	v5 =	vor.u32 $0x6, v5  }
0x2d5: {  	v7 =	vshrl.u32 v7, $0x3  }
0x2d6: {  	v7 =	vshll.u32 v7, v1  }
0x2d7: {  	v7 =	vbroadcast v7, $0x0;
	_ =	sdelay $0x1  }
0x2d8: {  	v3 =	vadd.s32 v3, v7;
	[tilespmem:v5+s18+$0x0] =	vst.idx.msk $0xffff, v6  }
0x2d9: {  	v3 =	vor.u32 $0x7, v3;
	v5 =	vld [tilespmem:s26+$0xA5E0]  }
.Ltmp10:
0x2da: {  	(pc) =	sbr.rel @p0 .LBB2_17-.Ltmp10, $3  }
0x2db: {  	_ =	sdelay $0x1  }
0x2dc: {  	s24 =	sadd.s32 $0x1, s24  }
0x2dd: {  	s29 =	sadd.s32 $0x800, s29;
	s25 =	sadd.s32 $0x10, s25;
	s30 =	sshrl.u32 s24, $0x3;
	[tilespmem:v3+s18+$0x0] =	vst.idx.msk $0xffff, v5;
	v3 =	vadd.s32 v4, v7  }
0x2de: {  	s24 =	sand.u32 $0x70, s25;
	v4 =	vmov s30;
	v5 =	vld [tilespmem:s26+$0xA5F0];
	v6 =	vor.u32 $0x7, v3  }
0x2df: {  	v3 =	vmov s24;
	v4 =	vmul.u32 $0x440, v4  }
0x2e0: {  	v3 =	vshrl.u32 v3, $0x3  }
0x2e1: {  	v4 =	vbroadcast v4, $0x0;
	v3 =	vshll.u32 v3, v1  }
0x2e2: {  	v7 =	vbroadcast v3, $0x0  }
0x2e3: {  	s24 =	sshra.s32 s28, $0x2;
	v3 =	vadd.s32 v0, v4;
	[tilespmem:v6+s18+$0x0] =	vst.idx.msk $0xffff, v5  }
0x2e4: {  	v5 =	vld [tilespmem:s24+$0xA400];
	v18 =	vadd.s32 v3, v7;
	_ =	sdelay $0x3  }
0x2e5: {  	s29 =	sadd.s32 $0x1, s25  }
0x2e6: {  	s26 =	sand.u32 $0x70, s29;
	v4 =	vadd.s32 v2, v4;
	[tilespmem:v18+s18+$0x0] =	vst.idx.msk $0xffff, v5  }
0x2e7: {  	v20 =	vmov s26;
	v19 =	vadd.s32 v4, v7;
	v5 =	vld [tilespmem:s24+$0xA410]  }
0x2e8: {  	v7 =	vshrl.u32 v20, $0x3  }
0x2e9: {  	v7 =	vshll.u32 v7, v1  }
0x2ea: {  	v7 =	vbroadcast v7, $0x0;
	_ =	sdelay $0x1  }
0x2eb: {  	v21 =	vadd.s32 v3, v7;
	[tilespmem:v19+s18+$0x0] =	vst.idx.msk $0xffff, v5  }
0x2ec: {  	v5 =	vor.u32 $0x1, v21;
	v6 =	vld [tilespmem:s24+$0xA420];
	_ =	sdelay $0x3  }
0x2ed: {  	s30 =	sadd.s32 $0x2, s25  }
0x2ee: {  	s26 =	sand.u32 $0x70, s30;
	v22 =	vadd.s32 v4, v7;
	[tilespmem:v5+s18+$0x0] =	vst.idx.msk $0xffff, v6  }
0x2ef: {  	v23 =	vmov s26;
	v5 =	vor.u32 $0x1, v22;
	v6 =	vld [tilespmem:s24+$0xA430]  }
0x2f0: {  	v7 =	vshrl.u32 v23, $0x3  }
0x2f1: {  	v7 =	vshll.u32 v7, v1  }
0x2f2: {  	v7 =	vbroadcast v7, $0x0;
	_ =	sdelay $0x1  }
0x2f3: {  	v24 =	vadd.s32 v3, v7;
	[tilespmem:v5+s18+$0x0] =	vst.idx.msk $0xffff, v6  }
0x2f4: {  	v5 =	vor.u32 $0x2, v24;
	v6 =	vld [tilespmem:s24+$0xA440];
	_ =	sdelay $0x3  }
0x2f5: {  	s31 =	sadd.s32 $0x3, s25  }
0x2f6: {  	s26 =	sand.u32 $0x70, s31;
	v25 =	vadd.s32 v4, v7;
	[tilespmem:v5+s18+$0x0] =	vst.idx.msk $0xffff, v6  }
0x2f7: {  	v26 =	vmov s26;
	v5 =	vor.u32 $0x2, v25;
	v6 =	vld [tilespmem:s24+$0xA450]  }
0x2f8: {  	v7 =	vshrl.u32 v26, $0x3  }
0x2f9: {  	v7 =	vshll.u32 v7, v1  }
0x2fa: {  	v7 =	vbroadcast v7, $0x0;
	_ =	sdelay $0x1  }
0x2fb: {  	v27 =	vadd.s32 v3, v7;
	[tilespmem:v5+s18+$0x0] =	vst.idx.msk $0xffff, v6  }
0x2fc: {  	v5 =	vor.u32 $0x3, v27;
	v6 =	vld [tilespmem:s24+$0xA460];
	_ =	sdelay $0x3  }
0x2fd: {  	s29 =	sadd.s32 $0x4, s25  }
0x2fe: {  	s26 =	sand.u32 $0x70, s29;
	v28 =	vadd.s32 v4, v7;
	[tilespmem:v5+s18+$0x0] =	vst.idx.msk $0xffff, v6  }
0x2ff: {  	v29 =	vmov s26;
	v5 =	vor.u32 $0x3, v28;
	v6 =	vld [tilespmem:s24+$0xA470]  }
0x300: {  	v7 =	vshrl.u32 v29, $0x3  }
0x301: {  	v7 =	vshll.u32 v7, v1  }
0x302: {  	v7 =	vbroadcast v7, $0x0;
	_ =	sdelay $0x1  }
0x303: {  	v30 =	vadd.s32 v3, v7;
	[tilespmem:v5+s18+$0x0] =	vst.idx.msk $0xffff, v6  }
0x304: {  	v5 =	vor.u32 $0x4, v30;
	v6 =	vld [tilespmem:s24+$0xA480];
	_ =	sdelay $0x3  }
0x305: {  	s30 =	sadd.s32 $0x5, s25  }
0x306: {  	s26 =	sand.u32 $0x70, s30;
	v31 =	vadd.s32 v4, v7;
	[tilespmem:v5+s18+$0x0] =	vst.idx.msk $0xffff, v6  }
0x307: {  	v32 =	vmov s26;
	v5 =	vor.u32 $0x4, v31;
	v6 =	vld [tilespmem:s24+$0xA490]  }
0x308: {  	v7 =	vshrl.u32 v32, $0x3  }
0x309: {  	v7 =	vshll.u32 v7, v1  }
0x30a: {  	v7 =	vbroadcast v7, $0x0;
	_ =	sdelay $0x1  }
0x30b: {  	v33 =	vadd.s32 v3, v7;
	[tilespmem:v5+s18+$0x0] =	vst.idx.msk $0xffff, v6  }
0x30c: {  	v5 =	vor.u32 $0x5, v33;
	v6 =	vld [tilespmem:s24+$0xA4A0];
	_ =	sdelay $0x3  }
0x30d: {  	s31 =	sadd.s32 $0x6, s25  }
0x30e: {  	s26 =	sand.u32 $0x70, s31;
	v34 =	vadd.s32 v4, v7;
	[tilespmem:v5+s18+$0x0] =	vst.idx.msk $0xffff, v6  }
0x30f: {  	v35 =	vmov s26;
	v5 =	vor.u32 $0x5, v34;
	v6 =	vld [tilespmem:s24+$0xA4B0]  }
0x310: {  	v7 =	vshrl.u32 v35, $0x3  }
0x311: {  	v7 =	vshll.u32 v7, v1  }
0x312: {  	v7 =	vbroadcast v7, $0x0;
	_ =	sdelay $0x1  }
0x313: {  	v36 =	vadd.s32 v3, v7;
	[tilespmem:v5+s18+$0x0] =	vst.idx.msk $0xffff, v6  }
0x314: {  	v5 =	vor.u32 $0x6, v36;
	v6 =	vld [tilespmem:s24+$0xA4C0];
	_ =	sdelay $0x3  }
0x315: {  	s29 =	sadd.s32 $0x7, s25  }
0x316: {  	s26 =	sand.u32 $0x70, s29;
	v37 =	vadd.s32 v4, v7;
	[tilespmem:v5+s18+$0x0] =	vst.idx.msk $0xffff, v6  }
0x317: {  	v38 =	vmov s26;
	v5 =	vor.u32 $0x6, v37;
	v6 =	vld [tilespmem:s24+$0xA4D0]  }
0x318: {  	v7 =	vshrl.u32 v38, $0x3  }
0x319: {  	v7 =	vshll.u32 v7, v1  }
0x31a: {  	v7 =	vbroadcast v7, $0x0;
	_ =	sdelay $0x1  }
0x31b: {  	v39 =	vadd.s32 v3, v7;
	[tilespmem:v5+s18+$0x0] =	vst.idx.msk $0xffff, v6  }
0x31c: {  	v5 =	vor.u32 $0x7, v39;
	v6 =	vld [tilespmem:s24+$0xA4E0];
	_ =	sdelay $0x4  }
0x31d: {  	s30 =	sadd.s32 $0x8, s25;
	v40 =	vadd.s32 v4, v7;
	[tilespmem:v5+s18+$0x0] =	vst.idx.msk $0xffff, v6  }
0x31e: {  	s26 =	sand.u32 $0x78, s30;
	v5 =	vor.u32 $0x7, v40;
	v6 =	vld [tilespmem:s24+$0xA4F0]  }
0x31f: {  	v41 =	vmov s26  }
0x320: {  	v7 =	vshrl.u32 v41, $0x3  }
0x321: {  	v7 =	vshll.u32 v7, v1  }
0x322: {  	v7 =	vbroadcast v7, $0x0  }
0x323: {  	[tilespmem:v5+s18+$0x0] =	vst.idx.msk $0xffff, v6  }
0x324: {  	v42 =	vadd.s32 v3, v7;
	v5 =	vld [tilespmem:s24+$0xA500];
	_ =	sdelay $0x3  }
0x325: {  	s31 =	sadd.s32 $0x9, s25  }
0x326: {  	s26 =	sand.u32 $0x78, s31;
	[tilespmem:v42+s18+$0x0] =	vst.idx.msk $0xffff, v5  }
0x327: {  	v44 =	vmov s26;
	v43 =	vadd.s32 v4, v7;
	v5 =	vld [tilespmem:s24+$0xA510]  }
0x328: {  	v7 =	vshrl.u32 v44, $0x3  }
0x329: {  	v7 =	vshll.u32 v7, v1  }
0x32a: {  	v7 =	vbroadcast v7, $0x0;
	_ =	sdelay $0x1  }
0x32b: {  	v45 =	vadd.s32 v3, v7;
	[tilespmem:v43+s18+$0x0] =	vst.idx.msk $0xffff, v5  }
0x32c: {  	v5 =	vor.u32 $0x1, v45;
	v6 =	vld [tilespmem:s24+$0xA520];
	_ =	sdelay $0x3  }
0x32d: {  	s29 =	sadd.s32 $0xA, s25  }
0x32e: {  	s26 =	sand.u32 $0x78, s29;
	v46 =	vadd.s32 v4, v7;
	[tilespmem:v5+s18+$0x0] =	vst.idx.msk $0xffff, v6  }
0x32f: {  	v47 =	vmov s26;
	v5 =	vor.u32 $0x1, v46;
	v6 =	vld [tilespmem:s24+$0xA530]  }
0x330: {  	v7 =	vshrl.u32 v47, $0x3  }
0x331: {  	v7 =	vshll.u32 v7, v1  }
0x332: {  	v7 =	vbroadcast v7, $0x0;
	_ =	sdelay $0x1  }
0x333: {  	v48 =	vadd.s32 v3, v7;
	[tilespmem:v5+s18+$0x0] =	vst.idx.msk $0xffff, v6  }
0x334: {  	v5 =	vor.u32 $0x2, v48;
	v6 =	vld [tilespmem:s24+$0xA540];
	_ =	sdelay $0x3  }
0x335: {  	s30 =	sadd.s32 $0xB, s25  }
0x336: {  	s26 =	sand.u32 $0x78, s30;
	v49 =	vadd.s32 v4, v7;
	[tilespmem:v5+s18+$0x0] =	vst.idx.msk $0xffff, v6  }
0x337: {  	v50 =	vmov s26;
	v5 =	vor.u32 $0x2, v49;
	v6 =	vld [tilespmem:s24+$0xA550]  }
0x338: {  	v7 =	vshrl.u32 v50, $0x3  }
0x339: {  	v7 =	vshll.u32 v7, v1  }
0x33a: {  	v7 =	vbroadcast v7, $0x0;
	_ =	sdelay $0x1  }
0x33b: {  	v51 =	vadd.s32 v3, v7;
	[tilespmem:v5+s18+$0x0] =	vst.idx.msk $0xffff, v6  }
0x33c: {  	v5 =	vor.u32 $0x3, v51;
	v6 =	vld [tilespmem:s24+$0xA560];
	_ =	sdelay $0x3  }
0x33d: {  	s31 =	sadd.s32 $0xC, s25  }
0x33e: {  	s26 =	sand.u32 $0x78, s31;
	v52 =	vadd.s32 v4, v7;
	[tilespmem:v5+s18+$0x0] =	vst.idx.msk $0xffff, v6  }
0x33f: {  	v53 =	vmov s26;
	v5 =	vor.u32 $0x3, v52;
	v6 =	vld [tilespmem:s24+$0xA570]  }
0x340: {  	v7 =	vshrl.u32 v53, $0x3  }
0x341: {  	v7 =	vshll.u32 v7, v1  }
0x342: {  	v7 =	vbroadcast v7, $0x0;
	_ =	sdelay $0x1  }
0x343: {  	v54 =	vadd.s32 v3, v7;
	[tilespmem:v5+s18+$0x0] =	vst.idx.msk $0xffff, v6  }
0x344: {  	v5 =	vor.u32 $0x4, v54;
	v6 =	vld [tilespmem:s24+$0xA580];
	_ =	sdelay $0x3  }
0x345: {  	s29 =	sadd.s32 $0xD, s25  }
0x346: {  	s26 =	sand.u32 $0x78, s29;
	v55 =	vadd.s32 v4, v7;
	[tilespmem:v5+s18+$0x0] =	vst.idx.msk $0xffff, v6  }
0x347: {  	v56 =	vmov s26;
	v5 =	vor.u32 $0x4, v55;
	v6 =	vld [tilespmem:s24+$0xA590]  }
0x348: {  	v7 =	vshrl.u32 v56, $0x3  }
0x349: {  	v7 =	vshll.u32 v7, v1  }
0x34a: {  	v7 =	vbroadcast v7, $0x0;
	_ =	sdelay $0x1  }
0x34b: {  	v57 =	vadd.s32 v3, v7;
	[tilespmem:v5+s18+$0x0] =	vst.idx.msk $0xffff, v6  }
0x34c: {  	v5 =	vor.u32 $0x5, v57;
	v6 =	vld [tilespmem:s24+$0xA5A0];
	_ =	sdelay $0x3  }
0x34d: {  	s30 =	sadd.s32 $0xE, s25  }
0x34e: {  	s26 =	sand.u32 $0x78, s30;
	v58 =	vadd.s32 v4, v7;
	[tilespmem:v5+s18+$0x0] =	vst.idx.msk $0xffff, v6  }
0x34f: {  	v59 =	vmov s26;
	v5 =	vor.u32 $0x5, v58;
	v6 =	vld [tilespmem:s24+$0xA5B0]  }
0x350: {  	v7 =	vshrl.u32 v59, $0x3  }
0x351: {  	v7 =	vshll.u32 v7, v1  }
0x352: {  	v7 =	vbroadcast v7, $0x0;
	_ =	sdelay $0x1  }
0x353: {  	v60 =	vadd.s32 v3, v7;
	[tilespmem:v5+s18+$0x0] =	vst.idx.msk $0xffff, v6  }
0x354: {  	v5 =	vor.u32 $0x6, v60;
	v6 =	vld [tilespmem:s24+$0xA5C0];
	_ =	sdelay $0x3  }
0x355: {  	s31 =	sadd.s32 $0xF, s25  }
0x356: {  	s25 =	sand.u32 $0x78, s31;
	v61 =	vadd.s32 v4, v7;
	[tilespmem:v5+s18+$0x0] =	vst.idx.msk $0xffff, v6  }
0x357: {  	v62 =	vmov s25;
	v5 =	vor.u32 $0x6, v61;
	v6 =	vld [tilespmem:s24+$0xA5D0]  }
0x358: {  	v7 =	vshrl.u32 v62, $0x3  }
0x359: {  	v7 =	vshll.u32 v7, v1  }
0x35a: {  	v7 =	vbroadcast v7, $0x0;
	_ =	sdelay $0x1  }
0x35b: {  	v3 =	vadd.s32 v3, v7;
	[tilespmem:v5+s18+$0x0] =	vst.idx.msk $0xffff, v6  }
0x35c: {  	v3 =	vor.u32 $0x7, v3;
	v5 =	vld [tilespmem:s24+$0xA5E0];
	_ =	sdelay $0x4  }
0x35d: {  	[tilespmem:v3+s18+$0x0] =	vst.idx.msk $0xffff, v5;
	v3 =	vadd.s32 v4, v7  }
0x35e: {  	v63 =	vld [tilespmem:s24+$0xA5F0];
	v3 =	vor.u32 $0x7, v3;
	_ =	sdelay $0x2  }
0x35f: {  	s23 =	sadd.s32 s23, s7  }
0x360: {  	s28 =	sadd.s32 $0x0, s23  }
0x361: {  	s25 =	simm.s32 $0x10;
	s26 =	simm.s32 $0x12888;
	s24 =	simm.s32 $0x12800;
	[tilespmem:v3+s18+$0x0] =	vst.idx.msk $0xffff, v63  }
.LBB2_19:
0x362: {  	[hbm4b:s28+s3] =	stream.linear.scatter [tilespmem:s24], [sflag:$0x4], $0x80, $0x38;
	[tilespmem:$0x16C00] =	vst v63  }
0x363: {  	s28 =	smov.u32 s25;
	s24 =	smov.u32 s26;
	p0 =	sne.s32 s25, $0x1F0  }
.Ltmp11:
0x364: {  	s25 =	sadd.s32 $0x10, s25;
	(pc) =	sbr.rel @p0 .LBB2_19-.Ltmp11, $2  }
0x365: {  	_ =	sdelay $0x2  }
0x366: {  	s26 =	sadd.s32 $0x88, s26;
	s28 =	sadd.s32 s28, s23  }
0x367: {  	[hbm4b:s28+s3] =	stream.linear.scatter [tilespmem:s24], [sflag:$0x4], $0x80, $0x38;
	[tilespmem:$0x16C00] =	vst v63  }
0x368: {  	s24 =	sadd.s32 $0x4000, s23;
	s25 =	simm.s32 $0x13900  }
0x369: {  	s26 =	simm.s32 $0x10;
	s28 =	simm.s32 $0x13988;
	s29 =	sadd.s32 $0x0, s24  }
.LBB2_21:
0x36a: {  	[hbm4b:s29+s3] =	stream.linear.scatter [tilespmem:s25], [sflag:$0x4], $0x80, $0x38;
	[tilespmem:$0x16C00] =	vst v63  }
0x36b: {  	s29 =	smov.u32 s26;
	s25 =	smov.u32 s28;
	p0 =	sne.s32 s26, $0x1F0  }
.Ltmp12:
0x36c: {  	s26 =	sadd.s32 $0x10, s26;
	(pc) =	sbr.rel @p0 .LBB2_21-.Ltmp12, $2  }
0x36d: {  	_ =	sdelay $0x2  }
0x36e: {  	s28 =	sadd.s32 $0x88, s28;
	s29 =	sadd.s32 s29, s24  }
0x36f: {  	[hbm4b:s29+s3] =	stream.linear.scatter [tilespmem:s25], [sflag:$0x4], $0x80, $0x38;
	[tilespmem:$0x16C00] =	vst v63  }
0x370: {  	s24 =	sadd.s32 $0x8000, s23;
	s25 =	simm.s32 $0x14A00  }
0x371: {  	s26 =	simm.s32 $0x10;
	s28 =	simm.s32 $0x14A88;
	s29 =	sadd.s32 $0x0, s24  }
.LBB2_23:
0x372: {  	[hbm4b:s29+s3] =	stream.linear.scatter [tilespmem:s25], [sflag:$0x4], $0x80, $0x38;
	[tilespmem:$0x16C00] =	vst v63  }
0x373: {  	s29 =	smov.u32 s26;
	s25 =	smov.u32 s28;
	p0 =	sne.s32 s26, $0x1F0  }
.Ltmp13:
0x374: {  	s26 =	sadd.s32 $0x10, s26;
	(pc) =	sbr.rel @p0 .LBB2_23-.Ltmp13, $2  }
0x375: {  	_ =	sdelay $0x2  }
0x376: {  	s28 =	sadd.s32 $0x88, s28;
	s29 =	sadd.s32 s29, s24  }
0x377: {  	[hbm4b:s29+s3] =	stream.linear.scatter [tilespmem:s25], [sflag:$0x4], $0x80, $0x38;
	[tilespmem:$0x16C00] =	vst v63  }
0x378: {  	s23 =	sadd.s32 $0xC000, s23;
	s24 =	simm.s32 $0x15B00  }
0x379: {  	s25 =	simm.s32 $0x10;
	s26 =	simm.s32 $0x15B88;
	s28 =	sadd.s32 $0x0, s23  }
.LBB2_25:
0x37a: {  	[hbm4b:s28+s3] =	stream.linear.scatter [tilespmem:s24], [sflag:$0x4], $0x80, $0x38;
	[tilespmem:$0x16C00] =	vst v63  }
0x37b: {  	s28 =	smov.u32 s25;
	s24 =	smov.u32 s26;
	p0 =	sne.s32 s25, $0x1F0  }
.Ltmp14:
0x37c: {  	s25 =	sadd.s32 $0x10, s25;
	(pc) =	sbr.rel @p0 .LBB2_25-.Ltmp14, $2  }
0x37d: {  	_ =	sdelay $0x2  }
0x37e: {  	s26 =	sadd.s32 $0x88, s26;
	s28 =	sadd.s32 s28, s23  }
0x37f: {  	p0 =	seq.s32 s21, $0x18  }
.Ltmp15:
0x380: {  	_ = 	snop;
	(pc) =	sbr.rel @p0 .LBB2_28-.Ltmp15, $2  }
0x381: {  	_ =	sdelay $0x2  }
0x382: {  	[hbm4b:s28+s3] =	stream.linear.scatter [tilespmem:s24], [sflag:$0x4], $0x80, $0x38;
	[tilespmem:$0x16C00] =	vst v63  }
.Ltmp16:
0x383: {  	(pc) =	sbr.rel .LBB2_2-.Ltmp16, $4  }
0x384: {  	_ = 	snop  }
0x385: {  	s22 =	sshrl.u32 s22, $0x2  }
0x386: {  	s21 =	sadd.s32 $0x1, s21;
	s22 =	sadd.s32 $0x600, s22  }
0x387: {  	[tilespmem:s13], [sflag:$0x2] =	stream.indirect.gather [hbm4b:s4+s9], $0x20, s22, s9, $0xb8;
	[tilespmem:$0x16C00] =	vst v63  }
.LBB2_29:
0x388: {  	_ =	sfence.sel $0x180000  }
0x389: {  	[bflag:$0x0] =	sbarrier.arrive $0xFFFF  }
0x38a: {  	p0 =	sne.s32 s0, $0x0;
	_ =	strace $0x90000047  }
0x38b: {  	s0 =	sadd.s32 @!p0 $0x100000, s1;
	[bflag:$0x2] =	sbarrier.arrive $0xFFFF  }
0x38c: {  	[sflag:s0] =	ssyncadd.tile.s32 @!p0 $0x1;
	_ =	shalt  }
.Lfunc_end2:
_tile_overlayer_lowered:
.L_overlay_start_2:
0x38d: {  	(tag) =	ssettag $0x2  }
0x38e: {  	s0 =	rddreg [dreg:$0x0];
	s2 =	stileid.u32  }
0x38f: {  	s1 =	rddreg [dreg:$0x1];
	p0 =	sne.s32 s2, $0x0  }
0x390: {  	s3 =	rddreg [dreg:$0x2];
	[bflag:$0x3] =	sbarrier.arrive $0xFFFF;
	s2 =	simm.s32 @!p0 $0x1C05  }
0x391: {  	[timem:s3], [sflag:s2] =	dma.local @!p0 [hbm:s0], s1  }
0x392: {  	s0 =	simm.s32 @!p0 $0x5  }
0x393: {  	_ =	swait.ge @!p0 [sflag:s0], s1  }
0x394: {  	s1 =	ssub.s32 @!p0 $0x0, s1;
	[sflag:s0] =	ssyncset.done @!p0 $0x0  }
0x395: {  	[sflag:s0] =	ssyncadd.s32 @!p0 s1  }
0x396: {  	[bflag:$0x3] =	sbarrier.arrive $0xFFFF  }
0x397: {  	_ =	shalt  }

</sc_bundles>
